<compile_context>
chip_gen: v7x
topology: tpu7x:2x2x1
jax: 0.10.2.dev20260603
libtpu: 0.0.44.dev20260713+nightly
codegen_flags: <defaults>
</compile_context>

<pallas_src>
import functools

import jax
import jax.numpy as jnp
from jax import lax
from jax.experimental import pallas as pl
from jax.experimental.pallas import tpu as pltpu
from jax.experimental.pallas import tpu_sc as plsc

D_MODEL = 128
SEQ_LEN = 200
HALF = 100
LANES = 16
NVEC = D_MODEL // LANES
EPS = 1e-5

_GATHER_DNUMS = lax.GatherDimensionNumbers(
    offset_dims=(), collapsed_slice_dims=(0,), start_index_map=(0,))


def _permute(v, idx):
    return lax.gather(
        v, idx[:, None], dimension_numbers=_GATHER_DNUMS, slice_sizes=(1,),
        mode=lax.GatherScatterMode.PROMISE_IN_BOUNDS)


def _lane_sum(v):
    idx = lax.iota(jnp.int32, LANES)
    for d in (8, 4, 2, 1):
        v = v + _permute(v, idx ^ d)
    return v


def _rsqrt(y):
    i = lax.bitcast_convert_type(y, jnp.int32)
    i = jnp.int32(0x5F3759DF) - (i >> 1)
    r = lax.bitcast_convert_type(i, jnp.float32)
    half = y * 0.5
    r = r * (1.5 - half * r * r)
    return r


def _make_sc_kernel(n_seq):
    info = plsc.get_sparse_core_info()
    nw = info.num_cores * info.num_subcores
    seq_per_w = n_seq // nw
    assert seq_per_w % 2 == 0
    mesh = plsc.VectorSubcoreMesh(core_axis_name="c", subcore_axis_name="s")

    @functools.partial(
        pl.kernel,
        out_type=jax.ShapeDtypeStruct((n_seq * SEQ_LEN, D_MODEL), jnp.float32),
        mesh=mesh,
        scratch_types=[
            pltpu.VMEM((seq_per_w, 2, HALF), jnp.int32),
            pltpu.VMEM((3, SEQ_LEN, D_MODEL), jnp.float32),
            pltpu.VMEM((SEQ_LEN, D_MODEL), jnp.float32),
            pltpu.VMEM((D_MODEL,), jnp.float32),
            pltpu.VMEM((D_MODEL,), jnp.float32),
            pltpu.SemaphoreType.DMA((3,)),
            pltpu.SemaphoreType.DMA((3,)),
        ],
    )
    def sc_kernel(x_hbm, table_hbm, pe_hbm, gamma_hbm, beta_hbm, out_hbm,
                  idx_v, bufs, pe_v, g_v, b_v, gsem, osem):
        wid = lax.axis_index("s") * info.num_cores + lax.axis_index("c")
        base_seq = wid * seq_per_w

        pltpu.sync_copy(x_hbm.at[wid], idx_v)
        pltpu.sync_copy(pe_hbm, pe_v)
        pltpu.sync_copy(gamma_hbm, g_v)
        pltpu.sync_copy(beta_hbm, b_v)

        def start_gather(s, b):
            for h in range(2):
                pltpu.async_copy(
                    table_hbm.at[idx_v.at[s, h]],
                    bufs.at[b, pl.ds(h * HALF, HALF)], gsem.at[b])

        def wait_gather(b):
            pltpu.make_async_copy(
                out_hbm.at[pl.ds(0, SEQ_LEN)], bufs.at[b], gsem.at[b]).wait()

        def start_out(s, b):
            pltpu.async_copy(
                bufs.at[b],
                out_hbm.at[pl.ds((base_seq + s) * SEQ_LEN, SEQ_LEN)],
                osem.at[b])

        def wait_out(b):
            pltpu.make_async_copy(
                bufs.at[b], out_hbm.at[pl.ds(0, SEQ_LEN)], osem.at[b]).wait()

        def compute_seq(b, carry):
            @plsc.parallel_loop(0, SEQ_LEN, unroll=1, carry=carry)
            def row_body(r, c):
                gs = c[:NVEC]
                bs = c[NVEC:]
                v = [bufs[b, r, pl.ds(j * LANES, LANES)]
                     + pe_v[r, pl.ds(j * LANES, LANES)]
                     for j in range(NVEC)]
                s1 = (v[0] + v[1]) + (v[2] + v[3])
                s2 = (v[4] + v[5]) + (v[6] + v[7])
                tot = _lane_sum(s1 + s2)
                q1 = (v[0] * v[0] + v[1] * v[1]) + (v[2] * v[2] + v[3] * v[3])
                q2 = (v[4] * v[4] + v[5] * v[5]) + (v[6] * v[6] + v[7] * v[7])
                qtot = _lane_sum(q1 + q2)
                mean = tot * (1.0 / D_MODEL)
                var = qtot * (1.0 / D_MODEL) - mean * mean
                rstd = _rsqrt(var + EPS)
                for j in range(NVEC):
                    bufs[b, r, pl.ds(j * LANES, LANES)] = (
                        (v[j] - mean) * rstd * gs[j] + bs[j])
                return c

            return row_body

        gb = tuple(g_v[pl.ds(j * LANES, LANES)] for j in range(NVEC)) + \
             tuple(b_v[pl.ds(j * LANES, LANES)] for j in range(NVEC))

        start_gather(0, 0)
        n_main = (seq_per_w - 2) // 3

        def triple_body(i, c):
            for b in range(3):
                s = 3 * i + b
                nb = (b + 1) % 3
                if b == 2:
                    wait_out(nb)
                else:
                    @pl.when(i > 0)
                    def _():
                        wait_out(nb)
                start_gather(s + 1, nb)
                wait_gather(b)
                c = compute_seq(b, c)
                start_out(s, b)
            return c

        c = lax.fori_loop(0, n_main, triple_body, gb)
        for s in range(3 * n_main, seq_per_w):
            b = s % 3
            if s + 1 < seq_per_w:
                nb = (s + 1) % 3
                wait_out(nb)
                start_gather(s + 1, nb)
            wait_gather(b)
            c = compute_seq(b, c)
            start_out(s, b)
        for b in range(3):
            wait_out(b)

    return sc_kernel


def kernel(x, table, pe, gamma, beta):
    n_seq, seq_len = x.shape
    assert seq_len == SEQ_LEN
    info = plsc.get_sparse_core_info()
    nw = info.num_cores * info.num_subcores
    xc = x.astype(jnp.int32).reshape(nw, n_seq // nw, 2, HALF)
    pe2 = pe[0, :SEQ_LEN, :]
    out = _make_sc_kernel(n_seq)(xc, table, pe2, gamma, beta)
    return out.reshape(n_seq, seq_len, D_MODEL)

# --- scband reference (transcript-rebuilt; emitter-appended) ---
"""Pipeline reference for scband-embedding-9629316678112 (READ-ONLY COPY).

The authoritative reference and input builder live on the scoring server;
editing this copy changes nothing except your own understanding.
"""

import jax, jax.numpy as jnp
import numpy as np
import math

D_MODEL = 128
VOCAB = 1000000
MAXLEN = 256
RPE = False
EPS = 1e-5

def _make_pe(maxlen, d_model):
    pe = np.zeros((maxlen, d_model), dtype=np.float32)
    position = np.arange(0, maxlen, dtype=np.float32)[:, None]
    div_term = np.exp(np.arange(0, d_model, 2, dtype=np.float32) * -(math.log(10000.0) / d_model))
    pe[:, 0::2] = np.sin(position * div_term)
    pe[:, 1::2] = np.cos(position * div_term)
    return jnp.asarray(pe)[None, :, :]  # [1, maxlen, d_model]

def setup_inputs(seed: int = 0) -> dict:
    key = jax.random.key(seed)
    k1, k2 = jax.random.split(key)
    x = jax.random.randint(k1, (1024, 200), 0, VOCAB, dtype=jnp.int64 if jax.config.jax_enable_x64 else jnp.int32)
    table = jax.random.normal(k2, (VOCAB, D_MODEL), dtype=jnp.float32)
    table = table.at[0].set(0.0)  # padding_idx=0
    pe = _make_pe(MAXLEN, D_MODEL)
    gamma = jnp.ones((D_MODEL,), dtype=jnp.float32)
    beta = jnp.zeros((D_MODEL,), dtype=jnp.float32)
    return {"x": x, "table": table, "pe": pe, "gamma": gamma, "beta": beta}

def reference(x, table, pe, gamma, beta):
    # tok_embed lookup (SparseCore gather)
    emb = jnp.take(table, x, axis=0)  # [B, L, d_model]
    if not RPE:
        emb = emb + pe[:, :x.shape[1]]
    # LayerNorm over last dim
    mean = jnp.mean(emb, axis=-1, keepdims=True)
    var = jnp.mean((emb - mean) ** 2, axis=-1, keepdims=True)
    out = (emb - mean) / jnp.sqrt(var + EPS) * gamma + beta
    return out

if __name__ == "__main__":
    import jax
    _d = setup_inputs()
    print(jax.jit(kernel)(*tuple(_d.values())))

</pallas_src>

<mosaic_0001>
#map = affine_map<(d0, d1) -> (0, 0, 0, 0)>
#map1 = affine_map<(d0, d1) -> (0, 0)>
#map2 = affine_map<(d0, d1) -> (0)>
module attributes {stable_mosaic.version = 14 : i64} {
  func.func @sc_kernel(%arg0: i32, %arg1: i32, %arg2: memref<32x32x2x100xi32, #tpu.memory_space<hbm>>, %arg3: memref<1000000x128xf32, #tpu.memory_space<hbm>>, %arg4: memref<200x128xf32, #tpu.memory_space<hbm>>, %arg5: memref<128xf32, #tpu.memory_space<hbm>>, %arg6: memref<128xf32, #tpu.memory_space<hbm>>, %arg7: memref<204800x128xf32, #tpu.memory_space<hbm>>, %arg8: memref<32x2x100xi32, #tpu.memory_space<vmem>>, %arg9: memref<3x200x128xf32, #tpu.memory_space<vmem>>, %arg10: memref<200x128xf32, #tpu.memory_space<vmem>>, %arg11: memref<128xf32, #tpu.memory_space<vmem>>, %arg12: memref<128xf32, #tpu.memory_space<vmem>>, %arg13: memref<3x!tpu.dma_semaphore, #tpu.memory_space<semaphore_mem>>, %arg14: memref<3x!tpu.dma_semaphore, #tpu.memory_space<semaphore_mem>>) attributes {dimension_semantics = [#tpu.dimension_semantics<core_parallel>, #tpu.dimension_semantics<subcore_parallel>], iteration_bounds = array<i64: 2, 16>, scalar_prefetch = 0 : i64, scratch_operands = 7 : i64, tpu.core_type = #tpu.core_type<sc_vector_subcore>, window_params = [{transform_indices = #map}, {transform_indices = #map1}, {transform_indices = #map1}, {transform_indices = #map2}, {transform_indices = #map2}, {transform_indices = #map1}]} {
    %mul3A = arith.constant 2 : i32
    %mul3A_0 = arith.muli %arg1, %mul3A : i32
    %add3A = arith.addi %mul3A_0, %arg0 : i32
    %mul3A_1 = arith.constant 32 : i32
    %mul3A_2 = arith.muli %add3A, %mul3A_1 : i32
    "tpu.region"() ({
      %run_scoped3A = tpu.sem_alloc : memref<!tpu.dma_semaphore, #tpu.memory_space<semaphore_mem>>
      %dma_start3A_272 = arith.constant 0 : i32
      %dma_start3A_273 = arith.constant 0 : i32
      %dma_start3A_274 = arith.constant 0 : i32
      %dma_start3A_275 = tpu.memref_slice %arg2[%add3A, %dma_start3A_272, %dma_start3A_273, %dma_start3A_274] : memref<32x32x2x100xi32, #tpu.memory_space<hbm>> -> memref<1x32x2x100xi32, #tpu.memory_space<hbm>>
      %dma_start3A_276 = tpu.memref_squeeze %dma_start3A_275 : memref<1x32x2x100xi32, #tpu.memory_space<hbm>> -> memref<32x2x100xi32, #tpu.memory_space<hbm>>
      %dma_start3A_277 = arith.constant 0 : i32
      %dma_start3A_278 = arith.constant 0 : i32
      %dma_start3A_279 = arith.constant 0 : i32
      %dma_start3A_280 = tpu.memref_slice %arg2[%add3A, %dma_start3A_277, %dma_start3A_278, %dma_start3A_279] : memref<32x32x2x100xi32, #tpu.memory_space<hbm>> -> memref<1x32x2x100xi32, #tpu.memory_space<hbm>>
      %dma_start3A_281 = tpu.memref_squeeze %dma_start3A_280 : memref<1x32x2x100xi32, #tpu.memory_space<hbm>> -> memref<32x2x100xi32, #tpu.memory_space<hbm>>
      tpu.enqueue_dma source(%dma_start3A_281 : memref<32x2x100xi32, #tpu.memory_space<hbm>>) target(%arg8 : memref<32x2x100xi32, #tpu.memory_space<vmem>>) target_semaphore(%run_scoped3A : memref<!tpu.dma_semaphore, #tpu.memory_space<semaphore_mem>>)
      %dma_wait3A_282 = arith.constant 0 : i32
      %dma_wait3A_283 = arith.constant 0 : i32
      %dma_wait3A_284 = arith.constant 0 : i32
      %dma_wait3A_285 = tpu.memref_slice %arg2[%add3A, %dma_wait3A_282, %dma_wait3A_283, %dma_wait3A_284] : memref<32x32x2x100xi32, #tpu.memory_space<hbm>> -> memref<1x32x2x100xi32, #tpu.memory_space<hbm>>
      %dma_wait3A_286 = tpu.memref_squeeze %dma_wait3A_285 : memref<1x32x2x100xi32, #tpu.memory_space<hbm>> -> memref<32x2x100xi32, #tpu.memory_space<hbm>>
      %dma_wait3A_287 = arith.constant 0 : i32
      %dma_wait3A_288 = arith.constant 0 : i32
      %dma_wait3A_289 = arith.constant 0 : i32
      %dma_wait3A_290 = tpu.memref_slice %arg2[%add3A, %dma_wait3A_287, %dma_wait3A_288, %dma_wait3A_289] : memref<32x32x2x100xi32, #tpu.memory_space<hbm>> -> memref<1x32x2x100xi32, #tpu.memory_space<hbm>>
      %dma_wait3A_291 = tpu.memref_squeeze %dma_wait3A_290 : memref<1x32x2x100xi32, #tpu.memory_space<hbm>> -> memref<32x2x100xi32, #tpu.memory_space<hbm>>
      tpu.wait_dma2 semaphore(%run_scoped3A : memref<!tpu.dma_semaphore, #tpu.memory_space<semaphore_mem>>) src(%dma_wait3A_291 : memref<32x2x100xi32, #tpu.memory_space<hbm>>) dst(%arg8 : memref<32x2x100xi32, #tpu.memory_space<vmem>>)
      tpu.yield
    }) : () -> ()
    "tpu.region"() ({
      %run_scoped3A = tpu.sem_alloc : memref<!tpu.dma_semaphore, #tpu.memory_space<semaphore_mem>>
      tpu.enqueue_dma source(%arg4 : memref<200x128xf32, #tpu.memory_space<hbm>>) target(%arg10 : memref<200x128xf32, #tpu.memory_space<vmem>>) target_semaphore(%run_scoped3A : memref<!tpu.dma_semaphore, #tpu.memory_space<semaphore_mem>>)
      tpu.wait_dma2 semaphore(%run_scoped3A : memref<!tpu.dma_semaphore, #tpu.memory_space<semaphore_mem>>) src(%arg4 : memref<200x128xf32, #tpu.memory_space<hbm>>) dst(%arg10 : memref<200x128xf32, #tpu.memory_space<vmem>>)
      tpu.yield
    }) : () -> ()
    "tpu.region"() ({
      %run_scoped3A = tpu.sem_alloc : memref<!tpu.dma_semaphore, #tpu.memory_space<semaphore_mem>>
      tpu.enqueue_dma source(%arg5 : memref<128xf32, #tpu.memory_space<hbm>>) target(%arg11 : memref<128xf32, #tpu.memory_space<vmem>>) target_semaphore(%run_scoped3A : memref<!tpu.dma_semaphore, #tpu.memory_space<semaphore_mem>>)
      tpu.wait_dma2 semaphore(%run_scoped3A : memref<!tpu.dma_semaphore, #tpu.memory_space<semaphore_mem>>) src(%arg5 : memref<128xf32, #tpu.memory_space<hbm>>) dst(%arg11 : memref<128xf32, #tpu.memory_space<vmem>>)
      tpu.yield
    }) : () -> ()
    "tpu.region"() ({
      %run_scoped3A = tpu.sem_alloc : memref<!tpu.dma_semaphore, #tpu.memory_space<semaphore_mem>>
      tpu.enqueue_dma source(%arg6 : memref<128xf32, #tpu.memory_space<hbm>>) target(%arg12 : memref<128xf32, #tpu.memory_space<vmem>>) target_semaphore(%run_scoped3A : memref<!tpu.dma_semaphore, #tpu.memory_space<semaphore_mem>>)
      tpu.wait_dma2 semaphore(%run_scoped3A : memref<!tpu.dma_semaphore, #tpu.memory_space<semaphore_mem>>) src(%arg6 : memref<128xf32, #tpu.memory_space<hbm>>) dst(%arg12 : memref<128xf32, #tpu.memory_space<vmem>>)
      tpu.yield
    }) : () -> ()
    %get3A = arith.constant 0 : index
    %get3A_3 = tpu.vector_load %arg11[%get3A] {strides = array<i32>} : memref<128xf32, #tpu.memory_space<vmem>>, vector<16xf32>,
    %get3A_4 = vector.shape_cast %get3A_3 : vector<16xf32> to vector<16xf32>
    %get3A_5 = arith.constant 16 : index
    %get3A_6 = tpu.vector_load %arg11[%get3A_5] {strides = array<i32>} : memref<128xf32, #tpu.memory_space<vmem>>, vector<16xf32>,
    %get3A_7 = vector.shape_cast %get3A_6 : vector<16xf32> to vector<16xf32>
    %get3A_8 = arith.constant 32 : index
    %get3A_9 = tpu.vector_load %arg11[%get3A_8] {strides = array<i32>} : memref<128xf32, #tpu.memory_space<vmem>>, vector<16xf32>,
    %get3A_10 = vector.shape_cast %get3A_9 : vector<16xf32> to vector<16xf32>
    %get3A_11 = arith.constant 48 : index
    %get3A_12 = tpu.vector_load %arg11[%get3A_11] {strides = array<i32>} : memref<128xf32, #tpu.memory_space<vmem>>, vector<16xf32>,
    %get3A_13 = vector.shape_cast %get3A_12 : vector<16xf32> to vector<16xf32>
    %get3A_14 = arith.constant 64 : index
    %get3A_15 = tpu.vector_load %arg11[%get3A_14] {strides = array<i32>} : memref<128xf32, #tpu.memory_space<vmem>>, vector<16xf32>,
    %get3A_16 = vector.shape_cast %get3A_15 : vector<16xf32> to vector<16xf32>
    %get3A_17 = arith.constant 80 : index
    %get3A_18 = tpu.vector_load %arg11[%get3A_17] {strides = array<i32>} : memref<128xf32, #tpu.memory_space<vmem>>, vector<16xf32>,
    %get3A_19 = vector.shape_cast %get3A_18 : vector<16xf32> to vector<16xf32>
    %get3A_20 = arith.constant 96 : index
    %get3A_21 = tpu.vector_load %arg11[%get3A_20] {strides = array<i32>} : memref<128xf32, #tpu.memory_space<vmem>>, vector<16xf32>,
    %get3A_22 = vector.shape_cast %get3A_21 : vector<16xf32> to vector<16xf32>
    %get3A_23 = arith.constant 112 : index
    %get3A_24 = tpu.vector_load %arg11[%get3A_23] {strides = array<i32>} : memref<128xf32, #tpu.memory_space<vmem>>, vector<16xf32>,
    %get3A_25 = vector.shape_cast %get3A_24 : vector<16xf32> to vector<16xf32>
    %get3A_26 = arith.constant 0 : index
    %get3A_27 = tpu.vector_load %arg12[%get3A_26] {strides = array<i32>} : memref<128xf32, #tpu.memory_space<vmem>>, vector<16xf32>,
    %get3A_28 = vector.shape_cast %get3A_27 : vector<16xf32> to vector<16xf32>
    %get3A_29 = arith.constant 16 : index
    %get3A_30 = tpu.vector_load %arg12[%get3A_29] {strides = array<i32>} : memref<128xf32, #tpu.memory_space<vmem>>, vector<16xf32>,
    %get3A_31 = vector.shape_cast %get3A_30 : vector<16xf32> to vector<16xf32>
    %get3A_32 = arith.constant 32 : index
    %get3A_33 = tpu.vector_load %arg12[%get3A_32] {strides = array<i32>} : memref<128xf32, #tpu.memory_space<vmem>>, vector<16xf32>,
    %get3A_34 = vector.shape_cast %get3A_33 : vector<16xf32> to vector<16xf32>
    %get3A_35 = arith.constant 48 : index
    %get3A_36 = tpu.vector_load %arg12[%get3A_35] {strides = array<i32>} : memref<128xf32, #tpu.memory_space<vmem>>, vector<16xf32>,
    %get3A_37 = vector.shape_cast %get3A_36 : vector<16xf32> to vector<16xf32>
    %get3A_38 = arith.constant 64 : index
    %get3A_39 = tpu.vector_load %arg12[%get3A_38] {strides = array<i32>} : memref<128xf32, #tpu.memory_space<vmem>>, vector<16xf32>,
    %get3A_40 = vector.shape_cast %get3A_39 : vector<16xf32> to vector<16xf32>
    %get3A_41 = arith.constant 80 : index
    %get3A_42 = tpu.vector_load %arg12[%get3A_41] {strides = array<i32>} : memref<128xf32, #tpu.memory_space<vmem>>, vector<16xf32>,
    %get3A_43 = vector.shape_cast %get3A_42 : vector<16xf32> to vector<16xf32>
    %get3A_44 = arith.constant 96 : index
    %get3A_45 = tpu.vector_load %arg12[%get3A_44] {strides = array<i32>} : memref<128xf32, #tpu.memory_space<vmem>>, vector<16xf32>,
    %get3A_46 = vector.shape_cast %get3A_45 : vector<16xf32> to vector<16xf32>
    %get3A_47 = arith.constant 112 : index
    %get3A_48 = tpu.vector_load %arg12[%get3A_47] {strides = array<i32>} : memref<128xf32, #tpu.memory_space<vmem>>, vector<16xf32>,
    %get3A_49 = vector.shape_cast %get3A_48 : vector<16xf32> to vector<16xf32>
    %dma_start3A = arith.constant 0 : i32
    %dma_start3A_50 = arith.constant 0 : i32
    %dma_start3A_51 = arith.constant 0 : i32
    %dma_start3A_52 = arith.constant 0 : i32
    %dma_start3A_53 = arith.constant 0 : i32
    %dma_start3A_54 = arith.constant 0 : i32
    %dma_start3A_55 = tpu.memref_slice %arg9[%dma_start3A_51, %dma_start3A_53, %dma_start3A_54] : memref<3x200x128xf32, #tpu.memory_space<vmem>> -> memref<1x100x128xf32, #tpu.memory_space<vmem>>
    %dma_start3A_56 = tpu.memref_squeeze %dma_start3A_55 : memref<1x100x128xf32, #tpu.memory_space<vmem>> -> memref<100x128xf32, #tpu.memory_space<vmem>>
    %dma_start3A_57 = arith.constant 0 : i32
    %dma_start3A_58 = tpu.memref_slice %arg8[%dma_start3A, %dma_start3A_50, %dma_start3A_57] : memref<32x2x100xi32, #tpu.memory_space<vmem>> -> memref<1x1x100xi32, #tpu.memory_space<vmem>>
    %dma_start3A_59 = tpu.memref_squeeze %dma_start3A_58 : memref<1x1x100xi32, #tpu.memory_space<vmem>> -> memref<100xi32, #tpu.memory_space<vmem>>
    %dma_start3A_60 = arith.constant 0 : i32
    %dma_start3A_61 = arith.constant 0 : i32
    %dma_start3A_62 = tpu.memref_slice %arg3[%dma_start3A_60, %dma_start3A_61] : memref<1000000x128xf32, #tpu.memory_space<hbm>> -> memref<1000000x128xf32, #tpu.memory_space<hbm>>
    %dma_start3A_63 = tpu.memref_slice %arg13[%dma_start3A_52] : memref<3x!tpu.dma_semaphore, #tpu.memory_space<semaphore_mem>> -> memref<1x!tpu.dma_semaphore, #tpu.memory_space<semaphore_mem>>
    %dma_start3A_64 = tpu.memref_squeeze %dma_start3A_63 : memref<1x!tpu.dma_semaphore, #tpu.memory_space<semaphore_mem>> -> memref<!tpu.dma_semaphore, #tpu.memory_space<semaphore_mem>>
    tpu.enqueue_indirect_dma source(%dma_start3A_62 : memref<1000000x128xf32, #tpu.memory_space<hbm>>) target(%dma_start3A_56 : memref<100x128xf32, #tpu.memory_space<vmem>>) offsets(%dma_start3A_59 : memref<100xi32, #tpu.memory_space<vmem>>) semaphore(%dma_start3A_64 : memref<!tpu.dma_semaphore, #tpu.memory_space<semaphore_mem>>)
    %dma_start3A_65 = arith.constant 0 : i32
    %dma_start3A_66 = arith.constant 1 : i32
    %dma_start3A_67 = arith.constant 0 : i32
    %dma_start3A_68 = arith.constant 0 : i32
    %dma_start3A_69 = arith.constant 100 : i32
    %dma_start3A_70 = arith.constant 0 : i32
    %dma_start3A_71 = tpu.memref_slice %arg9[%dma_start3A_67, %dma_start3A_69, %dma_start3A_70] : memref<3x200x128xf32, #tpu.memory_space<vmem>> -> memref<1x100x128xf32, #tpu.memory_space<vmem>>
    %dma_start3A_72 = tpu.memref_squeeze %dma_start3A_71 : memref<1x100x128xf32, #tpu.memory_space<vmem>> -> memref<100x128xf32, #tpu.memory_space<vmem>>
    %dma_start3A_73 = arith.constant 0 : i32
    %dma_start3A_74 = tpu.memref_slice %arg8[%dma_start3A_65, %dma_start3A_66, %dma_start3A_73] : memref<32x2x100xi32, #tpu.memory_space<vmem>> -> memref<1x1x100xi32, #tpu.memory_space<vmem>>
    %dma_start3A_75 = tpu.memref_squeeze %dma_start3A_74 : memref<1x1x100xi32, #tpu.memory_space<vmem>> -> memref<100xi32, #tpu.memory_space<vmem>>
    %dma_start3A_76 = arith.constant 0 : i32
    %dma_start3A_77 = arith.constant 0 : i32
    %dma_start3A_78 = tpu.memref_slice %arg3[%dma_start3A_76, %dma_start3A_77] : memref<1000000x128xf32, #tpu.memory_space<hbm>> -> memref<1000000x128xf32, #tpu.memory_space<hbm>>
    %dma_start3A_79 = tpu.memref_slice %arg13[%dma_start3A_68] : memref<3x!tpu.dma_semaphore, #tpu.memory_space<semaphore_mem>> -> memref<1x!tpu.dma_semaphore, #tpu.memory_space<semaphore_mem>>
    %dma_start3A_80 = tpu.memref_squeeze %dma_start3A_79 : memref<1x!tpu.dma_semaphore, #tpu.memory_space<semaphore_mem>> -> memref<!tpu.dma_semaphore, #tpu.memory_space<semaphore_mem>>
    tpu.enqueue_indirect_dma source(%dma_start3A_78 : memref<1000000x128xf32, #tpu.memory_space<hbm>>) target(%dma_start3A_72 : memref<100x128xf32, #tpu.memory_space<vmem>>) offsets(%dma_start3A_75 : memref<100xi32, #tpu.memory_space<vmem>>) semaphore(%dma_start3A_80 : memref<!tpu.dma_semaphore, #tpu.memory_space<semaphore_mem>>)
    %scan3A = arith.constant 0 : i32
    %scan3A_81 = arith.constant 10 : i32
    %scan3A_82 = arith.addi %scan3A, %scan3A_81 : i32
    %scan3A_83 = arith.constant 1 : i32
    %scan3A_84:16 = scf.for %scan3A_272 = %scan3A to %scan3A_82 step %scan3A_83 iter_args(%scan3A_273 = %get3A_4, %scan3A_274 = %get3A_7, %scan3A_275 = %get3A_10, %scan3A_276 = %get3A_13, %scan3A_277 = %get3A_16, %scan3A_278 = %get3A_19, %scan3A_279 = %get3A_22, %scan3A_280 = %get3A_25, %scan3A_281 = %get3A_28, %scan3A_282 = %get3A_31, %scan3A_283 = %get3A_34, %scan3A_284 = %get3A_37, %scan3A_285 = %get3A_40, %scan3A_286 = %get3A_43, %scan3A_287 = %get3A_46, %scan3A_288 = %get3A_49) -> (vector<16xf32>, vector<16xf32>, vector<16xf32>, vector<16xf32>, vector<16xf32>, vector<16xf32>, vector<16xf32>, vector<16xf32>, vector<16xf32>, vector<16xf32>, vector<16xf32>, vector<16xf32>, vector<16xf32>, vector<16xf32>, vector<16xf32>, vector<16xf32>)  : i32 {
      %mul3A_289 = arith.constant 3 : i32
      %mul3A_290 = arith.muli %mul3A_289, %scan3A_272 : i32
      %add3A_291 = arith.constant 0 : i32
      %add3A_292 = arith.addi %mul3A_290, %add3A_291 : i32
      %gt3A = arith.constant 0 : i32
      %gt3A_293 = arith.cmpi sgt, %scan3A_272, %gt3A : i32
      %convert_element_type3A = arith.extui %gt3A_293 : i1 to i32
      %cond3A = arith.constant 0 : i32
      %cond3A_294 = arith.cmpi ne, %convert_element_type3A, %cond3A : i32
      scf.if %cond3A_294 {
        %dma_wait3A_545 = arith.constant 1 : i32
        %dma_wait3A_546 = arith.constant 1 : i32
        %dma_wait3A_547 = arith.constant 0 : i32
        %dma_wait3A_548 = arith.constant 0 : i32
        %dma_wait3A_549 = tpu.memref_slice %arg9[%dma_wait3A_545, %dma_wait3A_547, %dma_wait3A_548] : memref<3x200x128xf32, #tpu.memory_space<vmem>> -> memref<1x200x128xf32, #tpu.memory_space<vmem>>
        %dma_wait3A_550 = tpu.memref_squeeze %dma_wait3A_549 : memref<1x200x128xf32, #tpu.memory_space<vmem>> -> memref<200x128xf32, #tpu.memory_space<vmem>>
        %dma_wait3A_551 = arith.constant 0 : i32
        %dma_wait3A_552 = arith.constant 0 : i32
        %dma_wait3A_553 = tpu.memref_slice %arg7[%dma_wait3A_551, %dma_wait3A_552] : memref<204800x128xf32, #tpu.memory_space<hbm>> -> memref<200x128xf32, #tpu.memory_space<hbm>>
        %dma_wait3A_554 = tpu.memref_slice %arg14[%dma_wait3A_546] : memref<3x!tpu.dma_semaphore, #tpu.memory_space<semaphore_mem>> -> memref<1x!tpu.dma_semaphore, #tpu.memory_space<semaphore_mem>>
        %dma_wait3A_555 = tpu.memref_squeeze %dma_wait3A_554 : memref<1x!tpu.dma_semaphore, #tpu.memory_space<semaphore_mem>> -> memref<!tpu.dma_semaphore, #tpu.memory_space<semaphore_mem>>
        %dma_wait3A_556 = arith.constant 0 : i32
        %dma_wait3A_557 = arith.constant 0 : i32
        %dma_wait3A_558 = tpu.memref_slice %arg7[%dma_wait3A_556, %dma_wait3A_557] : memref<204800x128xf32, #tpu.memory_space<hbm>> -> memref<200x128xf32, #tpu.memory_space<hbm>>
        %dma_wait3A_559 = arith.constant 0 : i32
        %dma_wait3A_560 = arith.constant 0 : i32
        %dma_wait3A_561 = tpu.memref_slice %arg9[%dma_wait3A_545, %dma_wait3A_559, %dma_wait3A_560] : memref<3x200x128xf32, #tpu.memory_space<vmem>> -> memref<1x200x128xf32, #tpu.memory_space<vmem>>
        %dma_wait3A_562 = tpu.memref_squeeze %dma_wait3A_561 : memref<1x200x128xf32, #tpu.memory_space<vmem>> -> memref<200x128xf32, #tpu.memory_space<vmem>>
        tpu.wait_dma2 semaphore(%dma_wait3A_555 : memref<!tpu.dma_semaphore, #tpu.memory_space<semaphore_mem>>) src(%dma_wait3A_562 : memref<200x128xf32, #tpu.memory_space<vmem>>) dst(%dma_wait3A_558 : memref<200x128xf32, #tpu.memory_space<hbm>>)
      } else {
      }
      %add3A_295 = arith.constant 1 : i32
      %add3A_296 = arith.addi %add3A_292, %add3A_295 : i32
      %dma_start3A_297 = arith.constant 0 : i32
      %dma_start3A_298 = arith.constant 1 : i32
      %dma_start3A_299 = arith.constant 1 : i32
      %dma_start3A_300 = arith.constant 0 : i32
      %dma_start3A_301 = arith.constant 0 : i32
      %dma_start3A_302 = tpu.memref_slice %arg9[%dma_start3A_298, %dma_start3A_300, %dma_start3A_301] : memref<3x200x128xf32, #tpu.memory_space<vmem>> -> memref<1x100x128xf32, #tpu.memory_space<vmem>>
      %dma_start3A_303 = tpu.memref_squeeze %dma_start3A_302 : memref<1x100x128xf32, #tpu.memory_space<vmem>> -> memref<100x128xf32, #tpu.memory_space<vmem>>
      %dma_start3A_304 = arith.constant 0 : i32
      %dma_start3A_305 = tpu.memref_slice %arg8[%add3A_296, %dma_start3A_297, %dma_start3A_304] : memref<32x2x100xi32, #tpu.memory_space<vmem>> -> memref<1x1x100xi32, #tpu.memory_space<vmem>>
      %dma_start3A_306 = tpu.memref_squeeze %dma_start3A_305 : memref<1x1x100xi32, #tpu.memory_space<vmem>> -> memref<100xi32, #tpu.memory_space<vmem>>
      %dma_start3A_307 = arith.constant 0 : i32
      %dma_start3A_308 = arith.constant 0 : i32
      %dma_start3A_309 = tpu.memref_slice %arg3[%dma_start3A_307, %dma_start3A_308] : memref<1000000x128xf32, #tpu.memory_space<hbm>> -> memref<1000000x128xf32, #tpu.memory_space<hbm>>
      %dma_start3A_310 = tpu.memref_slice %arg13[%dma_start3A_299] : memref<3x!tpu.dma_semaphore, #tpu.memory_space<semaphore_mem>> -> memref<1x!tpu.dma_semaphore, #tpu.memory_space<semaphore_mem>>
      %dma_start3A_311 = tpu.memref_squeeze %dma_start3A_310 : memref<1x!tpu.dma_semaphore, #tpu.memory_space<semaphore_mem>> -> memref<!tpu.dma_semaphore, #tpu.memory_space<semaphore_mem>>
      tpu.enqueue_indirect_dma source(%dma_start3A_309 : memref<1000000x128xf32, #tpu.memory_space<hbm>>) target(%dma_start3A_303 : memref<100x128xf32, #tpu.memory_space<vmem>>) offsets(%dma_start3A_306 : memref<100xi32, #tpu.memory_space<vmem>>) semaphore(%dma_start3A_311 : memref<!tpu.dma_semaphore, #tpu.memory_space<semaphore_mem>>)
      %dma_start3A_312 = arith.constant 1 : i32
      %dma_start3A_313 = arith.constant 1 : i32
      %dma_start3A_314 = arith.constant 1 : i32
      %dma_start3A_315 = arith.constant 100 : i32
      %dma_start3A_316 = arith.constant 0 : i32
      %dma_start3A_317 = tpu.memref_slice %arg9[%dma_start3A_313, %dma_start3A_315, %dma_start3A_316] : memref<3x200x128xf32, #tpu.memory_space<vmem>> -> memref<1x100x128xf32, #tpu.memory_space<vmem>>
      %dma_start3A_318 = tpu.memref_squeeze %dma_start3A_317 : memref<1x100x128xf32, #tpu.memory_space<vmem>> -> memref<100x128xf32, #tpu.memory_space<vmem>>
      %dma_start3A_319 = arith.constant 0 : i32
      %dma_start3A_320 = tpu.memref_slice %arg8[%add3A_296, %dma_start3A_312, %dma_start3A_319] : memref<32x2x100xi32, #tpu.memory_space<vmem>> -> memref<1x1x100xi32, #tpu.memory_space<vmem>>
      %dma_start3A_321 = tpu.memref_squeeze %dma_start3A_320 : memref<1x1x100xi32, #tpu.memory_space<vmem>> -> memref<100xi32, #tpu.memory_space<vmem>>
      %dma_start3A_322 = arith.constant 0 : i32
      %dma_start3A_323 = arith.constant 0 : i32
      %dma_start3A_324 = tpu.memref_slice %arg3[%dma_start3A_322, %dma_start3A_323] : memref<1000000x128xf32, #tpu.memory_space<hbm>> -> memref<1000000x128xf32, #tpu.memory_space<hbm>>
      %dma_start3A_325 = tpu.memref_slice %arg13[%dma_start3A_314] : memref<3x!tpu.dma_semaphore, #tpu.memory_space<semaphore_mem>> -> memref<1x!tpu.dma_semaphore, #tpu.memory_space<semaphore_mem>>
      %dma_start3A_326 = tpu.memref_squeeze %dma_start3A_325 : memref<1x!tpu.dma_semaphore, #tpu.memory_space<semaphore_mem>> -> memref<!tpu.dma_semaphore, #tpu.memory_space<semaphore_mem>>
      tpu.enqueue_indirect_dma source(%dma_start3A_324 : memref<1000000x128xf32, #tpu.memory_space<hbm>>) target(%dma_start3A_318 : memref<100x128xf32, #tpu.memory_space<vmem>>) offsets(%dma_start3A_321 : memref<100xi32, #tpu.memory_space<vmem>>) semaphore(%dma_start3A_326 : memref<!tpu.dma_semaphore, #tpu.memory_space<semaphore_mem>>)
      %dma_wait3A_327 = arith.constant 0 : i32
      %dma_wait3A_328 = arith.constant 0 : i32
      %dma_wait3A_329 = arith.constant 0 : i32
      %dma_wait3A_330 = arith.constant 0 : i32
      %dma_wait3A_331 = tpu.memref_slice %arg9[%dma_wait3A_327, %dma_wait3A_329, %dma_wait3A_330] : memref<3x200x128xf32, #tpu.memory_space<vmem>> -> memref<1x200x128xf32, #tpu.memory_space<vmem>>
      %dma_wait3A_332 = tpu.memref_squeeze %dma_wait3A_331 : memref<1x200x128xf32, #tpu.memory_space<vmem>> -> memref<200x128xf32, #tpu.memory_space<vmem>>
      %dma_wait3A_333 = arith.constant 0 : i32
      %dma_wait3A_334 = arith.constant 0 : i32
      %dma_wait3A_335 = tpu.memref_slice %arg7[%dma_wait3A_333, %dma_wait3A_334] : memref<204800x128xf32, #tpu.memory_space<hbm>> -> memref<200x128xf32, #tpu.memory_space<hbm>>
      %dma_wait3A_336 = tpu.memref_slice %arg13[%dma_wait3A_328] : memref<3x!tpu.dma_semaphore, #tpu.memory_space<semaphore_mem>> -> memref<1x!tpu.dma_semaphore, #tpu.memory_space<semaphore_mem>>
      %dma_wait3A_337 = tpu.memref_squeeze %dma_wait3A_336 : memref<1x!tpu.dma_semaphore, #tpu.memory_space<semaphore_mem>> -> memref<!tpu.dma_semaphore, #tpu.memory_space<semaphore_mem>>
      %dma_wait3A_338 = arith.constant 0 : i32
      %dma_wait3A_339 = arith.constant 0 : i32
      %dma_wait3A_340 = tpu.memref_slice %arg9[%dma_wait3A_327, %dma_wait3A_338, %dma_wait3A_339] : memref<3x200x128xf32, #tpu.memory_space<vmem>> -> memref<1x200x128xf32, #tpu.memory_space<vmem>>
      %dma_wait3A_341 = tpu.memref_squeeze %dma_wait3A_340 : memref<1x200x128xf32, #tpu.memory_space<vmem>> -> memref<200x128xf32, #tpu.memory_space<vmem>>
      %dma_wait3A_342 = arith.constant 0 : i32
      %dma_wait3A_343 = arith.constant 0 : i32
      %dma_wait3A_344 = tpu.memref_slice %arg7[%dma_wait3A_342, %dma_wait3A_343] : memref<204800x128xf32, #tpu.memory_space<hbm>> -> memref<200x128xf32, #tpu.memory_space<hbm>>
      tpu.wait_dma2 semaphore(%dma_wait3A_337 : memref<!tpu.dma_semaphore, #tpu.memory_space<semaphore_mem>>) src(%dma_wait3A_344 : memref<200x128xf32, #tpu.memory_space<hbm>>) dst(%dma_wait3A_341 : memref<200x128xf32, #tpu.memory_space<vmem>>)
      %parallel_loop3A_345 = arith.constant 0 : i32
      %parallel_loop3A_346 = arith.constant 200 : i32
      %parallel_loop3A_347 = arith.constant 1 : i32
      %parallel_loop3A_348:16 = scf.for %parallel_loop3A_545 = %parallel_loop3A_345 to %parallel_loop3A_346 step %parallel_loop3A_347 iter_args(%parallel_loop3A_546 = %scan3A_273, %parallel_loop3A_547 = %scan3A_274, %parallel_loop3A_548 = %scan3A_275, %parallel_loop3A_549 = %scan3A_276, %parallel_loop3A_550 = %scan3A_277, %parallel_loop3A_551 = %scan3A_278, %parallel_loop3A_552 = %scan3A_279, %parallel_loop3A_553 = %scan3A_280, %parallel_loop3A_554 = %scan3A_281, %parallel_loop3A_555 = %scan3A_282, %parallel_loop3A_556 = %scan3A_283, %parallel_loop3A_557 = %scan3A_284, %parallel_loop3A_558 = %scan3A_285, %parallel_loop3A_559 = %scan3A_286, %parallel_loop3A_560 = %scan3A_287, %parallel_loop3A_561 = %scan3A_288) -> (vector<16xf32>, vector<16xf32>, vector<16xf32>, vector<16xf32>, vector<16xf32>, vector<16xf32>, vector<16xf32>, vector<16xf32>, vector<16xf32>, vector<16xf32>, vector<16xf32>, vector<16xf32>, vector<16xf32>, vector<16xf32>, vector<16xf32>, vector<16xf32>)  : i32 {
        %parallel_loop3A_562 = arith.constant 0 : i32
        %parallel_loop3A_563 = arith.index_cast %parallel_loop3A_562 : i32 to index
        %parallel_loop3A_564 = arith.index_cast %parallel_loop3A_545 : i32 to index
        %parallel_loop3A_565 = arith.constant 0 : index
        %parallel_loop3A_566 = tpu.vector_load %arg9[%parallel_loop3A_563, %parallel_loop3A_564, %parallel_loop3A_565] {strides = array<i32>} : memref<3x200x128xf32, #tpu.memory_space<vmem>>, vector<1x1x16xf32>,
        %parallel_loop3A_567 = vector.shape_cast %parallel_loop3A_566 : vector<1x1x16xf32> to vector<16xf32>
        %parallel_loop3A_568 = arith.index_cast %parallel_loop3A_545 : i32 to index
        %parallel_loop3A_569 = arith.constant 0 : index
        %parallel_loop3A_570 = tpu.vector_load %arg10[%parallel_loop3A_568, %parallel_loop3A_569] {strides = array<i32>} : memref<200x128xf32, #tpu.memory_space<vmem>>, vector<1x16xf32>,
        %parallel_loop3A_571 = vector.shape_cast %parallel_loop3A_570 : vector<1x16xf32> to vector<16xf32>
        %parallel_loop3A_572 = arith.addf %parallel_loop3A_567, %parallel_loop3A_571 : vector<16xf32>
        %parallel_loop3A_573 = arith.constant 0 : i32
        %parallel_loop3A_574 = arith.index_cast %parallel_loop3A_573 : i32 to index
        %parallel_loop3A_575 = arith.index_cast %parallel_loop3A_545 : i32 to index
        %parallel_loop3A_576 = arith.constant 16 : index
        %parallel_loop3A_577 = tpu.vector_load %arg9[%parallel_loop3A_574, %parallel_loop3A_575, %parallel_loop3A_576] {strides = array<i32>} : memref<3x200x128xf32, #tpu.memory_space<vmem>>, vector<1x1x16xf32>,
        %parallel_loop3A_578 = vector.shape_cast %parallel_loop3A_577 : vector<1x1x16xf32> to vector<16xf32>
        %parallel_loop3A_579 = arith.index_cast %parallel_loop3A_545 : i32 to index
        %parallel_loop3A_580 = arith.constant 16 : index
        %parallel_loop3A_581 = tpu.vector_load %arg10[%parallel_loop3A_579, %parallel_loop3A_580] {strides = array<i32>} : memref<200x128xf32, #tpu.memory_space<vmem>>, vector<1x16xf32>,
        %parallel_loop3A_582 = vector.shape_cast %parallel_loop3A_581 : vector<1x16xf32> to vector<16xf32>
        %parallel_loop3A_583 = arith.addf %parallel_loop3A_578, %parallel_loop3A_582 : vector<16xf32>
        %parallel_loop3A_584 = arith.constant 0 : i32
        %parallel_loop3A_585 = arith.index_cast %parallel_loop3A_584 : i32 to index
        %parallel_loop3A_586 = arith.index_cast %parallel_loop3A_545 : i32 to index
        %parallel_loop3A_587 = arith.constant 32 : index
        %parallel_loop3A_588 = tpu.vector_load %arg9[%parallel_loop3A_585, %parallel_loop3A_586, %parallel_loop3A_587] {strides = array<i32>} : memref<3x200x128xf32, #tpu.memory_space<vmem>>, vector<1x1x16xf32>,
        %parallel_loop3A_589 = vector.shape_cast %parallel_loop3A_588 : vector<1x1x16xf32> to vector<16xf32>
        %parallel_loop3A_590 = arith.index_cast %parallel_loop3A_545 : i32 to index
        %parallel_loop3A_591 = arith.constant 32 : index
        %parallel_loop3A_592 = tpu.vector_load %arg10[%parallel_loop3A_590, %parallel_loop3A_591] {strides = array<i32>} : memref<200x128xf32, #tpu.memory_space<vmem>>, vector<1x16xf32>,
        %parallel_loop3A_593 = vector.shape_cast %parallel_loop3A_592 : vector<1x16xf32> to vector<16xf32>
        %parallel_loop3A_594 = arith.addf %parallel_loop3A_589, %parallel_loop3A_593 : vector<16xf32>
        %parallel_loop3A_595 = arith.constant 0 : i32
        %parallel_loop3A_596 = arith.index_cast %parallel_loop3A_595 : i32 to index
        %parallel_loop3A_597 = arith.index_cast %parallel_loop3A_545 : i32 to index
        %parallel_loop3A_598 = arith.constant 48 : index
        %parallel_loop3A_599 = tpu.vector_load %arg9[%parallel_loop3A_596, %parallel_loop3A_597, %parallel_loop3A_598] {strides = array<i32>} : memref<3x200x128xf32, #tpu.memory_space<vmem>>, vector<1x1x16xf32>,
        %parallel_loop3A_600 = vector.shape_cast %parallel_loop3A_599 : vector<1x1x16xf32> to vector<16xf32>
        %parallel_loop3A_601 = arith.index_cast %parallel_loop3A_545 : i32 to index
        %parallel_loop3A_602 = arith.constant 48 : index
        %parallel_loop3A_603 = tpu.vector_load %arg10[%parallel_loop3A_601, %parallel_loop3A_602] {strides = array<i32>} : memref<200x128xf32, #tpu.memory_space<vmem>>, vector<1x16xf32>,
        %parallel_loop3A_604 = vector.shape_cast %parallel_loop3A_603 : vector<1x16xf32> to vector<16xf32>
        %parallel_loop3A_605 = arith.addf %parallel_loop3A_600, %parallel_loop3A_604 : vector<16xf32>
        %parallel_loop3A_606 = arith.constant 0 : i32
        %parallel_loop3A_607 = arith.index_cast %parallel_loop3A_606 : i32 to index
        %parallel_loop3A_608 = arith.index_cast %parallel_loop3A_545 : i32 to index
        %parallel_loop3A_609 = arith.constant 64 : index
        %parallel_loop3A_610 = tpu.vector_load %arg9[%parallel_loop3A_607, %parallel_loop3A_608, %parallel_loop3A_609] {strides = array<i32>} : memref<3x200x128xf32, #tpu.memory_space<vmem>>, vector<1x1x16xf32>,
        %parallel_loop3A_611 = vector.shape_cast %parallel_loop3A_610 : vector<1x1x16xf32> to vector<16xf32>
        %parallel_loop3A_612 = arith.index_cast %parallel_loop3A_545 : i32 to index
        %parallel_loop3A_613 = arith.constant 64 : index
        %parallel_loop3A_614 = tpu.vector_load %arg10[%parallel_loop3A_612, %parallel_loop3A_613] {strides = array<i32>} : memref<200x128xf32, #tpu.memory_space<vmem>>, vector<1x16xf32>,
        %parallel_loop3A_615 = vector.shape_cast %parallel_loop3A_614 : vector<1x16xf32> to vector<16xf32>
        %parallel_loop3A_616 = arith.addf %parallel_loop3A_611, %parallel_loop3A_615 : vector<16xf32>
        %parallel_loop3A_617 = arith.constant 0 : i32
        %parallel_loop3A_618 = arith.index_cast %parallel_loop3A_617 : i32 to index
        %parallel_loop3A_619 = arith.index_cast %parallel_loop3A_545 : i32 to index
        %parallel_loop3A_620 = arith.constant 80 : index
        %parallel_loop3A_621 = tpu.vector_load %arg9[%parallel_loop3A_618, %parallel_loop3A_619, %parallel_loop3A_620] {strides = array<i32>} : memref<3x200x128xf32, #tpu.memory_space<vmem>>, vector<1x1x16xf32>,
        %parallel_loop3A_622 = vector.shape_cast %parallel_loop3A_621 : vector<1x1x16xf32> to vector<16xf32>
        %parallel_loop3A_623 = arith.index_cast %parallel_loop3A_545 : i32 to index
        %parallel_loop3A_624 = arith.constant 80 : index
        %parallel_loop3A_625 = tpu.vector_load %arg10[%parallel_loop3A_623, %parallel_loop3A_624] {strides = array<i32>} : memref<200x128xf32, #tpu.memory_space<vmem>>, vector<1x16xf32>,
        %parallel_loop3A_626 = vector.shape_cast %parallel_loop3A_625 : vector<1x16xf32> to vector<16xf32>
        %parallel_loop3A_627 = arith.addf %parallel_loop3A_622, %parallel_loop3A_626 : vector<16xf32>
        %parallel_loop3A_628 = arith.constant 0 : i32
        %parallel_loop3A_629 = arith.index_cast %parallel_loop3A_628 : i32 to index
        %parallel_loop3A_630 = arith.index_cast %parallel_loop3A_545 : i32 to index
        %parallel_loop3A_631 = arith.constant 96 : index
        %parallel_loop3A_632 = tpu.vector_load %arg9[%parallel_loop3A_629, %parallel_loop3A_630, %parallel_loop3A_631] {strides = array<i32>} : memref<3x200x128xf32, #tpu.memory_space<vmem>>, vector<1x1x16xf32>,
        %parallel_loop3A_633 = vector.shape_cast %parallel_loop3A_632 : vector<1x1x16xf32> to vector<16xf32>
        %parallel_loop3A_634 = arith.index_cast %parallel_loop3A_545 : i32 to index
        %parallel_loop3A_635 = arith.constant 96 : index
        %parallel_loop3A_636 = tpu.vector_load %arg10[%parallel_loop3A_634, %parallel_loop3A_635] {strides = array<i32>} : memref<200x128xf32, #tpu.memory_space<vmem>>, vector<1x16xf32>,
        %parallel_loop3A_637 = vector.shape_cast %parallel_loop3A_636 : vector<1x16xf32> to vector<16xf32>
        %parallel_loop3A_638 = arith.addf %parallel_loop3A_633, %parallel_loop3A_637 : vector<16xf32>
        %parallel_loop3A_639 = arith.constant 0 : i32
        %parallel_loop3A_640 = arith.index_cast %parallel_loop3A_639 : i32 to index
        %parallel_loop3A_641 = arith.index_cast %parallel_loop3A_545 : i32 to index
        %parallel_loop3A_642 = arith.constant 112 : index
        %parallel_loop3A_643 = tpu.vector_load %arg9[%parallel_loop3A_640, %parallel_loop3A_641, %parallel_loop3A_642] {strides = array<i32>} : memref<3x200x128xf32, #tpu.memory_space<vmem>>, vector<1x1x16xf32>,
        %parallel_loop3A_644 = vector.shape_cast %parallel_loop3A_643 : vector<1x1x16xf32> to vector<16xf32>
        %parallel_loop3A_645 = arith.index_cast %parallel_loop3A_545 : i32 to index
        %parallel_loop3A_646 = arith.constant 112 : index
        %parallel_loop3A_647 = tpu.vector_load %arg10[%parallel_loop3A_645, %parallel_loop3A_646] {strides = array<i32>} : memref<200x128xf32, #tpu.memory_space<vmem>>, vector<1x16xf32>,
        %parallel_loop3A_648 = vector.shape_cast %parallel_loop3A_647 : vector<1x16xf32> to vector<16xf32>
        %parallel_loop3A_649 = arith.addf %parallel_loop3A_644, %parallel_loop3A_648 : vector<16xf32>
        %parallel_loop3A_650 = arith.addf %parallel_loop3A_572, %parallel_loop3A_583 : vector<16xf32>
        %parallel_loop3A_651 = arith.addf %parallel_loop3A_594, %parallel_loop3A_605 : vector<16xf32>
        %parallel_loop3A_652 = arith.addf %parallel_loop3A_650, %parallel_loop3A_651 : vector<16xf32>
        %parallel_loop3A_653 = arith.addf %parallel_loop3A_616, %parallel_loop3A_627 : vector<16xf32>
        %parallel_loop3A_654 = arith.addf %parallel_loop3A_638, %parallel_loop3A_649 : vector<16xf32>
        %parallel_loop3A_655 = arith.addf %parallel_loop3A_653, %parallel_loop3A_654 : vector<16xf32>
        %parallel_loop3A_656 = arith.addf %parallel_loop3A_652, %parallel_loop3A_655 : vector<16xf32>
        %parallel_loop3A_657 = tpu.iota {dimensions = array<i32: 0>} : vector<16xi32>
        %parallel_loop3A_658 = arith.constant 8 : i32
        %parallel_loop3A_659 = vector.broadcast %parallel_loop3A_658 : i32 to vector<16xi32>
        %parallel_loop3A_660 = arith.xori %parallel_loop3A_657, %parallel_loop3A_659 : vector<16xi32>
        %parallel_loop3A_661 = vector.shape_cast %parallel_loop3A_660 : vector<16xi32> to vector<16x1xi32>
        %parallel_loop3A_662 = vector.shape_cast %parallel_loop3A_661 : vector<16x1xi32> to vector<16xi32>
        %parallel_loop3A_663 = tpu.dynamic_gather %parallel_loop3A_656[%parallel_loop3A_662] in [0] : vector<16xf32>, vector<16xi32> -> vector<16xf32>
        %parallel_loop3A_664 = arith.addf %parallel_loop3A_656, %parallel_loop3A_663 : vector<16xf32>
        %parallel_loop3A_665 = arith.constant 4 : i32
        %parallel_loop3A_666 = vector.broadcast %parallel_loop3A_665 : i32 to vector<16xi32>
        %parallel_loop3A_667 = arith.xori %parallel_loop3A_657, %parallel_loop3A_666 : vector<16xi32>
        %parallel_loop3A_668 = vector.shape_cast %parallel_loop3A_667 : vector<16xi32> to vector<16x1xi32>
        %parallel_loop3A_669 = vector.shape_cast %parallel_loop3A_668 : vector<16x1xi32> to vector<16xi32>
        %parallel_loop3A_670 = tpu.dynamic_gather %parallel_loop3A_664[%parallel_loop3A_669] in [0] : vector<16xf32>, vector<16xi32> -> vector<16xf32>
        %parallel_loop3A_671 = arith.addf %parallel_loop3A_664, %parallel_loop3A_670 : vector<16xf32>
        %parallel_loop3A_672 = arith.constant 2 : i32
        %parallel_loop3A_673 = vector.broadcast %parallel_loop3A_672 : i32 to vector<16xi32>
        %parallel_loop3A_674 = arith.xori %parallel_loop3A_657, %parallel_loop3A_673 : vector<16xi32>
        %parallel_loop3A_675 = vector.shape_cast %parallel_loop3A_674 : vector<16xi32> to vector<16x1xi32>
        %parallel_loop3A_676 = vector.shape_cast %parallel_loop3A_675 : vector<16x1xi32> to vector<16xi32>
        %parallel_loop3A_677 = tpu.dynamic_gather %parallel_loop3A_671[%parallel_loop3A_676] in [0] : vector<16xf32>, vector<16xi32> -> vector<16xf32>
        %parallel_loop3A_678 = arith.addf %parallel_loop3A_671, %parallel_loop3A_677 : vector<16xf32>
        %parallel_loop3A_679 = arith.constant 1 : i32
        %parallel_loop3A_680 = vector.broadcast %parallel_loop3A_679 : i32 to vector<16xi32>
        %parallel_loop3A_681 = arith.xori %parallel_loop3A_657, %parallel_loop3A_680 : vector<16xi32>
        %parallel_loop3A_682 = vector.shape_cast %parallel_loop3A_681 : vector<16xi32> to vector<16x1xi32>
        %parallel_loop3A_683 = vector.shape_cast %parallel_loop3A_682 : vector<16x1xi32> to vector<16xi32>
        %parallel_loop3A_684 = tpu.dynamic_gather %parallel_loop3A_678[%parallel_loop3A_683] in [0] : vector<16xf32>, vector<16xi32> -> vector<16xf32>
        %parallel_loop3A_685 = arith.addf %parallel_loop3A_678, %parallel_loop3A_684 : vector<16xf32>
        %parallel_loop3A_686 = arith.mulf %parallel_loop3A_572, %parallel_loop3A_572 : vector<16xf32>
        %parallel_loop3A_687 = arith.mulf %parallel_loop3A_583, %parallel_loop3A_583 : vector<16xf32>
        %parallel_loop3A_688 = arith.addf %parallel_loop3A_686, %parallel_loop3A_687 : vector<16xf32>
        %parallel_loop3A_689 = arith.mulf %parallel_loop3A_594, %parallel_loop3A_594 : vector<16xf32>
        %parallel_loop3A_690 = arith.mulf %parallel_loop3A_605, %parallel_loop3A_605 : vector<16xf32>
        %parallel_loop3A_691 = arith.addf %parallel_loop3A_689, %parallel_loop3A_690 : vector<16xf32>
        %parallel_loop3A_692 = arith.addf %parallel_loop3A_688, %parallel_loop3A_691 : vector<16xf32>
        %parallel_loop3A_693 = arith.mulf %parallel_loop3A_616, %parallel_loop3A_616 : vector<16xf32>
        %parallel_loop3A_694 = arith.mulf %parallel_loop3A_627, %parallel_loop3A_627 : vector<16xf32>
        %parallel_loop3A_695 = arith.addf %parallel_loop3A_693, %parallel_loop3A_694 : vector<16xf32>
        %parallel_loop3A_696 = arith.mulf %parallel_loop3A_638, %parallel_loop3A_638 : vector<16xf32>
        %parallel_loop3A_697 = arith.mulf %parallel_loop3A_649, %parallel_loop3A_649 : vector<16xf32>
        %parallel_loop3A_698 = arith.addf %parallel_loop3A_696, %parallel_loop3A_697 : vector<16xf32>
        %parallel_loop3A_699 = arith.addf %parallel_loop3A_695, %parallel_loop3A_698 : vector<16xf32>
        %parallel_loop3A_700 = arith.addf %parallel_loop3A_692, %parallel_loop3A_699 : vector<16xf32>
        %parallel_loop3A_701 = tpu.iota {dimensions = array<i32: 0>} : vector<16xi32>
        %parallel_loop3A_702 = arith.constant 8 : i32
        %parallel_loop3A_703 = vector.broadcast %parallel_loop3A_702 : i32 to vector<16xi32>
        %parallel_loop3A_704 = arith.xori %parallel_loop3A_701, %parallel_loop3A_703 : vector<16xi32>
        %parallel_loop3A_705 = vector.shape_cast %parallel_loop3A_704 : vector<16xi32> to vector<16x1xi32>
        %parallel_loop3A_706 = vector.shape_cast %parallel_loop3A_705 : vector<16x1xi32> to vector<16xi32>
        %parallel_loop3A_707 = tpu.dynamic_gather %parallel_loop3A_700[%parallel_loop3A_706] in [0] : vector<16xf32>, vector<16xi32> -> vector<16xf32>
        %parallel_loop3A_708 = arith.addf %parallel_loop3A_700, %parallel_loop3A_707 : vector<16xf32>
        %parallel_loop3A_709 = arith.constant 4 : i32
        %parallel_loop3A_710 = vector.broadcast %parallel_loop3A_709 : i32 to vector<16xi32>
        %parallel_loop3A_711 = arith.xori %parallel_loop3A_701, %parallel_loop3A_710 : vector<16xi32>
        %parallel_loop3A_712 = vector.shape_cast %parallel_loop3A_711 : vector<16xi32> to vector<16x1xi32>
        %parallel_loop3A_713 = vector.shape_cast %parallel_loop3A_712 : vector<16x1xi32> to vector<16xi32>
        %parallel_loop3A_714 = tpu.dynamic_gather %parallel_loop3A_708[%parallel_loop3A_713] in [0] : vector<16xf32>, vector<16xi32> -> vector<16xf32>
        %parallel_loop3A_715 = arith.addf %parallel_loop3A_708, %parallel_loop3A_714 : vector<16xf32>
        %parallel_loop3A_716 = arith.constant 2 : i32
        %parallel_loop3A_717 = vector.broadcast %parallel_loop3A_716 : i32 to vector<16xi32>
        %parallel_loop3A_718 = arith.xori %parallel_loop3A_701, %parallel_loop3A_717 : vector<16xi32>
        %parallel_loop3A_719 = vector.shape_cast %parallel_loop3A_718 : vector<16xi32> to vector<16x1xi32>
        %parallel_loop3A_720 = vector.shape_cast %parallel_loop3A_719 : vector<16x1xi32> to vector<16xi32>
        %parallel_loop3A_721 = tpu.dynamic_gather %parallel_loop3A_715[%parallel_loop3A_720] in [0] : vector<16xf32>, vector<16xi32> -> vector<16xf32>
        %parallel_loop3A_722 = arith.addf %parallel_loop3A_715, %parallel_loop3A_721 : vector<16xf32>
        %parallel_loop3A_723 = arith.constant 1 : i32
        %parallel_loop3A_724 = vector.broadcast %parallel_loop3A_723 : i32 to vector<16xi32>
        %parallel_loop3A_725 = arith.xori %parallel_loop3A_701, %parallel_loop3A_724 : vector<16xi32>
        %parallel_loop3A_726 = vector.shape_cast %parallel_loop3A_725 : vector<16xi32> to vector<16x1xi32>
        %parallel_loop3A_727 = vector.shape_cast %parallel_loop3A_726 : vector<16x1xi32> to vector<16xi32>
        %parallel_loop3A_728 = tpu.dynamic_gather %parallel_loop3A_722[%parallel_loop3A_727] in [0] : vector<16xf32>, vector<16xi32> -> vector<16xf32>
        %parallel_loop3A_729 = arith.addf %parallel_loop3A_722, %parallel_loop3A_728 : vector<16xf32>
        %parallel_loop3A_730 = arith.constant 7.812500e-03 : f32
        %parallel_loop3A_731 = vector.broadcast %parallel_loop3A_730 : f32 to vector<16xf32>
        %parallel_loop3A_732 = arith.mulf %parallel_loop3A_685, %parallel_loop3A_731 : vector<16xf32>
        %parallel_loop3A_733 = arith.constant 7.812500e-03 : f32
        %parallel_loop3A_734 = vector.broadcast %parallel_loop3A_733 : f32 to vector<16xf32>
        %parallel_loop3A_735 = arith.mulf %parallel_loop3A_729, %parallel_loop3A_734 : vector<16xf32>
        %parallel_loop3A_736 = arith.mulf %parallel_loop3A_732, %parallel_loop3A_732 : vector<16xf32>
        %parallel_loop3A_737 = arith.subf %parallel_loop3A_735, %parallel_loop3A_736 : vector<16xf32>
        %parallel_loop3A_738 = arith.constant 9.99999974E-6 : f32
        %parallel_loop3A_739 = vector.broadcast %parallel_loop3A_738 : f32 to vector<16xf32>
        %parallel_loop3A_740 = arith.addf %parallel_loop3A_737, %parallel_loop3A_739 : vector<16xf32>
        %parallel_loop3A_741 = tpu.bitcast %parallel_loop3A_740 : vector<16xf32> -> vector<16xi32>
        %parallel_loop3A_742 = arith.constant 1 : i32
        %parallel_loop3A_743 = vector.broadcast %parallel_loop3A_742 : i32 to vector<16xi32>
        %parallel_loop3A_744 = arith.shrsi %parallel_loop3A_741, %parallel_loop3A_743 : vector<16xi32>
        %parallel_loop3A_745 = arith.constant 1597463007 : i32
        %parallel_loop3A_746 = vector.broadcast %parallel_loop3A_745 : i32 to vector<16xi32>
        %parallel_loop3A_747 = arith.subi %parallel_loop3A_746, %parallel_loop3A_744 : vector<16xi32>
        %parallel_loop3A_748 = tpu.bitcast %parallel_loop3A_747 : vector<16xi32> -> vector<16xf32>
        %parallel_loop3A_749 = arith.constant 5.000000e-01 : f32
        %parallel_loop3A_750 = vector.broadcast %parallel_loop3A_749 : f32 to vector<16xf32>
        %parallel_loop3A_751 = arith.mulf %parallel_loop3A_740, %parallel_loop3A_750 : vector<16xf32>
        %parallel_loop3A_752 = arith.mulf %parallel_loop3A_751, %parallel_loop3A_748 : vector<16xf32>
        %parallel_loop3A_753 = arith.mulf %parallel_loop3A_752, %parallel_loop3A_748 : vector<16xf32>
        %parallel_loop3A_754 = arith.constant 1.500000e+00 : f32
        %parallel_loop3A_755 = vector.broadcast %parallel_loop3A_754 : f32 to vector<16xf32>
        %parallel_loop3A_756 = arith.subf %parallel_loop3A_755, %parallel_loop3A_753 : vector<16xf32>
        %parallel_loop3A_757 = arith.mulf %parallel_loop3A_748, %parallel_loop3A_756 : vector<16xf32>
        %parallel_loop3A_758 = arith.subf %parallel_loop3A_572, %parallel_loop3A_732 : vector<16xf32>
        %parallel_loop3A_759 = arith.mulf %parallel_loop3A_758, %parallel_loop3A_757 : vector<16xf32>
        %parallel_loop3A_760 = arith.mulf %parallel_loop3A_759, %parallel_loop3A_546 : vector<16xf32>
        %parallel_loop3A_761 = arith.addf %parallel_loop3A_760, %parallel_loop3A_554 : vector<16xf32>
        %parallel_loop3A_762 = arith.constant 0 : i32
        %parallel_loop3A_763 = arith.index_cast %parallel_loop3A_762 : i32 to index
        %parallel_loop3A_764 = arith.index_cast %parallel_loop3A_545 : i32 to index
        %parallel_loop3A_765 = arith.constant 0 : index
        %parallel_loop3A_766 = tpu.vector_load %arg9[%parallel_loop3A_763, %parallel_loop3A_764, %parallel_loop3A_765] {strides = array<i32>} : memref<3x200x128xf32, #tpu.memory_space<vmem>>, vector<1x1x16xf32>,
        %parallel_loop3A_767 = vector.shape_cast %parallel_loop3A_766 : vector<1x1x16xf32> to vector<16xf32>
        %parallel_loop3A_768 = vector.shape_cast %parallel_loop3A_761 : vector<16xf32> to vector<1x1x16xf32>
        tpu.vector_store %arg9[%parallel_loop3A_763, %parallel_loop3A_764, %parallel_loop3A_765], %parallel_loop3A_768 {strides = array<i32>} : memref<3x200x128xf32, #tpu.memory_space<vmem>>, vector<1x1x16xf32>,
        %parallel_loop3A_769 = arith.subf %parallel_loop3A_583, %parallel_loop3A_732 : vector<16xf32>
        %parallel_loop3A_770 = arith.mulf %parallel_loop3A_769, %parallel_loop3A_757 : vector<16xf32>
        %parallel_loop3A_771 = arith.mulf %parallel_loop3A_770, %parallel_loop3A_547 : vector<16xf32>
        %parallel_loop3A_772 = arith.addf %parallel_loop3A_771, %parallel_loop3A_555 : vector<16xf32>
        %parallel_loop3A_773 = arith.constant 0 : i32
        %parallel_loop3A_774 = arith.index_cast %parallel_loop3A_773 : i32 to index
        %parallel_loop3A_775 = arith.index_cast %parallel_loop3A_545 : i32 to index
        %parallel_loop3A_776 = arith.constant 16 : index
        %parallel_loop3A_777 = tpu.vector_load %arg9[%parallel_loop3A_774, %parallel_loop3A_775, %parallel_loop3A_776] {strides = array<i32>} : memref<3x200x128xf32, #tpu.memory_space<vmem>>, vector<1x1x16xf32>,
        %parallel_loop3A_778 = vector.shape_cast %parallel_loop3A_777 : vector<1x1x16xf32> to vector<16xf32>
        %parallel_loop3A_779 = vector.shape_cast %parallel_loop3A_772 : vector<16xf32> to vector<1x1x16xf32>
        tpu.vector_store %arg9[%parallel_loop3A_774, %parallel_loop3A_775, %parallel_loop3A_776], %parallel_loop3A_779 {strides = array<i32>} : memref<3x200x128xf32, #tpu.memory_space<vmem>>, vector<1x1x16xf32>,
        %parallel_loop3A_780 = arith.subf %parallel_loop3A_594, %parallel_loop3A_732 : vector<16xf32>
        %parallel_loop3A_781 = arith.mulf %parallel_loop3A_780, %parallel_loop3A_757 : vector<16xf32>
        %parallel_loop3A_782 = arith.mulf %parallel_loop3A_781, %parallel_loop3A_548 : vector<16xf32>
        %parallel_loop3A_783 = arith.addf %parallel_loop3A_782, %parallel_loop3A_556 : vector<16xf32>
        %parallel_loop3A_784 = arith.constant 0 : i32
        %parallel_loop3A_785 = arith.index_cast %parallel_loop3A_784 : i32 to index
        %parallel_loop3A_786 = arith.index_cast %parallel_loop3A_545 : i32 to index
        %parallel_loop3A_787 = arith.constant 32 : index
        %parallel_loop3A_788 = tpu.vector_load %arg9[%parallel_loop3A_785, %parallel_loop3A_786, %parallel_loop3A_787] {strides = array<i32>} : memref<3x200x128xf32, #tpu.memory_space<vmem>>, vector<1x1x16xf32>,
        %parallel_loop3A_789 = vector.shape_cast %parallel_loop3A_788 : vector<1x1x16xf32> to vector<16xf32>
        %parallel_loop3A_790 = vector.shape_cast %parallel_loop3A_783 : vector<16xf32> to vector<1x1x16xf32>
        tpu.vector_store %arg9[%parallel_loop3A_785, %parallel_loop3A_786, %parallel_loop3A_787], %parallel_loop3A_790 {strides = array<i32>} : memref<3x200x128xf32, #tpu.memory_space<vmem>>, vector<1x1x16xf32>,
        %parallel_loop3A_791 = arith.subf %parallel_loop3A_605, %parallel_loop3A_732 : vector<16xf32>
        %parallel_loop3A_792 = arith.mulf %parallel_loop3A_791, %parallel_loop3A_757 : vector<16xf32>
        %parallel_loop3A_793 = arith.mulf %parallel_loop3A_792, %parallel_loop3A_549 : vector<16xf32>
        %parallel_loop3A_794 = arith.addf %parallel_loop3A_793, %parallel_loop3A_557 : vector<16xf32>
        %parallel_loop3A_795 = arith.constant 0 : i32
        %parallel_loop3A_796 = arith.index_cast %parallel_loop3A_795 : i32 to index
        %parallel_loop3A_797 = arith.index_cast %parallel_loop3A_545 : i32 to index
        %parallel_loop3A_798 = arith.constant 48 : index
        %parallel_loop3A_799 = tpu.vector_load %arg9[%parallel_loop3A_796, %parallel_loop3A_797, %parallel_loop3A_798] {strides = array<i32>} : memref<3x200x128xf32, #tpu.memory_space<vmem>>, vector<1x1x16xf32>,
        %parallel_loop3A_800 = vector.shape_cast %parallel_loop3A_799 : vector<1x1x16xf32> to vector<16xf32>
        %parallel_loop3A_801 = vector.shape_cast %parallel_loop3A_794 : vector<16xf32> to vector<1x1x16xf32>
        tpu.vector_store %arg9[%parallel_loop3A_796, %parallel_loop3A_797, %parallel_loop3A_798], %parallel_loop3A_801 {strides = array<i32>} : memref<3x200x128xf32, #tpu.memory_space<vmem>>, vector<1x1x16xf32>,
        %parallel_loop3A_802 = arith.subf %parallel_loop3A_616, %parallel_loop3A_732 : vector<16xf32>
        %parallel_loop3A_803 = arith.mulf %parallel_loop3A_802, %parallel_loop3A_757 : vector<16xf32>
        %parallel_loop3A_804 = arith.mulf %parallel_loop3A_803, %parallel_loop3A_550 : vector<16xf32>
        %parallel_loop3A_805 = arith.addf %parallel_loop3A_804, %parallel_loop3A_558 : vector<16xf32>
        %parallel_loop3A_806 = arith.constant 0 : i32
        %parallel_loop3A_807 = arith.index_cast %parallel_loop3A_806 : i32 to index
        %parallel_loop3A_808 = arith.index_cast %parallel_loop3A_545 : i32 to index
        %parallel_loop3A_809 = arith.constant 64 : index
        %parallel_loop3A_810 = tpu.vector_load %arg9[%parallel_loop3A_807, %parallel_loop3A_808, %parallel_loop3A_809] {strides = array<i32>} : memref<3x200x128xf32, #tpu.memory_space<vmem>>, vector<1x1x16xf32>,
        %parallel_loop3A_811 = vector.shape_cast %parallel_loop3A_810 : vector<1x1x16xf32> to vector<16xf32>
        %parallel_loop3A_812 = vector.shape_cast %parallel_loop3A_805 : vector<16xf32> to vector<1x1x16xf32>
        tpu.vector_store %arg9[%parallel_loop3A_807, %parallel_loop3A_808, %parallel_loop3A_809], %parallel_loop3A_812 {strides = array<i32>} : memref<3x200x128xf32, #tpu.memory_space<vmem>>, vector<1x1x16xf32>,
        %parallel_loop3A_813 = arith.subf %parallel_loop3A_627, %parallel_loop3A_732 : vector<16xf32>
        %parallel_loop3A_814 = arith.mulf %parallel_loop3A_813, %parallel_loop3A_757 : vector<16xf32>
        %parallel_loop3A_815 = arith.mulf %parallel_loop3A_814, %parallel_loop3A_551 : vector<16xf32>
        %parallel_loop3A_816 = arith.addf %parallel_loop3A_815, %parallel_loop3A_559 : vector<16xf32>
        %parallel_loop3A_817 = arith.constant 0 : i32
        %parallel_loop3A_818 = arith.index_cast %parallel_loop3A_817 : i32 to index
        %parallel_loop3A_819 = arith.index_cast %parallel_loop3A_545 : i32 to index
        %parallel_loop3A_820 = arith.constant 80 : index
        %parallel_loop3A_821 = tpu.vector_load %arg9[%parallel_loop3A_818, %parallel_loop3A_819, %parallel_loop3A_820] {strides = array<i32>} : memref<3x200x128xf32, #tpu.memory_space<vmem>>, vector<1x1x16xf32>,
        %parallel_loop3A_822 = vector.shape_cast %parallel_loop3A_821 : vector<1x1x16xf32> to vector<16xf32>
        %parallel_loop3A_823 = vector.shape_cast %parallel_loop3A_816 : vector<16xf32> to vector<1x1x16xf32>
        tpu.vector_store %arg9[%parallel_loop3A_818, %parallel_loop3A_819, %parallel_loop3A_820], %parallel_loop3A_823 {strides = array<i32>} : memref<3x200x128xf32, #tpu.memory_space<vmem>>, vector<1x1x16xf32>,
        %parallel_loop3A_824 = arith.subf %parallel_loop3A_638, %parallel_loop3A_732 : vector<16xf32>
        %parallel_loop3A_825 = arith.mulf %parallel_loop3A_824, %parallel_loop3A_757 : vector<16xf32>
        %parallel_loop3A_826 = arith.mulf %parallel_loop3A_825, %parallel_loop3A_552 : vector<16xf32>
        %parallel_loop3A_827 = arith.addf %parallel_loop3A_826, %parallel_loop3A_560 : vector<16xf32>
        %parallel_loop3A_828 = arith.constant 0 : i32
        %parallel_loop3A_829 = arith.index_cast %parallel_loop3A_828 : i32 to index
        %parallel_loop3A_830 = arith.index_cast %parallel_loop3A_545 : i32 to index
        %parallel_loop3A_831 = arith.constant 96 : index
        %parallel_loop3A_832 = tpu.vector_load %arg9[%parallel_loop3A_829, %parallel_loop3A_830, %parallel_loop3A_831] {strides = array<i32>} : memref<3x200x128xf32, #tpu.memory_space<vmem>>, vector<1x1x16xf32>,
        %parallel_loop3A_833 = vector.shape_cast %parallel_loop3A_832 : vector<1x1x16xf32> to vector<16xf32>
        %parallel_loop3A_834 = vector.shape_cast %parallel_loop3A_827 : vector<16xf32> to vector<1x1x16xf32>
        tpu.vector_store %arg9[%parallel_loop3A_829, %parallel_loop3A_830, %parallel_loop3A_831], %parallel_loop3A_834 {strides = array<i32>} : memref<3x200x128xf32, #tpu.memory_space<vmem>>, vector<1x1x16xf32>,
        %parallel_loop3A_835 = arith.subf %parallel_loop3A_649, %parallel_loop3A_732 : vector<16xf32>
        %parallel_loop3A_836 = arith.mulf %parallel_loop3A_835, %parallel_loop3A_757 : vector<16xf32>
        %parallel_loop3A_837 = arith.mulf %parallel_loop3A_836, %parallel_loop3A_553 : vector<16xf32>
        %parallel_loop3A_838 = arith.addf %parallel_loop3A_837, %parallel_loop3A_561 : vector<16xf32>
        %parallel_loop3A_839 = arith.constant 0 : i32
        %parallel_loop3A_840 = arith.index_cast %parallel_loop3A_839 : i32 to index
        %parallel_loop3A_841 = arith.index_cast %parallel_loop3A_545 : i32 to index
        %parallel_loop3A_842 = arith.constant 112 : index
        %parallel_loop3A_843 = tpu.vector_load %arg9[%parallel_loop3A_840, %parallel_loop3A_841, %parallel_loop3A_842] {strides = array<i32>} : memref<3x200x128xf32, #tpu.memory_space<vmem>>, vector<1x1x16xf32>,
        %parallel_loop3A_844 = vector.shape_cast %parallel_loop3A_843 : vector<1x1x16xf32> to vector<16xf32>
        %parallel_loop3A_845 = vector.shape_cast %parallel_loop3A_838 : vector<16xf32> to vector<1x1x16xf32>
        tpu.vector_store %arg9[%parallel_loop3A_840, %parallel_loop3A_841, %parallel_loop3A_842], %parallel_loop3A_845 {strides = array<i32>} : memref<3x200x128xf32, #tpu.memory_space<vmem>>, vector<1x1x16xf32>,
        scf.yield %parallel_loop3A_546, %parallel_loop3A_547, %parallel_loop3A_548, %parallel_loop3A_549, %parallel_loop3A_550, %parallel_loop3A_551, %parallel_loop3A_552, %parallel_loop3A_553, %parallel_loop3A_554, %parallel_loop3A_555, %parallel_loop3A_556, %parallel_loop3A_557, %parallel_loop3A_558, %parallel_loop3A_559, %parallel_loop3A_560, %parallel_loop3A_561 : vector<16xf32>, vector<16xf32>, vector<16xf32>, vector<16xf32>, vector<16xf32>, vector<16xf32>, vector<16xf32>, vector<16xf32>, vector<16xf32>, vector<16xf32>, vector<16xf32>, vector<16xf32>, vector<16xf32>, vector<16xf32>, vector<16xf32>, vector<16xf32>
      } {sc.loop_unroll_factor = 1 : i64, sc.parallel_access}
      %add3A_349 = arith.addi %mul3A_2, %add3A_292 : i32
      %mul3A_350 = arith.constant 200 : i32
      %mul3A_351 = arith.muli %add3A_349, %mul3A_350 : i32
      %dma_start3A_352 = arith.constant 0 : i32
      %dma_start3A_353 = arith.constant 0 : i32
      %dma_start3A_354 = arith.constant 0 : i32
      %dma_start3A_355 = arith.constant 0 : i32
      %dma_start3A_356 = tpu.memref_slice %arg9[%dma_start3A_352, %dma_start3A_354, %dma_start3A_355] : memref<3x200x128xf32, #tpu.memory_space<vmem>> -> memref<1x200x128xf32, #tpu.memory_space<vmem>>
      %dma_start3A_357 = tpu.memref_squeeze %dma_start3A_356 : memref<1x200x128xf32, #tpu.memory_space<vmem>> -> memref<200x128xf32, #tpu.memory_space<vmem>>
      %dma_start3A_358 = arith.constant 0 : i32
      %dma_start3A_359 = tpu.memref_slice %arg7[%mul3A_351, %dma_start3A_358] : memref<204800x128xf32, #tpu.memory_space<hbm>> -> memref<200x128xf32, #tpu.memory_space<hbm>>
      %dma_start3A_360 = tpu.memref_slice %arg14[%dma_start3A_353] : memref<3x!tpu.dma_semaphore, #tpu.memory_space<semaphore_mem>> -> memref<1x!tpu.dma_semaphore, #tpu.memory_space<semaphore_mem>>
      %dma_start3A_361 = tpu.memref_squeeze %dma_start3A_360 : memref<1x!tpu.dma_semaphore, #tpu.memory_space<semaphore_mem>> -> memref<!tpu.dma_semaphore, #tpu.memory_space<semaphore_mem>>
      %dma_start3A_362 = arith.constant 0 : i32
      %dma_start3A_363 = tpu.memref_slice %arg7[%mul3A_351, %dma_start3A_362] : memref<204800x128xf32, #tpu.memory_space<hbm>> -> memref<200x128xf32, #tpu.memory_space<hbm>>
      %dma_start3A_364 = arith.constant 0 : i32
      %dma_start3A_365 = arith.constant 0 : i32
      %dma_start3A_366 = tpu.memref_slice %arg9[%dma_start3A_352, %dma_start3A_364, %dma_start3A_365] : memref<3x200x128xf32, #tpu.memory_space<vmem>> -> memref<1x200x128xf32, #tpu.memory_space<vmem>>
      %dma_start3A_367 = tpu.memref_squeeze %dma_start3A_366 : memref<1x200x128xf32, #tpu.memory_space<vmem>> -> memref<200x128xf32, #tpu.memory_space<vmem>>
      tpu.enqueue_dma source(%dma_start3A_367 : memref<200x128xf32, #tpu.memory_space<vmem>>) target(%dma_start3A_363 : memref<200x128xf32, #tpu.memory_space<hbm>>) target_semaphore(%dma_start3A_361 : memref<!tpu.dma_semaphore, #tpu.memory_space<semaphore_mem>>)
      %mul3A_368 = arith.constant 3 : i32
      %mul3A_369 = arith.muli %mul3A_368, %scan3A_272 : i32
      %add3A_370 = arith.constant 1 : i32
      %add3A_371 = arith.addi %mul3A_369, %add3A_370 : i32
      %gt3A_372 = arith.constant 0 : i32
      %gt3A_373 = arith.cmpi sgt, %scan3A_272, %gt3A_372 : i32
      %convert_element_type3A_374 = arith.extui %gt3A_373 : i1 to i32
      %cond3A_375 = arith.constant 0 : i32
      %cond3A_376 = arith.cmpi ne, %convert_element_type3A_374, %cond3A_375 : i32
      scf.if %cond3A_376 {
        %dma_wait3A_545 = arith.constant 2 : i32
        %dma_wait3A_546 = arith.constant 2 : i32
        %dma_wait3A_547 = arith.constant 0 : i32
        %dma_wait3A_548 = arith.constant 0 : i32
        %dma_wait3A_549 = tpu.memref_slice %arg9[%dma_wait3A_545, %dma_wait3A_547, %dma_wait3A_548] : memref<3x200x128xf32, #tpu.memory_space<vmem>> -> memref<1x200x128xf32, #tpu.memory_space<vmem>>
        %dma_wait3A_550 = tpu.memref_squeeze %dma_wait3A_549 : memref<1x200x128xf32, #tpu.memory_space<vmem>> -> memref<200x128xf32, #tpu.memory_space<vmem>>
        %dma_wait3A_551 = arith.constant 0 : i32
        %dma_wait3A_552 = arith.constant 0 : i32
        %dma_wait3A_553 = tpu.memref_slice %arg7[%dma_wait3A_551, %dma_wait3A_552] : memref<204800x128xf32, #tpu.memory_space<hbm>> -> memref<200x128xf32, #tpu.memory_space<hbm>>
        %dma_wait3A_554 = tpu.memref_slice %arg14[%dma_wait3A_546] : memref<3x!tpu.dma_semaphore, #tpu.memory_space<semaphore_mem>> -> memref<1x!tpu.dma_semaphore, #tpu.memory_space<semaphore_mem>>
        %dma_wait3A_555 = tpu.memref_squeeze %dma_wait3A_554 : memref<1x!tpu.dma_semaphore, #tpu.memory_space<semaphore_mem>> -> memref<!tpu.dma_semaphore, #tpu.memory_space<semaphore_mem>>
        %dma_wait3A_556 = arith.constant 0 : i32
        %dma_wait3A_557 = arith.constant 0 : i32
        %dma_wait3A_558 = tpu.memref_slice %arg7[%dma_wait3A_556, %dma_wait3A_557] : memref<204800x128xf32, #tpu.memory_space<hbm>> -> memref<200x128xf32, #tpu.memory_space<hbm>>
        %dma_wait3A_559 = arith.constant 0 : i32
        %dma_wait3A_560 = arith.constant 0 : i32
        %dma_wait3A_561 = tpu.memref_slice %arg9[%dma_wait3A_545, %dma_wait3A_559, %dma_wait3A_560] : memref<3x200x128xf32, #tpu.memory_space<vmem>> -> memref<1x200x128xf32, #tpu.memory_space<vmem>>
        %dma_wait3A_562 = tpu.memref_squeeze %dma_wait3A_561 : memref<1x200x128xf32, #tpu.memory_space<vmem>> -> memref<200x128xf32, #tpu.memory_space<vmem>>
        tpu.wait_dma2 semaphore(%dma_wait3A_555 : memref<!tpu.dma_semaphore, #tpu.memory_space<semaphore_mem>>) src(%dma_wait3A_562 : memref<200x128xf32, #tpu.memory_space<vmem>>) dst(%dma_wait3A_558 : memref<200x128xf32, #tpu.memory_space<hbm>>)
      } else {
      }
      %add3A_377 = arith.constant 1 : i32
      %add3A_378 = arith.addi %add3A_371, %add3A_377 : i32
      %dma_start3A_379 = arith.constant 0 : i32
      %dma_start3A_380 = arith.constant 2 : i32
      %dma_start3A_381 = arith.constant 2 : i32
      %dma_start3A_382 = arith.constant 0 : i32
      %dma_start3A_383 = arith.constant 0 : i32
      %dma_start3A_384 = tpu.memref_slice %arg9[%dma_start3A_380, %dma_start3A_382, %dma_start3A_383] : memref<3x200x128xf32, #tpu.memory_space<vmem>> -> memref<1x100x128xf32, #tpu.memory_space<vmem>>
      %dma_start3A_385 = tpu.memref_squeeze %dma_start3A_384 : memref<1x100x128xf32, #tpu.memory_space<vmem>> -> memref<100x128xf32, #tpu.memory_space<vmem>>
      %dma_start3A_386 = arith.constant 0 : i32
      %dma_start3A_387 = tpu.memref_slice %arg8[%add3A_378, %dma_start3A_379, %dma_start3A_386] : memref<32x2x100xi32, #tpu.memory_space<vmem>> -> memref<1x1x100xi32, #tpu.memory_space<vmem>>
      %dma_start3A_388 = tpu.memref_squeeze %dma_start3A_387 : memref<1x1x100xi32, #tpu.memory_space<vmem>> -> memref<100xi32, #tpu.memory_space<vmem>>
      %dma_start3A_389 = arith.constant 0 : i32
      %dma_start3A_390 = arith.constant 0 : i32
      %dma_start3A_391 = tpu.memref_slice %arg3[%dma_start3A_389, %dma_start3A_390] : memref<1000000x128xf32, #tpu.memory_space<hbm>> -> memref<1000000x128xf32, #tpu.memory_space<hbm>>
      %dma_start3A_392 = tpu.memref_slice %arg13[%dma_start3A_381] : memref<3x!tpu.dma_semaphore, #tpu.memory_space<semaphore_mem>> -> memref<1x!tpu.dma_semaphore, #tpu.memory_space<semaphore_mem>>
      %dma_start3A_393 = tpu.memref_squeeze %dma_start3A_392 : memref<1x!tpu.dma_semaphore, #tpu.memory_space<semaphore_mem>> -> memref<!tpu.dma_semaphore, #tpu.memory_space<semaphore_mem>>
      tpu.enqueue_indirect_dma source(%dma_start3A_391 : memref<1000000x128xf32, #tpu.memory_space<hbm>>) target(%dma_start3A_385 : memref<100x128xf32, #tpu.memory_space<vmem>>) offsets(%dma_start3A_388 : memref<100xi32, #tpu.memory_space<vmem>>) semaphore(%dma_start3A_393 : memref<!tpu.dma_semaphore, #tpu.memory_space<semaphore_mem>>)
      %dma_start3A_394 = arith.constant 1 : i32
      %dma_start3A_395 = arith.constant 2 : i32
      %dma_start3A_396 = arith.constant 2 : i32
      %dma_start3A_397 = arith.constant 100 : i32
      %dma_start3A_398 = arith.constant 0 : i32
      %dma_start3A_399 = tpu.memref_slice %arg9[%dma_start3A_395, %dma_start3A_397, %dma_start3A_398] : memref<3x200x128xf32, #tpu.memory_space<vmem>> -> memref<1x100x128xf32, #tpu.memory_space<vmem>>
      %dma_start3A_400 = tpu.memref_squeeze %dma_start3A_399 : memref<1x100x128xf32, #tpu.memory_space<vmem>> -> memref<100x128xf32, #tpu.memory_space<vmem>>
      %dma_start3A_401 = arith.constant 0 : i32
      %dma_start3A_402 = tpu.memref_slice %arg8[%add3A_378, %dma_start3A_394, %dma_start3A_401] : memref<32x2x100xi32, #tpu.memory_space<vmem>> -> memref<1x1x100xi32, #tpu.memory_space<vmem>>
      %dma_start3A_403 = tpu.memref_squeeze %dma_start3A_402 : memref<1x1x100xi32, #tpu.memory_space<vmem>> -> memref<100xi32, #tpu.memory_space<vmem>>
      %dma_start3A_404 = arith.constant 0 : i32
      %dma_start3A_405 = arith.constant 0 : i32
      %dma_start3A_406 = tpu.memref_slice %arg3[%dma_start3A_404, %dma_start3A_405] : memref<1000000x128xf32, #tpu.memory_space<hbm>> -> memref<1000000x128xf32, #tpu.memory_space<hbm>>
      %dma_start3A_407 = tpu.memref_slice %arg13[%dma_start3A_396] : memref<3x!tpu.dma_semaphore, #tpu.memory_space<semaphore_mem>> -> memref<1x!tpu.dma_semaphore, #tpu.memory_space<semaphore_mem>>
      %dma_start3A_408 = tpu.memref_squeeze %dma_start3A_407 : memref<1x!tpu.dma_semaphore, #tpu.memory_space<semaphore_mem>> -> memref<!tpu.dma_semaphore, #tpu.memory_space<semaphore_mem>>
      tpu.enqueue_indirect_dma source(%dma_start3A_406 : memref<1000000x128xf32, #tpu.memory_space<hbm>>) target(%dma_start3A_400 : memref<100x128xf32, #tpu.memory_space<vmem>>) offsets(%dma_start3A_403 : memref<100xi32, #tpu.memory_space<vmem>>) semaphore(%dma_start3A_408 : memref<!tpu.dma_semaphore, #tpu.memory_space<semaphore_mem>>)
      %dma_wait3A_409 = arith.constant 1 : i32
      %dma_wait3A_410 = arith.constant 1 : i32
      %dma_wait3A_411 = arith.constant 0 : i32
      %dma_wait3A_412 = arith.constant 0 : i32
      %dma_wait3A_413 = tpu.memref_slice %arg9[%dma_wait3A_409, %dma_wait3A_411, %dma_wait3A_412] : memref<3x200x128xf32, #tpu.memory_space<vmem>> -> memref<1x200x128xf32, #tpu.memory_space<vmem>>
      %dma_wait3A_414 = tpu.memref_squeeze %dma_wait3A_413 : memref<1x200x128xf32, #tpu.memory_space<vmem>> -> memref<200x128xf32, #tpu.memory_space<vmem>>
      %dma_wait3A_415 = arith.constant 0 : i32
      %dma_wait3A_416 = arith.constant 0 : i32
      %dma_wait3A_417 = tpu.memref_slice %arg7[%dma_wait3A_415, %dma_wait3A_416] : memref<204800x128xf32, #tpu.memory_space<hbm>> -> memref<200x128xf32, #tpu.memory_space<hbm>>
      %dma_wait3A_418 = tpu.memref_slice %arg13[%dma_wait3A_410] : memref<3x!tpu.dma_semaphore, #tpu.memory_space<semaphore_mem>> -> memref<1x!tpu.dma_semaphore, #tpu.memory_space<semaphore_mem>>
      %dma_wait3A_419 = tpu.memref_squeeze %dma_wait3A_418 : memref<1x!tpu.dma_semaphore, #tpu.memory_space<semaphore_mem>> -> memref<!tpu.dma_semaphore, #tpu.memory_space<semaphore_mem>>
      %dma_wait3A_420 = arith.constant 0 : i32
      %dma_wait3A_421 = arith.constant 0 : i32
      %dma_wait3A_422 = tpu.memref_slice %arg9[%dma_wait3A_409, %dma_wait3A_420, %dma_wait3A_421] : memref<3x200x128xf32, #tpu.memory_space<vmem>> -> memref<1x200x128xf32, #tpu.memory_space<vmem>>
      %dma_wait3A_423 = tpu.memref_squeeze %dma_wait3A_422 : memref<1x200x128xf32, #tpu.memory_space<vmem>> -> memref<200x128xf32, #tpu.memory_space<vmem>>
      %dma_wait3A_424 = arith.constant 0 : i32
      %dma_wait3A_425 = arith.constant 0 : i32
      %dma_wait3A_426 = tpu.memref_slice %arg7[%dma_wait3A_424, %dma_wait3A_425] : memref<204800x128xf32, #tpu.memory_space<hbm>> -> memref<200x128xf32, #tpu.memory_space<hbm>>
      tpu.wait_dma2 semaphore(%dma_wait3A_419 : memref<!tpu.dma_semaphore, #tpu.memory_space<semaphore_mem>>) src(%dma_wait3A_426 : memref<200x128xf32, #tpu.memory_space<hbm>>) dst(%dma_wait3A_423 : memref<200x128xf32, #tpu.memory_space<vmem>>)
      %parallel_loop3A_427 = arith.constant 0 : i32
      %parallel_loop3A_428 = arith.constant 200 : i32
      %parallel_loop3A_429 = arith.constant 1 : i32
      %parallel_loop3A_430:16 = scf.for %parallel_loop3A_545 = %parallel_loop3A_427 to %parallel_loop3A_428 step %parallel_loop3A_429 iter_args(%parallel_loop3A_546 = %parallel_loop3A_348#0, %parallel_loop3A_547 = %parallel_loop3A_348#1, %parallel_loop3A_548 = %parallel_loop3A_348#2, %parallel_loop3A_549 = %parallel_loop3A_348#3, %parallel_loop3A_550 = %parallel_loop3A_348#4, %parallel_loop3A_551 = %parallel_loop3A_348#5, %parallel_loop3A_552 = %parallel_loop3A_348#6, %parallel_loop3A_553 = %parallel_loop3A_348#7, %parallel_loop3A_554 = %parallel_loop3A_348#8, %parallel_loop3A_555 = %parallel_loop3A_348#9, %parallel_loop3A_556 = %parallel_loop3A_348#10, %parallel_loop3A_557 = %parallel_loop3A_348#11, %parallel_loop3A_558 = %parallel_loop3A_348#12, %parallel_loop3A_559 = %parallel_loop3A_348#13, %parallel_loop3A_560 = %parallel_loop3A_348#14, %parallel_loop3A_561 = %parallel_loop3A_348#15) -> (vector<16xf32>, vector<16xf32>, vector<16xf32>, vector<16xf32>, vector<16xf32>, vector<16xf32>, vector<16xf32>, vector<16xf32>, vector<16xf32>, vector<16xf32>, vector<16xf32>, vector<16xf32>, vector<16xf32>, vector<16xf32>, vector<16xf32>, vector<16xf32>)  : i32 {
        %parallel_loop3A_562 = arith.constant 1 : i32
        %parallel_loop3A_563 = arith.index_cast %parallel_loop3A_562 : i32 to index
        %parallel_loop3A_564 = arith.index_cast %parallel_loop3A_545 : i32 to index
        %parallel_loop3A_565 = arith.constant 0 : index
        %parallel_loop3A_566 = tpu.vector_load %arg9[%parallel_loop3A_563, %parallel_loop3A_564, %parallel_loop3A_565] {strides = array<i32>} : memref<3x200x128xf32, #tpu.memory_space<vmem>>, vector<1x1x16xf32>,
        %parallel_loop3A_567 = vector.shape_cast %parallel_loop3A_566 : vector<1x1x16xf32> to vector<16xf32>
        %parallel_loop3A_568 = arith.index_cast %parallel_loop3A_545 : i32 to index
        %parallel_loop3A_569 = arith.constant 0 : index
        %parallel_loop3A_570 = tpu.vector_load %arg10[%parallel_loop3A_568, %parallel_loop3A_569] {strides = array<i32>} : memref<200x128xf32, #tpu.memory_space<vmem>>, vector<1x16xf32>,
        %parallel_loop3A_571 = vector.shape_cast %parallel_loop3A_570 : vector<1x16xf32> to vector<16xf32>
        %parallel_loop3A_572 = arith.addf %parallel_loop3A_567, %parallel_loop3A_571 : vector<16xf32>
        %parallel_loop3A_573 = arith.constant 1 : i32
        %parallel_loop3A_574 = arith.index_cast %parallel_loop3A_573 : i32 to index
        %parallel_loop3A_575 = arith.index_cast %parallel_loop3A_545 : i32 to index
        %parallel_loop3A_576 = arith.constant 16 : index
        %parallel_loop3A_577 = tpu.vector_load %arg9[%parallel_loop3A_574, %parallel_loop3A_575, %parallel_loop3A_576] {strides = array<i32>} : memref<3x200x128xf32, #tpu.memory_space<vmem>>, vector<1x1x16xf32>,
        %parallel_loop3A_578 = vector.shape_cast %parallel_loop3A_577 : vector<1x1x16xf32> to vector<16xf32>
        %parallel_loop3A_579 = arith.index_cast %parallel_loop3A_545 : i32 to index
        %parallel_loop3A_580 = arith.constant 16 : index
        %parallel_loop3A_581 = tpu.vector_load %arg10[%parallel_loop3A_579, %parallel_loop3A_580] {strides = array<i32>} : memref<200x128xf32, #tpu.memory_space<vmem>>, vector<1x16xf32>,
        %parallel_loop3A_582 = vector.shape_cast %parallel_loop3A_581 : vector<1x16xf32> to vector<16xf32>
        %parallel_loop3A_583 = arith.addf %parallel_loop3A_578, %parallel_loop3A_582 : vector<16xf32>
        %parallel_loop3A_584 = arith.constant 1 : i32
        %parallel_loop3A_585 = arith.index_cast %parallel_loop3A_584 : i32 to index
        %parallel_loop3A_586 = arith.index_cast %parallel_loop3A_545 : i32 to index
        %parallel_loop3A_587 = arith.constant 32 : index
        %parallel_loop3A_588 = tpu.vector_load %arg9[%parallel_loop3A_585, %parallel_loop3A_586, %parallel_loop3A_587] {strides = array<i32>} : memref<3x200x128xf32, #tpu.memory_space<vmem>>, vector<1x1x16xf32>,
        %parallel_loop3A_589 = vector.shape_cast %parallel_loop3A_588 : vector<1x1x16xf32> to vector<16xf32>
        %parallel_loop3A_590 = arith.index_cast %parallel_loop3A_545 : i32 to index
        %parallel_loop3A_591 = arith.constant 32 : index
        %parallel_loop3A_592 = tpu.vector_load %arg10[%parallel_loop3A_590, %parallel_loop3A_591] {strides = array<i32>} : memref<200x128xf32, #tpu.memory_space<vmem>>, vector<1x16xf32>,
        %parallel_loop3A_593 = vector.shape_cast %parallel_loop3A_592 : vector<1x16xf32> to vector<16xf32>
        %parallel_loop3A_594 = arith.addf %parallel_loop3A_589, %parallel_loop3A_593 : vector<16xf32>
        %parallel_loop3A_595 = arith.constant 1 : i32
        %parallel_loop3A_596 = arith.index_cast %parallel_loop3A_595 : i32 to index
        %parallel_loop3A_597 = arith.index_cast %parallel_loop3A_545 : i32 to index
        %parallel_loop3A_598 = arith.constant 48 : index
        %parallel_loop3A_599 = tpu.vector_load %arg9[%parallel_loop3A_596, %parallel_loop3A_597, %parallel_loop3A_598] {strides = array<i32>} : memref<3x200x128xf32, #tpu.memory_space<vmem>>, vector<1x1x16xf32>,
        %parallel_loop3A_600 = vector.shape_cast %parallel_loop3A_599 : vector<1x1x16xf32> to vector<16xf32>
        %parallel_loop3A_601 = arith.index_cast %parallel_loop3A_545 : i32 to index
        %parallel_loop3A_602 = arith.constant 48 : index
        %parallel_loop3A_603 = tpu.vector_load %arg10[%parallel_loop3A_601, %parallel_loop3A_602] {strides = array<i32>} : memref<200x128xf32, #tpu.memory_space<vmem>>, vector<1x16xf32>,
        %parallel_loop3A_604 = vector.shape_cast %parallel_loop3A_603 : vector<1x16xf32> to vector<16xf32>
        %parallel_loop3A_605 = arith.addf %parallel_loop3A_600, %parallel_loop3A_604 : vector<16xf32>
        %parallel_loop3A_606 = arith.constant 1 : i32
        %parallel_loop3A_607 = arith.index_cast %parallel_loop3A_606 : i32 to index
        %parallel_loop3A_608 = arith.index_cast %parallel_loop3A_545 : i32 to index
        %parallel_loop3A_609 = arith.constant 64 : index
        %parallel_loop3A_610 = tpu.vector_load %arg9[%parallel_loop3A_607, %parallel_loop3A_608, %parallel_loop3A_609] {strides = array<i32>} : memref<3x200x128xf32, #tpu.memory_space<vmem>>, vector<1x1x16xf32>,
        %parallel_loop3A_611 = vector.shape_cast %parallel_loop3A_610 : vector<1x1x16xf32> to vector<16xf32>
        %parallel_loop3A_612 = arith.index_cast %parallel_loop3A_545 : i32 to index
        %parallel_loop3A_613 = arith.constant 64 : index
        %parallel_loop3A_614 = tpu.vector_load %arg10[%parallel_loop3A_612, %parallel_loop3A_613] {strides = array<i32>} : memref<200x128xf32, #tpu.memory_space<vmem>>, vector<1x16xf32>,
        %parallel_loop3A_615 = vector.shape_cast %parallel_loop3A_614 : vector<1x16xf32> to vector<16xf32>
        %parallel_loop3A_616 = arith.addf %parallel_loop3A_611, %parallel_loop3A_615 : vector<16xf32>
        %parallel_loop3A_617 = arith.constant 1 : i32
        %parallel_loop3A_618 = arith.index_cast %parallel_loop3A_617 : i32 to index
        %parallel_loop3A_619 = arith.index_cast %parallel_loop3A_545 : i32 to index
        %parallel_loop3A_620 = arith.constant 80 : index
        %parallel_loop3A_621 = tpu.vector_load %arg9[%parallel_loop3A_618, %parallel_loop3A_619, %parallel_loop3A_620] {strides = array<i32>} : memref<3x200x128xf32, #tpu.memory_space<vmem>>, vector<1x1x16xf32>,
        %parallel_loop3A_622 = vector.shape_cast %parallel_loop3A_621 : vector<1x1x16xf32> to vector<16xf32>
        %parallel_loop3A_623 = arith.index_cast %parallel_loop3A_545 : i32 to index
        %parallel_loop3A_624 = arith.constant 80 : index
        %parallel_loop3A_625 = tpu.vector_load %arg10[%parallel_loop3A_623, %parallel_loop3A_624] {strides = array<i32>} : memref<200x128xf32, #tpu.memory_space<vmem>>, vector<1x16xf32>,
        %parallel_loop3A_626 = vector.shape_cast %parallel_loop3A_625 : vector<1x16xf32> to vector<16xf32>
        %parallel_loop3A_627 = arith.addf %parallel_loop3A_622, %parallel_loop3A_626 : vector<16xf32>
        %parallel_loop3A_628 = arith.constant 1 : i32
        %parallel_loop3A_629 = arith.index_cast %parallel_loop3A_628 : i32 to index
        %parallel_loop3A_630 = arith.index_cast %parallel_loop3A_545 : i32 to index
        %parallel_loop3A_631 = arith.constant 96 : index
        %parallel_loop3A_632 = tpu.vector_load %arg9[%parallel_loop3A_629, %parallel_loop3A_630, %parallel_loop3A_631] {strides = array<i32>} : memref<3x200x128xf32, #tpu.memory_space<vmem>>, vector<1x1x16xf32>,
        %parallel_loop3A_633 = vector.shape_cast %parallel_loop3A_632 : vector<1x1x16xf32> to vector<16xf32>
        %parallel_loop3A_634 = arith.index_cast %parallel_loop3A_545 : i32 to index
        %parallel_loop3A_635 = arith.constant 96 : index
        %parallel_loop3A_636 = tpu.vector_load %arg10[%parallel_loop3A_634, %parallel_loop3A_635] {strides = array<i32>} : memref<200x128xf32, #tpu.memory_space<vmem>>, vector<1x16xf32>,
        %parallel_loop3A_637 = vector.shape_cast %parallel_loop3A_636 : vector<1x16xf32> to vector<16xf32>
        %parallel_loop3A_638 = arith.addf %parallel_loop3A_633, %parallel_loop3A_637 : vector<16xf32>
        %parallel_loop3A_639 = arith.constant 1 : i32
        %parallel_loop3A_640 = arith.index_cast %parallel_loop3A_639 : i32 to index
        %parallel_loop3A_641 = arith.index_cast %parallel_loop3A_545 : i32 to index
        %parallel_loop3A_642 = arith.constant 112 : index
        %parallel_loop3A_643 = tpu.vector_load %arg9[%parallel_loop3A_640, %parallel_loop3A_641, %parallel_loop3A_642] {strides = array<i32>} : memref<3x200x128xf32, #tpu.memory_space<vmem>>, vector<1x1x16xf32>,
        %parallel_loop3A_644 = vector.shape_cast %parallel_loop3A_643 : vector<1x1x16xf32> to vector<16xf32>
        %parallel_loop3A_645 = arith.index_cast %parallel_loop3A_545 : i32 to index
        %parallel_loop3A_646 = arith.constant 112 : index
        %parallel_loop3A_647 = tpu.vector_load %arg10[%parallel_loop3A_645, %parallel_loop3A_646] {strides = array<i32>} : memref<200x128xf32, #tpu.memory_space<vmem>>, vector<1x16xf32>,
        %parallel_loop3A_648 = vector.shape_cast %parallel_loop3A_647 : vector<1x16xf32> to vector<16xf32>
        %parallel_loop3A_649 = arith.addf %parallel_loop3A_644, %parallel_loop3A_648 : vector<16xf32>
        %parallel_loop3A_650 = arith.addf %parallel_loop3A_572, %parallel_loop3A_583 : vector<16xf32>
        %parallel_loop3A_651 = arith.addf %parallel_loop3A_594, %parallel_loop3A_605 : vector<16xf32>
        %parallel_loop3A_652 = arith.addf %parallel_loop3A_650, %parallel_loop3A_651 : vector<16xf32>
        %parallel_loop3A_653 = arith.addf %parallel_loop3A_616, %parallel_loop3A_627 : vector<16xf32>
        %parallel_loop3A_654 = arith.addf %parallel_loop3A_638, %parallel_loop3A_649 : vector<16xf32>
        %parallel_loop3A_655 = arith.addf %parallel_loop3A_653, %parallel_loop3A_654 : vector<16xf32>
        %parallel_loop3A_656 = arith.addf %parallel_loop3A_652, %parallel_loop3A_655 : vector<16xf32>
        %parallel_loop3A_657 = tpu.iota {dimensions = array<i32: 0>} : vector<16xi32>
        %parallel_loop3A_658 = arith.constant 8 : i32
        %parallel_loop3A_659 = vector.broadcast %parallel_loop3A_658 : i32 to vector<16xi32>
        %parallel_loop3A_660 = arith.xori %parallel_loop3A_657, %parallel_loop3A_659 : vector<16xi32>
        %parallel_loop3A_661 = vector.shape_cast %parallel_loop3A_660 : vector<16xi32> to vector<16x1xi32>
        %parallel_loop3A_662 = vector.shape_cast %parallel_loop3A_661 : vector<16x1xi32> to vector<16xi32>
        %parallel_loop3A_663 = tpu.dynamic_gather %parallel_loop3A_656[%parallel_loop3A_662] in [0] : vector<16xf32>, vector<16xi32> -> vector<16xf32>
        %parallel_loop3A_664 = arith.addf %parallel_loop3A_656, %parallel_loop3A_663 : vector<16xf32>
        %parallel_loop3A_665 = arith.constant 4 : i32
        %parallel_loop3A_666 = vector.broadcast %parallel_loop3A_665 : i32 to vector<16xi32>
        %parallel_loop3A_667 = arith.xori %parallel_loop3A_657, %parallel_loop3A_666 : vector<16xi32>
        %parallel_loop3A_668 = vector.shape_cast %parallel_loop3A_667 : vector<16xi32> to vector<16x1xi32>
        %parallel_loop3A_669 = vector.shape_cast %parallel_loop3A_668 : vector<16x1xi32> to vector<16xi32>
        %parallel_loop3A_670 = tpu.dynamic_gather %parallel_loop3A_664[%parallel_loop3A_669] in [0] : vector<16xf32>, vector<16xi32> -> vector<16xf32>
        %parallel_loop3A_671 = arith.addf %parallel_loop3A_664, %parallel_loop3A_670 : vector<16xf32>
        %parallel_loop3A_672 = arith.constant 2 : i32
        %parallel_loop3A_673 = vector.broadcast %parallel_loop3A_672 : i32 to vector<16xi32>
        %parallel_loop3A_674 = arith.xori %parallel_loop3A_657, %parallel_loop3A_673 : vector<16xi32>
        %parallel_loop3A_675 = vector.shape_cast %parallel_loop3A_674 : vector<16xi32> to vector<16x1xi32>
        %parallel_loop3A_676 = vector.shape_cast %parallel_loop3A_675 : vector<16x1xi32> to vector<16xi32>
        %parallel_loop3A_677 = tpu.dynamic_gather %parallel_loop3A_671[%parallel_loop3A_676] in [0] : vector<16xf32>, vector<16xi32> -> vector<16xf32>
        %parallel_loop3A_678 = arith.addf %parallel_loop3A_671, %parallel_loop3A_677 : vector<16xf32>
        %parallel_loop3A_679 = arith.constant 1 : i32
        %parallel_loop3A_680 = vector.broadcast %parallel_loop3A_679 : i32 to vector<16xi32>
        %parallel_loop3A_681 = arith.xori %parallel_loop3A_657, %parallel_loop3A_680 : vector<16xi32>
        %parallel_loop3A_682 = vector.shape_cast %parallel_loop3A_681 : vector<16xi32> to vector<16x1xi32>
        %parallel_loop3A_683 = vector.shape_cast %parallel_loop3A_682 : vector<16x1xi32> to vector<16xi32>
        %parallel_loop3A_684 = tpu.dynamic_gather %parallel_loop3A_678[%parallel_loop3A_683] in [0] : vector<16xf32>, vector<16xi32> -> vector<16xf32>
        %parallel_loop3A_685 = arith.addf %parallel_loop3A_678, %parallel_loop3A_684 : vector<16xf32>
        %parallel_loop3A_686 = arith.mulf %parallel_loop3A_572, %parallel_loop3A_572 : vector<16xf32>
        %parallel_loop3A_687 = arith.mulf %parallel_loop3A_583, %parallel_loop3A_583 : vector<16xf32>
        %parallel_loop3A_688 = arith.addf %parallel_loop3A_686, %parallel_loop3A_687 : vector<16xf32>
        %parallel_loop3A_689 = arith.mulf %parallel_loop3A_594, %parallel_loop3A_594 : vector<16xf32>
        %parallel_loop3A_690 = arith.mulf %parallel_loop3A_605, %parallel_loop3A_605 : vector<16xf32>
        %parallel_loop3A_691 = arith.addf %parallel_loop3A_689, %parallel_loop3A_690 : vector<16xf32>
        %parallel_loop3A_692 = arith.addf %parallel_loop3A_688, %parallel_loop3A_691 : vector<16xf32>
        %parallel_loop3A_693 = arith.mulf %parallel_loop3A_616, %parallel_loop3A_616 : vector<16xf32>
        %parallel_loop3A_694 = arith.mulf %parallel_loop3A_627, %parallel_loop3A_627 : vector<16xf32>
        %parallel_loop3A_695 = arith.addf %parallel_loop3A_693, %parallel_loop3A_694 : vector<16xf32>
        %parallel_loop3A_696 = arith.mulf %parallel_loop3A_638, %parallel_loop3A_638 : vector<16xf32>
        %parallel_loop3A_697 = arith.mulf %parallel_loop3A_649, %parallel_loop3A_649 : vector<16xf32>
        %parallel_loop3A_698 = arith.addf %parallel_loop3A_696, %parallel_loop3A_697 : vector<16xf32>
        %parallel_loop3A_699 = arith.addf %parallel_loop3A_695, %parallel_loop3A_698 : vector<16xf32>
        %parallel_loop3A_700 = arith.addf %parallel_loop3A_692, %parallel_loop3A_699 : vector<16xf32>
        %parallel_loop3A_701 = tpu.iota {dimensions = array<i32: 0>} : vector<16xi32>
        %parallel_loop3A_702 = arith.constant 8 : i32
        %parallel_loop3A_703 = vector.broadcast %parallel_loop3A_702 : i32 to vector<16xi32>
        %parallel_loop3A_704 = arith.xori %parallel_loop3A_701, %parallel_loop3A_703 : vector<16xi32>
        %parallel_loop3A_705 = vector.shape_cast %parallel_loop3A_704 : vector<16xi32> to vector<16x1xi32>
        %parallel_loop3A_706 = vector.shape_cast %parallel_loop3A_705 : vector<16x1xi32> to vector<16xi32>
        %parallel_loop3A_707 = tpu.dynamic_gather %parallel_loop3A_700[%parallel_loop3A_706] in [0] : vector<16xf32>, vector<16xi32> -> vector<16xf32>
        %parallel_loop3A_708 = arith.addf %parallel_loop3A_700, %parallel_loop3A_707 : vector<16xf32>
        %parallel_loop3A_709 = arith.constant 4 : i32
        %parallel_loop3A_710 = vector.broadcast %parallel_loop3A_709 : i32 to vector<16xi32>
        %parallel_loop3A_711 = arith.xori %parallel_loop3A_701, %parallel_loop3A_710 : vector<16xi32>
        %parallel_loop3A_712 = vector.shape_cast %parallel_loop3A_711 : vector<16xi32> to vector<16x1xi32>
        %parallel_loop3A_713 = vector.shape_cast %parallel_loop3A_712 : vector<16x1xi32> to vector<16xi32>
        %parallel_loop3A_714 = tpu.dynamic_gather %parallel_loop3A_708[%parallel_loop3A_713] in [0] : vector<16xf32>, vector<16xi32> -> vector<16xf32>
        %parallel_loop3A_715 = arith.addf %parallel_loop3A_708, %parallel_loop3A_714 : vector<16xf32>
        %parallel_loop3A_716 = arith.constant 2 : i32
        %parallel_loop3A_717 = vector.broadcast %parallel_loop3A_716 : i32 to vector<16xi32>
        %parallel_loop3A_718 = arith.xori %parallel_loop3A_701, %parallel_loop3A_717 : vector<16xi32>
        %parallel_loop3A_719 = vector.shape_cast %parallel_loop3A_718 : vector<16xi32> to vector<16x1xi32>
        %parallel_loop3A_720 = vector.shape_cast %parallel_loop3A_719 : vector<16x1xi32> to vector<16xi32>
        %parallel_loop3A_721 = tpu.dynamic_gather %parallel_loop3A_715[%parallel_loop3A_720] in [0] : vector<16xf32>, vector<16xi32> -> vector<16xf32>
        %parallel_loop3A_722 = arith.addf %parallel_loop3A_715, %parallel_loop3A_721 : vector<16xf32>
        %parallel_loop3A_723 = arith.constant 1 : i32
        %parallel_loop3A_724 = vector.broadcast %parallel_loop3A_723 : i32 to vector<16xi32>
        %parallel_loop3A_725 = arith.xori %parallel_loop3A_701, %parallel_loop3A_724 : vector<16xi32>
        %parallel_loop3A_726 = vector.shape_cast %parallel_loop3A_725 : vector<16xi32> to vector<16x1xi32>
        %parallel_loop3A_727 = vector.shape_cast %parallel_loop3A_726 : vector<16x1xi32> to vector<16xi32>
        %parallel_loop3A_728 = tpu.dynamic_gather %parallel_loop3A_722[%parallel_loop3A_727] in [0] : vector<16xf32>, vector<16xi32> -> vector<16xf32>
        %parallel_loop3A_729 = arith.addf %parallel_loop3A_722, %parallel_loop3A_728 : vector<16xf32>
        %parallel_loop3A_730 = arith.constant 7.812500e-03 : f32
        %parallel_loop3A_731 = vector.broadcast %parallel_loop3A_730 : f32 to vector<16xf32>
        %parallel_loop3A_732 = arith.mulf %parallel_loop3A_685, %parallel_loop3A_731 : vector<16xf32>
        %parallel_loop3A_733 = arith.constant 7.812500e-03 : f32
        %parallel_loop3A_734 = vector.broadcast %parallel_loop3A_733 : f32 to vector<16xf32>
        %parallel_loop3A_735 = arith.mulf %parallel_loop3A_729, %parallel_loop3A_734 : vector<16xf32>
        %parallel_loop3A_736 = arith.mulf %parallel_loop3A_732, %parallel_loop3A_732 : vector<16xf32>
        %parallel_loop3A_737 = arith.subf %parallel_loop3A_735, %parallel_loop3A_736 : vector<16xf32>
        %parallel_loop3A_738 = arith.constant 9.99999974E-6 : f32
        %parallel_loop3A_739 = vector.broadcast %parallel_loop3A_738 : f32 to vector<16xf32>
        %parallel_loop3A_740 = arith.addf %parallel_loop3A_737, %parallel_loop3A_739 : vector<16xf32>
        %parallel_loop3A_741 = tpu.bitcast %parallel_loop3A_740 : vector<16xf32> -> vector<16xi32>
        %parallel_loop3A_742 = arith.constant 1 : i32
        %parallel_loop3A_743 = vector.broadcast %parallel_loop3A_742 : i32 to vector<16xi32>
        %parallel_loop3A_744 = arith.shrsi %parallel_loop3A_741, %parallel_loop3A_743 : vector<16xi32>
        %parallel_loop3A_745 = arith.constant 1597463007 : i32
        %parallel_loop3A_746 = vector.broadcast %parallel_loop3A_745 : i32 to vector<16xi32>
        %parallel_loop3A_747 = arith.subi %parallel_loop3A_746, %parallel_loop3A_744 : vector<16xi32>
        %parallel_loop3A_748 = tpu.bitcast %parallel_loop3A_747 : vector<16xi32> -> vector<16xf32>
        %parallel_loop3A_749 = arith.constant 5.000000e-01 : f32
        %parallel_loop3A_750 = vector.broadcast %parallel_loop3A_749 : f32 to vector<16xf32>
        %parallel_loop3A_751 = arith.mulf %parallel_loop3A_740, %parallel_loop3A_750 : vector<16xf32>
        %parallel_loop3A_752 = arith.mulf %parallel_loop3A_751, %parallel_loop3A_748 : vector<16xf32>
        %parallel_loop3A_753 = arith.mulf %parallel_loop3A_752, %parallel_loop3A_748 : vector<16xf32>
        %parallel_loop3A_754 = arith.constant 1.500000e+00 : f32
        %parallel_loop3A_755 = vector.broadcast %parallel_loop3A_754 : f32 to vector<16xf32>
        %parallel_loop3A_756 = arith.subf %parallel_loop3A_755, %parallel_loop3A_753 : vector<16xf32>
        %parallel_loop3A_757 = arith.mulf %parallel_loop3A_748, %parallel_loop3A_756 : vector<16xf32>
        %parallel_loop3A_758 = arith.subf %parallel_loop3A_572, %parallel_loop3A_732 : vector<16xf32>
        %parallel_loop3A_759 = arith.mulf %parallel_loop3A_758, %parallel_loop3A_757 : vector<16xf32>
        %parallel_loop3A_760 = arith.mulf %parallel_loop3A_759, %parallel_loop3A_546 : vector<16xf32>
        %parallel_loop3A_761 = arith.addf %parallel_loop3A_760, %parallel_loop3A_554 : vector<16xf32>
        %parallel_loop3A_762 = arith.constant 1 : i32
        %parallel_loop3A_763 = arith.index_cast %parallel_loop3A_762 : i32 to index
        %parallel_loop3A_764 = arith.index_cast %parallel_loop3A_545 : i32 to index
        %parallel_loop3A_765 = arith.constant 0 : index
        %parallel_loop3A_766 = tpu.vector_load %arg9[%parallel_loop3A_763, %parallel_loop3A_764, %parallel_loop3A_765] {strides = array<i32>} : memref<3x200x128xf32, #tpu.memory_space<vmem>>, vector<1x1x16xf32>,
        %parallel_loop3A_767 = vector.shape_cast %parallel_loop3A_766 : vector<1x1x16xf32> to vector<16xf32>
        %parallel_loop3A_768 = vector.shape_cast %parallel_loop3A_761 : vector<16xf32> to vector<1x1x16xf32>
        tpu.vector_store %arg9[%parallel_loop3A_763, %parallel_loop3A_764, %parallel_loop3A_765], %parallel_loop3A_768 {strides = array<i32>} : memref<3x200x128xf32, #tpu.memory_space<vmem>>, vector<1x1x16xf32>,
        %parallel_loop3A_769 = arith.subf %parallel_loop3A_583, %parallel_loop3A_732 : vector<16xf32>
        %parallel_loop3A_770 = arith.mulf %parallel_loop3A_769, %parallel_loop3A_757 : vector<16xf32>
        %parallel_loop3A_771 = arith.mulf %parallel_loop3A_770, %parallel_loop3A_547 : vector<16xf32>
        %parallel_loop3A_772 = arith.addf %parallel_loop3A_771, %parallel_loop3A_555 : vector<16xf32>
        %parallel_loop3A_773 = arith.constant 1 : i32
        %parallel_loop3A_774 = arith.index_cast %parallel_loop3A_773 : i32 to index
        %parallel_loop3A_775 = arith.index_cast %parallel_loop3A_545 : i32 to index
        %parallel_loop3A_776 = arith.constant 16 : index
        %parallel_loop3A_777 = tpu.vector_load %arg9[%parallel_loop3A_774, %parallel_loop3A_775, %parallel_loop3A_776] {strides = array<i32>} : memref<3x200x128xf32, #tpu.memory_space<vmem>>, vector<1x1x16xf32>,
        %parallel_loop3A_778 = vector.shape_cast %parallel_loop3A_777 : vector<1x1x16xf32> to vector<16xf32>
        %parallel_loop3A_779 = vector.shape_cast %parallel_loop3A_772 : vector<16xf32> to vector<1x1x16xf32>
        tpu.vector_store %arg9[%parallel_loop3A_774, %parallel_loop3A_775, %parallel_loop3A_776], %parallel_loop3A_779 {strides = array<i32>} : memref<3x200x128xf32, #tpu.memory_space<vmem>>, vector<1x1x16xf32>,
        %parallel_loop3A_780 = arith.subf %parallel_loop3A_594, %parallel_loop3A_732 : vector<16xf32>
        %parallel_loop3A_781 = arith.mulf %parallel_loop3A_780, %parallel_loop3A_757 : vector<16xf32>
        %parallel_loop3A_782 = arith.mulf %parallel_loop3A_781, %parallel_loop3A_548 : vector<16xf32>
        %parallel_loop3A_783 = arith.addf %parallel_loop3A_782, %parallel_loop3A_556 : vector<16xf32>
        %parallel_loop3A_784 = arith.constant 1 : i32
        %parallel_loop3A_785 = arith.index_cast %parallel_loop3A_784 : i32 to index
        %parallel_loop3A_786 = arith.index_cast %parallel_loop3A_545 : i32 to index
        %parallel_loop3A_787 = arith.constant 32 : index
        %parallel_loop3A_788 = tpu.vector_load %arg9[%parallel_loop3A_785, %parallel_loop3A_786, %parallel_loop3A_787] {strides = array<i32>} : memref<3x200x128xf32, #tpu.memory_space<vmem>>, vector<1x1x16xf32>,
        %parallel_loop3A_789 = vector.shape_cast %parallel_loop3A_788 : vector<1x1x16xf32> to vector<16xf32>
        %parallel_loop3A_790 = vector.shape_cast %parallel_loop3A_783 : vector<16xf32> to vector<1x1x16xf32>
        tpu.vector_store %arg9[%parallel_loop3A_785, %parallel_loop3A_786, %parallel_loop3A_787], %parallel_loop3A_790 {strides = array<i32>} : memref<3x200x128xf32, #tpu.memory_space<vmem>>, vector<1x1x16xf32>,
        %parallel_loop3A_791 = arith.subf %parallel_loop3A_605, %parallel_loop3A_732 : vector<16xf32>
        %parallel_loop3A_792 = arith.mulf %parallel_loop3A_791, %parallel_loop3A_757 : vector<16xf32>
        %parallel_loop3A_793 = arith.mulf %parallel_loop3A_792, %parallel_loop3A_549 : vector<16xf32>
        %parallel_loop3A_794 = arith.addf %parallel_loop3A_793, %parallel_loop3A_557 : vector<16xf32>
        %parallel_loop3A_795 = arith.constant 1 : i32
        %parallel_loop3A_796 = arith.index_cast %parallel_loop3A_795 : i32 to index
        %parallel_loop3A_797 = arith.index_cast %parallel_loop3A_545 : i32 to index
        %parallel_loop3A_798 = arith.constant 48 : index
        %parallel_loop3A_799 = tpu.vector_load %arg9[%parallel_loop3A_796, %parallel_loop3A_797, %parallel_loop3A_798] {strides = array<i32>} : memref<3x200x128xf32, #tpu.memory_space<vmem>>, vector<1x1x16xf32>,
        %parallel_loop3A_800 = vector.shape_cast %parallel_loop3A_799 : vector<1x1x16xf32> to vector<16xf32>
        %parallel_loop3A_801 = vector.shape_cast %parallel_loop3A_794 : vector<16xf32> to vector<1x1x16xf32>
        tpu.vector_store %arg9[%parallel_loop3A_796, %parallel_loop3A_797, %parallel_loop3A_798], %parallel_loop3A_801 {strides = array<i32>} : memref<3x200x128xf32, #tpu.memory_space<vmem>>, vector<1x1x16xf32>,
        %parallel_loop3A_802 = arith.subf %parallel_loop3A_616, %parallel_loop3A_732 : vector<16xf32>
        %parallel_loop3A_803 = arith.mulf %parallel_loop3A_802, %parallel_loop3A_757 : vector<16xf32>
        %parallel_loop3A_804 = arith.mulf %parallel_loop3A_803, %parallel_loop3A_550 : vector<16xf32>
        %parallel_loop3A_805 = arith.addf %parallel_loop3A_804, %parallel_loop3A_558 : vector<16xf32>
        %parallel_loop3A_806 = arith.constant 1 : i32
        %parallel_loop3A_807 = arith.index_cast %parallel_loop3A_806 : i32 to index
        %parallel_loop3A_808 = arith.index_cast %parallel_loop3A_545 : i32 to index
        %parallel_loop3A_809 = arith.constant 64 : index
        %parallel_loop3A_810 = tpu.vector_load %arg9[%parallel_loop3A_807, %parallel_loop3A_808, %parallel_loop3A_809] {strides = array<i32>} : memref<3x200x128xf32, #tpu.memory_space<vmem>>, vector<1x1x16xf32>,
        %parallel_loop3A_811 = vector.shape_cast %parallel_loop3A_810 : vector<1x1x16xf32> to vector<16xf32>
        %parallel_loop3A_812 = vector.shape_cast %parallel_loop3A_805 : vector<16xf32> to vector<1x1x16xf32>
        tpu.vector_store %arg9[%parallel_loop3A_807, %parallel_loop3A_808, %parallel_loop3A_809], %parallel_loop3A_812 {strides = array<i32>} : memref<3x200x128xf32, #tpu.memory_space<vmem>>, vector<1x1x16xf32>,
        %parallel_loop3A_813 = arith.subf %parallel_loop3A_627, %parallel_loop3A_732 : vector<16xf32>
        %parallel_loop3A_814 = arith.mulf %parallel_loop3A_813, %parallel_loop3A_757 : vector<16xf32>
        %parallel_loop3A_815 = arith.mulf %parallel_loop3A_814, %parallel_loop3A_551 : vector<16xf32>
        %parallel_loop3A_816 = arith.addf %parallel_loop3A_815, %parallel_loop3A_559 : vector<16xf32>
        %parallel_loop3A_817 = arith.constant 1 : i32
        %parallel_loop3A_818 = arith.index_cast %parallel_loop3A_817 : i32 to index
        %parallel_loop3A_819 = arith.index_cast %parallel_loop3A_545 : i32 to index
        %parallel_loop3A_820 = arith.constant 80 : index
        %parallel_loop3A_821 = tpu.vector_load %arg9[%parallel_loop3A_818, %parallel_loop3A_819, %parallel_loop3A_820] {strides = array<i32>} : memref<3x200x128xf32, #tpu.memory_space<vmem>>, vector<1x1x16xf32>,
        %parallel_loop3A_822 = vector.shape_cast %parallel_loop3A_821 : vector<1x1x16xf32> to vector<16xf32>
        %parallel_loop3A_823 = vector.shape_cast %parallel_loop3A_816 : vector<16xf32> to vector<1x1x16xf32>
        tpu.vector_store %arg9[%parallel_loop3A_818, %parallel_loop3A_819, %parallel_loop3A_820], %parallel_loop3A_823 {strides = array<i32>} : memref<3x200x128xf32, #tpu.memory_space<vmem>>, vector<1x1x16xf32>,
        %parallel_loop3A_824 = arith.subf %parallel_loop3A_638, %parallel_loop3A_732 : vector<16xf32>
        %parallel_loop3A_825 = arith.mulf %parallel_loop3A_824, %parallel_loop3A_757 : vector<16xf32>
        %parallel_loop3A_826 = arith.mulf %parallel_loop3A_825, %parallel_loop3A_552 : vector<16xf32>
        %parallel_loop3A_827 = arith.addf %parallel_loop3A_826, %parallel_loop3A_560 : vector<16xf32>
        %parallel_loop3A_828 = arith.constant 1 : i32
        %parallel_loop3A_829 = arith.index_cast %parallel_loop3A_828 : i32 to index
        %parallel_loop3A_830 = arith.index_cast %parallel_loop3A_545 : i32 to index
        %parallel_loop3A_831 = arith.constant 96 : index
        %parallel_loop3A_832 = tpu.vector_load %arg9[%parallel_loop3A_829, %parallel_loop3A_830, %parallel_loop3A_831] {strides = array<i32>} : memref<3x200x128xf32, #tpu.memory_space<vmem>>, vector<1x1x16xf32>,
        %parallel_loop3A_833 = vector.shape_cast %parallel_loop3A_832 : vector<1x1x16xf32> to vector<16xf32>
        %parallel_loop3A_834 = vector.shape_cast %parallel_loop3A_827 : vector<16xf32> to vector<1x1x16xf32>
        tpu.vector_store %arg9[%parallel_loop3A_829, %parallel_loop3A_830, %parallel_loop3A_831], %parallel_loop3A_834 {strides = array<i32>} : memref<3x200x128xf32, #tpu.memory_space<vmem>>, vector<1x1x16xf32>,
        %parallel_loop3A_835 = arith.subf %parallel_loop3A_649, %parallel_loop3A_732 : vector<16xf32>
        %parallel_loop3A_836 = arith.mulf %parallel_loop3A_835, %parallel_loop3A_757 : vector<16xf32>
        %parallel_loop3A_837 = arith.mulf %parallel_loop3A_836, %parallel_loop3A_553 : vector<16xf32>
        %parallel_loop3A_838 = arith.addf %parallel_loop3A_837, %parallel_loop3A_561 : vector<16xf32>
        %parallel_loop3A_839 = arith.constant 1 : i32
        %parallel_loop3A_840 = arith.index_cast %parallel_loop3A_839 : i32 to index
        %parallel_loop3A_841 = arith.index_cast %parallel_loop3A_545 : i32 to index
        %parallel_loop3A_842 = arith.constant 112 : index
        %parallel_loop3A_843 = tpu.vector_load %arg9[%parallel_loop3A_840, %parallel_loop3A_841, %parallel_loop3A_842] {strides = array<i32>} : memref<3x200x128xf32, #tpu.memory_space<vmem>>, vector<1x1x16xf32>,
        %parallel_loop3A_844 = vector.shape_cast %parallel_loop3A_843 : vector<1x1x16xf32> to vector<16xf32>
        %parallel_loop3A_845 = vector.shape_cast %parallel_loop3A_838 : vector<16xf32> to vector<1x1x16xf32>
        tpu.vector_store %arg9[%parallel_loop3A_840, %parallel_loop3A_841, %parallel_loop3A_842], %parallel_loop3A_845 {strides = array<i32>} : memref<3x200x128xf32, #tpu.memory_space<vmem>>, vector<1x1x16xf32>,
        scf.yield %parallel_loop3A_546, %parallel_loop3A_547, %parallel_loop3A_548, %parallel_loop3A_549, %parallel_loop3A_550, %parallel_loop3A_551, %parallel_loop3A_552, %parallel_loop3A_553, %parallel_loop3A_554, %parallel_loop3A_555, %parallel_loop3A_556, %parallel_loop3A_557, %parallel_loop3A_558, %parallel_loop3A_559, %parallel_loop3A_560, %parallel_loop3A_561 : vector<16xf32>, vector<16xf32>, vector<16xf32>, vector<16xf32>, vector<16xf32>, vector<16xf32>, vector<16xf32>, vector<16xf32>, vector<16xf32>, vector<16xf32>, vector<16xf32>, vector<16xf32>, vector<16xf32>, vector<16xf32>, vector<16xf32>, vector<16xf32>
      } {sc.loop_unroll_factor = 1 : i64, sc.parallel_access}
      %add3A_431 = arith.addi %mul3A_2, %add3A_371 : i32
      %mul3A_432 = arith.constant 200 : i32
      %mul3A_433 = arith.muli %add3A_431, %mul3A_432 : i32
      %dma_start3A_434 = arith.constant 1 : i32
      %dma_start3A_435 = arith.constant 1 : i32
      %dma_start3A_436 = arith.constant 0 : i32
      %dma_start3A_437 = arith.constant 0 : i32
      %dma_start3A_438 = tpu.memref_slice %arg9[%dma_start3A_434, %dma_start3A_436, %dma_start3A_437] : memref<3x200x128xf32, #tpu.memory_space<vmem>> -> memref<1x200x128xf32, #tpu.memory_space<vmem>>
      %dma_start3A_439 = tpu.memref_squeeze %dma_start3A_438 : memref<1x200x128xf32, #tpu.memory_space<vmem>> -> memref<200x128xf32, #tpu.memory_space<vmem>>
      %dma_start3A_440 = arith.constant 0 : i32
      %dma_start3A_441 = tpu.memref_slice %arg7[%mul3A_433, %dma_start3A_440] : memref<204800x128xf32, #tpu.memory_space<hbm>> -> memref<200x128xf32, #tpu.memory_space<hbm>>
      %dma_start3A_442 = tpu.memref_slice %arg14[%dma_start3A_435] : memref<3x!tpu.dma_semaphore, #tpu.memory_space<semaphore_mem>> -> memref<1x!tpu.dma_semaphore, #tpu.memory_space<semaphore_mem>>
      %dma_start3A_443 = tpu.memref_squeeze %dma_start3A_442 : memref<1x!tpu.dma_semaphore, #tpu.memory_space<semaphore_mem>> -> memref<!tpu.dma_semaphore, #tpu.memory_space<semaphore_mem>>
      %dma_start3A_444 = arith.constant 0 : i32
      %dma_start3A_445 = tpu.memref_slice %arg7[%mul3A_433, %dma_start3A_444] : memref<204800x128xf32, #tpu.memory_space<hbm>> -> memref<200x128xf32, #tpu.memory_space<hbm>>
      %dma_start3A_446 = arith.constant 0 : i32
      %dma_start3A_447 = arith.constant 0 : i32
      %dma_start3A_448 = tpu.memref_slice %arg9[%dma_start3A_434, %dma_start3A_446, %dma_start3A_447] : memref<3x200x128xf32, #tpu.memory_space<vmem>> -> memref<1x200x128xf32, #tpu.memory_space<vmem>>
      %dma_start3A_449 = tpu.memref_squeeze %dma_start3A_448 : memref<1x200x128xf32, #tpu.memory_space<vmem>> -> memref<200x128xf32, #tpu.memory_space<vmem>>
      tpu.enqueue_dma source(%dma_start3A_449 : memref<200x128xf32, #tpu.memory_space<vmem>>) target(%dma_start3A_445 : memref<200x128xf32, #tpu.memory_space<hbm>>) target_semaphore(%dma_start3A_443 : memref<!tpu.dma_semaphore, #tpu.memory_space<semaphore_mem>>)
      %mul3A_450 = arith.constant 3 : i32
      %mul3A_451 = arith.muli %mul3A_450, %scan3A_272 : i32
      %add3A_452 = arith.constant 2 : i32
      %add3A_453 = arith.addi %mul3A_451, %add3A_452 : i32
      %dma_wait3A_454 = arith.constant 0 : i32
      %dma_wait3A_455 = arith.constant 0 : i32
      %dma_wait3A_456 = arith.constant 0 : i32
      %dma_wait3A_457 = arith.constant 0 : i32
      %dma_wait3A_458 = tpu.memref_slice %arg9[%dma_wait3A_454, %dma_wait3A_456, %dma_wait3A_457] : memref<3x200x128xf32, #tpu.memory_space<vmem>> -> memref<1x200x128xf32, #tpu.memory_space<vmem>>
      %dma_wait3A_459 = tpu.memref_squeeze %dma_wait3A_458 : memref<1x200x128xf32, #tpu.memory_space<vmem>> -> memref<200x128xf32, #tpu.memory_space<vmem>>
      %dma_wait3A_460 = arith.constant 0 : i32
      %dma_wait3A_461 = arith.constant 0 : i32
      %dma_wait3A_462 = tpu.memref_slice %arg7[%dma_wait3A_460, %dma_wait3A_461] : memref<204800x128xf32, #tpu.memory_space<hbm>> -> memref<200x128xf32, #tpu.memory_space<hbm>>
      %dma_wait3A_463 = tpu.memref_slice %arg14[%dma_wait3A_455] : memref<3x!tpu.dma_semaphore, #tpu.memory_space<semaphore_mem>> -> memref<1x!tpu.dma_semaphore, #tpu.memory_space<semaphore_mem>>
      %dma_wait3A_464 = tpu.memref_squeeze %dma_wait3A_463 : memref<1x!tpu.dma_semaphore, #tpu.memory_space<semaphore_mem>> -> memref<!tpu.dma_semaphore, #tpu.memory_space<semaphore_mem>>
      %dma_wait3A_465 = arith.constant 0 : i32
      %dma_wait3A_466 = arith.constant 0 : i32
      %dma_wait3A_467 = tpu.memref_slice %arg7[%dma_wait3A_465, %dma_wait3A_466] : memref<204800x128xf32, #tpu.memory_space<hbm>> -> memref<200x128xf32, #tpu.memory_space<hbm>>
      %dma_wait3A_468 = arith.constant 0 : i32
      %dma_wait3A_469 = arith.constant 0 : i32
      %dma_wait3A_470 = tpu.memref_slice %arg9[%dma_wait3A_454, %dma_wait3A_468, %dma_wait3A_469] : memref<3x200x128xf32, #tpu.memory_space<vmem>> -> memref<1x200x128xf32, #tpu.memory_space<vmem>>
      %dma_wait3A_471 = tpu.memref_squeeze %dma_wait3A_470 : memref<1x200x128xf32, #tpu.memory_space<vmem>> -> memref<200x128xf32, #tpu.memory_space<vmem>>
      tpu.wait_dma2 semaphore(%dma_wait3A_464 : memref<!tpu.dma_semaphore, #tpu.memory_space<semaphore_mem>>) src(%dma_wait3A_471 : memref<200x128xf32, #tpu.memory_space<vmem>>) dst(%dma_wait3A_467 : memref<200x128xf32, #tpu.memory_space<hbm>>)
      %add3A_472 = arith.constant 1 : i32
      %add3A_473 = arith.addi %add3A_453, %add3A_472 : i32
      %dma_start3A_474 = arith.constant 0 : i32
      %dma_start3A_475 = arith.constant 0 : i32
      %dma_start3A_476 = arith.constant 0 : i32
      %dma_start3A_477 = arith.constant 0 : i32
      %dma_start3A_478 = arith.constant 0 : i32
      %dma_start3A_479 = tpu.memref_slice %arg9[%dma_start3A_475, %dma_start3A_477, %dma_start3A_478] : memref<3x200x128xf32, #tpu.memory_space<vmem>> -> memref<1x100x128xf32, #tpu.memory_space<vmem>>
      %dma_start3A_480 = tpu.memref_squeeze %dma_start3A_479 : memref<1x100x128xf32, #tpu.memory_space<vmem>> -> memref<100x128xf32, #tpu.memory_space<vmem>>
      %dma_start3A_481 = arith.constant 0 : i32
      %dma_start3A_482 = tpu.memref_slice %arg8[%add3A_473, %dma_start3A_474, %dma_start3A_481] : memref<32x2x100xi32, #tpu.memory_space<vmem>> -> memref<1x1x100xi32, #tpu.memory_space<vmem>>
      %dma_start3A_483 = tpu.memref_squeeze %dma_start3A_482 : memref<1x1x100xi32, #tpu.memory_space<vmem>> -> memref<100xi32, #tpu.memory_space<vmem>>
      %dma_start3A_484 = arith.constant 0 : i32
      %dma_start3A_485 = arith.constant 0 : i32
      %dma_start3A_486 = tpu.memref_slice %arg3[%dma_start3A_484, %dma_start3A_485] : memref<1000000x128xf32, #tpu.memory_space<hbm>> -> memref<1000000x128xf32, #tpu.memory_space<hbm>>
      %dma_start3A_487 = tpu.memref_slice %arg13[%dma_start3A_476] : memref<3x!tpu.dma_semaphore, #tpu.memory_space<semaphore_mem>> -> memref<1x!tpu.dma_semaphore, #tpu.memory_space<semaphore_mem>>
      %dma_start3A_488 = tpu.memref_squeeze %dma_start3A_487 : memref<1x!tpu.dma_semaphore, #tpu.memory_space<semaphore_mem>> -> memref<!tpu.dma_semaphore, #tpu.memory_space<semaphore_mem>>
      tpu.enqueue_indirect_dma source(%dma_start3A_486 : memref<1000000x128xf32, #tpu.memory_space<hbm>>) target(%dma_start3A_480 : memref<100x128xf32, #tpu.memory_space<vmem>>) offsets(%dma_start3A_483 : memref<100xi32, #tpu.memory_space<vmem>>) semaphore(%dma_start3A_488 : memref<!tpu.dma_semaphore, #tpu.memory_space<semaphore_mem>>)
      %dma_start3A_489 = arith.constant 1 : i32
      %dma_start3A_490 = arith.constant 0 : i32
      %dma_start3A_491 = arith.constant 0 : i32
      %dma_start3A_492 = arith.constant 100 : i32
      %dma_start3A_493 = arith.constant 0 : i32
      %dma_start3A_494 = tpu.memref_slice %arg9[%dma_start3A_490, %dma_start3A_492, %dma_start3A_493] : memref<3x200x128xf32, #tpu.memory_space<vmem>> -> memref<1x100x128xf32, #tpu.memory_space<vmem>>
      %dma_start3A_495 = tpu.memref_squeeze %dma_start3A_494 : memref<1x100x128xf32, #tpu.memory_space<vmem>> -> memref<100x128xf32, #tpu.memory_space<vmem>>
      %dma_start3A_496 = arith.constant 0 : i32
      %dma_start3A_497 = tpu.memref_slice %arg8[%add3A_473, %dma_start3A_489, %dma_start3A_496] : memref<32x2x100xi32, #tpu.memory_space<vmem>> -> memref<1x1x100xi32, #tpu.memory_space<vmem>>
      %dma_start3A_498 = tpu.memref_squeeze %dma_start3A_497 : memref<1x1x100xi32, #tpu.memory_space<vmem>> -> memref<100xi32, #tpu.memory_space<vmem>>
      %dma_start3A_499 = arith.constant 0 : i32
      %dma_start3A_500 = arith.constant 0 : i32
      %dma_start3A_501 = tpu.memref_slice %arg3[%dma_start3A_499, %dma_start3A_500] : memref<1000000x128xf32, #tpu.memory_space<hbm>> -> memref<1000000x128xf32, #tpu.memory_space<hbm>>
      %dma_start3A_502 = tpu.memref_slice %arg13[%dma_start3A_491] : memref<3x!tpu.dma_semaphore, #tpu.memory_space<semaphore_mem>> -> memref<1x!tpu.dma_semaphore, #tpu.memory_space<semaphore_mem>>
      %dma_start3A_503 = tpu.memref_squeeze %dma_start3A_502 : memref<1x!tpu.dma_semaphore, #tpu.memory_space<semaphore_mem>> -> memref<!tpu.dma_semaphore, #tpu.memory_space<semaphore_mem>>
      tpu.enqueue_indirect_dma source(%dma_start3A_501 : memref<1000000x128xf32, #tpu.memory_space<hbm>>) target(%dma_start3A_495 : memref<100x128xf32, #tpu.memory_space<vmem>>) offsets(%dma_start3A_498 : memref<100xi32, #tpu.memory_space<vmem>>) semaphore(%dma_start3A_503 : memref<!tpu.dma_semaphore, #tpu.memory_space<semaphore_mem>>)
      %dma_wait3A_504 = arith.constant 2 : i32
      %dma_wait3A_505 = arith.constant 2 : i32
      %dma_wait3A_506 = arith.constant 0 : i32
      %dma_wait3A_507 = arith.constant 0 : i32
      %dma_wait3A_508 = tpu.memref_slice %arg9[%dma_wait3A_504, %dma_wait3A_506, %dma_wait3A_507] : memref<3x200x128xf32, #tpu.memory_space<vmem>> -> memref<1x200x128xf32, #tpu.memory_space<vmem>>
      %dma_wait3A_509 = tpu.memref_squeeze %dma_wait3A_508 : memref<1x200x128xf32, #tpu.memory_space<vmem>> -> memref<200x128xf32, #tpu.memory_space<vmem>>
      %dma_wait3A_510 = arith.constant 0 : i32
      %dma_wait3A_511 = arith.constant 0 : i32
      %dma_wait3A_512 = tpu.memref_slice %arg7[%dma_wait3A_510, %dma_wait3A_511] : memref<204800x128xf32, #tpu.memory_space<hbm>> -> memref<200x128xf32, #tpu.memory_space<hbm>>
      %dma_wait3A_513 = tpu.memref_slice %arg13[%dma_wait3A_505] : memref<3x!tpu.dma_semaphore, #tpu.memory_space<semaphore_mem>> -> memref<1x!tpu.dma_semaphore, #tpu.memory_space<semaphore_mem>>
      %dma_wait3A_514 = tpu.memref_squeeze %dma_wait3A_513 : memref<1x!tpu.dma_semaphore, #tpu.memory_space<semaphore_mem>> -> memref<!tpu.dma_semaphore, #tpu.memory_space<semaphore_mem>>
      %dma_wait3A_515 = arith.constant 0 : i32
      %dma_wait3A_516 = arith.constant 0 : i32
      %dma_wait3A_517 = tpu.memref_slice %arg9[%dma_wait3A_504, %dma_wait3A_515, %dma_wait3A_516] : memref<3x200x128xf32, #tpu.memory_space<vmem>> -> memref<1x200x128xf32, #tpu.memory_space<vmem>>
      %dma_wait3A_518 = tpu.memref_squeeze %dma_wait3A_517 : memref<1x200x128xf32, #tpu.memory_space<vmem>> -> memref<200x128xf32, #tpu.memory_space<vmem>>
      %dma_wait3A_519 = arith.constant 0 : i32
      %dma_wait3A_520 = arith.constant 0 : i32
      %dma_wait3A_521 = tpu.memref_slice %arg7[%dma_wait3A_519, %dma_wait3A_520] : memref<204800x128xf32, #tpu.memory_space<hbm>> -> memref<200x128xf32, #tpu.memory_space<hbm>>
      tpu.wait_dma2 semaphore(%dma_wait3A_514 : memref<!tpu.dma_semaphore, #tpu.memory_space<semaphore_mem>>) src(%dma_wait3A_521 : memref<200x128xf32, #tpu.memory_space<hbm>>) dst(%dma_wait3A_518 : memref<200x128xf32, #tpu.memory_space<vmem>>)
      %parallel_loop3A_522 = arith.constant 0 : i32
      %parallel_loop3A_523 = arith.constant 200 : i32
      %parallel_loop3A_524 = arith.constant 1 : i32
      %parallel_loop3A_525:16 = scf.for %parallel_loop3A_545 = %parallel_loop3A_522 to %parallel_loop3A_523 step %parallel_loop3A_524 iter_args(%parallel_loop3A_546 = %parallel_loop3A_430#0, %parallel_loop3A_547 = %parallel_loop3A_430#1, %parallel_loop3A_548 = %parallel_loop3A_430#2, %parallel_loop3A_549 = %parallel_loop3A_430#3, %parallel_loop3A_550 = %parallel_loop3A_430#4, %parallel_loop3A_551 = %parallel_loop3A_430#5, %parallel_loop3A_552 = %parallel_loop3A_430#6, %parallel_loop3A_553 = %parallel_loop3A_430#7, %parallel_loop3A_554 = %parallel_loop3A_430#8, %parallel_loop3A_555 = %parallel_loop3A_430#9, %parallel_loop3A_556 = %parallel_loop3A_430#10, %parallel_loop3A_557 = %parallel_loop3A_430#11, %parallel_loop3A_558 = %parallel_loop3A_430#12, %parallel_loop3A_559 = %parallel_loop3A_430#13, %parallel_loop3A_560 = %parallel_loop3A_430#14, %parallel_loop3A_561 = %parallel_loop3A_430#15) -> (vector<16xf32>, vector<16xf32>, vector<16xf32>, vector<16xf32>, vector<16xf32>, vector<16xf32>, vector<16xf32>, vector<16xf32>, vector<16xf32>, vector<16xf32>, vector<16xf32>, vector<16xf32>, vector<16xf32>, vector<16xf32>, vector<16xf32>, vector<16xf32>)  : i32 {
        %parallel_loop3A_562 = arith.constant 2 : i32
        %parallel_loop3A_563 = arith.index_cast %parallel_loop3A_562 : i32 to index
        %parallel_loop3A_564 = arith.index_cast %parallel_loop3A_545 : i32 to index
        %parallel_loop3A_565 = arith.constant 0 : index
        %parallel_loop3A_566 = tpu.vector_load %arg9[%parallel_loop3A_563, %parallel_loop3A_564, %parallel_loop3A_565] {strides = array<i32>} : memref<3x200x128xf32, #tpu.memory_space<vmem>>, vector<1x1x16xf32>,
        %parallel_loop3A_567 = vector.shape_cast %parallel_loop3A_566 : vector<1x1x16xf32> to vector<16xf32>
        %parallel_loop3A_568 = arith.index_cast %parallel_loop3A_545 : i32 to index
        %parallel_loop3A_569 = arith.constant 0 : index
        %parallel_loop3A_570 = tpu.vector_load %arg10[%parallel_loop3A_568, %parallel_loop3A_569] {strides = array<i32>} : memref<200x128xf32, #tpu.memory_space<vmem>>, vector<1x16xf32>,
        %parallel_loop3A_571 = vector.shape_cast %parallel_loop3A_570 : vector<1x16xf32> to vector<16xf32>
        %parallel_loop3A_572 = arith.addf %parallel_loop3A_567, %parallel_loop3A_571 : vector<16xf32>
        %parallel_loop3A_573 = arith.constant 2 : i32
        %parallel_loop3A_574 = arith.index_cast %parallel_loop3A_573 : i32 to index
        %parallel_loop3A_575 = arith.index_cast %parallel_loop3A_545 : i32 to index
        %parallel_loop3A_576 = arith.constant 16 : index
        %parallel_loop3A_577 = tpu.vector_load %arg9[%parallel_loop3A_574, %parallel_loop3A_575, %parallel_loop3A_576] {strides = array<i32>} : memref<3x200x128xf32, #tpu.memory_space<vmem>>, vector<1x1x16xf32>,
        %parallel_loop3A_578 = vector.shape_cast %parallel_loop3A_577 : vector<1x1x16xf32> to vector<16xf32>
        %parallel_loop3A_579 = arith.index_cast %parallel_loop3A_545 : i32 to index
        %parallel_loop3A_580 = arith.constant 16 : index
        %parallel_loop3A_581 = tpu.vector_load %arg10[%parallel_loop3A_579, %parallel_loop3A_580] {strides = array<i32>} : memref<200x128xf32, #tpu.memory_space<vmem>>, vector<1x16xf32>,
        %parallel_loop3A_582 = vector.shape_cast %parallel_loop3A_581 : vector<1x16xf32> to vector<16xf32>
        %parallel_loop3A_583 = arith.addf %parallel_loop3A_578, %parallel_loop3A_582 : vector<16xf32>
        %parallel_loop3A_584 = arith.constant 2 : i32
        %parallel_loop3A_585 = arith.index_cast %parallel_loop3A_584 : i32 to index
        %parallel_loop3A_586 = arith.index_cast %parallel_loop3A_545 : i32 to index
        %parallel_loop3A_587 = arith.constant 32 : index
        %parallel_loop3A_588 = tpu.vector_load %arg9[%parallel_loop3A_585, %parallel_loop3A_586, %parallel_loop3A_587] {strides = array<i32>} : memref<3x200x128xf32, #tpu.memory_space<vmem>>, vector<1x1x16xf32>,
        %parallel_loop3A_589 = vector.shape_cast %parallel_loop3A_588 : vector<1x1x16xf32> to vector<16xf32>
        %parallel_loop3A_590 = arith.index_cast %parallel_loop3A_545 : i32 to index
        %parallel_loop3A_591 = arith.constant 32 : index
        %parallel_loop3A_592 = tpu.vector_load %arg10[%parallel_loop3A_590, %parallel_loop3A_591] {strides = array<i32>} : memref<200x128xf32, #tpu.memory_space<vmem>>, vector<1x16xf32>,
        %parallel_loop3A_593 = vector.shape_cast %parallel_loop3A_592 : vector<1x16xf32> to vector<16xf32>
        %parallel_loop3A_594 = arith.addf %parallel_loop3A_589, %parallel_loop3A_593 : vector<16xf32>
        %parallel_loop3A_595 = arith.constant 2 : i32
        %parallel_loop3A_596 = arith.index_cast %parallel_loop3A_595 : i32 to index
        %parallel_loop3A_597 = arith.index_cast %parallel_loop3A_545 : i32 to index
        %parallel_loop3A_598 = arith.constant 48 : index
        %parallel_loop3A_599 = tpu.vector_load %arg9[%parallel_loop3A_596, %parallel_loop3A_597, %parallel_loop3A_598] {strides = array<i32>} : memref<3x200x128xf32, #tpu.memory_space<vmem>>, vector<1x1x16xf32>,
        %parallel_loop3A_600 = vector.shape_cast %parallel_loop3A_599 : vector<1x1x16xf32> to vector<16xf32>
        %parallel_loop3A_601 = arith.index_cast %parallel_loop3A_545 : i32 to index
        %parallel_loop3A_602 = arith.constant 48 : index
        %parallel_loop3A_603 = tpu.vector_load %arg10[%parallel_loop3A_601, %parallel_loop3A_602] {strides = array<i32>} : memref<200x128xf32, #tpu.memory_space<vmem>>, vector<1x16xf32>,
        %parallel_loop3A_604 = vector.shape_cast %parallel_loop3A_603 : vector<1x16xf32> to vector<16xf32>
        %parallel_loop3A_605 = arith.addf %parallel_loop3A_600, %parallel_loop3A_604 : vector<16xf32>
        %parallel_loop3A_606 = arith.constant 2 : i32
        %parallel_loop3A_607 = arith.index_cast %parallel_loop3A_606 : i32 to index
        %parallel_loop3A_608 = arith.index_cast %parallel_loop3A_545 : i32 to index
        %parallel_loop3A_609 = arith.constant 64 : index
        %parallel_loop3A_610 = tpu.vector_load %arg9[%parallel_loop3A_607, %parallel_loop3A_608, %parallel_loop3A_609] {strides = array<i32>} : memref<3x200x128xf32, #tpu.memory_space<vmem>>, vector<1x1x16xf32>,
        %parallel_loop3A_611 = vector.shape_cast %parallel_loop3A_610 : vector<1x1x16xf32> to vector<16xf32>
        %parallel_loop3A_612 = arith.index_cast %parallel_loop3A_545 : i32 to index
        %parallel_loop3A_613 = arith.constant 64 : index
        %parallel_loop3A_614 = tpu.vector_load %arg10[%parallel_loop3A_612, %parallel_loop3A_613] {strides = array<i32>} : memref<200x128xf32, #tpu.memory_space<vmem>>, vector<1x16xf32>,
        %parallel_loop3A_615 = vector.shape_cast %parallel_loop3A_614 : vector<1x16xf32> to vector<16xf32>
        %parallel_loop3A_616 = arith.addf %parallel_loop3A_611, %parallel_loop3A_615 : vector<16xf32>
        %parallel_loop3A_617 = arith.constant 2 : i32
        %parallel_loop3A_618 = arith.index_cast %parallel_loop3A_617 : i32 to index
        %parallel_loop3A_619 = arith.index_cast %parallel_loop3A_545 : i32 to index
        %parallel_loop3A_620 = arith.constant 80 : index
        %parallel_loop3A_621 = tpu.vector_load %arg9[%parallel_loop3A_618, %parallel_loop3A_619, %parallel_loop3A_620] {strides = array<i32>} : memref<3x200x128xf32, #tpu.memory_space<vmem>>, vector<1x1x16xf32>,
        %parallel_loop3A_622 = vector.shape_cast %parallel_loop3A_621 : vector<1x1x16xf32> to vector<16xf32>
        %parallel_loop3A_623 = arith.index_cast %parallel_loop3A_545 : i32 to index
        %parallel_loop3A_624 = arith.constant 80 : index
        %parallel_loop3A_625 = tpu.vector_load %arg10[%parallel_loop3A_623, %parallel_loop3A_624] {strides = array<i32>} : memref<200x128xf32, #tpu.memory_space<vmem>>, vector<1x16xf32>,
        %parallel_loop3A_626 = vector.shape_cast %parallel_loop3A_625 : vector<1x16xf32> to vector<16xf32>
        %parallel_loop3A_627 = arith.addf %parallel_loop3A_622, %parallel_loop3A_626 : vector<16xf32>
        %parallel_loop3A_628 = arith.constant 2 : i32
        %parallel_loop3A_629 = arith.index_cast %parallel_loop3A_628 : i32 to index
        %parallel_loop3A_630 = arith.index_cast %parallel_loop3A_545 : i32 to index
        %parallel_loop3A_631 = arith.constant 96 : index
        %parallel_loop3A_632 = tpu.vector_load %arg9[%parallel_loop3A_629, %parallel_loop3A_630, %parallel_loop3A_631] {strides = array<i32>} : memref<3x200x128xf32, #tpu.memory_space<vmem>>, vector<1x1x16xf32>,
        %parallel_loop3A_633 = vector.shape_cast %parallel_loop3A_632 : vector<1x1x16xf32> to vector<16xf32>
        %parallel_loop3A_634 = arith.index_cast %parallel_loop3A_545 : i32 to index
        %parallel_loop3A_635 = arith.constant 96 : index
        %parallel_loop3A_636 = tpu.vector_load %arg10[%parallel_loop3A_634, %parallel_loop3A_635] {strides = array<i32>} : memref<200x128xf32, #tpu.memory_space<vmem>>, vector<1x16xf32>,
        %parallel_loop3A_637 = vector.shape_cast %parallel_loop3A_636 : vector<1x16xf32> to vector<16xf32>
        %parallel_loop3A_638 = arith.addf %parallel_loop3A_633, %parallel_loop3A_637 : vector<16xf32>
        %parallel_loop3A_639 = arith.constant 2 : i32
        %parallel_loop3A_640 = arith.index_cast %parallel_loop3A_639 : i32 to index
        %parallel_loop3A_641 = arith.index_cast %parallel_loop3A_545 : i32 to index
        %parallel_loop3A_642 = arith.constant 112 : index
        %parallel_loop3A_643 = tpu.vector_load %arg9[%parallel_loop3A_640, %parallel_loop3A_641, %parallel_loop3A_642] {strides = array<i32>} : memref<3x200x128xf32, #tpu.memory_space<vmem>>, vector<1x1x16xf32>,
        %parallel_loop3A_644 = vector.shape_cast %parallel_loop3A_643 : vector<1x1x16xf32> to vector<16xf32>
        %parallel_loop3A_645 = arith.index_cast %parallel_loop3A_545 : i32 to index
        %parallel_loop3A_646 = arith.constant 112 : index
        %parallel_loop3A_647 = tpu.vector_load %arg10[%parallel_loop3A_645, %parallel_loop3A_646] {strides = array<i32>} : memref<200x128xf32, #tpu.memory_space<vmem>>, vector<1x16xf32>,
        %parallel_loop3A_648 = vector.shape_cast %parallel_loop3A_647 : vector<1x16xf32> to vector<16xf32>
        %parallel_loop3A_649 = arith.addf %parallel_loop3A_644, %parallel_loop3A_648 : vector<16xf32>
        %parallel_loop3A_650 = arith.addf %parallel_loop3A_572, %parallel_loop3A_583 : vector<16xf32>
        %parallel_loop3A_651 = arith.addf %parallel_loop3A_594, %parallel_loop3A_605 : vector<16xf32>
        %parallel_loop3A_652 = arith.addf %parallel_loop3A_650, %parallel_loop3A_651 : vector<16xf32>
        %parallel_loop3A_653 = arith.addf %parallel_loop3A_616, %parallel_loop3A_627 : vector<16xf32>
        %parallel_loop3A_654 = arith.addf %parallel_loop3A_638, %parallel_loop3A_649 : vector<16xf32>
        %parallel_loop3A_655 = arith.addf %parallel_loop3A_653, %parallel_loop3A_654 : vector<16xf32>
        %parallel_loop3A_656 = arith.addf %parallel_loop3A_652, %parallel_loop3A_655 : vector<16xf32>
        %parallel_loop3A_657 = tpu.iota {dimensions = array<i32: 0>} : vector<16xi32>
        %parallel_loop3A_658 = arith.constant 8 : i32
        %parallel_loop3A_659 = vector.broadcast %parallel_loop3A_658 : i32 to vector<16xi32>
        %parallel_loop3A_660 = arith.xori %parallel_loop3A_657, %parallel_loop3A_659 : vector<16xi32>
        %parallel_loop3A_661 = vector.shape_cast %parallel_loop3A_660 : vector<16xi32> to vector<16x1xi32>
        %parallel_loop3A_662 = vector.shape_cast %parallel_loop3A_661 : vector<16x1xi32> to vector<16xi32>
        %parallel_loop3A_663 = tpu.dynamic_gather %parallel_loop3A_656[%parallel_loop3A_662] in [0] : vector<16xf32>, vector<16xi32> -> vector<16xf32>
        %parallel_loop3A_664 = arith.addf %parallel_loop3A_656, %parallel_loop3A_663 : vector<16xf32>
        %parallel_loop3A_665 = arith.constant 4 : i32
        %parallel_loop3A_666 = vector.broadcast %parallel_loop3A_665 : i32 to vector<16xi32>
        %parallel_loop3A_667 = arith.xori %parallel_loop3A_657, %parallel_loop3A_666 : vector<16xi32>
        %parallel_loop3A_668 = vector.shape_cast %parallel_loop3A_667 : vector<16xi32> to vector<16x1xi32>
        %parallel_loop3A_669 = vector.shape_cast %parallel_loop3A_668 : vector<16x1xi32> to vector<16xi32>
        %parallel_loop3A_670 = tpu.dynamic_gather %parallel_loop3A_664[%parallel_loop3A_669] in [0] : vector<16xf32>, vector<16xi32> -> vector<16xf32>
        %parallel_loop3A_671 = arith.addf %parallel_loop3A_664, %parallel_loop3A_670 : vector<16xf32>
        %parallel_loop3A_672 = arith.constant 2 : i32
        %parallel_loop3A_673 = vector.broadcast %parallel_loop3A_672 : i32 to vector<16xi32>
        %parallel_loop3A_674 = arith.xori %parallel_loop3A_657, %parallel_loop3A_673 : vector<16xi32>
        %parallel_loop3A_675 = vector.shape_cast %parallel_loop3A_674 : vector<16xi32> to vector<16x1xi32>
        %parallel_loop3A_676 = vector.shape_cast %parallel_loop3A_675 : vector<16x1xi32> to vector<16xi32>
        %parallel_loop3A_677 = tpu.dynamic_gather %parallel_loop3A_671[%parallel_loop3A_676] in [0] : vector<16xf32>, vector<16xi32> -> vector<16xf32>
        %parallel_loop3A_678 = arith.addf %parallel_loop3A_671, %parallel_loop3A_677 : vector<16xf32>
        %parallel_loop3A_679 = arith.constant 1 : i32
        %parallel_loop3A_680 = vector.broadcast %parallel_loop3A_679 : i32 to vector<16xi32>
        %parallel_loop3A_681 = arith.xori %parallel_loop3A_657, %parallel_loop3A_680 : vector<16xi32>
        %parallel_loop3A_682 = vector.shape_cast %parallel_loop3A_681 : vector<16xi32> to vector<16x1xi32>
        %parallel_loop3A_683 = vector.shape_cast %parallel_loop3A_682 : vector<16x1xi32> to vector<16xi32>
        %parallel_loop3A_684 = tpu.dynamic_gather %parallel_loop3A_678[%parallel_loop3A_683] in [0] : vector<16xf32>, vector<16xi32> -> vector<16xf32>
        %parallel_loop3A_685 = arith.addf %parallel_loop3A_678, %parallel_loop3A_684 : vector<16xf32>
        %parallel_loop3A_686 = arith.mulf %parallel_loop3A_572, %parallel_loop3A_572 : vector<16xf32>
        %parallel_loop3A_687 = arith.mulf %parallel_loop3A_583, %parallel_loop3A_583 : vector<16xf32>
        %parallel_loop3A_688 = arith.addf %parallel_loop3A_686, %parallel_loop3A_687 : vector<16xf32>
        %parallel_loop3A_689 = arith.mulf %parallel_loop3A_594, %parallel_loop3A_594 : vector<16xf32>
        %parallel_loop3A_690 = arith.mulf %parallel_loop3A_605, %parallel_loop3A_605 : vector<16xf32>
        %parallel_loop3A_691 = arith.addf %parallel_loop3A_689, %parallel_loop3A_690 : vector<16xf32>
        %parallel_loop3A_692 = arith.addf %parallel_loop3A_688, %parallel_loop3A_691 : vector<16xf32>
        %parallel_loop3A_693 = arith.mulf %parallel_loop3A_616, %parallel_loop3A_616 : vector<16xf32>
        %parallel_loop3A_694 = arith.mulf %parallel_loop3A_627, %parallel_loop3A_627 : vector<16xf32>
        %parallel_loop3A_695 = arith.addf %parallel_loop3A_693, %parallel_loop3A_694 : vector<16xf32>
        %parallel_loop3A_696 = arith.mulf %parallel_loop3A_638, %parallel_loop3A_638 : vector<16xf32>
        %parallel_loop3A_697 = arith.mulf %parallel_loop3A_649, %parallel_loop3A_649 : vector<16xf32>
        %parallel_loop3A_698 = arith.addf %parallel_loop3A_696, %parallel_loop3A_697 : vector<16xf32>
        %parallel_loop3A_699 = arith.addf %parallel_loop3A_695, %parallel_loop3A_698 : vector<16xf32>
        %parallel_loop3A_700 = arith.addf %parallel_loop3A_692, %parallel_loop3A_699 : vector<16xf32>
        %parallel_loop3A_701 = tpu.iota {dimensions = array<i32: 0>} : vector<16xi32>
        %parallel_loop3A_702 = arith.constant 8 : i32
        %parallel_loop3A_703 = vector.broadcast %parallel_loop3A_702 : i32 to vector<16xi32>
        %parallel_loop3A_704 = arith.xori %parallel_loop3A_701, %parallel_loop3A_703 : vector<16xi32>
        %parallel_loop3A_705 = vector.shape_cast %parallel_loop3A_704 : vector<16xi32> to vector<16x1xi32>
        %parallel_loop3A_706 = vector.shape_cast %parallel_loop3A_705 : vector<16x1xi32> to vector<16xi32>
        %parallel_loop3A_707 = tpu.dynamic_gather %parallel_loop3A_700[%parallel_loop3A_706] in [0] : vector<16xf32>, vector<16xi32> -> vector<16xf32>
        %parallel_loop3A_708 = arith.addf %parallel_loop3A_700, %parallel_loop3A_707 : vector<16xf32>
        %parallel_loop3A_709 = arith.constant 4 : i32
        %parallel_loop3A_710 = vector.broadcast %parallel_loop3A_709 : i32 to vector<16xi32>
        %parallel_loop3A_711 = arith.xori %parallel_loop3A_701, %parallel_loop3A_710 : vector<16xi32>
        %parallel_loop3A_712 = vector.shape_cast %parallel_loop3A_711 : vector<16xi32> to vector<16x1xi32>
        %parallel_loop3A_713 = vector.shape_cast %parallel_loop3A_712 : vector<16x1xi32> to vector<16xi32>
        %parallel_loop3A_714 = tpu.dynamic_gather %parallel_loop3A_708[%parallel_loop3A_713] in [0] : vector<16xf32>, vector<16xi32> -> vector<16xf32>
        %parallel_loop3A_715 = arith.addf %parallel_loop3A_708, %parallel_loop3A_714 : vector<16xf32>
        %parallel_loop3A_716 = arith.constant 2 : i32
        %parallel_loop3A_717 = vector.broadcast %parallel_loop3A_716 : i32 to vector<16xi32>
        %parallel_loop3A_718 = arith.xori %parallel_loop3A_701, %parallel_loop3A_717 : vector<16xi32>
        %parallel_loop3A_719 = vector.shape_cast %parallel_loop3A_718 : vector<16xi32> to vector<16x1xi32>
        %parallel_loop3A_720 = vector.shape_cast %parallel_loop3A_719 : vector<16x1xi32> to vector<16xi32>
        %parallel_loop3A_721 = tpu.dynamic_gather %parallel_loop3A_715[%parallel_loop3A_720] in [0] : vector<16xf32>, vector<16xi32> -> vector<16xf32>
        %parallel_loop3A_722 = arith.addf %parallel_loop3A_715, %parallel_loop3A_721 : vector<16xf32>
        %parallel_loop3A_723 = arith.constant 1 : i32
        %parallel_loop3A_724 = vector.broadcast %parallel_loop3A_723 : i32 to vector<16xi32>
        %parallel_loop3A_725 = arith.xori %parallel_loop3A_701, %parallel_loop3A_724 : vector<16xi32>
        %parallel_loop3A_726 = vector.shape_cast %parallel_loop3A_725 : vector<16xi32> to vector<16x1xi32>
        %parallel_loop3A_727 = vector.shape_cast %parallel_loop3A_726 : vector<16x1xi32> to vector<16xi32>
        %parallel_loop3A_728 = tpu.dynamic_gather %parallel_loop3A_722[%parallel_loop3A_727] in [0] : vector<16xf32>, vector<16xi32> -> vector<16xf32>
        %parallel_loop3A_729 = arith.addf %parallel_loop3A_722, %parallel_loop3A_728 : vector<16xf32>
        %parallel_loop3A_730 = arith.constant 7.812500e-03 : f32
        %parallel_loop3A_731 = vector.broadcast %parallel_loop3A_730 : f32 to vector<16xf32>
        %parallel_loop3A_732 = arith.mulf %parallel_loop3A_685, %parallel_loop3A_731 : vector<16xf32>
        %parallel_loop3A_733 = arith.constant 7.812500e-03 : f32
        %parallel_loop3A_734 = vector.broadcast %parallel_loop3A_733 : f32 to vector<16xf32>
        %parallel_loop3A_735 = arith.mulf %parallel_loop3A_729, %parallel_loop3A_734 : vector<16xf32>
        %parallel_loop3A_736 = arith.mulf %parallel_loop3A_732, %parallel_loop3A_732 : vector<16xf32>
        %parallel_loop3A_737 = arith.subf %parallel_loop3A_735, %parallel_loop3A_736 : vector<16xf32>
        %parallel_loop3A_738 = arith.constant 9.99999974E-6 : f32
        %parallel_loop3A_739 = vector.broadcast %parallel_loop3A_738 : f32 to vector<16xf32>
        %parallel_loop3A_740 = arith.addf %parallel_loop3A_737, %parallel_loop3A_739 : vector<16xf32>
        %parallel_loop3A_741 = tpu.bitcast %parallel_loop3A_740 : vector<16xf32> -> vector<16xi32>
        %parallel_loop3A_742 = arith.constant 1 : i32
        %parallel_loop3A_743 = vector.broadcast %parallel_loop3A_742 : i32 to vector<16xi32>
        %parallel_loop3A_744 = arith.shrsi %parallel_loop3A_741, %parallel_loop3A_743 : vector<16xi32>
        %parallel_loop3A_745 = arith.constant 1597463007 : i32
        %parallel_loop3A_746 = vector.broadcast %parallel_loop3A_745 : i32 to vector<16xi32>
        %parallel_loop3A_747 = arith.subi %parallel_loop3A_746, %parallel_loop3A_744 : vector<16xi32>
        %parallel_loop3A_748 = tpu.bitcast %parallel_loop3A_747 : vector<16xi32> -> vector<16xf32>
        %parallel_loop3A_749 = arith.constant 5.000000e-01 : f32
        %parallel_loop3A_750 = vector.broadcast %parallel_loop3A_749 : f32 to vector<16xf32>
        %parallel_loop3A_751 = arith.mulf %parallel_loop3A_740, %parallel_loop3A_750 : vector<16xf32>
        %parallel_loop3A_752 = arith.mulf %parallel_loop3A_751, %parallel_loop3A_748 : vector<16xf32>
        %parallel_loop3A_753 = arith.mulf %parallel_loop3A_752, %parallel_loop3A_748 : vector<16xf32>
        %parallel_loop3A_754 = arith.constant 1.500000e+00 : f32
        %parallel_loop3A_755 = vector.broadcast %parallel_loop3A_754 : f32 to vector<16xf32>
        %parallel_loop3A_756 = arith.subf %parallel_loop3A_755, %parallel_loop3A_753 : vector<16xf32>
        %parallel_loop3A_757 = arith.mulf %parallel_loop3A_748, %parallel_loop3A_756 : vector<16xf32>
        %parallel_loop3A_758 = arith.subf %parallel_loop3A_572, %parallel_loop3A_732 : vector<16xf32>
        %parallel_loop3A_759 = arith.mulf %parallel_loop3A_758, %parallel_loop3A_757 : vector<16xf32>
        %parallel_loop3A_760 = arith.mulf %parallel_loop3A_759, %parallel_loop3A_546 : vector<16xf32>
        %parallel_loop3A_761 = arith.addf %parallel_loop3A_760, %parallel_loop3A_554 : vector<16xf32>
        %parallel_loop3A_762 = arith.constant 2 : i32
        %parallel_loop3A_763 = arith.index_cast %parallel_loop3A_762 : i32 to index
        %parallel_loop3A_764 = arith.index_cast %parallel_loop3A_545 : i32 to index
        %parallel_loop3A_765 = arith.constant 0 : index
        %parallel_loop3A_766 = tpu.vector_load %arg9[%parallel_loop3A_763, %parallel_loop3A_764, %parallel_loop3A_765] {strides = array<i32>} : memref<3x200x128xf32, #tpu.memory_space<vmem>>, vector<1x1x16xf32>,
        %parallel_loop3A_767 = vector.shape_cast %parallel_loop3A_766 : vector<1x1x16xf32> to vector<16xf32>
        %parallel_loop3A_768 = vector.shape_cast %parallel_loop3A_761 : vector<16xf32> to vector<1x1x16xf32>
        tpu.vector_store %arg9[%parallel_loop3A_763, %parallel_loop3A_764, %parallel_loop3A_765], %parallel_loop3A_768 {strides = array<i32>} : memref<3x200x128xf32, #tpu.memory_space<vmem>>, vector<1x1x16xf32>,
        %parallel_loop3A_769 = arith.subf %parallel_loop3A_583, %parallel_loop3A_732 : vector<16xf32>
        %parallel_loop3A_770 = arith.mulf %parallel_loop3A_769, %parallel_loop3A_757 : vector<16xf32>
        %parallel_loop3A_771 = arith.mulf %parallel_loop3A_770, %parallel_loop3A_547 : vector<16xf32>
        %parallel_loop3A_772 = arith.addf %parallel_loop3A_771, %parallel_loop3A_555 : vector<16xf32>
        %parallel_loop3A_773 = arith.constant 2 : i32
        %parallel_loop3A_774 = arith.index_cast %parallel_loop3A_773 : i32 to index
        %parallel_loop3A_775 = arith.index_cast %parallel_loop3A_545 : i32 to index
        %parallel_loop3A_776 = arith.constant 16 : index
        %parallel_loop3A_777 = tpu.vector_load %arg9[%parallel_loop3A_774, %parallel_loop3A_775, %parallel_loop3A_776] {strides = array<i32>} : memref<3x200x128xf32, #tpu.memory_space<vmem>>, vector<1x1x16xf32>,
        %parallel_loop3A_778 = vector.shape_cast %parallel_loop3A_777 : vector<1x1x16xf32> to vector<16xf32>
        %parallel_loop3A_779 = vector.shape_cast %parallel_loop3A_772 : vector<16xf32> to vector<1x1x16xf32>
        tpu.vector_store %arg9[%parallel_loop3A_774, %parallel_loop3A_775, %parallel_loop3A_776], %parallel_loop3A_779 {strides = array<i32>} : memref<3x200x128xf32, #tpu.memory_space<vmem>>, vector<1x1x16xf32>,
        %parallel_loop3A_780 = arith.subf %parallel_loop3A_594, %parallel_loop3A_732 : vector<16xf32>
        %parallel_loop3A_781 = arith.mulf %parallel_loop3A_780, %parallel_loop3A_757 : vector<16xf32>
        %parallel_loop3A_782 = arith.mulf %parallel_loop3A_781, %parallel_loop3A_548 : vector<16xf32>
        %parallel_loop3A_783 = arith.addf %parallel_loop3A_782, %parallel_loop3A_556 : vector<16xf32>
        %parallel_loop3A_784 = arith.constant 2 : i32
        %parallel_loop3A_785 = arith.index_cast %parallel_loop3A_784 : i32 to index
        %parallel_loop3A_786 = arith.index_cast %parallel_loop3A_545 : i32 to index
        %parallel_loop3A_787 = arith.constant 32 : index
        %parallel_loop3A_788 = tpu.vector_load %arg9[%parallel_loop3A_785, %parallel_loop3A_786, %parallel_loop3A_787] {strides = array<i32>} : memref<3x200x128xf32, #tpu.memory_space<vmem>>, vector<1x1x16xf32>,
        %parallel_loop3A_789 = vector.shape_cast %parallel_loop3A_788 : vector<1x1x16xf32> to vector<16xf32>
        %parallel_loop3A_790 = vector.shape_cast %parallel_loop3A_783 : vector<16xf32> to vector<1x1x16xf32>
        tpu.vector_store %arg9[%parallel_loop3A_785, %parallel_loop3A_786, %parallel_loop3A_787], %parallel_loop3A_790 {strides = array<i32>} : memref<3x200x128xf32, #tpu.memory_space<vmem>>, vector<1x1x16xf32>,
        %parallel_loop3A_791 = arith.subf %parallel_loop3A_605, %parallel_loop3A_732 : vector<16xf32>
        %parallel_loop3A_792 = arith.mulf %parallel_loop3A_791, %parallel_loop3A_757 : vector<16xf32>
        %parallel_loop3A_793 = arith.mulf %parallel_loop3A_792, %parallel_loop3A_549 : vector<16xf32>
        %parallel_loop3A_794 = arith.addf %parallel_loop3A_793, %parallel_loop3A_557 : vector<16xf32>
        %parallel_loop3A_795 = arith.constant 2 : i32
        %parallel_loop3A_796 = arith.index_cast %parallel_loop3A_795 : i32 to index
        %parallel_loop3A_797 = arith.index_cast %parallel_loop3A_545 : i32 to index
        %parallel_loop3A_798 = arith.constant 48 : index
        %parallel_loop3A_799 = tpu.vector_load %arg9[%parallel_loop3A_796, %parallel_loop3A_797, %parallel_loop3A_798] {strides = array<i32>} : memref<3x200x128xf32, #tpu.memory_space<vmem>>, vector<1x1x16xf32>,
        %parallel_loop3A_800 = vector.shape_cast %parallel_loop3A_799 : vector<1x1x16xf32> to vector<16xf32>
        %parallel_loop3A_801 = vector.shape_cast %parallel_loop3A_794 : vector<16xf32> to vector<1x1x16xf32>
        tpu.vector_store %arg9[%parallel_loop3A_796, %parallel_loop3A_797, %parallel_loop3A_798], %parallel_loop3A_801 {strides = array<i32>} : memref<3x200x128xf32, #tpu.memory_space<vmem>>, vector<1x1x16xf32>,
        %parallel_loop3A_802 = arith.subf %parallel_loop3A_616, %parallel_loop3A_732 : vector<16xf32>
        %parallel_loop3A_803 = arith.mulf %parallel_loop3A_802, %parallel_loop3A_757 : vector<16xf32>
        %parallel_loop3A_804 = arith.mulf %parallel_loop3A_803, %parallel_loop3A_550 : vector<16xf32>
        %parallel_loop3A_805 = arith.addf %parallel_loop3A_804, %parallel_loop3A_558 : vector<16xf32>
        %parallel_loop3A_806 = arith.constant 2 : i32
        %parallel_loop3A_807 = arith.index_cast %parallel_loop3A_806 : i32 to index
        %parallel_loop3A_808 = arith.index_cast %parallel_loop3A_545 : i32 to index
        %parallel_loop3A_809 = arith.constant 64 : index
        %parallel_loop3A_810 = tpu.vector_load %arg9[%parallel_loop3A_807, %parallel_loop3A_808, %parallel_loop3A_809] {strides = array<i32>} : memref<3x200x128xf32, #tpu.memory_space<vmem>>, vector<1x1x16xf32>,
        %parallel_loop3A_811 = vector.shape_cast %parallel_loop3A_810 : vector<1x1x16xf32> to vector<16xf32>
        %parallel_loop3A_812 = vector.shape_cast %parallel_loop3A_805 : vector<16xf32> to vector<1x1x16xf32>
        tpu.vector_store %arg9[%parallel_loop3A_807, %parallel_loop3A_808, %parallel_loop3A_809], %parallel_loop3A_812 {strides = array<i32>} : memref<3x200x128xf32, #tpu.memory_space<vmem>>, vector<1x1x16xf32>,
        %parallel_loop3A_813 = arith.subf %parallel_loop3A_627, %parallel_loop3A_732 : vector<16xf32>
        %parallel_loop3A_814 = arith.mulf %parallel_loop3A_813, %parallel_loop3A_757 : vector<16xf32>
        %parallel_loop3A_815 = arith.mulf %parallel_loop3A_814, %parallel_loop3A_551 : vector<16xf32>
        %parallel_loop3A_816 = arith.addf %parallel_loop3A_815, %parallel_loop3A_559 : vector<16xf32>
        %parallel_loop3A_817 = arith.constant 2 : i32
        %parallel_loop3A_818 = arith.index_cast %parallel_loop3A_817 : i32 to index
        %parallel_loop3A_819 = arith.index_cast %parallel_loop3A_545 : i32 to index
        %parallel_loop3A_820 = arith.constant 80 : index
        %parallel_loop3A_821 = tpu.vector_load %arg9[%parallel_loop3A_818, %parallel_loop3A_819, %parallel_loop3A_820] {strides = array<i32>} : memref<3x200x128xf32, #tpu.memory_space<vmem>>, vector<1x1x16xf32>,
        %parallel_loop3A_822 = vector.shape_cast %parallel_loop3A_821 : vector<1x1x16xf32> to vector<16xf32>
        %parallel_loop3A_823 = vector.shape_cast %parallel_loop3A_816 : vector<16xf32> to vector<1x1x16xf32>
        tpu.vector_store %arg9[%parallel_loop3A_818, %parallel_loop3A_819, %parallel_loop3A_820], %parallel_loop3A_823 {strides = array<i32>} : memref<3x200x128xf32, #tpu.memory_space<vmem>>, vector<1x1x16xf32>,
        %parallel_loop3A_824 = arith.subf %parallel_loop3A_638, %parallel_loop3A_732 : vector<16xf32>
        %parallel_loop3A_825 = arith.mulf %parallel_loop3A_824, %parallel_loop3A_757 : vector<16xf32>
        %parallel_loop3A_826 = arith.mulf %parallel_loop3A_825, %parallel_loop3A_552 : vector<16xf32>
        %parallel_loop3A_827 = arith.addf %parallel_loop3A_826, %parallel_loop3A_560 : vector<16xf32>
        %parallel_loop3A_828 = arith.constant 2 : i32
        %parallel_loop3A_829 = arith.index_cast %parallel_loop3A_828 : i32 to index
        %parallel_loop3A_830 = arith.index_cast %parallel_loop3A_545 : i32 to index
        %parallel_loop3A_831 = arith.constant 96 : index
        %parallel_loop3A_832 = tpu.vector_load %arg9[%parallel_loop3A_829, %parallel_loop3A_830, %parallel_loop3A_831] {strides = array<i32>} : memref<3x200x128xf32, #tpu.memory_space<vmem>>, vector<1x1x16xf32>,
        %parallel_loop3A_833 = vector.shape_cast %parallel_loop3A_832 : vector<1x1x16xf32> to vector<16xf32>
        %parallel_loop3A_834 = vector.shape_cast %parallel_loop3A_827 : vector<16xf32> to vector<1x1x16xf32>
        tpu.vector_store %arg9[%parallel_loop3A_829, %parallel_loop3A_830, %parallel_loop3A_831], %parallel_loop3A_834 {strides = array<i32>} : memref<3x200x128xf32, #tpu.memory_space<vmem>>, vector<1x1x16xf32>,
        %parallel_loop3A_835 = arith.subf %parallel_loop3A_649, %parallel_loop3A_732 : vector<16xf32>
        %parallel_loop3A_836 = arith.mulf %parallel_loop3A_835, %parallel_loop3A_757 : vector<16xf32>
        %parallel_loop3A_837 = arith.mulf %parallel_loop3A_836, %parallel_loop3A_553 : vector<16xf32>
        %parallel_loop3A_838 = arith.addf %parallel_loop3A_837, %parallel_loop3A_561 : vector<16xf32>
        %parallel_loop3A_839 = arith.constant 2 : i32
        %parallel_loop3A_840 = arith.index_cast %parallel_loop3A_839 : i32 to index
        %parallel_loop3A_841 = arith.index_cast %parallel_loop3A_545 : i32 to index
        %parallel_loop3A_842 = arith.constant 112 : index
        %parallel_loop3A_843 = tpu.vector_load %arg9[%parallel_loop3A_840, %parallel_loop3A_841, %parallel_loop3A_842] {strides = array<i32>} : memref<3x200x128xf32, #tpu.memory_space<vmem>>, vector<1x1x16xf32>,
        %parallel_loop3A_844 = vector.shape_cast %parallel_loop3A_843 : vector<1x1x16xf32> to vector<16xf32>
        %parallel_loop3A_845 = vector.shape_cast %parallel_loop3A_838 : vector<16xf32> to vector<1x1x16xf32>
        tpu.vector_store %arg9[%parallel_loop3A_840, %parallel_loop3A_841, %parallel_loop3A_842], %parallel_loop3A_845 {strides = array<i32>} : memref<3x200x128xf32, #tpu.memory_space<vmem>>, vector<1x1x16xf32>,
        scf.yield %parallel_loop3A_546, %parallel_loop3A_547, %parallel_loop3A_548, %parallel_loop3A_549, %parallel_loop3A_550, %parallel_loop3A_551, %parallel_loop3A_552, %parallel_loop3A_553, %parallel_loop3A_554, %parallel_loop3A_555, %parallel_loop3A_556, %parallel_loop3A_557, %parallel_loop3A_558, %parallel_loop3A_559, %parallel_loop3A_560, %parallel_loop3A_561 : vector<16xf32>, vector<16xf32>, vector<16xf32>, vector<16xf32>, vector<16xf32>, vector<16xf32>, vector<16xf32>, vector<16xf32>, vector<16xf32>, vector<16xf32>, vector<16xf32>, vector<16xf32>, vector<16xf32>, vector<16xf32>, vector<16xf32>, vector<16xf32>
      } {sc.loop_unroll_factor = 1 : i64, sc.parallel_access}
      %add3A_526 = arith.addi %mul3A_2, %add3A_453 : i32
      %mul3A_527 = arith.constant 200 : i32
      %mul3A_528 = arith.muli %add3A_526, %mul3A_527 : i32
      %dma_start3A_529 = arith.constant 2 : i32
      %dma_start3A_530 = arith.constant 2 : i32
      %dma_start3A_531 = arith.constant 0 : i32
      %dma_start3A_532 = arith.constant 0 : i32
      %dma_start3A_533 = tpu.memref_slice %arg9[%dma_start3A_529, %dma_start3A_531, %dma_start3A_532] : memref<3x200x128xf32, #tpu.memory_space<vmem>> -> memref<1x200x128xf32, #tpu.memory_space<vmem>>
      %dma_start3A_534 = tpu.memref_squeeze %dma_start3A_533 : memref<1x200x128xf32, #tpu.memory_space<vmem>> -> memref<200x128xf32, #tpu.memory_space<vmem>>
      %dma_start3A_535 = arith.constant 0 : i32
      %dma_start3A_536 = tpu.memref_slice %arg7[%mul3A_528, %dma_start3A_535] : memref<204800x128xf32, #tpu.memory_space<hbm>> -> memref<200x128xf32, #tpu.memory_space<hbm>>
      %dma_start3A_537 = tpu.memref_slice %arg14[%dma_start3A_530] : memref<3x!tpu.dma_semaphore, #tpu.memory_space<semaphore_mem>> -> memref<1x!tpu.dma_semaphore, #tpu.memory_space<semaphore_mem>>
      %dma_start3A_538 = tpu.memref_squeeze %dma_start3A_537 : memref<1x!tpu.dma_semaphore, #tpu.memory_space<semaphore_mem>> -> memref<!tpu.dma_semaphore, #tpu.memory_space<semaphore_mem>>
      %dma_start3A_539 = arith.constant 0 : i32
      %dma_start3A_540 = tpu.memref_slice %arg7[%mul3A_528, %dma_start3A_539] : memref<204800x128xf32, #tpu.memory_space<hbm>> -> memref<200x128xf32, #tpu.memory_space<hbm>>
      %dma_start3A_541 = arith.constant 0 : i32
      %dma_start3A_542 = arith.constant 0 : i32
      %dma_start3A_543 = tpu.memref_slice %arg9[%dma_start3A_529, %dma_start3A_541, %dma_start3A_542] : memref<3x200x128xf32, #tpu.memory_space<vmem>> -> memref<1x200x128xf32, #tpu.memory_space<vmem>>
      %dma_start3A_544 = tpu.memref_squeeze %dma_start3A_543 : memref<1x200x128xf32, #tpu.memory_space<vmem>> -> memref<200x128xf32, #tpu.memory_space<vmem>>
      tpu.enqueue_dma source(%dma_start3A_544 : memref<200x128xf32, #tpu.memory_space<vmem>>) target(%dma_start3A_540 : memref<200x128xf32, #tpu.memory_space<hbm>>) target_semaphore(%dma_start3A_538 : memref<!tpu.dma_semaphore, #tpu.memory_space<semaphore_mem>>)
      scf.yield %parallel_loop3A_525#0, %parallel_loop3A_525#1, %parallel_loop3A_525#2, %parallel_loop3A_525#3, %parallel_loop3A_525#4, %parallel_loop3A_525#5, %parallel_loop3A_525#6, %parallel_loop3A_525#7, %parallel_loop3A_525#8, %parallel_loop3A_525#9, %parallel_loop3A_525#10, %parallel_loop3A_525#11, %parallel_loop3A_525#12, %parallel_loop3A_525#13, %parallel_loop3A_525#14, %parallel_loop3A_525#15 : vector<16xf32>, vector<16xf32>, vector<16xf32>, vector<16xf32>, vector<16xf32>, vector<16xf32>, vector<16xf32>, vector<16xf32>, vector<16xf32>, vector<16xf32>, vector<16xf32>, vector<16xf32>, vector<16xf32>, vector<16xf32>, vector<16xf32>, vector<16xf32>
    }
    %scan3A_85 = arith.constant 10 : i32
    %dma_wait3A = arith.constant 1 : i32
    %dma_wait3A_86 = arith.constant 1 : i32
    %dma_wait3A_87 = arith.constant 0 : i32
    %dma_wait3A_88 = arith.constant 0 : i32
    %dma_wait3A_89 = tpu.memref_slice %arg9[%dma_wait3A, %dma_wait3A_87, %dma_wait3A_88] : memref<3x200x128xf32, #tpu.memory_space<vmem>> -> memref<1x200x128xf32, #tpu.memory_space<vmem>>
    %dma_wait3A_90 = tpu.memref_squeeze %dma_wait3A_89 : memref<1x200x128xf32, #tpu.memory_space<vmem>> -> memref<200x128xf32, #tpu.memory_space<vmem>>
    %dma_wait3A_91 = arith.constant 0 : i32
    %dma_wait3A_92 = arith.constant 0 : i32
    %dma_wait3A_93 = tpu.memref_slice %arg7[%dma_wait3A_91, %dma_wait3A_92] : memref<204800x128xf32, #tpu.memory_space<hbm>> -> memref<200x128xf32, #tpu.memory_space<hbm>>
    %dma_wait3A_94 = tpu.memref_slice %arg14[%dma_wait3A_86] : memref<3x!tpu.dma_semaphore, #tpu.memory_space<semaphore_mem>> -> memref<1x!tpu.dma_semaphore, #tpu.memory_space<semaphore_mem>>
    %dma_wait3A_95 = tpu.memref_squeeze %dma_wait3A_94 : memref<1x!tpu.dma_semaphore, #tpu.memory_space<semaphore_mem>> -> memref<!tpu.dma_semaphore, #tpu.memory_space<semaphore_mem>>
    %dma_wait3A_96 = arith.constant 0 : i32
    %dma_wait3A_97 = arith.constant 0 : i32
    %dma_wait3A_98 = tpu.memref_slice %arg7[%dma_wait3A_96, %dma_wait3A_97] : memref<204800x128xf32, #tpu.memory_space<hbm>> -> memref<200x128xf32, #tpu.memory_space<hbm>>
    %dma_wait3A_99 = arith.constant 0 : i32
    %dma_wait3A_100 = arith.constant 0 : i32
    %dma_wait3A_101 = tpu.memref_slice %arg9[%dma_wait3A, %dma_wait3A_99, %dma_wait3A_100] : memref<3x200x128xf32, #tpu.memory_space<vmem>> -> memref<1x200x128xf32, #tpu.memory_space<vmem>>
    %dma_wait3A_102 = tpu.memref_squeeze %dma_wait3A_101 : memref<1x200x128xf32, #tpu.memory_space<vmem>> -> memref<200x128xf32, #tpu.memory_space<vmem>>
    tpu.wait_dma2 semaphore(%dma_wait3A_95 : memref<!tpu.dma_semaphore, #tpu.memory_space<semaphore_mem>>) src(%dma_wait3A_102 : memref<200x128xf32, #tpu.memory_space<vmem>>) dst(%dma_wait3A_98 : memref<200x128xf32, #tpu.memory_space<hbm>>)
    %dma_start3A_103 = arith.constant 31 : i32
    %dma_start3A_104 = arith.constant 0 : i32
    %dma_start3A_105 = arith.constant 1 : i32
    %dma_start3A_106 = arith.constant 1 : i32
    %dma_start3A_107 = arith.constant 0 : i32
    %dma_start3A_108 = arith.constant 0 : i32
    %dma_start3A_109 = tpu.memref_slice %arg9[%dma_start3A_105, %dma_start3A_107, %dma_start3A_108] : memref<3x200x128xf32, #tpu.memory_space<vmem>> -> memref<1x100x128xf32, #tpu.memory_space<vmem>>
    %dma_start3A_110 = tpu.memref_squeeze %dma_start3A_109 : memref<1x100x128xf32, #tpu.memory_space<vmem>> -> memref<100x128xf32, #tpu.memory_space<vmem>>
    %dma_start3A_111 = arith.constant 0 : i32
    %dma_start3A_112 = tpu.memref_slice %arg8[%dma_start3A_103, %dma_start3A_104, %dma_start3A_111] : memref<32x2x100xi32, #tpu.memory_space<vmem>> -> memref<1x1x100xi32, #tpu.memory_space<vmem>>
    %dma_start3A_113 = tpu.memref_squeeze %dma_start3A_112 : memref<1x1x100xi32, #tpu.memory_space<vmem>> -> memref<100xi32, #tpu.memory_space<vmem>>
    %dma_start3A_114 = arith.constant 0 : i32
    %dma_start3A_115 = arith.constant 0 : i32
    %dma_start3A_116 = tpu.memref_slice %arg3[%dma_start3A_114, %dma_start3A_115] : memref<1000000x128xf32, #tpu.memory_space<hbm>> -> memref<1000000x128xf32, #tpu.memory_space<hbm>>
    %dma_start3A_117 = tpu.memref_slice %arg13[%dma_start3A_106] : memref<3x!tpu.dma_semaphore, #tpu.memory_space<semaphore_mem>> -> memref<1x!tpu.dma_semaphore, #tpu.memory_space<semaphore_mem>>
    %dma_start3A_118 = tpu.memref_squeeze %dma_start3A_117 : memref<1x!tpu.dma_semaphore, #tpu.memory_space<semaphore_mem>> -> memref<!tpu.dma_semaphore, #tpu.memory_space<semaphore_mem>>
    tpu.enqueue_indirect_dma source(%dma_start3A_116 : memref<1000000x128xf32, #tpu.memory_space<hbm>>) target(%dma_start3A_110 : memref<100x128xf32, #tpu.memory_space<vmem>>) offsets(%dma_start3A_113 : memref<100xi32, #tpu.memory_space<vmem>>) semaphore(%dma_start3A_118 : memref<!tpu.dma_semaphore, #tpu.memory_space<semaphore_mem>>)
    %dma_start3A_119 = arith.constant 31 : i32
    %dma_start3A_120 = arith.constant 1 : i32
    %dma_start3A_121 = arith.constant 1 : i32
    %dma_start3A_122 = arith.constant 1 : i32
    %dma_start3A_123 = arith.constant 100 : i32
    %dma_start3A_124 = arith.constant 0 : i32
    %dma_start3A_125 = tpu.memref_slice %arg9[%dma_start3A_121, %dma_start3A_123, %dma_start3A_124] : memref<3x200x128xf32, #tpu.memory_space<vmem>> -> memref<1x100x128xf32, #tpu.memory_space<vmem>>
    %dma_start3A_126 = tpu.memref_squeeze %dma_start3A_125 : memref<1x100x128xf32, #tpu.memory_space<vmem>> -> memref<100x128xf32, #tpu.memory_space<vmem>>
    %dma_start3A_127 = arith.constant 0 : i32
    %dma_start3A_128 = tpu.memref_slice %arg8[%dma_start3A_119, %dma_start3A_120, %dma_start3A_127] : memref<32x2x100xi32, #tpu.memory_space<vmem>> -> memref<1x1x100xi32, #tpu.memory_space<vmem>>
    %dma_start3A_129 = tpu.memref_squeeze %dma_start3A_128 : memref<1x1x100xi32, #tpu.memory_space<vmem>> -> memref<100xi32, #tpu.memory_space<vmem>>
    %dma_start3A_130 = arith.constant 0 : i32
    %dma_start3A_131 = arith.constant 0 : i32
    %dma_start3A_132 = tpu.memref_slice %arg3[%dma_start3A_130, %dma_start3A_131] : memref<1000000x128xf32, #tpu.memory_space<hbm>> -> memref<1000000x128xf32, #tpu.memory_space<hbm>>
    %dma_start3A_133 = tpu.memref_slice %arg13[%dma_start3A_122] : memref<3x!tpu.dma_semaphore, #tpu.memory_space<semaphore_mem>> -> memref<1x!tpu.dma_semaphore, #tpu.memory_space<semaphore_mem>>
    %dma_start3A_134 = tpu.memref_squeeze %dma_start3A_133 : memref<1x!tpu.dma_semaphore, #tpu.memory_space<semaphore_mem>> -> memref<!tpu.dma_semaphore, #tpu.memory_space<semaphore_mem>>
    tpu.enqueue_indirect_dma source(%dma_start3A_132 : memref<1000000x128xf32, #tpu.memory_space<hbm>>) target(%dma_start3A_126 : memref<100x128xf32, #tpu.memory_space<vmem>>) offsets(%dma_start3A_129 : memref<100xi32, #tpu.memory_space<vmem>>) semaphore(%dma_start3A_134 : memref<!tpu.dma_semaphore, #tpu.memory_space<semaphore_mem>>)
    %dma_wait3A_135 = arith.constant 0 : i32
    %dma_wait3A_136 = arith.constant 0 : i32
    %dma_wait3A_137 = arith.constant 0 : i32
    %dma_wait3A_138 = arith.constant 0 : i32
    %dma_wait3A_139 = tpu.memref_slice %arg9[%dma_wait3A_135, %dma_wait3A_137, %dma_wait3A_138] : memref<3x200x128xf32, #tpu.memory_space<vmem>> -> memref<1x200x128xf32, #tpu.memory_space<vmem>>
    %dma_wait3A_140 = tpu.memref_squeeze %dma_wait3A_139 : memref<1x200x128xf32, #tpu.memory_space<vmem>> -> memref<200x128xf32, #tpu.memory_space<vmem>>
    %dma_wait3A_141 = arith.constant 0 : i32
    %dma_wait3A_142 = arith.constant 0 : i32
    %dma_wait3A_143 = tpu.memref_slice %arg7[%dma_wait3A_141, %dma_wait3A_142] : memref<204800x128xf32, #tpu.memory_space<hbm>> -> memref<200x128xf32, #tpu.memory_space<hbm>>
    %dma_wait3A_144 = tpu.memref_slice %arg13[%dma_wait3A_136] : memref<3x!tpu.dma_semaphore, #tpu.memory_space<semaphore_mem>> -> memref<1x!tpu.dma_semaphore, #tpu.memory_space<semaphore_mem>>
    %dma_wait3A_145 = tpu.memref_squeeze %dma_wait3A_144 : memref<1x!tpu.dma_semaphore, #tpu.memory_space<semaphore_mem>> -> memref<!tpu.dma_semaphore, #tpu.memory_space<semaphore_mem>>
    %dma_wait3A_146 = arith.constant 0 : i32
    %dma_wait3A_147 = arith.constant 0 : i32
    %dma_wait3A_148 = tpu.memref_slice %arg9[%dma_wait3A_135, %dma_wait3A_146, %dma_wait3A_147] : memref<3x200x128xf32, #tpu.memory_space<vmem>> -> memref<1x200x128xf32, #tpu.memory_space<vmem>>
    %dma_wait3A_149 = tpu.memref_squeeze %dma_wait3A_148 : memref<1x200x128xf32, #tpu.memory_space<vmem>> -> memref<200x128xf32, #tpu.memory_space<vmem>>
    %dma_wait3A_150 = arith.constant 0 : i32
    %dma_wait3A_151 = arith.constant 0 : i32
    %dma_wait3A_152 = tpu.memref_slice %arg7[%dma_wait3A_150, %dma_wait3A_151] : memref<204800x128xf32, #tpu.memory_space<hbm>> -> memref<200x128xf32, #tpu.memory_space<hbm>>
    tpu.wait_dma2 semaphore(%dma_wait3A_145 : memref<!tpu.dma_semaphore, #tpu.memory_space<semaphore_mem>>) src(%dma_wait3A_152 : memref<200x128xf32, #tpu.memory_space<hbm>>) dst(%dma_wait3A_149 : memref<200x128xf32, #tpu.memory_space<vmem>>)
    %parallel_loop3A = arith.constant 0 : i32
    %parallel_loop3A_153 = arith.constant 200 : i32
    %parallel_loop3A_154 = arith.constant 1 : i32
    %parallel_loop3A_155:16 = scf.for %parallel_loop3A_272 = %parallel_loop3A to %parallel_loop3A_153 step %parallel_loop3A_154 iter_args(%parallel_loop3A_273 = %scan3A_84#0, %parallel_loop3A_274 = %scan3A_84#1, %parallel_loop3A_275 = %scan3A_84#2, %parallel_loop3A_276 = %scan3A_84#3, %parallel_loop3A_277 = %scan3A_84#4, %parallel_loop3A_278 = %scan3A_84#5, %parallel_loop3A_279 = %scan3A_84#6, %parallel_loop3A_280 = %scan3A_84#7, %parallel_loop3A_281 = %scan3A_84#8, %parallel_loop3A_282 = %scan3A_84#9, %parallel_loop3A_283 = %scan3A_84#10, %parallel_loop3A_284 = %scan3A_84#11, %parallel_loop3A_285 = %scan3A_84#12, %parallel_loop3A_286 = %scan3A_84#13, %parallel_loop3A_287 = %scan3A_84#14, %parallel_loop3A_288 = %scan3A_84#15) -> (vector<16xf32>, vector<16xf32>, vector<16xf32>, vector<16xf32>, vector<16xf32>, vector<16xf32>, vector<16xf32>, vector<16xf32>, vector<16xf32>, vector<16xf32>, vector<16xf32>, vector<16xf32>, vector<16xf32>, vector<16xf32>, vector<16xf32>, vector<16xf32>)  : i32 {
      %parallel_loop3A_289 = arith.constant 0 : i32
      %parallel_loop3A_290 = arith.index_cast %parallel_loop3A_289 : i32 to index
      %parallel_loop3A_291 = arith.index_cast %parallel_loop3A_272 : i32 to index
      %parallel_loop3A_292 = arith.constant 0 : index
      %parallel_loop3A_293 = tpu.vector_load %arg9[%parallel_loop3A_290, %parallel_loop3A_291, %parallel_loop3A_292] {strides = array<i32>} : memref<3x200x128xf32, #tpu.memory_space<vmem>>, vector<1x1x16xf32>,
      %parallel_loop3A_294 = vector.shape_cast %parallel_loop3A_293 : vector<1x1x16xf32> to vector<16xf32>
      %parallel_loop3A_295 = arith.index_cast %parallel_loop3A_272 : i32 to index
      %parallel_loop3A_296 = arith.constant 0 : index
      %parallel_loop3A_297 = tpu.vector_load %arg10[%parallel_loop3A_295, %parallel_loop3A_296] {strides = array<i32>} : memref<200x128xf32, #tpu.memory_space<vmem>>, vector<1x16xf32>,
      %parallel_loop3A_298 = vector.shape_cast %parallel_loop3A_297 : vector<1x16xf32> to vector<16xf32>
      %parallel_loop3A_299 = arith.addf %parallel_loop3A_294, %parallel_loop3A_298 : vector<16xf32>
      %parallel_loop3A_300 = arith.constant 0 : i32
      %parallel_loop3A_301 = arith.index_cast %parallel_loop3A_300 : i32 to index
      %parallel_loop3A_302 = arith.index_cast %parallel_loop3A_272 : i32 to index
      %parallel_loop3A_303 = arith.constant 16 : index
      %parallel_loop3A_304 = tpu.vector_load %arg9[%parallel_loop3A_301, %parallel_loop3A_302, %parallel_loop3A_303] {strides = array<i32>} : memref<3x200x128xf32, #tpu.memory_space<vmem>>, vector<1x1x16xf32>,
      %parallel_loop3A_305 = vector.shape_cast %parallel_loop3A_304 : vector<1x1x16xf32> to vector<16xf32>
      %parallel_loop3A_306 = arith.index_cast %parallel_loop3A_272 : i32 to index
      %parallel_loop3A_307 = arith.constant 16 : index
      %parallel_loop3A_308 = tpu.vector_load %arg10[%parallel_loop3A_306, %parallel_loop3A_307] {strides = array<i32>} : memref<200x128xf32, #tpu.memory_space<vmem>>, vector<1x16xf32>,
      %parallel_loop3A_309 = vector.shape_cast %parallel_loop3A_308 : vector<1x16xf32> to vector<16xf32>
      %parallel_loop3A_310 = arith.addf %parallel_loop3A_305, %parallel_loop3A_309 : vector<16xf32>
      %parallel_loop3A_311 = arith.constant 0 : i32
      %parallel_loop3A_312 = arith.index_cast %parallel_loop3A_311 : i32 to index
      %parallel_loop3A_313 = arith.index_cast %parallel_loop3A_272 : i32 to index
      %parallel_loop3A_314 = arith.constant 32 : index
      %parallel_loop3A_315 = tpu.vector_load %arg9[%parallel_loop3A_312, %parallel_loop3A_313, %parallel_loop3A_314] {strides = array<i32>} : memref<3x200x128xf32, #tpu.memory_space<vmem>>, vector<1x1x16xf32>,
      %parallel_loop3A_316 = vector.shape_cast %parallel_loop3A_315 : vector<1x1x16xf32> to vector<16xf32>
      %parallel_loop3A_317 = arith.index_cast %parallel_loop3A_272 : i32 to index
      %parallel_loop3A_318 = arith.constant 32 : index
      %parallel_loop3A_319 = tpu.vector_load %arg10[%parallel_loop3A_317, %parallel_loop3A_318] {strides = array<i32>} : memref<200x128xf32, #tpu.memory_space<vmem>>, vector<1x16xf32>,
      %parallel_loop3A_320 = vector.shape_cast %parallel_loop3A_319 : vector<1x16xf32> to vector<16xf32>
      %parallel_loop3A_321 = arith.addf %parallel_loop3A_316, %parallel_loop3A_320 : vector<16xf32>
      %parallel_loop3A_322 = arith.constant 0 : i32
      %parallel_loop3A_323 = arith.index_cast %parallel_loop3A_322 : i32 to index
      %parallel_loop3A_324 = arith.index_cast %parallel_loop3A_272 : i32 to index
      %parallel_loop3A_325 = arith.constant 48 : index
      %parallel_loop3A_326 = tpu.vector_load %arg9[%parallel_loop3A_323, %parallel_loop3A_324, %parallel_loop3A_325] {strides = array<i32>} : memref<3x200x128xf32, #tpu.memory_space<vmem>>, vector<1x1x16xf32>,
      %parallel_loop3A_327 = vector.shape_cast %parallel_loop3A_326 : vector<1x1x16xf32> to vector<16xf32>
      %parallel_loop3A_328 = arith.index_cast %parallel_loop3A_272 : i32 to index
      %parallel_loop3A_329 = arith.constant 48 : index
      %parallel_loop3A_330 = tpu.vector_load %arg10[%parallel_loop3A_328, %parallel_loop3A_329] {strides = array<i32>} : memref<200x128xf32, #tpu.memory_space<vmem>>, vector<1x16xf32>,
      %parallel_loop3A_331 = vector.shape_cast %parallel_loop3A_330 : vector<1x16xf32> to vector<16xf32>
      %parallel_loop3A_332 = arith.addf %parallel_loop3A_327, %parallel_loop3A_331 : vector<16xf32>
      %parallel_loop3A_333 = arith.constant 0 : i32
      %parallel_loop3A_334 = arith.index_cast %parallel_loop3A_333 : i32 to index
      %parallel_loop3A_335 = arith.index_cast %parallel_loop3A_272 : i32 to index
      %parallel_loop3A_336 = arith.constant 64 : index
      %parallel_loop3A_337 = tpu.vector_load %arg9[%parallel_loop3A_334, %parallel_loop3A_335, %parallel_loop3A_336] {strides = array<i32>} : memref<3x200x128xf32, #tpu.memory_space<vmem>>, vector<1x1x16xf32>,
      %parallel_loop3A_338 = vector.shape_cast %parallel_loop3A_337 : vector<1x1x16xf32> to vector<16xf32>
      %parallel_loop3A_339 = arith.index_cast %parallel_loop3A_272 : i32 to index
      %parallel_loop3A_340 = arith.constant 64 : index
      %parallel_loop3A_341 = tpu.vector_load %arg10[%parallel_loop3A_339, %parallel_loop3A_340] {strides = array<i32>} : memref<200x128xf32, #tpu.memory_space<vmem>>, vector<1x16xf32>,
      %parallel_loop3A_342 = vector.shape_cast %parallel_loop3A_341 : vector<1x16xf32> to vector<16xf32>
      %parallel_loop3A_343 = arith.addf %parallel_loop3A_338, %parallel_loop3A_342 : vector<16xf32>
      %parallel_loop3A_344 = arith.constant 0 : i32
      %parallel_loop3A_345 = arith.index_cast %parallel_loop3A_344 : i32 to index
      %parallel_loop3A_346 = arith.index_cast %parallel_loop3A_272 : i32 to index
      %parallel_loop3A_347 = arith.constant 80 : index
      %parallel_loop3A_348 = tpu.vector_load %arg9[%parallel_loop3A_345, %parallel_loop3A_346, %parallel_loop3A_347] {strides = array<i32>} : memref<3x200x128xf32, #tpu.memory_space<vmem>>, vector<1x1x16xf32>,
      %parallel_loop3A_349 = vector.shape_cast %parallel_loop3A_348 : vector<1x1x16xf32> to vector<16xf32>
      %parallel_loop3A_350 = arith.index_cast %parallel_loop3A_272 : i32 to index
      %parallel_loop3A_351 = arith.constant 80 : index
      %parallel_loop3A_352 = tpu.vector_load %arg10[%parallel_loop3A_350, %parallel_loop3A_351] {strides = array<i32>} : memref<200x128xf32, #tpu.memory_space<vmem>>, vector<1x16xf32>,
      %parallel_loop3A_353 = vector.shape_cast %parallel_loop3A_352 : vector<1x16xf32> to vector<16xf32>
      %parallel_loop3A_354 = arith.addf %parallel_loop3A_349, %parallel_loop3A_353 : vector<16xf32>
      %parallel_loop3A_355 = arith.constant 0 : i32
      %parallel_loop3A_356 = arith.index_cast %parallel_loop3A_355 : i32 to index
      %parallel_loop3A_357 = arith.index_cast %parallel_loop3A_272 : i32 to index
      %parallel_loop3A_358 = arith.constant 96 : index
      %parallel_loop3A_359 = tpu.vector_load %arg9[%parallel_loop3A_356, %parallel_loop3A_357, %parallel_loop3A_358] {strides = array<i32>} : memref<3x200x128xf32, #tpu.memory_space<vmem>>, vector<1x1x16xf32>,
      %parallel_loop3A_360 = vector.shape_cast %parallel_loop3A_359 : vector<1x1x16xf32> to vector<16xf32>
      %parallel_loop3A_361 = arith.index_cast %parallel_loop3A_272 : i32 to index
      %parallel_loop3A_362 = arith.constant 96 : index
      %parallel_loop3A_363 = tpu.vector_load %arg10[%parallel_loop3A_361, %parallel_loop3A_362] {strides = array<i32>} : memref<200x128xf32, #tpu.memory_space<vmem>>, vector<1x16xf32>,
      %parallel_loop3A_364 = vector.shape_cast %parallel_loop3A_363 : vector<1x16xf32> to vector<16xf32>
      %parallel_loop3A_365 = arith.addf %parallel_loop3A_360, %parallel_loop3A_364 : vector<16xf32>
      %parallel_loop3A_366 = arith.constant 0 : i32
      %parallel_loop3A_367 = arith.index_cast %parallel_loop3A_366 : i32 to index
      %parallel_loop3A_368 = arith.index_cast %parallel_loop3A_272 : i32 to index
      %parallel_loop3A_369 = arith.constant 112 : index
      %parallel_loop3A_370 = tpu.vector_load %arg9[%parallel_loop3A_367, %parallel_loop3A_368, %parallel_loop3A_369] {strides = array<i32>} : memref<3x200x128xf32, #tpu.memory_space<vmem>>, vector<1x1x16xf32>,
      %parallel_loop3A_371 = vector.shape_cast %parallel_loop3A_370 : vector<1x1x16xf32> to vector<16xf32>
      %parallel_loop3A_372 = arith.index_cast %parallel_loop3A_272 : i32 to index
      %parallel_loop3A_373 = arith.constant 112 : index
      %parallel_loop3A_374 = tpu.vector_load %arg10[%parallel_loop3A_372, %parallel_loop3A_373] {strides = array<i32>} : memref<200x128xf32, #tpu.memory_space<vmem>>, vector<1x16xf32>,
      %parallel_loop3A_375 = vector.shape_cast %parallel_loop3A_374 : vector<1x16xf32> to vector<16xf32>
      %parallel_loop3A_376 = arith.addf %parallel_loop3A_371, %parallel_loop3A_375 : vector<16xf32>
      %parallel_loop3A_377 = arith.addf %parallel_loop3A_299, %parallel_loop3A_310 : vector<16xf32>
      %parallel_loop3A_378 = arith.addf %parallel_loop3A_321, %parallel_loop3A_332 : vector<16xf32>
      %parallel_loop3A_379 = arith.addf %parallel_loop3A_377, %parallel_loop3A_378 : vector<16xf32>
      %parallel_loop3A_380 = arith.addf %parallel_loop3A_343, %parallel_loop3A_354 : vector<16xf32>
      %parallel_loop3A_381 = arith.addf %parallel_loop3A_365, %parallel_loop3A_376 : vector<16xf32>
      %parallel_loop3A_382 = arith.addf %parallel_loop3A_380, %parallel_loop3A_381 : vector<16xf32>
      %parallel_loop3A_383 = arith.addf %parallel_loop3A_379, %parallel_loop3A_382 : vector<16xf32>
      %parallel_loop3A_384 = tpu.iota {dimensions = array<i32: 0>} : vector<16xi32>
      %parallel_loop3A_385 = arith.constant 8 : i32
      %parallel_loop3A_386 = vector.broadcast %parallel_loop3A_385 : i32 to vector<16xi32>
      %parallel_loop3A_387 = arith.xori %parallel_loop3A_384, %parallel_loop3A_386 : vector<16xi32>
      %parallel_loop3A_388 = vector.shape_cast %parallel_loop3A_387 : vector<16xi32> to vector<16x1xi32>
      %parallel_loop3A_389 = vector.shape_cast %parallel_loop3A_388 : vector<16x1xi32> to vector<16xi32>
      %parallel_loop3A_390 = tpu.dynamic_gather %parallel_loop3A_383[%parallel_loop3A_389] in [0] : vector<16xf32>, vector<16xi32> -> vector<16xf32>
      %parallel_loop3A_391 = arith.addf %parallel_loop3A_383, %parallel_loop3A_390 : vector<16xf32>
      %parallel_loop3A_392 = arith.constant 4 : i32
      %parallel_loop3A_393 = vector.broadcast %parallel_loop3A_392 : i32 to vector<16xi32>
      %parallel_loop3A_394 = arith.xori %parallel_loop3A_384, %parallel_loop3A_393 : vector<16xi32>
      %parallel_loop3A_395 = vector.shape_cast %parallel_loop3A_394 : vector<16xi32> to vector<16x1xi32>
      %parallel_loop3A_396 = vector.shape_cast %parallel_loop3A_395 : vector<16x1xi32> to vector<16xi32>
      %parallel_loop3A_397 = tpu.dynamic_gather %parallel_loop3A_391[%parallel_loop3A_396] in [0] : vector<16xf32>, vector<16xi32> -> vector<16xf32>
      %parallel_loop3A_398 = arith.addf %parallel_loop3A_391, %parallel_loop3A_397 : vector<16xf32>
      %parallel_loop3A_399 = arith.constant 2 : i32
      %parallel_loop3A_400 = vector.broadcast %parallel_loop3A_399 : i32 to vector<16xi32>
      %parallel_loop3A_401 = arith.xori %parallel_loop3A_384, %parallel_loop3A_400 : vector<16xi32>
      %parallel_loop3A_402 = vector.shape_cast %parallel_loop3A_401 : vector<16xi32> to vector<16x1xi32>
      %parallel_loop3A_403 = vector.shape_cast %parallel_loop3A_402 : vector<16x1xi32> to vector<16xi32>
      %parallel_loop3A_404 = tpu.dynamic_gather %parallel_loop3A_398[%parallel_loop3A_403] in [0] : vector<16xf32>, vector<16xi32> -> vector<16xf32>
      %parallel_loop3A_405 = arith.addf %parallel_loop3A_398, %parallel_loop3A_404 : vector<16xf32>
      %parallel_loop3A_406 = arith.constant 1 : i32
      %parallel_loop3A_407 = vector.broadcast %parallel_loop3A_406 : i32 to vector<16xi32>
      %parallel_loop3A_408 = arith.xori %parallel_loop3A_384, %parallel_loop3A_407 : vector<16xi32>
      %parallel_loop3A_409 = vector.shape_cast %parallel_loop3A_408 : vector<16xi32> to vector<16x1xi32>
      %parallel_loop3A_410 = vector.shape_cast %parallel_loop3A_409 : vector<16x1xi32> to vector<16xi32>
      %parallel_loop3A_411 = tpu.dynamic_gather %parallel_loop3A_405[%parallel_loop3A_410] in [0] : vector<16xf32>, vector<16xi32> -> vector<16xf32>
      %parallel_loop3A_412 = arith.addf %parallel_loop3A_405, %parallel_loop3A_411 : vector<16xf32>
      %parallel_loop3A_413 = arith.mulf %parallel_loop3A_299, %parallel_loop3A_299 : vector<16xf32>
      %parallel_loop3A_414 = arith.mulf %parallel_loop3A_310, %parallel_loop3A_310 : vector<16xf32>
      %parallel_loop3A_415 = arith.addf %parallel_loop3A_413, %parallel_loop3A_414 : vector<16xf32>
      %parallel_loop3A_416 = arith.mulf %parallel_loop3A_321, %parallel_loop3A_321 : vector<16xf32>
      %parallel_loop3A_417 = arith.mulf %parallel_loop3A_332, %parallel_loop3A_332 : vector<16xf32>
      %parallel_loop3A_418 = arith.addf %parallel_loop3A_416, %parallel_loop3A_417 : vector<16xf32>
      %parallel_loop3A_419 = arith.addf %parallel_loop3A_415, %parallel_loop3A_418 : vector<16xf32>
      %parallel_loop3A_420 = arith.mulf %parallel_loop3A_343, %parallel_loop3A_343 : vector<16xf32>
      %parallel_loop3A_421 = arith.mulf %parallel_loop3A_354, %parallel_loop3A_354 : vector<16xf32>
      %parallel_loop3A_422 = arith.addf %parallel_loop3A_420, %parallel_loop3A_421 : vector<16xf32>
      %parallel_loop3A_423 = arith.mulf %parallel_loop3A_365, %parallel_loop3A_365 : vector<16xf32>
      %parallel_loop3A_424 = arith.mulf %parallel_loop3A_376, %parallel_loop3A_376 : vector<16xf32>
      %parallel_loop3A_425 = arith.addf %parallel_loop3A_423, %parallel_loop3A_424 : vector<16xf32>
      %parallel_loop3A_426 = arith.addf %parallel_loop3A_422, %parallel_loop3A_425 : vector<16xf32>
      %parallel_loop3A_427 = arith.addf %parallel_loop3A_419, %parallel_loop3A_426 : vector<16xf32>
      %parallel_loop3A_428 = tpu.iota {dimensions = array<i32: 0>} : vector<16xi32>
      %parallel_loop3A_429 = arith.constant 8 : i32
      %parallel_loop3A_430 = vector.broadcast %parallel_loop3A_429 : i32 to vector<16xi32>
      %parallel_loop3A_431 = arith.xori %parallel_loop3A_428, %parallel_loop3A_430 : vector<16xi32>
      %parallel_loop3A_432 = vector.shape_cast %parallel_loop3A_431 : vector<16xi32> to vector<16x1xi32>
      %parallel_loop3A_433 = vector.shape_cast %parallel_loop3A_432 : vector<16x1xi32> to vector<16xi32>
      %parallel_loop3A_434 = tpu.dynamic_gather %parallel_loop3A_427[%parallel_loop3A_433] in [0] : vector<16xf32>, vector<16xi32> -> vector<16xf32>
      %parallel_loop3A_435 = arith.addf %parallel_loop3A_427, %parallel_loop3A_434 : vector<16xf32>
      %parallel_loop3A_436 = arith.constant 4 : i32
      %parallel_loop3A_437 = vector.broadcast %parallel_loop3A_436 : i32 to vector<16xi32>
      %parallel_loop3A_438 = arith.xori %parallel_loop3A_428, %parallel_loop3A_437 : vector<16xi32>
      %parallel_loop3A_439 = vector.shape_cast %parallel_loop3A_438 : vector<16xi32> to vector<16x1xi32>
      %parallel_loop3A_440 = vector.shape_cast %parallel_loop3A_439 : vector<16x1xi32> to vector<16xi32>
      %parallel_loop3A_441 = tpu.dynamic_gather %parallel_loop3A_435[%parallel_loop3A_440] in [0] : vector<16xf32>, vector<16xi32> -> vector<16xf32>
      %parallel_loop3A_442 = arith.addf %parallel_loop3A_435, %parallel_loop3A_441 : vector<16xf32>
      %parallel_loop3A_443 = arith.constant 2 : i32
      %parallel_loop3A_444 = vector.broadcast %parallel_loop3A_443 : i32 to vector<16xi32>
      %parallel_loop3A_445 = arith.xori %parallel_loop3A_428, %parallel_loop3A_444 : vector<16xi32>
      %parallel_loop3A_446 = vector.shape_cast %parallel_loop3A_445 : vector<16xi32> to vector<16x1xi32>
      %parallel_loop3A_447 = vector.shape_cast %parallel_loop3A_446 : vector<16x1xi32> to vector<16xi32>
      %parallel_loop3A_448 = tpu.dynamic_gather %parallel_loop3A_442[%parallel_loop3A_447] in [0] : vector<16xf32>, vector<16xi32> -> vector<16xf32>
      %parallel_loop3A_449 = arith.addf %parallel_loop3A_442, %parallel_loop3A_448 : vector<16xf32>
      %parallel_loop3A_450 = arith.constant 1 : i32
      %parallel_loop3A_451 = vector.broadcast %parallel_loop3A_450 : i32 to vector<16xi32>
      %parallel_loop3A_452 = arith.xori %parallel_loop3A_428, %parallel_loop3A_451 : vector<16xi32>
      %parallel_loop3A_453 = vector.shape_cast %parallel_loop3A_452 : vector<16xi32> to vector<16x1xi32>
      %parallel_loop3A_454 = vector.shape_cast %parallel_loop3A_453 : vector<16x1xi32> to vector<16xi32>
      %parallel_loop3A_455 = tpu.dynamic_gather %parallel_loop3A_449[%parallel_loop3A_454] in [0] : vector<16xf32>, vector<16xi32> -> vector<16xf32>
      %parallel_loop3A_456 = arith.addf %parallel_loop3A_449, %parallel_loop3A_455 : vector<16xf32>
      %parallel_loop3A_457 = arith.constant 7.812500e-03 : f32
      %parallel_loop3A_458 = vector.broadcast %parallel_loop3A_457 : f32 to vector<16xf32>
      %parallel_loop3A_459 = arith.mulf %parallel_loop3A_412, %parallel_loop3A_458 : vector<16xf32>
      %parallel_loop3A_460 = arith.constant 7.812500e-03 : f32
      %parallel_loop3A_461 = vector.broadcast %parallel_loop3A_460 : f32 to vector<16xf32>
      %parallel_loop3A_462 = arith.mulf %parallel_loop3A_456, %parallel_loop3A_461 : vector<16xf32>
      %parallel_loop3A_463 = arith.mulf %parallel_loop3A_459, %parallel_loop3A_459 : vector<16xf32>
      %parallel_loop3A_464 = arith.subf %parallel_loop3A_462, %parallel_loop3A_463 : vector<16xf32>
      %parallel_loop3A_465 = arith.constant 9.99999974E-6 : f32
      %parallel_loop3A_466 = vector.broadcast %parallel_loop3A_465 : f32 to vector<16xf32>
      %parallel_loop3A_467 = arith.addf %parallel_loop3A_464, %parallel_loop3A_466 : vector<16xf32>
      %parallel_loop3A_468 = tpu.bitcast %parallel_loop3A_467 : vector<16xf32> -> vector<16xi32>
      %parallel_loop3A_469 = arith.constant 1 : i32
      %parallel_loop3A_470 = vector.broadcast %parallel_loop3A_469 : i32 to vector<16xi32>
      %parallel_loop3A_471 = arith.shrsi %parallel_loop3A_468, %parallel_loop3A_470 : vector<16xi32>
      %parallel_loop3A_472 = arith.constant 1597463007 : i32
      %parallel_loop3A_473 = vector.broadcast %parallel_loop3A_472 : i32 to vector<16xi32>
      %parallel_loop3A_474 = arith.subi %parallel_loop3A_473, %parallel_loop3A_471 : vector<16xi32>
      %parallel_loop3A_475 = tpu.bitcast %parallel_loop3A_474 : vector<16xi32> -> vector<16xf32>
      %parallel_loop3A_476 = arith.constant 5.000000e-01 : f32
      %parallel_loop3A_477 = vector.broadcast %parallel_loop3A_476 : f32 to vector<16xf32>
      %parallel_loop3A_478 = arith.mulf %parallel_loop3A_467, %parallel_loop3A_477 : vector<16xf32>
      %parallel_loop3A_479 = arith.mulf %parallel_loop3A_478, %parallel_loop3A_475 : vector<16xf32>
      %parallel_loop3A_480 = arith.mulf %parallel_loop3A_479, %parallel_loop3A_475 : vector<16xf32>
      %parallel_loop3A_481 = arith.constant 1.500000e+00 : f32
      %parallel_loop3A_482 = vector.broadcast %parallel_loop3A_481 : f32 to vector<16xf32>
      %parallel_loop3A_483 = arith.subf %parallel_loop3A_482, %parallel_loop3A_480 : vector<16xf32>
      %parallel_loop3A_484 = arith.mulf %parallel_loop3A_475, %parallel_loop3A_483 : vector<16xf32>
      %parallel_loop3A_485 = arith.subf %parallel_loop3A_299, %parallel_loop3A_459 : vector<16xf32>
      %parallel_loop3A_486 = arith.mulf %parallel_loop3A_485, %parallel_loop3A_484 : vector<16xf32>
      %parallel_loop3A_487 = arith.mulf %parallel_loop3A_486, %parallel_loop3A_273 : vector<16xf32>
      %parallel_loop3A_488 = arith.addf %parallel_loop3A_487, %parallel_loop3A_281 : vector<16xf32>
      %parallel_loop3A_489 = arith.constant 0 : i32
      %parallel_loop3A_490 = arith.index_cast %parallel_loop3A_489 : i32 to index
      %parallel_loop3A_491 = arith.index_cast %parallel_loop3A_272 : i32 to index
      %parallel_loop3A_492 = arith.constant 0 : index
      %parallel_loop3A_493 = tpu.vector_load %arg9[%parallel_loop3A_490, %parallel_loop3A_491, %parallel_loop3A_492] {strides = array<i32>} : memref<3x200x128xf32, #tpu.memory_space<vmem>>, vector<1x1x16xf32>,
      %parallel_loop3A_494 = vector.shape_cast %parallel_loop3A_493 : vector<1x1x16xf32> to vector<16xf32>
      %parallel_loop3A_495 = vector.shape_cast %parallel_loop3A_488 : vector<16xf32> to vector<1x1x16xf32>
      tpu.vector_store %arg9[%parallel_loop3A_490, %parallel_loop3A_491, %parallel_loop3A_492], %parallel_loop3A_495 {strides = array<i32>} : memref<3x200x128xf32, #tpu.memory_space<vmem>>, vector<1x1x16xf32>,
      %parallel_loop3A_496 = arith.subf %parallel_loop3A_310, %parallel_loop3A_459 : vector<16xf32>
      %parallel_loop3A_497 = arith.mulf %parallel_loop3A_496, %parallel_loop3A_484 : vector<16xf32>
      %parallel_loop3A_498 = arith.mulf %parallel_loop3A_497, %parallel_loop3A_274 : vector<16xf32>
      %parallel_loop3A_499 = arith.addf %parallel_loop3A_498, %parallel_loop3A_282 : vector<16xf32>
      %parallel_loop3A_500 = arith.constant 0 : i32
      %parallel_loop3A_501 = arith.index_cast %parallel_loop3A_500 : i32 to index
      %parallel_loop3A_502 = arith.index_cast %parallel_loop3A_272 : i32 to index
      %parallel_loop3A_503 = arith.constant 16 : index
      %parallel_loop3A_504 = tpu.vector_load %arg9[%parallel_loop3A_501, %parallel_loop3A_502, %parallel_loop3A_503] {strides = array<i32>} : memref<3x200x128xf32, #tpu.memory_space<vmem>>, vector<1x1x16xf32>,
      %parallel_loop3A_505 = vector.shape_cast %parallel_loop3A_504 : vector<1x1x16xf32> to vector<16xf32>
      %parallel_loop3A_506 = vector.shape_cast %parallel_loop3A_499 : vector<16xf32> to vector<1x1x16xf32>
      tpu.vector_store %arg9[%parallel_loop3A_501, %parallel_loop3A_502, %parallel_loop3A_503], %parallel_loop3A_506 {strides = array<i32>} : memref<3x200x128xf32, #tpu.memory_space<vmem>>, vector<1x1x16xf32>,
      %parallel_loop3A_507 = arith.subf %parallel_loop3A_321, %parallel_loop3A_459 : vector<16xf32>
      %parallel_loop3A_508 = arith.mulf %parallel_loop3A_507, %parallel_loop3A_484 : vector<16xf32>
      %parallel_loop3A_509 = arith.mulf %parallel_loop3A_508, %parallel_loop3A_275 : vector<16xf32>
      %parallel_loop3A_510 = arith.addf %parallel_loop3A_509, %parallel_loop3A_283 : vector<16xf32>
      %parallel_loop3A_511 = arith.constant 0 : i32
      %parallel_loop3A_512 = arith.index_cast %parallel_loop3A_511 : i32 to index
      %parallel_loop3A_513 = arith.index_cast %parallel_loop3A_272 : i32 to index
      %parallel_loop3A_514 = arith.constant 32 : index
      %parallel_loop3A_515 = tpu.vector_load %arg9[%parallel_loop3A_512, %parallel_loop3A_513, %parallel_loop3A_514] {strides = array<i32>} : memref<3x200x128xf32, #tpu.memory_space<vmem>>, vector<1x1x16xf32>,
      %parallel_loop3A_516 = vector.shape_cast %parallel_loop3A_515 : vector<1x1x16xf32> to vector<16xf32>
      %parallel_loop3A_517 = vector.shape_cast %parallel_loop3A_510 : vector<16xf32> to vector<1x1x16xf32>
      tpu.vector_store %arg9[%parallel_loop3A_512, %parallel_loop3A_513, %parallel_loop3A_514], %parallel_loop3A_517 {strides = array<i32>} : memref<3x200x128xf32, #tpu.memory_space<vmem>>, vector<1x1x16xf32>,
      %parallel_loop3A_518 = arith.subf %parallel_loop3A_332, %parallel_loop3A_459 : vector<16xf32>
      %parallel_loop3A_519 = arith.mulf %parallel_loop3A_518, %parallel_loop3A_484 : vector<16xf32>
      %parallel_loop3A_520 = arith.mulf %parallel_loop3A_519, %parallel_loop3A_276 : vector<16xf32>
      %parallel_loop3A_521 = arith.addf %parallel_loop3A_520, %parallel_loop3A_284 : vector<16xf32>
      %parallel_loop3A_522 = arith.constant 0 : i32
      %parallel_loop3A_523 = arith.index_cast %parallel_loop3A_522 : i32 to index
      %parallel_loop3A_524 = arith.index_cast %parallel_loop3A_272 : i32 to index
      %parallel_loop3A_525 = arith.constant 48 : index
      %parallel_loop3A_526 = tpu.vector_load %arg9[%parallel_loop3A_523, %parallel_loop3A_524, %parallel_loop3A_525] {strides = array<i32>} : memref<3x200x128xf32, #tpu.memory_space<vmem>>, vector<1x1x16xf32>,
      %parallel_loop3A_527 = vector.shape_cast %parallel_loop3A_526 : vector<1x1x16xf32> to vector<16xf32>
      %parallel_loop3A_528 = vector.shape_cast %parallel_loop3A_521 : vector<16xf32> to vector<1x1x16xf32>
      tpu.vector_store %arg9[%parallel_loop3A_523, %parallel_loop3A_524, %parallel_loop3A_525], %parallel_loop3A_528 {strides = array<i32>} : memref<3x200x128xf32, #tpu.memory_space<vmem>>, vector<1x1x16xf32>,
      %parallel_loop3A_529 = arith.subf %parallel_loop3A_343, %parallel_loop3A_459 : vector<16xf32>
      %parallel_loop3A_530 = arith.mulf %parallel_loop3A_529, %parallel_loop3A_484 : vector<16xf32>
      %parallel_loop3A_531 = arith.mulf %parallel_loop3A_530, %parallel_loop3A_277 : vector<16xf32>
      %parallel_loop3A_532 = arith.addf %parallel_loop3A_531, %parallel_loop3A_285 : vector<16xf32>
      %parallel_loop3A_533 = arith.constant 0 : i32
      %parallel_loop3A_534 = arith.index_cast %parallel_loop3A_533 : i32 to index
      %parallel_loop3A_535 = arith.index_cast %parallel_loop3A_272 : i32 to index
      %parallel_loop3A_536 = arith.constant 64 : index
      %parallel_loop3A_537 = tpu.vector_load %arg9[%parallel_loop3A_534, %parallel_loop3A_535, %parallel_loop3A_536] {strides = array<i32>} : memref<3x200x128xf32, #tpu.memory_space<vmem>>, vector<1x1x16xf32>,
      %parallel_loop3A_538 = vector.shape_cast %parallel_loop3A_537 : vector<1x1x16xf32> to vector<16xf32>
      %parallel_loop3A_539 = vector.shape_cast %parallel_loop3A_532 : vector<16xf32> to vector<1x1x16xf32>
      tpu.vector_store %arg9[%parallel_loop3A_534, %parallel_loop3A_535, %parallel_loop3A_536], %parallel_loop3A_539 {strides = array<i32>} : memref<3x200x128xf32, #tpu.memory_space<vmem>>, vector<1x1x16xf32>,
      %parallel_loop3A_540 = arith.subf %parallel_loop3A_354, %parallel_loop3A_459 : vector<16xf32>
      %parallel_loop3A_541 = arith.mulf %parallel_loop3A_540, %parallel_loop3A_484 : vector<16xf32>
      %parallel_loop3A_542 = arith.mulf %parallel_loop3A_541, %parallel_loop3A_278 : vector<16xf32>
      %parallel_loop3A_543 = arith.addf %parallel_loop3A_542, %parallel_loop3A_286 : vector<16xf32>
      %parallel_loop3A_544 = arith.constant 0 : i32
      %parallel_loop3A_545 = arith.index_cast %parallel_loop3A_544 : i32 to index
      %parallel_loop3A_546 = arith.index_cast %parallel_loop3A_272 : i32 to index
      %parallel_loop3A_547 = arith.constant 80 : index
      %parallel_loop3A_548 = tpu.vector_load %arg9[%parallel_loop3A_545, %parallel_loop3A_546, %parallel_loop3A_547] {strides = array<i32>} : memref<3x200x128xf32, #tpu.memory_space<vmem>>, vector<1x1x16xf32>,
      %parallel_loop3A_549 = vector.shape_cast %parallel_loop3A_548 : vector<1x1x16xf32> to vector<16xf32>
      %parallel_loop3A_550 = vector.shape_cast %parallel_loop3A_543 : vector<16xf32> to vector<1x1x16xf32>
      tpu.vector_store %arg9[%parallel_loop3A_545, %parallel_loop3A_546, %parallel_loop3A_547], %parallel_loop3A_550 {strides = array<i32>} : memref<3x200x128xf32, #tpu.memory_space<vmem>>, vector<1x1x16xf32>,
      %parallel_loop3A_551 = arith.subf %parallel_loop3A_365, %parallel_loop3A_459 : vector<16xf32>
      %parallel_loop3A_552 = arith.mulf %parallel_loop3A_551, %parallel_loop3A_484 : vector<16xf32>
      %parallel_loop3A_553 = arith.mulf %parallel_loop3A_552, %parallel_loop3A_279 : vector<16xf32>
      %parallel_loop3A_554 = arith.addf %parallel_loop3A_553, %parallel_loop3A_287 : vector<16xf32>
      %parallel_loop3A_555 = arith.constant 0 : i32
      %parallel_loop3A_556 = arith.index_cast %parallel_loop3A_555 : i32 to index
      %parallel_loop3A_557 = arith.index_cast %parallel_loop3A_272 : i32 to index
      %parallel_loop3A_558 = arith.constant 96 : index
      %parallel_loop3A_559 = tpu.vector_load %arg9[%parallel_loop3A_556, %parallel_loop3A_557, %parallel_loop3A_558] {strides = array<i32>} : memref<3x200x128xf32, #tpu.memory_space<vmem>>, vector<1x1x16xf32>,
      %parallel_loop3A_560 = vector.shape_cast %parallel_loop3A_559 : vector<1x1x16xf32> to vector<16xf32>
      %parallel_loop3A_561 = vector.shape_cast %parallel_loop3A_554 : vector<16xf32> to vector<1x1x16xf32>
      tpu.vector_store %arg9[%parallel_loop3A_556, %parallel_loop3A_557, %parallel_loop3A_558], %parallel_loop3A_561 {strides = array<i32>} : memref<3x200x128xf32, #tpu.memory_space<vmem>>, vector<1x1x16xf32>,
      %parallel_loop3A_562 = arith.subf %parallel_loop3A_376, %parallel_loop3A_459 : vector<16xf32>
      %parallel_loop3A_563 = arith.mulf %parallel_loop3A_562, %parallel_loop3A_484 : vector<16xf32>
      %parallel_loop3A_564 = arith.mulf %parallel_loop3A_563, %parallel_loop3A_280 : vector<16xf32>
      %parallel_loop3A_565 = arith.addf %parallel_loop3A_564, %parallel_loop3A_288 : vector<16xf32>
      %parallel_loop3A_566 = arith.constant 0 : i32
      %parallel_loop3A_567 = arith.index_cast %parallel_loop3A_566 : i32 to index
      %parallel_loop3A_568 = arith.index_cast %parallel_loop3A_272 : i32 to index
      %parallel_loop3A_569 = arith.constant 112 : index
      %parallel_loop3A_570 = tpu.vector_load %arg9[%parallel_loop3A_567, %parallel_loop3A_568, %parallel_loop3A_569] {strides = array<i32>} : memref<3x200x128xf32, #tpu.memory_space<vmem>>, vector<1x1x16xf32>,
      %parallel_loop3A_571 = vector.shape_cast %parallel_loop3A_570 : vector<1x1x16xf32> to vector<16xf32>
      %parallel_loop3A_572 = vector.shape_cast %parallel_loop3A_565 : vector<16xf32> to vector<1x1x16xf32>
      tpu.vector_store %arg9[%parallel_loop3A_567, %parallel_loop3A_568, %parallel_loop3A_569], %parallel_loop3A_572 {strides = array<i32>} : memref<3x200x128xf32, #tpu.memory_space<vmem>>, vector<1x1x16xf32>,
      scf.yield %parallel_loop3A_273, %parallel_loop3A_274, %parallel_loop3A_275, %parallel_loop3A_276, %parallel_loop3A_277, %parallel_loop3A_278, %parallel_loop3A_279, %parallel_loop3A_280, %parallel_loop3A_281, %parallel_loop3A_282, %parallel_loop3A_283, %parallel_loop3A_284, %parallel_loop3A_285, %parallel_loop3A_286, %parallel_loop3A_287, %parallel_loop3A_288 : vector<16xf32>, vector<16xf32>, vector<16xf32>, vector<16xf32>, vector<16xf32>, vector<16xf32>, vector<16xf32>, vector<16xf32>, vector<16xf32>, vector<16xf32>, vector<16xf32>, vector<16xf32>, vector<16xf32>, vector<16xf32>, vector<16xf32>, vector<16xf32>
    } {sc.loop_unroll_factor = 1 : i64, sc.parallel_access}
    %add3A_156 = arith.constant 30 : i32
    %add3A_157 = arith.addi %mul3A_2, %add3A_156 : i32
    %mul3A_158 = arith.constant 200 : i32
    %mul3A_159 = arith.muli %add3A_157, %mul3A_158 : i32
    %dma_start3A_160 = arith.constant 0 : i32
    %dma_start3A_161 = arith.constant 0 : i32
    %dma_start3A_162 = arith.constant 0 : i32
    %dma_start3A_163 = arith.constant 0 : i32
    %dma_start3A_164 = tpu.memref_slice %arg9[%dma_start3A_160, %dma_start3A_162, %dma_start3A_163] : memref<3x200x128xf32, #tpu.memory_space<vmem>> -> memref<1x200x128xf32, #tpu.memory_space<vmem>>
    %dma_start3A_165 = tpu.memref_squeeze %dma_start3A_164 : memref<1x200x128xf32, #tpu.memory_space<vmem>> -> memref<200x128xf32, #tpu.memory_space<vmem>>
    %dma_start3A_166 = arith.constant 0 : i32
    %dma_start3A_167 = tpu.memref_slice %arg7[%mul3A_159, %dma_start3A_166] : memref<204800x128xf32, #tpu.memory_space<hbm>> -> memref<200x128xf32, #tpu.memory_space<hbm>>
    %dma_start3A_168 = tpu.memref_slice %arg14[%dma_start3A_161] : memref<3x!tpu.dma_semaphore, #tpu.memory_space<semaphore_mem>> -> memref<1x!tpu.dma_semaphore, #tpu.memory_space<semaphore_mem>>
    %dma_start3A_169 = tpu.memref_squeeze %dma_start3A_168 : memref<1x!tpu.dma_semaphore, #tpu.memory_space<semaphore_mem>> -> memref<!tpu.dma_semaphore, #tpu.memory_space<semaphore_mem>>
    %dma_start3A_170 = arith.constant 0 : i32
    %dma_start3A_171 = tpu.memref_slice %arg7[%mul3A_159, %dma_start3A_170] : memref<204800x128xf32, #tpu.memory_space<hbm>> -> memref<200x128xf32, #tpu.memory_space<hbm>>
    %dma_start3A_172 = arith.constant 0 : i32
    %dma_start3A_173 = arith.constant 0 : i32
    %dma_start3A_174 = tpu.memref_slice %arg9[%dma_start3A_160, %dma_start3A_172, %dma_start3A_173] : memref<3x200x128xf32, #tpu.memory_space<vmem>> -> memref<1x200x128xf32, #tpu.memory_space<vmem>>
    %dma_start3A_175 = tpu.memref_squeeze %dma_start3A_174 : memref<1x200x128xf32, #tpu.memory_space<vmem>> -> memref<200x128xf32, #tpu.memory_space<vmem>>
    tpu.enqueue_dma source(%dma_start3A_175 : memref<200x128xf32, #tpu.memory_space<vmem>>) target(%dma_start3A_171 : memref<200x128xf32, #tpu.memory_space<hbm>>) target_semaphore(%dma_start3A_169 : memref<!tpu.dma_semaphore, #tpu.memory_space<semaphore_mem>>)
    %dma_wait3A_176 = arith.constant 1 : i32
    %dma_wait3A_177 = arith.constant 1 : i32
    %dma_wait3A_178 = arith.constant 0 : i32
    %dma_wait3A_179 = arith.constant 0 : i32
    %dma_wait3A_180 = tpu.memref_slice %arg9[%dma_wait3A_176, %dma_wait3A_178, %dma_wait3A_179] : memref<3x200x128xf32, #tpu.memory_space<vmem>> -> memref<1x200x128xf32, #tpu.memory_space<vmem>>
    %dma_wait3A_181 = tpu.memref_squeeze %dma_wait3A_180 : memref<1x200x128xf32, #tpu.memory_space<vmem>> -> memref<200x128xf32, #tpu.memory_space<vmem>>
    %dma_wait3A_182 = arith.constant 0 : i32
    %dma_wait3A_183 = arith.constant 0 : i32
    %dma_wait3A_184 = tpu.memref_slice %arg7[%dma_wait3A_182, %dma_wait3A_183] : memref<204800x128xf32, #tpu.memory_space<hbm>> -> memref<200x128xf32, #tpu.memory_space<hbm>>
    %dma_wait3A_185 = tpu.memref_slice %arg13[%dma_wait3A_177] : memref<3x!tpu.dma_semaphore, #tpu.memory_space<semaphore_mem>> -> memref<1x!tpu.dma_semaphore, #tpu.memory_space<semaphore_mem>>
    %dma_wait3A_186 = tpu.memref_squeeze %dma_wait3A_185 : memref<1x!tpu.dma_semaphore, #tpu.memory_space<semaphore_mem>> -> memref<!tpu.dma_semaphore, #tpu.memory_space<semaphore_mem>>
    %dma_wait3A_187 = arith.constant 0 : i32
    %dma_wait3A_188 = arith.constant 0 : i32
    %dma_wait3A_189 = tpu.memref_slice %arg9[%dma_wait3A_176, %dma_wait3A_187, %dma_wait3A_188] : memref<3x200x128xf32, #tpu.memory_space<vmem>> -> memref<1x200x128xf32, #tpu.memory_space<vmem>>
    %dma_wait3A_190 = tpu.memref_squeeze %dma_wait3A_189 : memref<1x200x128xf32, #tpu.memory_space<vmem>> -> memref<200x128xf32, #tpu.memory_space<vmem>>
    %dma_wait3A_191 = arith.constant 0 : i32
    %dma_wait3A_192 = arith.constant 0 : i32
    %dma_wait3A_193 = tpu.memref_slice %arg7[%dma_wait3A_191, %dma_wait3A_192] : memref<204800x128xf32, #tpu.memory_space<hbm>> -> memref<200x128xf32, #tpu.memory_space<hbm>>
    tpu.wait_dma2 semaphore(%dma_wait3A_186 : memref<!tpu.dma_semaphore, #tpu.memory_space<semaphore_mem>>) src(%dma_wait3A_193 : memref<200x128xf32, #tpu.memory_space<hbm>>) dst(%dma_wait3A_190 : memref<200x128xf32, #tpu.memory_space<vmem>>)
    %parallel_loop3A_194 = arith.constant 0 : i32
    %parallel_loop3A_195 = arith.constant 200 : i32
    %parallel_loop3A_196 = arith.constant 1 : i32
    %parallel_loop3A_197:16 = scf.for %parallel_loop3A_272 = %parallel_loop3A_194 to %parallel_loop3A_195 step %parallel_loop3A_196 iter_args(%parallel_loop3A_273 = %parallel_loop3A_155#0, %parallel_loop3A_274 = %parallel_loop3A_155#1, %parallel_loop3A_275 = %parallel_loop3A_155#2, %parallel_loop3A_276 = %parallel_loop3A_155#3, %parallel_loop3A_277 = %parallel_loop3A_155#4, %parallel_loop3A_278 = %parallel_loop3A_155#5, %parallel_loop3A_279 = %parallel_loop3A_155#6, %parallel_loop3A_280 = %parallel_loop3A_155#7, %parallel_loop3A_281 = %parallel_loop3A_155#8, %parallel_loop3A_282 = %parallel_loop3A_155#9, %parallel_loop3A_283 = %parallel_loop3A_155#10, %parallel_loop3A_284 = %parallel_loop3A_155#11, %parallel_loop3A_285 = %parallel_loop3A_155#12, %parallel_loop3A_286 = %parallel_loop3A_155#13, %parallel_loop3A_287 = %parallel_loop3A_155#14, %parallel_loop3A_288 = %parallel_loop3A_155#15) -> (vector<16xf32>, vector<16xf32>, vector<16xf32>, vector<16xf32>, vector<16xf32>, vector<16xf32>, vector<16xf32>, vector<16xf32>, vector<16xf32>, vector<16xf32>, vector<16xf32>, vector<16xf32>, vector<16xf32>, vector<16xf32>, vector<16xf32>, vector<16xf32>)  : i32 {
      %parallel_loop3A_289 = arith.constant 1 : i32
      %parallel_loop3A_290 = arith.index_cast %parallel_loop3A_289 : i32 to index
      %parallel_loop3A_291 = arith.index_cast %parallel_loop3A_272 : i32 to index
      %parallel_loop3A_292 = arith.constant 0 : index
      %parallel_loop3A_293 = tpu.vector_load %arg9[%parallel_loop3A_290, %parallel_loop3A_291, %parallel_loop3A_292] {strides = array<i32>} : memref<3x200x128xf32, #tpu.memory_space<vmem>>, vector<1x1x16xf32>,
      %parallel_loop3A_294 = vector.shape_cast %parallel_loop3A_293 : vector<1x1x16xf32> to vector<16xf32>
      %parallel_loop3A_295 = arith.index_cast %parallel_loop3A_272 : i32 to index
      %parallel_loop3A_296 = arith.constant 0 : index
      %parallel_loop3A_297 = tpu.vector_load %arg10[%parallel_loop3A_295, %parallel_loop3A_296] {strides = array<i32>} : memref<200x128xf32, #tpu.memory_space<vmem>>, vector<1x16xf32>,
      %parallel_loop3A_298 = vector.shape_cast %parallel_loop3A_297 : vector<1x16xf32> to vector<16xf32>
      %parallel_loop3A_299 = arith.addf %parallel_loop3A_294, %parallel_loop3A_298 : vector<16xf32>
      %parallel_loop3A_300 = arith.constant 1 : i32
      %parallel_loop3A_301 = arith.index_cast %parallel_loop3A_300 : i32 to index
      %parallel_loop3A_302 = arith.index_cast %parallel_loop3A_272 : i32 to index
      %parallel_loop3A_303 = arith.constant 16 : index
      %parallel_loop3A_304 = tpu.vector_load %arg9[%parallel_loop3A_301, %parallel_loop3A_302, %parallel_loop3A_303] {strides = array<i32>} : memref<3x200x128xf32, #tpu.memory_space<vmem>>, vector<1x1x16xf32>,
      %parallel_loop3A_305 = vector.shape_cast %parallel_loop3A_304 : vector<1x1x16xf32> to vector<16xf32>
      %parallel_loop3A_306 = arith.index_cast %parallel_loop3A_272 : i32 to index
      %parallel_loop3A_307 = arith.constant 16 : index
      %parallel_loop3A_308 = tpu.vector_load %arg10[%parallel_loop3A_306, %parallel_loop3A_307] {strides = array<i32>} : memref<200x128xf32, #tpu.memory_space<vmem>>, vector<1x16xf32>,
      %parallel_loop3A_309 = vector.shape_cast %parallel_loop3A_308 : vector<1x16xf32> to vector<16xf32>
      %parallel_loop3A_310 = arith.addf %parallel_loop3A_305, %parallel_loop3A_309 : vector<16xf32>
      %parallel_loop3A_311 = arith.constant 1 : i32
      %parallel_loop3A_312 = arith.index_cast %parallel_loop3A_311 : i32 to index
      %parallel_loop3A_313 = arith.index_cast %parallel_loop3A_272 : i32 to index
      %parallel_loop3A_314 = arith.constant 32 : index
      %parallel_loop3A_315 = tpu.vector_load %arg9[%parallel_loop3A_312, %parallel_loop3A_313, %parallel_loop3A_314] {strides = array<i32>} : memref<3x200x128xf32, #tpu.memory_space<vmem>>, vector<1x1x16xf32>,
      %parallel_loop3A_316 = vector.shape_cast %parallel_loop3A_315 : vector<1x1x16xf32> to vector<16xf32>
      %parallel_loop3A_317 = arith.index_cast %parallel_loop3A_272 : i32 to index
      %parallel_loop3A_318 = arith.constant 32 : index
      %parallel_loop3A_319 = tpu.vector_load %arg10[%parallel_loop3A_317, %parallel_loop3A_318] {strides = array<i32>} : memref<200x128xf32, #tpu.memory_space<vmem>>, vector<1x16xf32>,
      %parallel_loop3A_320 = vector.shape_cast %parallel_loop3A_319 : vector<1x16xf32> to vector<16xf32>
      %parallel_loop3A_321 = arith.addf %parallel_loop3A_316, %parallel_loop3A_320 : vector<16xf32>
      %parallel_loop3A_322 = arith.constant 1 : i32
      %parallel_loop3A_323 = arith.index_cast %parallel_loop3A_322 : i32 to index
      %parallel_loop3A_324 = arith.index_cast %parallel_loop3A_272 : i32 to index
      %parallel_loop3A_325 = arith.constant 48 : index
      %parallel_loop3A_326 = tpu.vector_load %arg9[%parallel_loop3A_323, %parallel_loop3A_324, %parallel_loop3A_325] {strides = array<i32>} : memref<3x200x128xf32, #tpu.memory_space<vmem>>, vector<1x1x16xf32>,
      %parallel_loop3A_327 = vector.shape_cast %parallel_loop3A_326 : vector<1x1x16xf32> to vector<16xf32>
      %parallel_loop3A_328 = arith.index_cast %parallel_loop3A_272 : i32 to index
      %parallel_loop3A_329 = arith.constant 48 : index
      %parallel_loop3A_330 = tpu.vector_load %arg10[%parallel_loop3A_328, %parallel_loop3A_329] {strides = array<i32>} : memref<200x128xf32, #tpu.memory_space<vmem>>, vector<1x16xf32>,
      %parallel_loop3A_331 = vector.shape_cast %parallel_loop3A_330 : vector<1x16xf32> to vector<16xf32>
      %parallel_loop3A_332 = arith.addf %parallel_loop3A_327, %parallel_loop3A_331 : vector<16xf32>
      %parallel_loop3A_333 = arith.constant 1 : i32
      %parallel_loop3A_334 = arith.index_cast %parallel_loop3A_333 : i32 to index
      %parallel_loop3A_335 = arith.index_cast %parallel_loop3A_272 : i32 to index
      %parallel_loop3A_336 = arith.constant 64 : index
      %parallel_loop3A_337 = tpu.vector_load %arg9[%parallel_loop3A_334, %parallel_loop3A_335, %parallel_loop3A_336] {strides = array<i32>} : memref<3x200x128xf32, #tpu.memory_space<vmem>>, vector<1x1x16xf32>,
      %parallel_loop3A_338 = vector.shape_cast %parallel_loop3A_337 : vector<1x1x16xf32> to vector<16xf32>
      %parallel_loop3A_339 = arith.index_cast %parallel_loop3A_272 : i32 to index
      %parallel_loop3A_340 = arith.constant 64 : index
      %parallel_loop3A_341 = tpu.vector_load %arg10[%parallel_loop3A_339, %parallel_loop3A_340] {strides = array<i32>} : memref<200x128xf32, #tpu.memory_space<vmem>>, vector<1x16xf32>,
      %parallel_loop3A_342 = vector.shape_cast %parallel_loop3A_341 : vector<1x16xf32> to vector<16xf32>
      %parallel_loop3A_343 = arith.addf %parallel_loop3A_338, %parallel_loop3A_342 : vector<16xf32>
      %parallel_loop3A_344 = arith.constant 1 : i32
      %parallel_loop3A_345 = arith.index_cast %parallel_loop3A_344 : i32 to index
      %parallel_loop3A_346 = arith.index_cast %parallel_loop3A_272 : i32 to index
      %parallel_loop3A_347 = arith.constant 80 : index
      %parallel_loop3A_348 = tpu.vector_load %arg9[%parallel_loop3A_345, %parallel_loop3A_346, %parallel_loop3A_347] {strides = array<i32>} : memref<3x200x128xf32, #tpu.memory_space<vmem>>, vector<1x1x16xf32>,
      %parallel_loop3A_349 = vector.shape_cast %parallel_loop3A_348 : vector<1x1x16xf32> to vector<16xf32>
      %parallel_loop3A_350 = arith.index_cast %parallel_loop3A_272 : i32 to index
      %parallel_loop3A_351 = arith.constant 80 : index
      %parallel_loop3A_352 = tpu.vector_load %arg10[%parallel_loop3A_350, %parallel_loop3A_351] {strides = array<i32>} : memref<200x128xf32, #tpu.memory_space<vmem>>, vector<1x16xf32>,
      %parallel_loop3A_353 = vector.shape_cast %parallel_loop3A_352 : vector<1x16xf32> to vector<16xf32>
      %parallel_loop3A_354 = arith.addf %parallel_loop3A_349, %parallel_loop3A_353 : vector<16xf32>
      %parallel_loop3A_355 = arith.constant 1 : i32
      %parallel_loop3A_356 = arith.index_cast %parallel_loop3A_355 : i32 to index
      %parallel_loop3A_357 = arith.index_cast %parallel_loop3A_272 : i32 to index
      %parallel_loop3A_358 = arith.constant 96 : index
      %parallel_loop3A_359 = tpu.vector_load %arg9[%parallel_loop3A_356, %parallel_loop3A_357, %parallel_loop3A_358] {strides = array<i32>} : memref<3x200x128xf32, #tpu.memory_space<vmem>>, vector<1x1x16xf32>,
      %parallel_loop3A_360 = vector.shape_cast %parallel_loop3A_359 : vector<1x1x16xf32> to vector<16xf32>
      %parallel_loop3A_361 = arith.index_cast %parallel_loop3A_272 : i32 to index
      %parallel_loop3A_362 = arith.constant 96 : index
      %parallel_loop3A_363 = tpu.vector_load %arg10[%parallel_loop3A_361, %parallel_loop3A_362] {strides = array<i32>} : memref<200x128xf32, #tpu.memory_space<vmem>>, vector<1x16xf32>,
      %parallel_loop3A_364 = vector.shape_cast %parallel_loop3A_363 : vector<1x16xf32> to vector<16xf32>
      %parallel_loop3A_365 = arith.addf %parallel_loop3A_360, %parallel_loop3A_364 : vector<16xf32>
      %parallel_loop3A_366 = arith.constant 1 : i32
      %parallel_loop3A_367 = arith.index_cast %parallel_loop3A_366 : i32 to index
      %parallel_loop3A_368 = arith.index_cast %parallel_loop3A_272 : i32 to index
      %parallel_loop3A_369 = arith.constant 112 : index
      %parallel_loop3A_370 = tpu.vector_load %arg9[%parallel_loop3A_367, %parallel_loop3A_368, %parallel_loop3A_369] {strides = array<i32>} : memref<3x200x128xf32, #tpu.memory_space<vmem>>, vector<1x1x16xf32>,
      %parallel_loop3A_371 = vector.shape_cast %parallel_loop3A_370 : vector<1x1x16xf32> to vector<16xf32>
      %parallel_loop3A_372 = arith.index_cast %parallel_loop3A_272 : i32 to index
      %parallel_loop3A_373 = arith.constant 112 : index
      %parallel_loop3A_374 = tpu.vector_load %arg10[%parallel_loop3A_372, %parallel_loop3A_373] {strides = array<i32>} : memref<200x128xf32, #tpu.memory_space<vmem>>, vector<1x16xf32>,
      %parallel_loop3A_375 = vector.shape_cast %parallel_loop3A_374 : vector<1x16xf32> to vector<16xf32>
      %parallel_loop3A_376 = arith.addf %parallel_loop3A_371, %parallel_loop3A_375 : vector<16xf32>
      %parallel_loop3A_377 = arith.addf %parallel_loop3A_299, %parallel_loop3A_310 : vector<16xf32>
      %parallel_loop3A_378 = arith.addf %parallel_loop3A_321, %parallel_loop3A_332 : vector<16xf32>
      %parallel_loop3A_379 = arith.addf %parallel_loop3A_377, %parallel_loop3A_378 : vector<16xf32>
      %parallel_loop3A_380 = arith.addf %parallel_loop3A_343, %parallel_loop3A_354 : vector<16xf32>
      %parallel_loop3A_381 = arith.addf %parallel_loop3A_365, %parallel_loop3A_376 : vector<16xf32>
      %parallel_loop3A_382 = arith.addf %parallel_loop3A_380, %parallel_loop3A_381 : vector<16xf32>
      %parallel_loop3A_383 = arith.addf %parallel_loop3A_379, %parallel_loop3A_382 : vector<16xf32>
      %parallel_loop3A_384 = tpu.iota {dimensions = array<i32: 0>} : vector<16xi32>
      %parallel_loop3A_385 = arith.constant 8 : i32
      %parallel_loop3A_386 = vector.broadcast %parallel_loop3A_385 : i32 to vector<16xi32>
      %parallel_loop3A_387 = arith.xori %parallel_loop3A_384, %parallel_loop3A_386 : vector<16xi32>
      %parallel_loop3A_388 = vector.shape_cast %parallel_loop3A_387 : vector<16xi32> to vector<16x1xi32>
      %parallel_loop3A_389 = vector.shape_cast %parallel_loop3A_388 : vector<16x1xi32> to vector<16xi32>
      %parallel_loop3A_390 = tpu.dynamic_gather %parallel_loop3A_383[%parallel_loop3A_389] in [0] : vector<16xf32>, vector<16xi32> -> vector<16xf32>
      %parallel_loop3A_391 = arith.addf %parallel_loop3A_383, %parallel_loop3A_390 : vector<16xf32>
      %parallel_loop3A_392 = arith.constant 4 : i32
      %parallel_loop3A_393 = vector.broadcast %parallel_loop3A_392 : i32 to vector<16xi32>
      %parallel_loop3A_394 = arith.xori %parallel_loop3A_384, %parallel_loop3A_393 : vector<16xi32>
      %parallel_loop3A_395 = vector.shape_cast %parallel_loop3A_394 : vector<16xi32> to vector<16x1xi32>
      %parallel_loop3A_396 = vector.shape_cast %parallel_loop3A_395 : vector<16x1xi32> to vector<16xi32>
      %parallel_loop3A_397 = tpu.dynamic_gather %parallel_loop3A_391[%parallel_loop3A_396] in [0] : vector<16xf32>, vector<16xi32> -> vector<16xf32>
      %parallel_loop3A_398 = arith.addf %parallel_loop3A_391, %parallel_loop3A_397 : vector<16xf32>
      %parallel_loop3A_399 = arith.constant 2 : i32
      %parallel_loop3A_400 = vector.broadcast %parallel_loop3A_399 : i32 to vector<16xi32>
      %parallel_loop3A_401 = arith.xori %parallel_loop3A_384, %parallel_loop3A_400 : vector<16xi32>
      %parallel_loop3A_402 = vector.shape_cast %parallel_loop3A_401 : vector<16xi32> to vector<16x1xi32>
      %parallel_loop3A_403 = vector.shape_cast %parallel_loop3A_402 : vector<16x1xi32> to vector<16xi32>
      %parallel_loop3A_404 = tpu.dynamic_gather %parallel_loop3A_398[%parallel_loop3A_403] in [0] : vector<16xf32>, vector<16xi32> -> vector<16xf32>
      %parallel_loop3A_405 = arith.addf %parallel_loop3A_398, %parallel_loop3A_404 : vector<16xf32>
      %parallel_loop3A_406 = arith.constant 1 : i32
      %parallel_loop3A_407 = vector.broadcast %parallel_loop3A_406 : i32 to vector<16xi32>
      %parallel_loop3A_408 = arith.xori %parallel_loop3A_384, %parallel_loop3A_407 : vector<16xi32>
      %parallel_loop3A_409 = vector.shape_cast %parallel_loop3A_408 : vector<16xi32> to vector<16x1xi32>
      %parallel_loop3A_410 = vector.shape_cast %parallel_loop3A_409 : vector<16x1xi32> to vector<16xi32>
      %parallel_loop3A_411 = tpu.dynamic_gather %parallel_loop3A_405[%parallel_loop3A_410] in [0] : vector<16xf32>, vector<16xi32> -> vector<16xf32>
      %parallel_loop3A_412 = arith.addf %parallel_loop3A_405, %parallel_loop3A_411 : vector<16xf32>
      %parallel_loop3A_413 = arith.mulf %parallel_loop3A_299, %parallel_loop3A_299 : vector<16xf32>
      %parallel_loop3A_414 = arith.mulf %parallel_loop3A_310, %parallel_loop3A_310 : vector<16xf32>
      %parallel_loop3A_415 = arith.addf %parallel_loop3A_413, %parallel_loop3A_414 : vector<16xf32>
      %parallel_loop3A_416 = arith.mulf %parallel_loop3A_321, %parallel_loop3A_321 : vector<16xf32>
      %parallel_loop3A_417 = arith.mulf %parallel_loop3A_332, %parallel_loop3A_332 : vector<16xf32>
      %parallel_loop3A_418 = arith.addf %parallel_loop3A_416, %parallel_loop3A_417 : vector<16xf32>
      %parallel_loop3A_419 = arith.addf %parallel_loop3A_415, %parallel_loop3A_418 : vector<16xf32>
      %parallel_loop3A_420 = arith.mulf %parallel_loop3A_343, %parallel_loop3A_343 : vector<16xf32>
      %parallel_loop3A_421 = arith.mulf %parallel_loop3A_354, %parallel_loop3A_354 : vector<16xf32>
      %parallel_loop3A_422 = arith.addf %parallel_loop3A_420, %parallel_loop3A_421 : vector<16xf32>
      %parallel_loop3A_423 = arith.mulf %parallel_loop3A_365, %parallel_loop3A_365 : vector<16xf32>
      %parallel_loop3A_424 = arith.mulf %parallel_loop3A_376, %parallel_loop3A_376 : vector<16xf32>
      %parallel_loop3A_425 = arith.addf %parallel_loop3A_423, %parallel_loop3A_424 : vector<16xf32>
      %parallel_loop3A_426 = arith.addf %parallel_loop3A_422, %parallel_loop3A_425 : vector<16xf32>
      %parallel_loop3A_427 = arith.addf %parallel_loop3A_419, %parallel_loop3A_426 : vector<16xf32>
      %parallel_loop3A_428 = tpu.iota {dimensions = array<i32: 0>} : vector<16xi32>
      %parallel_loop3A_429 = arith.constant 8 : i32
      %parallel_loop3A_430 = vector.broadcast %parallel_loop3A_429 : i32 to vector<16xi32>
      %parallel_loop3A_431 = arith.xori %parallel_loop3A_428, %parallel_loop3A_430 : vector<16xi32>
      %parallel_loop3A_432 = vector.shape_cast %parallel_loop3A_431 : vector<16xi32> to vector<16x1xi32>
      %parallel_loop3A_433 = vector.shape_cast %parallel_loop3A_432 : vector<16x1xi32> to vector<16xi32>
      %parallel_loop3A_434 = tpu.dynamic_gather %parallel_loop3A_427[%parallel_loop3A_433] in [0] : vector<16xf32>, vector<16xi32> -> vector<16xf32>
      %parallel_loop3A_435 = arith.addf %parallel_loop3A_427, %parallel_loop3A_434 : vector<16xf32>
      %parallel_loop3A_436 = arith.constant 4 : i32
      %parallel_loop3A_437 = vector.broadcast %parallel_loop3A_436 : i32 to vector<16xi32>
      %parallel_loop3A_438 = arith.xori %parallel_loop3A_428, %parallel_loop3A_437 : vector<16xi32>
      %parallel_loop3A_439 = vector.shape_cast %parallel_loop3A_438 : vector<16xi32> to vector<16x1xi32>
      %parallel_loop3A_440 = vector.shape_cast %parallel_loop3A_439 : vector<16x1xi32> to vector<16xi32>
      %parallel_loop3A_441 = tpu.dynamic_gather %parallel_loop3A_435[%parallel_loop3A_440] in [0] : vector<16xf32>, vector<16xi32> -> vector<16xf32>
      %parallel_loop3A_442 = arith.addf %parallel_loop3A_435, %parallel_loop3A_441 : vector<16xf32>
      %parallel_loop3A_443 = arith.constant 2 : i32
      %parallel_loop3A_444 = vector.broadcast %parallel_loop3A_443 : i32 to vector<16xi32>
      %parallel_loop3A_445 = arith.xori %parallel_loop3A_428, %parallel_loop3A_444 : vector<16xi32>
      %parallel_loop3A_446 = vector.shape_cast %parallel_loop3A_445 : vector<16xi32> to vector<16x1xi32>
      %parallel_loop3A_447 = vector.shape_cast %parallel_loop3A_446 : vector<16x1xi32> to vector<16xi32>
      %parallel_loop3A_448 = tpu.dynamic_gather %parallel_loop3A_442[%parallel_loop3A_447] in [0] : vector<16xf32>, vector<16xi32> -> vector<16xf32>
      %parallel_loop3A_449 = arith.addf %parallel_loop3A_442, %parallel_loop3A_448 : vector<16xf32>
      %parallel_loop3A_450 = arith.constant 1 : i32
      %parallel_loop3A_451 = vector.broadcast %parallel_loop3A_450 : i32 to vector<16xi32>
      %parallel_loop3A_452 = arith.xori %parallel_loop3A_428, %parallel_loop3A_451 : vector<16xi32>
      %parallel_loop3A_453 = vector.shape_cast %parallel_loop3A_452 : vector<16xi32> to vector<16x1xi32>
      %parallel_loop3A_454 = vector.shape_cast %parallel_loop3A_453 : vector<16x1xi32> to vector<16xi32>
      %parallel_loop3A_455 = tpu.dynamic_gather %parallel_loop3A_449[%parallel_loop3A_454] in [0] : vector<16xf32>, vector<16xi32> -> vector<16xf32>
      %parallel_loop3A_456 = arith.addf %parallel_loop3A_449, %parallel_loop3A_455 : vector<16xf32>
      %parallel_loop3A_457 = arith.constant 7.812500e-03 : f32
      %parallel_loop3A_458 = vector.broadcast %parallel_loop3A_457 : f32 to vector<16xf32>
      %parallel_loop3A_459 = arith.mulf %parallel_loop3A_412, %parallel_loop3A_458 : vector<16xf32>
      %parallel_loop3A_460 = arith.constant 7.812500e-03 : f32
      %parallel_loop3A_461 = vector.broadcast %parallel_loop3A_460 : f32 to vector<16xf32>
      %parallel_loop3A_462 = arith.mulf %parallel_loop3A_456, %parallel_loop3A_461 : vector<16xf32>
      %parallel_loop3A_463 = arith.mulf %parallel_loop3A_459, %parallel_loop3A_459 : vector<16xf32>
      %parallel_loop3A_464 = arith.subf %parallel_loop3A_462, %parallel_loop3A_463 : vector<16xf32>
      %parallel_loop3A_465 = arith.constant 9.99999974E-6 : f32
      %parallel_loop3A_466 = vector.broadcast %parallel_loop3A_465 : f32 to vector<16xf32>
      %parallel_loop3A_467 = arith.addf %parallel_loop3A_464, %parallel_loop3A_466 : vector<16xf32>
      %parallel_loop3A_468 = tpu.bitcast %parallel_loop3A_467 : vector<16xf32> -> vector<16xi32>
      %parallel_loop3A_469 = arith.constant 1 : i32
      %parallel_loop3A_470 = vector.broadcast %parallel_loop3A_469 : i32 to vector<16xi32>
      %parallel_loop3A_471 = arith.shrsi %parallel_loop3A_468, %parallel_loop3A_470 : vector<16xi32>
      %parallel_loop3A_472 = arith.constant 1597463007 : i32
      %parallel_loop3A_473 = vector.broadcast %parallel_loop3A_472 : i32 to vector<16xi32>
      %parallel_loop3A_474 = arith.subi %parallel_loop3A_473, %parallel_loop3A_471 : vector<16xi32>
      %parallel_loop3A_475 = tpu.bitcast %parallel_loop3A_474 : vector<16xi32> -> vector<16xf32>
      %parallel_loop3A_476 = arith.constant 5.000000e-01 : f32
      %parallel_loop3A_477 = vector.broadcast %parallel_loop3A_476 : f32 to vector<16xf32>
      %parallel_loop3A_478 = arith.mulf %parallel_loop3A_467, %parallel_loop3A_477 : vector<16xf32>
      %parallel_loop3A_479 = arith.mulf %parallel_loop3A_478, %parallel_loop3A_475 : vector<16xf32>
      %parallel_loop3A_480 = arith.mulf %parallel_loop3A_479, %parallel_loop3A_475 : vector<16xf32>
      %parallel_loop3A_481 = arith.constant 1.500000e+00 : f32
      %parallel_loop3A_482 = vector.broadcast %parallel_loop3A_481 : f32 to vector<16xf32>
      %parallel_loop3A_483 = arith.subf %parallel_loop3A_482, %parallel_loop3A_480 : vector<16xf32>
      %parallel_loop3A_484 = arith.mulf %parallel_loop3A_475, %parallel_loop3A_483 : vector<16xf32>
      %parallel_loop3A_485 = arith.subf %parallel_loop3A_299, %parallel_loop3A_459 : vector<16xf32>
      %parallel_loop3A_486 = arith.mulf %parallel_loop3A_485, %parallel_loop3A_484 : vector<16xf32>
      %parallel_loop3A_487 = arith.mulf %parallel_loop3A_486, %parallel_loop3A_273 : vector<16xf32>
      %parallel_loop3A_488 = arith.addf %parallel_loop3A_487, %parallel_loop3A_281 : vector<16xf32>
      %parallel_loop3A_489 = arith.constant 1 : i32
      %parallel_loop3A_490 = arith.index_cast %parallel_loop3A_489 : i32 to index
      %parallel_loop3A_491 = arith.index_cast %parallel_loop3A_272 : i32 to index
      %parallel_loop3A_492 = arith.constant 0 : index
      %parallel_loop3A_493 = tpu.vector_load %arg9[%parallel_loop3A_490, %parallel_loop3A_491, %parallel_loop3A_492] {strides = array<i32>} : memref<3x200x128xf32, #tpu.memory_space<vmem>>, vector<1x1x16xf32>,
      %parallel_loop3A_494 = vector.shape_cast %parallel_loop3A_493 : vector<1x1x16xf32> to vector<16xf32>
      %parallel_loop3A_495 = vector.shape_cast %parallel_loop3A_488 : vector<16xf32> to vector<1x1x16xf32>
      tpu.vector_store %arg9[%parallel_loop3A_490, %parallel_loop3A_491, %parallel_loop3A_492], %parallel_loop3A_495 {strides = array<i32>} : memref<3x200x128xf32, #tpu.memory_space<vmem>>, vector<1x1x16xf32>,
      %parallel_loop3A_496 = arith.subf %parallel_loop3A_310, %parallel_loop3A_459 : vector<16xf32>
      %parallel_loop3A_497 = arith.mulf %parallel_loop3A_496, %parallel_loop3A_484 : vector<16xf32>
      %parallel_loop3A_498 = arith.mulf %parallel_loop3A_497, %parallel_loop3A_274 : vector<16xf32>
      %parallel_loop3A_499 = arith.addf %parallel_loop3A_498, %parallel_loop3A_282 : vector<16xf32>
      %parallel_loop3A_500 = arith.constant 1 : i32
      %parallel_loop3A_501 = arith.index_cast %parallel_loop3A_500 : i32 to index
      %parallel_loop3A_502 = arith.index_cast %parallel_loop3A_272 : i32 to index
      %parallel_loop3A_503 = arith.constant 16 : index
      %parallel_loop3A_504 = tpu.vector_load %arg9[%parallel_loop3A_501, %parallel_loop3A_502, %parallel_loop3A_503] {strides = array<i32>} : memref<3x200x128xf32, #tpu.memory_space<vmem>>, vector<1x1x16xf32>,
      %parallel_loop3A_505 = vector.shape_cast %parallel_loop3A_504 : vector<1x1x16xf32> to vector<16xf32>
      %parallel_loop3A_506 = vector.shape_cast %parallel_loop3A_499 : vector<16xf32> to vector<1x1x16xf32>
      tpu.vector_store %arg9[%parallel_loop3A_501, %parallel_loop3A_502, %parallel_loop3A_503], %parallel_loop3A_506 {strides = array<i32>} : memref<3x200x128xf32, #tpu.memory_space<vmem>>, vector<1x1x16xf32>,
      %parallel_loop3A_507 = arith.subf %parallel_loop3A_321, %parallel_loop3A_459 : vector<16xf32>
      %parallel_loop3A_508 = arith.mulf %parallel_loop3A_507, %parallel_loop3A_484 : vector<16xf32>
      %parallel_loop3A_509 = arith.mulf %parallel_loop3A_508, %parallel_loop3A_275 : vector<16xf32>
      %parallel_loop3A_510 = arith.addf %parallel_loop3A_509, %parallel_loop3A_283 : vector<16xf32>
      %parallel_loop3A_511 = arith.constant 1 : i32
      %parallel_loop3A_512 = arith.index_cast %parallel_loop3A_511 : i32 to index
      %parallel_loop3A_513 = arith.index_cast %parallel_loop3A_272 : i32 to index
      %parallel_loop3A_514 = arith.constant 32 : index
      %parallel_loop3A_515 = tpu.vector_load %arg9[%parallel_loop3A_512, %parallel_loop3A_513, %parallel_loop3A_514] {strides = array<i32>} : memref<3x200x128xf32, #tpu.memory_space<vmem>>, vector<1x1x16xf32>,
      %parallel_loop3A_516 = vector.shape_cast %parallel_loop3A_515 : vector<1x1x16xf32> to vector<16xf32>
      %parallel_loop3A_517 = vector.shape_cast %parallel_loop3A_510 : vector<16xf32> to vector<1x1x16xf32>
      tpu.vector_store %arg9[%parallel_loop3A_512, %parallel_loop3A_513, %parallel_loop3A_514], %parallel_loop3A_517 {strides = array<i32>} : memref<3x200x128xf32, #tpu.memory_space<vmem>>, vector<1x1x16xf32>,
      %parallel_loop3A_518 = arith.subf %parallel_loop3A_332, %parallel_loop3A_459 : vector<16xf32>
      %parallel_loop3A_519 = arith.mulf %parallel_loop3A_518, %parallel_loop3A_484 : vector<16xf32>
      %parallel_loop3A_520 = arith.mulf %parallel_loop3A_519, %parallel_loop3A_276 : vector<16xf32>
      %parallel_loop3A_521 = arith.addf %parallel_loop3A_520, %parallel_loop3A_284 : vector<16xf32>
      %parallel_loop3A_522 = arith.constant 1 : i32
      %parallel_loop3A_523 = arith.index_cast %parallel_loop3A_522 : i32 to index
      %parallel_loop3A_524 = arith.index_cast %parallel_loop3A_272 : i32 to index
      %parallel_loop3A_525 = arith.constant 48 : index
      %parallel_loop3A_526 = tpu.vector_load %arg9[%parallel_loop3A_523, %parallel_loop3A_524, %parallel_loop3A_525] {strides = array<i32>} : memref<3x200x128xf32, #tpu.memory_space<vmem>>, vector<1x1x16xf32>,
      %parallel_loop3A_527 = vector.shape_cast %parallel_loop3A_526 : vector<1x1x16xf32> to vector<16xf32>
      %parallel_loop3A_528 = vector.shape_cast %parallel_loop3A_521 : vector<16xf32> to vector<1x1x16xf32>
      tpu.vector_store %arg9[%parallel_loop3A_523, %parallel_loop3A_524, %parallel_loop3A_525], %parallel_loop3A_528 {strides = array<i32>} : memref<3x200x128xf32, #tpu.memory_space<vmem>>, vector<1x1x16xf32>,
      %parallel_loop3A_529 = arith.subf %parallel_loop3A_343, %parallel_loop3A_459 : vector<16xf32>
      %parallel_loop3A_530 = arith.mulf %parallel_loop3A_529, %parallel_loop3A_484 : vector<16xf32>
      %parallel_loop3A_531 = arith.mulf %parallel_loop3A_530, %parallel_loop3A_277 : vector<16xf32>
      %parallel_loop3A_532 = arith.addf %parallel_loop3A_531, %parallel_loop3A_285 : vector<16xf32>
      %parallel_loop3A_533 = arith.constant 1 : i32
      %parallel_loop3A_534 = arith.index_cast %parallel_loop3A_533 : i32 to index
      %parallel_loop3A_535 = arith.index_cast %parallel_loop3A_272 : i32 to index
      %parallel_loop3A_536 = arith.constant 64 : index
      %parallel_loop3A_537 = tpu.vector_load %arg9[%parallel_loop3A_534, %parallel_loop3A_535, %parallel_loop3A_536] {strides = array<i32>} : memref<3x200x128xf32, #tpu.memory_space<vmem>>, vector<1x1x16xf32>,
      %parallel_loop3A_538 = vector.shape_cast %parallel_loop3A_537 : vector<1x1x16xf32> to vector<16xf32>
      %parallel_loop3A_539 = vector.shape_cast %parallel_loop3A_532 : vector<16xf32> to vector<1x1x16xf32>
      tpu.vector_store %arg9[%parallel_loop3A_534, %parallel_loop3A_535, %parallel_loop3A_536], %parallel_loop3A_539 {strides = array<i32>} : memref<3x200x128xf32, #tpu.memory_space<vmem>>, vector<1x1x16xf32>,
      %parallel_loop3A_540 = arith.subf %parallel_loop3A_354, %parallel_loop3A_459 : vector<16xf32>
      %parallel_loop3A_541 = arith.mulf %parallel_loop3A_540, %parallel_loop3A_484 : vector<16xf32>
      %parallel_loop3A_542 = arith.mulf %parallel_loop3A_541, %parallel_loop3A_278 : vector<16xf32>
      %parallel_loop3A_543 = arith.addf %parallel_loop3A_542, %parallel_loop3A_286 : vector<16xf32>
      %parallel_loop3A_544 = arith.constant 1 : i32
      %parallel_loop3A_545 = arith.index_cast %parallel_loop3A_544 : i32 to index
      %parallel_loop3A_546 = arith.index_cast %parallel_loop3A_272 : i32 to index
      %parallel_loop3A_547 = arith.constant 80 : index
      %parallel_loop3A_548 = tpu.vector_load %arg9[%parallel_loop3A_545, %parallel_loop3A_546, %parallel_loop3A_547] {strides = array<i32>} : memref<3x200x128xf32, #tpu.memory_space<vmem>>, vector<1x1x16xf32>,
      %parallel_loop3A_549 = vector.shape_cast %parallel_loop3A_548 : vector<1x1x16xf32> to vector<16xf32>
      %parallel_loop3A_550 = vector.shape_cast %parallel_loop3A_543 : vector<16xf32> to vector<1x1x16xf32>
      tpu.vector_store %arg9[%parallel_loop3A_545, %parallel_loop3A_546, %parallel_loop3A_547], %parallel_loop3A_550 {strides = array<i32>} : memref<3x200x128xf32, #tpu.memory_space<vmem>>, vector<1x1x16xf32>,
      %parallel_loop3A_551 = arith.subf %parallel_loop3A_365, %parallel_loop3A_459 : vector<16xf32>
      %parallel_loop3A_552 = arith.mulf %parallel_loop3A_551, %parallel_loop3A_484 : vector<16xf32>
      %parallel_loop3A_553 = arith.mulf %parallel_loop3A_552, %parallel_loop3A_279 : vector<16xf32>
      %parallel_loop3A_554 = arith.addf %parallel_loop3A_553, %parallel_loop3A_287 : vector<16xf32>
      %parallel_loop3A_555 = arith.constant 1 : i32
      %parallel_loop3A_556 = arith.index_cast %parallel_loop3A_555 : i32 to index
      %parallel_loop3A_557 = arith.index_cast %parallel_loop3A_272 : i32 to index
      %parallel_loop3A_558 = arith.constant 96 : index
      %parallel_loop3A_559 = tpu.vector_load %arg9[%parallel_loop3A_556, %parallel_loop3A_557, %parallel_loop3A_558] {strides = array<i32>} : memref<3x200x128xf32, #tpu.memory_space<vmem>>, vector<1x1x16xf32>,
      %parallel_loop3A_560 = vector.shape_cast %parallel_loop3A_559 : vector<1x1x16xf32> to vector<16xf32>
      %parallel_loop3A_561 = vector.shape_cast %parallel_loop3A_554 : vector<16xf32> to vector<1x1x16xf32>
      tpu.vector_store %arg9[%parallel_loop3A_556, %parallel_loop3A_557, %parallel_loop3A_558], %parallel_loop3A_561 {strides = array<i32>} : memref<3x200x128xf32, #tpu.memory_space<vmem>>, vector<1x1x16xf32>,
      %parallel_loop3A_562 = arith.subf %parallel_loop3A_376, %parallel_loop3A_459 : vector<16xf32>
      %parallel_loop3A_563 = arith.mulf %parallel_loop3A_562, %parallel_loop3A_484 : vector<16xf32>
      %parallel_loop3A_564 = arith.mulf %parallel_loop3A_563, %parallel_loop3A_280 : vector<16xf32>
      %parallel_loop3A_565 = arith.addf %parallel_loop3A_564, %parallel_loop3A_288 : vector<16xf32>
      %parallel_loop3A_566 = arith.constant 1 : i32
      %parallel_loop3A_567 = arith.index_cast %parallel_loop3A_566 : i32 to index
      %parallel_loop3A_568 = arith.index_cast %parallel_loop3A_272 : i32 to index
      %parallel_loop3A_569 = arith.constant 112 : index
      %parallel_loop3A_570 = tpu.vector_load %arg9[%parallel_loop3A_567, %parallel_loop3A_568, %parallel_loop3A_569] {strides = array<i32>} : memref<3x200x128xf32, #tpu.memory_space<vmem>>, vector<1x1x16xf32>,
      %parallel_loop3A_571 = vector.shape_cast %parallel_loop3A_570 : vector<1x1x16xf32> to vector<16xf32>
      %parallel_loop3A_572 = vector.shape_cast %parallel_loop3A_565 : vector<16xf32> to vector<1x1x16xf32>
      tpu.vector_store %arg9[%parallel_loop3A_567, %parallel_loop3A_568, %parallel_loop3A_569], %parallel_loop3A_572 {strides = array<i32>} : memref<3x200x128xf32, #tpu.memory_space<vmem>>, vector<1x1x16xf32>,
      scf.yield %parallel_loop3A_273, %parallel_loop3A_274, %parallel_loop3A_275, %parallel_loop3A_276, %parallel_loop3A_277, %parallel_loop3A_278, %parallel_loop3A_279, %parallel_loop3A_280, %parallel_loop3A_281, %parallel_loop3A_282, %parallel_loop3A_283, %parallel_loop3A_284, %parallel_loop3A_285, %parallel_loop3A_286, %parallel_loop3A_287, %parallel_loop3A_288 : vector<16xf32>, vector<16xf32>, vector<16xf32>, vector<16xf32>, vector<16xf32>, vector<16xf32>, vector<16xf32>, vector<16xf32>, vector<16xf32>, vector<16xf32>, vector<16xf32>, vector<16xf32>, vector<16xf32>, vector<16xf32>, vector<16xf32>, vector<16xf32>
    } {sc.loop_unroll_factor = 1 : i64, sc.parallel_access}
    %add3A_198 = arith.constant 31 : i32
    %add3A_199 = arith.addi %mul3A_2, %add3A_198 : i32
    %mul3A_200 = arith.constant 200 : i32
    %mul3A_201 = arith.muli %add3A_199, %mul3A_200 : i32
    %dma_start3A_202 = arith.constant 1 : i32
    %dma_start3A_203 = arith.constant 1 : i32
    %dma_start3A_204 = arith.constant 0 : i32
    %dma_start3A_205 = arith.constant 0 : i32
    %dma_start3A_206 = tpu.memref_slice %arg9[%dma_start3A_202, %dma_start3A_204, %dma_start3A_205] : memref<3x200x128xf32, #tpu.memory_space<vmem>> -> memref<1x200x128xf32, #tpu.memory_space<vmem>>
    %dma_start3A_207 = tpu.memref_squeeze %dma_start3A_206 : memref<1x200x128xf32, #tpu.memory_space<vmem>> -> memref<200x128xf32, #tpu.memory_space<vmem>>
    %dma_start3A_208 = arith.constant 0 : i32
    %dma_start3A_209 = tpu.memref_slice %arg7[%mul3A_201, %dma_start3A_208] : memref<204800x128xf32, #tpu.memory_space<hbm>> -> memref<200x128xf32, #tpu.memory_space<hbm>>
    %dma_start3A_210 = tpu.memref_slice %arg14[%dma_start3A_203] : memref<3x!tpu.dma_semaphore, #tpu.memory_space<semaphore_mem>> -> memref<1x!tpu.dma_semaphore, #tpu.memory_space<semaphore_mem>>
    %dma_start3A_211 = tpu.memref_squeeze %dma_start3A_210 : memref<1x!tpu.dma_semaphore, #tpu.memory_space<semaphore_mem>> -> memref<!tpu.dma_semaphore, #tpu.memory_space<semaphore_mem>>
    %dma_start3A_212 = arith.constant 0 : i32
    %dma_start3A_213 = tpu.memref_slice %arg7[%mul3A_201, %dma_start3A_212] : memref<204800x128xf32, #tpu.memory_space<hbm>> -> memref<200x128xf32, #tpu.memory_space<hbm>>
    %dma_start3A_214 = arith.constant 0 : i32
    %dma_start3A_215 = arith.constant 0 : i32
    %dma_start3A_216 = tpu.memref_slice %arg9[%dma_start3A_202, %dma_start3A_214, %dma_start3A_215] : memref<3x200x128xf32, #tpu.memory_space<vmem>> -> memref<1x200x128xf32, #tpu.memory_space<vmem>>
    %dma_start3A_217 = tpu.memref_squeeze %dma_start3A_216 : memref<1x200x128xf32, #tpu.memory_space<vmem>> -> memref<200x128xf32, #tpu.memory_space<vmem>>
    tpu.enqueue_dma source(%dma_start3A_217 : memref<200x128xf32, #tpu.memory_space<vmem>>) target(%dma_start3A_213 : memref<200x128xf32, #tpu.memory_space<hbm>>) target_semaphore(%dma_start3A_211 : memref<!tpu.dma_semaphore, #tpu.memory_space<semaphore_mem>>)
    %dma_wait3A_218 = arith.constant 0 : i32
    %dma_wait3A_219 = arith.constant 0 : i32
    %dma_wait3A_220 = arith.constant 0 : i32
    %dma_wait3A_221 = arith.constant 0 : i32
    %dma_wait3A_222 = tpu.memref_slice %arg9[%dma_wait3A_218, %dma_wait3A_220, %dma_wait3A_221] : memref<3x200x128xf32, #tpu.memory_space<vmem>> -> memref<1x200x128xf32, #tpu.memory_space<vmem>>
    %dma_wait3A_223 = tpu.memref_squeeze %dma_wait3A_222 : memref<1x200x128xf32, #tpu.memory_space<vmem>> -> memref<200x128xf32, #tpu.memory_space<vmem>>
    %dma_wait3A_224 = arith.constant 0 : i32
    %dma_wait3A_225 = arith.constant 0 : i32
    %dma_wait3A_226 = tpu.memref_slice %arg7[%dma_wait3A_224, %dma_wait3A_225] : memref<204800x128xf32, #tpu.memory_space<hbm>> -> memref<200x128xf32, #tpu.memory_space<hbm>>
    %dma_wait3A_227 = tpu.memref_slice %arg14[%dma_wait3A_219] : memref<3x!tpu.dma_semaphore, #tpu.memory_space<semaphore_mem>> -> memref<1x!tpu.dma_semaphore, #tpu.memory_space<semaphore_mem>>
    %dma_wait3A_228 = tpu.memref_squeeze %dma_wait3A_227 : memref<1x!tpu.dma_semaphore, #tpu.memory_space<semaphore_mem>> -> memref<!tpu.dma_semaphore, #tpu.memory_space<semaphore_mem>>
    %dma_wait3A_229 = arith.constant 0 : i32
    %dma_wait3A_230 = arith.constant 0 : i32
    %dma_wait3A_231 = tpu.memref_slice %arg7[%dma_wait3A_229, %dma_wait3A_230] : memref<204800x128xf32, #tpu.memory_space<hbm>> -> memref<200x128xf32, #tpu.memory_space<hbm>>
    %dma_wait3A_232 = arith.constant 0 : i32
    %dma_wait3A_233 = arith.constant 0 : i32
    %dma_wait3A_234 = tpu.memref_slice %arg9[%dma_wait3A_218, %dma_wait3A_232, %dma_wait3A_233] : memref<3x200x128xf32, #tpu.memory_space<vmem>> -> memref<1x200x128xf32, #tpu.memory_space<vmem>>
    %dma_wait3A_235 = tpu.memref_squeeze %dma_wait3A_234 : memref<1x200x128xf32, #tpu.memory_space<vmem>> -> memref<200x128xf32, #tpu.memory_space<vmem>>
    tpu.wait_dma2 semaphore(%dma_wait3A_228 : memref<!tpu.dma_semaphore, #tpu.memory_space<semaphore_mem>>) src(%dma_wait3A_235 : memref<200x128xf32, #tpu.memory_space<vmem>>) dst(%dma_wait3A_231 : memref<200x128xf32, #tpu.memory_space<hbm>>)
    %dma_wait3A_236 = arith.constant 1 : i32
    %dma_wait3A_237 = arith.constant 1 : i32
    %dma_wait3A_238 = arith.constant 0 : i32
    %dma_wait3A_239 = arith.constant 0 : i32
    %dma_wait3A_240 = tpu.memref_slice %arg9[%dma_wait3A_236, %dma_wait3A_238, %dma_wait3A_239] : memref<3x200x128xf32, #tpu.memory_space<vmem>> -> memref<1x200x128xf32, #tpu.memory_space<vmem>>
    %dma_wait3A_241 = tpu.memref_squeeze %dma_wait3A_240 : memref<1x200x128xf32, #tpu.memory_space<vmem>> -> memref<200x128xf32, #tpu.memory_space<vmem>>
    %dma_wait3A_242 = arith.constant 0 : i32
    %dma_wait3A_243 = arith.constant 0 : i32
    %dma_wait3A_244 = tpu.memref_slice %arg7[%dma_wait3A_242, %dma_wait3A_243] : memref<204800x128xf32, #tpu.memory_space<hbm>> -> memref<200x128xf32, #tpu.memory_space<hbm>>
    %dma_wait3A_245 = tpu.memref_slice %arg14[%dma_wait3A_237] : memref<3x!tpu.dma_semaphore, #tpu.memory_space<semaphore_mem>> -> memref<1x!tpu.dma_semaphore, #tpu.memory_space<semaphore_mem>>
    %dma_wait3A_246 = tpu.memref_squeeze %dma_wait3A_245 : memref<1x!tpu.dma_semaphore, #tpu.memory_space<semaphore_mem>> -> memref<!tpu.dma_semaphore, #tpu.memory_space<semaphore_mem>>
    %dma_wait3A_247 = arith.constant 0 : i32
    %dma_wait3A_248 = arith.constant 0 : i32
    %dma_wait3A_249 = tpu.memref_slice %arg7[%dma_wait3A_247, %dma_wait3A_248] : memref<204800x128xf32, #tpu.memory_space<hbm>> -> memref<200x128xf32, #tpu.memory_space<hbm>>
    %dma_wait3A_250 = arith.constant 0 : i32
    %dma_wait3A_251 = arith.constant 0 : i32
    %dma_wait3A_252 = tpu.memref_slice %arg9[%dma_wait3A_236, %dma_wait3A_250, %dma_wait3A_251] : memref<3x200x128xf32, #tpu.memory_space<vmem>> -> memref<1x200x128xf32, #tpu.memory_space<vmem>>
    %dma_wait3A_253 = tpu.memref_squeeze %dma_wait3A_252 : memref<1x200x128xf32, #tpu.memory_space<vmem>> -> memref<200x128xf32, #tpu.memory_space<vmem>>
    tpu.wait_dma2 semaphore(%dma_wait3A_246 : memref<!tpu.dma_semaphore, #tpu.memory_space<semaphore_mem>>) src(%dma_wait3A_253 : memref<200x128xf32, #tpu.memory_space<vmem>>) dst(%dma_wait3A_249 : memref<200x128xf32, #tpu.memory_space<hbm>>)
    %dma_wait3A_254 = arith.constant 2 : i32
    %dma_wait3A_255 = arith.constant 2 : i32
    %dma_wait3A_256 = arith.constant 0 : i32
    %dma_wait3A_257 = arith.constant 0 : i32
    %dma_wait3A_258 = tpu.memref_slice %arg9[%dma_wait3A_254, %dma_wait3A_256, %dma_wait3A_257] : memref<3x200x128xf32, #tpu.memory_space<vmem>> -> memref<1x200x128xf32, #tpu.memory_space<vmem>>
    %dma_wait3A_259 = tpu.memref_squeeze %dma_wait3A_258 : memref<1x200x128xf32, #tpu.memory_space<vmem>> -> memref<200x128xf32, #tpu.memory_space<vmem>>
    %dma_wait3A_260 = arith.constant 0 : i32
    %dma_wait3A_261 = arith.constant 0 : i32
    %dma_wait3A_262 = tpu.memref_slice %arg7[%dma_wait3A_260, %dma_wait3A_261] : memref<204800x128xf32, #tpu.memory_space<hbm>> -> memref<200x128xf32, #tpu.memory_space<hbm>>
    %dma_wait3A_263 = tpu.memref_slice %arg14[%dma_wait3A_255] : memref<3x!tpu.dma_semaphore, #tpu.memory_space<semaphore_mem>> -> memref<1x!tpu.dma_semaphore, #tpu.memory_space<semaphore_mem>>
    %dma_wait3A_264 = tpu.memref_squeeze %dma_wait3A_263 : memref<1x!tpu.dma_semaphore, #tpu.memory_space<semaphore_mem>> -> memref<!tpu.dma_semaphore, #tpu.memory_space<semaphore_mem>>
    %dma_wait3A_265 = arith.constant 0 : i32
    %dma_wait3A_266 = arith.constant 0 : i32
    %dma_wait3A_267 = tpu.memref_slice %arg7[%dma_wait3A_265, %dma_wait3A_266] : memref<204800x128xf32, #tpu.memory_space<hbm>> -> memref<200x128xf32, #tpu.memory_space<hbm>>
    %dma_wait3A_268 = arith.constant 0 : i32
    %dma_wait3A_269 = arith.constant 0 : i32
    %dma_wait3A_270 = tpu.memref_slice %arg9[%dma_wait3A_254, %dma_wait3A_268, %dma_wait3A_269] : memref<3x200x128xf32, #tpu.memory_space<vmem>> -> memref<1x200x128xf32, #tpu.memory_space<vmem>>
    %dma_wait3A_271 = tpu.memref_squeeze %dma_wait3A_270 : memref<1x200x128xf32, #tpu.memory_space<vmem>> -> memref<200x128xf32, #tpu.memory_space<vmem>>
    tpu.wait_dma2 semaphore(%dma_wait3A_264 : memref<!tpu.dma_semaphore, #tpu.memory_space<semaphore_mem>>) src(%dma_wait3A_271 : memref<200x128xf32, #tpu.memory_space<vmem>>) dst(%dma_wait3A_267 : memref<200x128xf32, #tpu.memory_space<hbm>>)
    return
  }
}

</mosaic_0001>

<sc_bundles>
// kernel: kernel.3.cloned.1.call-start
scs
__scs_entry_jumppad:
0x0: {  	(pc) =	sbr.rel $0x88, $3  }
0x1: {  	(tag) =	ssettag $0x0;
	lr =	simm.s32 $0x1  }
0x2: {  	[smem:$0x3F9C] =	sst lr;
	_ =	strace $0xD0000000  }
0x3: {  	_ = 	snop  }
0x4: {  	_ = 	snop  }
0x5: {  	_ = 	snop  }
0x6: {  	_ = 	snop  }
0x7: {  	_ = 	snop  }
__scs_overlays_trampoline_lowered:
0x8: {  	[smem:$0x3FAB] =	sst s0  }
0x9: {  	[smem:$0x3FAC] =	sst s1  }
0xa: {  	[smem:$0x3FAD] =	sst s2  }
0xb: {  	[smem:$0x3FAE] =	sst s3  }
0xc: {  	[smem:$0x3FAF] =	sst s4  }
0xd: {  	[smem:$0x3FB0] =	sst s5  }
0xe: {  	[smem:$0x3FB1] =	sst s6  }
0xf: {  	[smem:$0x3FB2] =	sst s7  }
0x10: {  	[smem:$0x3FB3] =	sst s8  }
0x11: {  	[smem:$0x3FB4] =	sst s9;
	s0 =	simm.s32 @!p0 $0x0  }
0x12: {  	s1 =	sld [smem:$0x3F9A];
	s0 =	simm.s32 @p0 $0x1  }
0x13: {  	[smem:$0x3FB5] =	sst s0;
	s0 =	simm.s32 @!p1 $0x0  }
0x14: {  	s2 =	sld [smem:$0x3F99];
	s0 =	simm.s32 @p1 $0x1  }
0x15: {  	[smem:$0x3FB6] =	sst s0;
	s0 =	simm.s32 @!p2 $0x0  }
0x16: {  	s3 =	sld [smem:$0x3FDB];
	s0 =	simm.s32 @p2 $0x1  }
0x17: {  	s4 =	simm.s32 $0x1BF5;
	[smem:$0x3FB8] =	sst s0  }
0x18: {  	s0 =	sld [smem:$0x3F9B];
	_ =	swait.ge [sflag:s4], $0x0  }
0x19: {  	s7 =	sld [smem:$0x3F9C]  }
0x1a: {  	s8 =	sadd.s32 $0xFFFFE003, lr  }
0x1b: {  	s9 =	sadd.s32 $0xFFFFFEF7, lr;
	s5 =	simm.s32 $0xFFFFFFFF;
	p2 =	slt.u32 s8, $0xFFFFF086  }
0x1c: {  	p1 =	slt.u32 s9, $0xF7A;
	s5 =	simm.s32 @!p2 $0x0  }
0x1d: {  	s5 =	simm.s32 @p1 $0x1;
	p0 =	seq.s32 s7, s2  }
0x1e: {  	s7 =	smul.u32 @!p0 $0xF7A, s2;
	p2 =	seq.s32 @!p0 s5, $0x0  }
0x1f: {  	s9 =	smul.u32 $0xF7A, s1;
	s8 =	simm.s32 @!p0 $0x1BF5;
	p2 =	por !p2, p0  }
0x20: {  	[sflag:s8] =	ssyncset.s32 @!p0 $0xFFFFF086;
	s6 =	sadd.s32 @!p0 s3, s7;
	s7 =	simm.s32 @!p0 $0x108  }
0x21: {  	s3 =	sadd.s32 s3, s9;
	s6 =	sadd.s32 @!p0 $0x88, s6;
	s7 =	simm.s32 @p2 $0x1082  }
0x22: {  	[simem:s7], [sflag:s8] =	dma.local @!p0 [hbm:s6], $0xF7A  }
0x23: {  	s9 =	sor.u32 $0xD0000000, s2;
	s6 =	simm.s32 $0x108;
	_ =	swait.ge @!p0 [sflag:s8], $0x0  }
0x24: {  	s3 =	sadd.s32 $0x88, s3;
	s6 =	simm.s32 @!p1 $0x1082;
	[sflag:s4] =	ssyncset.s32 $0xFFFFF086  }
0x25: {  	[simem:s6], [sflag:s4] =	dma.local [hbm:s3], $0xF7A  }
0x26: {  	[smem:$0x3F9C] =	sst s1;
	(tag) =	ssettag s2;
	_ =	strace s9  }
0x27: {  	s1 =	sld [smem:$0x3FAC]  }
0x28: {  	s2 =	sld [smem:$0x3FAD]  }
0x29: {  	s4 =	sld [smem:$0x3FAF]  }
0x2a: {  	p0 =	seq.s32 s5, $0x0;
	s5 =	sld [smem:$0x3FB0]  }
0x2b: {  	s6 =	sld [smem:$0x3FB1]  }
0x2c: {  	s7 =	sld [smem:$0x3FB2]  }
0x2d: {  	s3 =	simm.s32 $0x108;
	s8 =	sld [smem:$0x3FB3]  }
0x2e: {  	s3 =	simm.s32 @!p0 $0x1082;
	s9 =	sld [smem:$0x3FB4]  }
0x2f: {  	lr =	sadd.s32 s0, s3;
	s0 =	sld [smem:$0x3FAB]  }
0x30: {  	s3 =	sld [smem:$0x3FAE]  }
0x31: {  	[smem:$0x3FB7] =	sst s10  }
0x32: {  	s10 =	sld [smem:$0x3FB5];
	_ =	sdelay $0x3  }
0x33: {  	p0 =	seq.s32 s10, $0x1;
	s10 =	sld [smem:$0x3FB7];
	_ =	sdelay $0x3  }
0x34: {  	[smem:$0x3FB7] =	sst s10  }
0x35: {  	s10 =	sld [smem:$0x3FB6];
	_ =	sdelay $0x3  }
0x36: {  	p1 =	seq.s32 s10, $0x1;
	s10 =	sld [smem:$0x3FB7];
	_ =	sdelay $0x3  }
0x37: {  	[smem:$0x3FB7] =	sst s10  }
0x38: {  	s10 =	sld [smem:$0x3FB8]  }
0x39: {  	_ = 	snop;
	(pc) =	sbr.ind lr, $3  }
0x3a: {  	_ = 	snop  }
0x3b: {  	_ = 	snop  }
0x3c: {  	p2 =	seq.s32 s10, $0x1;
	s10 =	sld [smem:$0x3FB7]  }
0x3d: {  	_ =	shalt  }
0x3e: {  	_ =	shalt  }
0x3f: {  	_ =	shalt  }
0x40: {  	_ =	shalt  }
0x41: {  	_ =	shalt  }
0x42: {  	_ =	shalt  }
0x43: {  	_ =	shalt  }
0x44: {  	_ =	shalt  }
0x45: {  	_ =	shalt  }
0x46: {  	_ =	shalt  }
0x47: {  	_ =	shalt  }
0x48: {  	_ =	shalt  }
0x49: {  	_ =	shalt  }
0x4a: {  	_ =	shalt  }
0x4b: {  	_ =	shalt  }
0x4c: {  	_ =	shalt  }
0x4d: {  	_ =	shalt  }
0x4e: {  	_ =	shalt  }
0x4f: {  	_ =	shalt  }
0x50: {  	_ =	shalt  }
0x51: {  	_ =	shalt  }
0x52: {  	_ =	shalt  }
0x53: {  	_ =	shalt  }
0x54: {  	_ =	shalt  }
0x55: {  	_ =	shalt  }
0x56: {  	_ =	shalt  }
0x57: {  	_ =	shalt  }
0x58: {  	_ =	shalt  }
0x59: {  	_ =	shalt  }
0x5a: {  	_ =	shalt  }
0x5b: {  	_ =	shalt  }
0x5c: {  	_ =	shalt  }
0x5d: {  	_ =	shalt  }
0x5e: {  	_ =	shalt  }
0x5f: {  	_ =	shalt  }
0x60: {  	_ =	shalt  }
0x61: {  	_ =	shalt  }
0x62: {  	_ =	shalt  }
0x63: {  	_ =	shalt  }
0x64: {  	_ =	shalt  }
0x65: {  	_ =	shalt  }
0x66: {  	_ =	shalt  }
0x67: {  	_ =	shalt  }
0x68: {  	_ =	shalt  }
0x69: {  	_ =	shalt  }
0x6a: {  	_ =	shalt  }
0x6b: {  	_ =	shalt  }
0x6c: {  	_ =	shalt  }
0x6d: {  	_ =	shalt  }
0x6e: {  	_ =	shalt  }
0x6f: {  	_ =	shalt  }
0x70: {  	_ =	shalt  }
0x71: {  	_ =	shalt  }
0x72: {  	_ =	shalt  }
0x73: {  	_ =	shalt  }
0x74: {  	_ =	shalt  }
0x75: {  	_ =	shalt  }
0x76: {  	_ =	shalt  }
0x77: {  	_ =	shalt  }
0x78: {  	_ =	shalt  }
0x79: {  	_ =	shalt  }
0x7a: {  	_ =	shalt  }
0x7b: {  	_ =	shalt  }
0x7c: {  	_ =	shalt  }
0x7d: {  	_ =	shalt  }
0x7e: {  	_ =	shalt  }
0x7f: {  	_ =	shalt  }
0x80: {  	_ =	shalt  }
0x81: {  	_ =	shalt  }
0x82: {  	_ =	shalt  }
0x83: {  	_ =	shalt  }
0x84: {  	_ =	shalt  }
0x85: {  	_ =	shalt  }
0x86: {  	_ =	shalt  }
0x87: {  	_ =	shalt  }
.Lfunc_end0:
.L_simem_size_0:
called_computation_lowered:
.L_overlay_start_0:
0x88: {  	s2 =	sld [smem:$0x3FD9]  }
0x89: {  	s3 =	sld [smem:$0x3FFE];
	_ =	sdelay $0x1  }
0x8a: {  	s1 =	srdreg.scid  }
0x8b: {  	s0 =	sand.u32 $0x1, s1  }
0x8c: {  	s17 =	sshll.u32 s0, $0xA;
	s2 =	sadd.s32 s3, s2  }
0x8d: {  	s2 =	sadd.s32 s2, s17  }
0x8e: {  	[smem:$0x3FC3] =	sst s2  }
0x8f: {  	_ = 	snop  }
0x90: {  	s2 =	sld [smem:$0x3FC8]  }
0x91: {  	s18 =	sld [smem:$0x3FC6]  }
0x92: {  	s4 =	sld [smem:$0x3FC5]  }
0x93: {  	s5 =	sld [smem:$0x3FD0];
	(tm) =	ssettm $0x1  }
0x94: {  	s6 =	sld [smem:$0x3FFB];
	_ =	sdelay $0x3  }
0x95: {  	_ =	strace s6  }
0x96: {  	s6 =	sld [smem:$0x3FFC];
	_ =	sdelay $0x3  }
0x97: {  	_ =	strace s6  }
0x98: {  	s6 =	sld [smem:$0x3FFD];
	_ =	sdelay $0x3  }
0x99: {  	_ =	strace s6  }
0x9a: {  	_ =	strace $0x8FFFFFFF  }
0x9b: {  	s19 =	sld [smem:$0x3FDB];
	_ =	sdelay $0x1  }
0x9c: {  	s7 =	simm.s32 $_scs_section_size  }
0x9d: {  	s8 =	simm.s32 $_size__tile_overlayer_lowered;
	s9 =	simm.s32 $_tile_overlayer_lowered  }
0x9e: {  	s22 =	simm.s32 $0x1BFF;
	s21 =	sshll.u32 s9, $0x1;
	s6 =	sadd.s32 s7, s19  }
0x9f: {  	s10 =	simm.s32 $0x0;
	s20 =	sshll.u32 s8, $0x1;
	s8 =	sadd.s32 s21, s6  }
0xa0: {  	[timem:s10], [sflag:s22] =	dma.local [hbm:s8], s20  }
0xa1: {  	_ =	swait.ge [sflag:s22], s20  }
0xa2: {  	s7 =	ssub.s32 $0x0, s20;
	[sflag:s22] =	ssyncset.done $0x0  }
0xa3: {  	[sflag:s22] =	ssyncadd.s32 s7;
	_ =	sdelay $0x1  }
0xa4: {  	s23 =	simm.s32 $0x1B8B  }
0xa5: {  	_ =	swait.ge [sflag:s23], $0x1  }
0xa6: {  	[sflag:s23] =	ssyncset.done $0x0  }
0xa7: {  	s25 =	simm.s32 $0x1B8E;
	s24 =	sld [smem:$0x3FFE];
	[sflag:s23] =	ssyncadd.s32 $0xFFFFFFFF  }
0xa8: {  	s26 =	simm.s32 $execute0_lowered;
	[smem:$0x3FD2] =	sst s25  }
0xa9: {  	s8 =	sshll.u32 s26, $0x1;
	_ =	strace $0x80000046;
	[dreg:$0x1] =	wrdreg $0xFFFFFFFF  }
0xaa: {  	s28 =	simm.s32 $_size_execute0_lowered;
	s6 =	sadd.s32 s6, s8;
	[dreg:$0x0] =	wrdreg $0x0  }
0xab: {  	s8 =	sshll.u32 s28, $0x1;
	[dreg:$0x2] =	wrdreg s6  }
0xac: {  	[dreg:$0x3] =	wrdreg s8  }
0xad: {  	[dreg:$0x4] =	wrdreg $0xC0  }
0xae: {  	_ =	task [dreg:s10], $0x5FFFF  }
0xaf: {  	[dreg:$0x1] =	wrdreg $0xFFFFFFFF  }
0xb0: {  	[dreg:$0x0] =	wrdreg $0x60  }
0xb1: {  	[dreg:$0x2] =	wrdreg s24  }
0xb2: {  	[dreg:$0x3] =	wrdreg s2  }
0xb3: {  	[dreg:$0x4] =	wrdreg s18  }
0xb4: {  	[dreg:$0x5] =	wrdreg s4  }
0xb5: {  	[dreg:$0x6] =	wrdreg s5  }
0xb6: {  	[dreg:$0x7] =	wrdreg $0x9  }
0xb7: {  	_ =	task.clear_ibuf [dreg:s10], $0x8FFFF;
	_ =	strace $0x90000046  }
0xb8: {  	s29 =	simm.s32 $0x9;
	_ =	strace $0x80000048  }
0xb9: {  	_ =	swait.ge [sflag:s29], $0x1  }
0xba: {  	[sflag:s29] =	ssyncadd.s32 $0xFFFFFFFF  }
0xbb: {  	_ =	strace $0x90000048  }
0xbc: {  	_ =	sfence  }
0xbd: {  	s30 =	sld [smem:$0x0];
	_ =	sdelay $0x2  }
0xbe: {  	s31 =	sshll.u32 s1, $0xD;
	s1 =	sshrl.u32 s1, $0x2  }
0xbf: {  	s3 =	sand.u32 $0x4000, s31;
	s1 =	sadd.s32 s1, s30  }
0xc0: {  	s0 =	sor.u32 s3, s0;
	s1 =	sshll.u32 s1, $0x11  }
0xc1: {  	s0 =	sor.u32 s1, s0  }
0xc2: {  	s0 =	sadd.s32 $0x8F2B, s0  }
0xc3: {  	[sflag:s0] =	ssyncadd.remote.s32 $0x1  }
0xc4: {  	_ =	sfence.sel $0xFFFF  }
0xc5: {  	[dreg:$0x0] =	wrdreg $0xFFFFFFFF;
	(pc) =	sbr.abs _section_cstart, $3  }
0xc6: {  	[dreg:$0x1] =	wrdreg $0xFFFFFFFF  }
0xc7: {  	_ =	task.clear_ibuf [dreg:s10], $0x2FFFF;
	_ =	strace $0x9FFFFFFF  }
0xc8: {  	(tm) =	ssettm $0x7FFFFFFF  }
0xc9: {  	_ =	shalt  }
tec
execute0_lowered:
.L_overlay_start_1:
0x0: {  	(tag) =	ssettag $0x1  }
0x1: {  	s0 =	rddreg [dreg:$0x0]  }
0x2: {  	s1 =	rddreg [dreg:$0x1];
	s2 =	srdreg.scid  }
0x3: {  	s3 =	stileid.u32;
	s5 =	rddreg [dreg:$0x4];
	v0 =	vimm.s32 $0xFEDCBA98;
	v1 =	vimm.s32 $0x76543210;
	v2 =	vimm.s32 $0xBA98FEDC  }
0x4: {  	s6 =	simm.s32 $0x0;
	v3 =	vimm.s32 $0x32107654;
	v4 =	vimm.s32 $0xDCFE98BA;
	s13 =	simm.s32 $0x7;
	s17 =	simm.s32 $0x64  }
0x5: {  	v5 =	vimm.s32 $0x54761032;
	s18 =	simm.s32 $0x2000;
	s20 =	simm.s32 $0x5200;
	s21 =	simm.s32 $0x8400  }
0x6: {  	v6 =	vimm.s32 $0xEFCDAB89;
	v7 =	vimm.s32 $0x67452301;
	s22 =	simm.s32 $0xB600;
	s23 =	simm.s32 $0x1;
	s24 =	simm.s32 $0xE800  }
0x7: {  	s25 =	simm.s32 $0x11A00;
	s26 =	simm.s32 $0x2;
	s28 =	simm.s32 $0x4;
	v0 =	vunpack.c.l.s4.s8 v0;
	v1 =	vunpack.c.l.s4.s8 v1;
	v2 =	vunpack.c.l.s4.s8 v2  }
0x8: {  	s29 =	simm.s32 $0x3;
	s30 =	simm.s32 $0x5;
	s2 =	sand.u32 $0x1, s2;
	v3 =	vunpack.c.l.s4.s8 v3;
	v4 =	vunpack.c.l.s4.s8 v4;
	v5 =	vunpack.c.l.s4.s8 v5  }
0x9: {  	s3 =	sshll.u32 s3, $0x1;
	[smem:$0x7FF] =	sst s6;
	s7 =	sadd.s32 $0x400, s0;
	v6 =	vunpack.c.l.s4.s8 v6;
	v7 =	vunpack.c.l.s4.s8 v7;
	v0 =	vunpack.c.0.s8.s32 v0  }
0xa: {  	s3 =	sor.u32 s2, s3;
	_ =	strace $0x80000047;
	s2 =	ssub.s32 $0x2, s2;
	v2 =	vunpack.c.0.s8.s32 v2;
	v3 =	vunpack.c.0.s8.s32 v3;
	v4 =	vunpack.c.0.s8.s32 v4  }
0xb: {  	[dreg:$0x6] =	wrdreg s7;
	s4 =	smul.u32 $0xC8000, s3;
	s8 =	sshll.u32 s3, $0xA;
	v5 =	vunpack.c.0.s8.s32 v5;
	v6 =	vunpack.c.0.s8.s32 v6;
	v7 =	vunpack.c.0.s8.s32 v7  }
0xc: {  	s9 =	sshrl.u32 s2, $0x1;
	s11 =	sshll.u32 s3, $0x5;
	v1 =	vunpack.c.0.s8.s32 v1;
	s0 =	sadd.s32 s8, s0;
	v2 =	vcombine.low v3, v2  }
0xd: {  	s2 =	ssub.s32 s2, s9;
	s4 =	sshrl.u32 s4, $0x3;
	s8 =	sadd.s32 $0x1200, s0;
	v3 =	vcombine.low v5, v4;
	v4 =	vcombine.low v7, v6;
	v0 =	vand.u32 $0xF, v0  }
0xe: {  	s12 =	smax.u32 s2, $0x1;
	s0 =	simm.s32 $0x6;
	s4 =	sadd.s32 s5, s4;
	v0 =	vcombine.low v0, v1  }
0xf: {  	s2 =	simm.s32 $0x0;
	s9 =	sadd.s32 $0x17700, s4;
	s10 =	sadd.s32 $0x18380, s4;
	v1 =	vand.u32 $0xF, v2;
	v2 =	vand.u32 $0xF, v3;
	v3 =	vand.u32 $0xF, v4  }
.LBB2_1:
0x10: {  	[tilespmem:s6], [sflag:$0x7] =	stream.linear.gather [hbm4b:s8+s6], $0x2000, $0x38;
	[tilespmem:$0x1B100] =	vst v63  }
0x11: {  	_ =	swait.ge [sflag:s13], $0x2000  }
0x12: {  	[sflag:s13] =	ssyncset.done $0x0  }
0x13: {  	s4 =	simm.s32 $0x14C00;
	s3 =	rddreg [dreg:$0x6];
	[sflag:s13] =	ssyncadd.s32 $0xFFFFE000  }
0x14: {  	[tilespmem:s4], [sflag:$0x7] =	stream.linear.gather [hbm4b:s3+s6], $0x6400, $0x38;
	[tilespmem:$0x1B100] =	vst v63  }
0x15: {  	_ =	swait.ge [sflag:s13], $0x6400  }
0x16: {  	[sflag:s13] =	ssyncset.done $0x0  }
0x17: {  	[sflag:s13] =	ssyncadd.s32 $0xFFFF9C00  }
0x18: {  	s15 =	simm.s32 $0x1B000;
	s14 =	rddreg [dreg:$0x2]  }
0x19: {  	[tilespmem:s15], [sflag:$0x7] =	stream.linear.gather [hbm4b:s14+s6], $0x80, $0x38;
	[tilespmem:$0x1B100] =	vst v63  }
0x1a: {  	_ =	swait.ge [sflag:s13], $0x80  }
0x1b: {  	[sflag:s13] =	ssyncset.done $0x0  }
0x1c: {  	[sflag:s13] =	ssyncadd.s32 $0xFFFFFF80  }
0x1d: {  	s19 =	simm.s32 $0x1B080;
	s16 =	rddreg [dreg:$0x3]  }
0x1e: {  	[tilespmem:s19], [sflag:$0x7] =	stream.linear.gather [hbm4b:s16+s6], $0x80, $0x38;
	[tilespmem:$0x1B100] =	vst v63  }
0x1f: {  	_ =	swait.ge [sflag:s13], $0x80  }
0x20: {  	[sflag:s13] =	ssyncset.done $0x0  }
0x21: {  	[sflag:s13] =	ssyncadd.s32 $0xFFFFFF80  }
0x22: {  	v16 =	vld [tilespmem:$0x1B000]  }
0x23: {  	v4 =	vld [tilespmem:$0x1B010]  }
0x24: {  	v8 =	vld [tilespmem:$0x1B020]  }
0x25: {  	v14 =	vld [tilespmem:$0x1B030]  }
0x26: {  	v12 =	vld [tilespmem:$0x1B040]  }
0x27: {  	v9 =	vld [tilespmem:$0x1B050]  }
0x28: {  	v18 =	vld [tilespmem:$0x1B060]  }
0x29: {  	v5 =	vld [tilespmem:$0x1B070]  }
0x2a: {  	v17 =	vld [tilespmem:$0x1B080]  }
0x2b: {  	v6 =	vld [tilespmem:$0x1B090]  }
0x2c: {  	v10 =	vld [tilespmem:$0x1B0A0]  }
0x2d: {  	v15 =	vld [tilespmem:$0x1B0B0]  }
0x2e: {  	v13 =	vld [tilespmem:$0x1B0C0]  }
0x2f: {  	v11 =	vld [tilespmem:$0x1B0D0]  }
0x30: {  	v19 =	vld [tilespmem:$0x1B0E0]  }
0x31: {  	v7 =	vld [tilespmem:$0x1B0F0];
	[tilespmem:s18], [sflag:$0x1] =	stream.indirect.gather [hbm4b:s1+s17], $0x80, s6, s17, $0xb8  }
0x32: {  	s31 =	simm.s32 $0x80;
	s4 =	simm.s32 $0x0  }
0x33: {  	[tilespmem:s20], [sflag:$0x1] =	stream.indirect.gather [hbm4b:s1+s17], $0x80, s31, s17, $0xb8;
	[tilespmem:$0x1B100] =	vst v63  }
.LBB2_2:
0x34: {  	s15 =	smul.u32 $0x3, s4;
	p0 =	seq.s32 s4, $0x0  }
0x35: {  	s3 =	simm.s32 @!p0 $0x5  }
0x36: {  	_ =	swait.ge @!p0 [sflag:s3], $0x6400;
	s14 =	sadd.s32 $0x1, s15  }
0x37: {  	[sflag:s3] =	ssyncset.done @!p0 $0x0;
	s16 =	sshll.u32 s14, $0x8  }
0x38: {  	[sflag:s3] =	ssyncadd.s32 @!p0 $0xFFFF9C00;
	s19 =	sand.u32 $0x3FFFFF00, s16  }
0x39: {  	[tilespmem:s21], [sflag:$0x2] =	stream.indirect.gather [hbm4b:s1+s17], $0x80, s19, s17, $0xb8;
	[tilespmem:$0x1B100] =	vst v63  }
0x3a: {  	s3 =	sor.u32 $0x80, s19  }
0x3b: {  	[tilespmem:s22], [sflag:$0x2] =	stream.indirect.gather [hbm4b:s1+s17], $0x80, s3, s17, $0xb8;
	[tilespmem:$0x1B100] =	vst v63  }
0x3c: {  	_ =	swait.ge [sflag:s23], $0x6400  }
0x3d: {  	[sflag:s23] =	ssyncset.done $0x0  }
0x3e: {  	s16 =	simm.s32 $0x0;
	[sflag:s23] =	ssyncadd.s32 $0xFFFF9C00  }
0x3f: {  	v20 =	vld [tilespmem:s16+$0x14C60]  }
0x40: {  	v21 =	vld [tilespmem:s16+$0x14C10]  }
0x41: {  	v22 =	vld [tilespmem:s16+$0x14C70]  }
0x42: {  	v23 =	vld [tilespmem:s16+$0x14C30]  }
0x43: {  	v24 =	vld [tilespmem:s16+$0x2000]  }
0x44: {  	v25 =	vld [tilespmem:s16+$0x14C20]  }
0x45: {  	v27 =	vld [tilespmem:s16+$0x14C50]  }
0x46: {  	v28 =	vld [tilespmem:s16+$0x14C40]  }
0x47: {  	v26 =	vld [tilespmem:s16+$0x14C00]  }
0x48: {  	v29 =	vld [tilespmem:s16+$0x2060]  }
0x49: {  	v30 =	vld [tilespmem:s16+$0x2070]  }
0x4a: {  	v31 =	vld [tilespmem:s16+$0x2020]  }
0x4b: {  	v32 =	vld [tilespmem:s16+$0x2050]  }
0x4c: {  	v33 =	vld [tilespmem:s16+$0x2040]  }
0x4d: {  	v34 =	vld [tilespmem:s16+$0x2010]  }
0x4e: {  	v35 =	vld [tilespmem:s16+$0x2030]  }
0x4f: {  	v36 =	vadd.f32 v26, v24  }
0x50: {  	v29 =	vadd.f32 v20, v29;
	v26 =	vadd.f32 v22, v30  }
0x51: {  	v27 =	vadd.f32 v27, v32;
	v30 =	vadd.f32 v25, v31  }
0x52: {  	v28 =	vadd.f32 v28, v33;
	v31 =	vadd.f32 v21, v34  }
0x53: {  	v32 =	vadd.f32 v23, v35;
	v20 =	vmul.f32 v29, v29;
	v21 =	vmul.f32 v27, v27  }
0x54: {  	v22 =	vadd.f32 v26, v29;
	v23 =	vmul.f32 v30, v30;
	v24 =	vmul.f32 v28, v28  }
0x55: {  	v25 =	vadd.f32 v27, v28;
	v56 =	vmul.f32 v36, v36;
	v34 =	vmul.f32 v31, v31  }
0x56: {  	v57 =	vadd.f32 v31, v36;
	v37 =	vadd.f32 v32, v30;
	v38 =	vmul.f32 v32, v32  }
0x57: {  	v58 =	vmul.f32 v26, v26;
	v22 =	vadd.f32 v22, v25;
	v25 =	vadd.f32 v34, v56  }
0x58: {  	v59 =	vadd.f32 v37, v57;
	v23 =	vadd.f32 v38, v23  }
0x59: {  	s19 =	simm.s32 $0x80;
	v21 =	vadd.f32 v21, v24;
	v20 =	vadd.f32 v58, v20  }
0x5a: {  	v60 =	vld [tilespmem:s19+$0x14C30];
	v22 =	vadd.f32 v22, v59  }
0x5b: {  	v62 =	vld [tilespmem:s19+$0x2000];
	v23 =	vadd.f32 v23, v25;
	v20 =	vadd.f32 v20, v21  }
0x5c: {  	v63 =	vld [tilespmem:s19+$0x14C20];
	v21 =	vperm.xlane v22, v0  }
0x5d: {  	v48 =	vld [tilespmem:s19+$0x14C40];
	v20 =	vadd.f32 v20, v23  }
0x5e: {  	v40 =	vld [tilespmem:s19+$0x14C00];
	v21 =	vadd.f32 v22, v21  }
0x5f: {  	v49 =	vld [tilespmem:s19+$0x2060];
	v23 =	vperm.xlane v20, v0  }
0x60: {  	v50 =	vld [tilespmem:s19+$0x2070];
	v61 =	vperm.xlane v21, v1  }
0x61: {  	v44 =	vld [tilespmem:s19+$0x2050];
	v20 =	vadd.f32 v23, v20  }
0x62: {  	v51 =	vld [tilespmem:s19+$0x2010];
	v21 =	vadd.f32 v21, v61  }
0x63: {  	v24 =	vld [tilespmem:s19+$0x14C60];
	v47 =	vperm.xlane v20, v1  }
0x64: {  	v25 =	vld [tilespmem:s19+$0x14C10];
	v39 =	vperm.xlane v21, v2  }
0x65: {  	v46 =	vld [tilespmem:s19+$0x2030];
	v20 =	vadd.f32 v47, v20  }
0x66: {  	v22 =	vld [tilespmem:s19+$0x14C70];
	v21 =	vadd.f32 v21, v39  }
0x67: {  	v23 =	vld [tilespmem:s19+$0x14C50];
	v41 =	vperm.xlane v20, v2  }
0x68: {  	v45 =	vld [tilespmem:s19+$0x2040];
	v34 =	vadd.f32 v24, v49;
	v24 =	vadd.f32 v40, v62;
	v43 =	vperm.xlane v21, v3  }
0x69: {  	v42 =	vld [tilespmem:s19+$0x2020];
	v38 =	vadd.f32 v25, v51;
	v41 =	vadd.f32 v41, v20  }
0x6a: {  	v25 =	vadd.f32 v60, v46;
	v59 =	vmul.f32 v24, v24;
	v20 =	vadd.f32 v21, v43  }
0x6b: {  	v60 =	vmul.f32 v38, v38;
	v61 =	vadd.f32 v38, v24;
	v21 =	vperm.xlane v41, v3  }
0x6c: {  	v23 =	vadd.f32 v23, v44;
	v47 =	vmul.f32 $7.812500000e-03, v20;
	v20 =	vadd.f32 v22, v50  }
0x6d: {  	v55 =	vmul.f32 v34, v34;
	v52 =	vadd.f32 v21, v41;
	v21 =	vadd.f32 v48, v45  }
0x6e: {  	v49 =	vmul.f32 v25, v25;
	v62 =	vadd.f32 v60, v59;
	v22 =	vadd.f32 v63, v42  }
0x6f: {  	v56 =	vmul.f32 v23, v23;
	v54 =	vadd.f32 v20, v34;
	v58 =	vadd.f32 v23, v21  }
0x70: {  	v53 =	vmul.f32 v47, v47;
	v57 =	vmul.f32 v22, v22;
	v46 =	vadd.f32 v25, v22  }
0x71: {  	v48 =	vmul.f32 v21, v21;
	v63 =	vmul.f32 v20, v20;
	v40 =	vadd.f32 v54, v58  }
0x72: {  	v35 =	vmul.f32 $7.812500000e-03, v52;
	v50 =	vadd.f32 v46, v61;
	v33 =	vadd.f32 v49, v57  }
0x73: {  	v37 =	vadd.f32 v56, v48;
	v41 =	vadd.f32 v63, v55  }
0x74: {  	v35 =	vsub.f32 v35, v53;
	v40 =	vadd.f32 v40, v50  }
0x75: {  	v33 =	vadd.f32 v33, v62;
	v37 =	vadd.f32 v41, v37  }
0x76: {  	v35 =	vadd.f32 $9.999999740e-06, v35  }
0x77: {  	s31 =	simm.s32 $0x100;
	v51 =	vperm.xlane v40, v0;
	v33 =	vadd.f32 v37, v33  }
0x78: {  	v60 =	vld [tilespmem:s31+$0x2060];
	v53 =	vshra.s32 v35, $0x1;
	v35 =	vmul.f32 $-5.000000000e-01, v35  }
0x79: {  	v44 =	vld [tilespmem:s31+$0x14C70];
	v52 =	vadd.f32 v40, v51;
	v54 =	vperm.xlane v33, v0;
	v40 =	vsub.s32 $0x5F3759DF, v53  }
0x7a: {  	v39 =	vld [tilespmem:s31+$0x14C60];
	v35 =	vmul.f32 v40, v35  }
0x7b: {  	v43 =	vld [tilespmem:s31+$0x14C20];
	v55 =	vperm.xlane v52, v1;
	v33 =	vadd.f32 v54, v33  }
0x7c: {  	v45 =	vld [tilespmem:s31+$0x14C30];
	v35 =	vmul.f32 v40, v35  }
0x7d: {  	v42 =	vld [tilespmem:s31+$0x2000];
	v29 =	vsub.f32 v29, v47;
	v37 =	vadd.f32 v52, v55;
	v56 =	vperm.xlane v33, v1  }
0x7e: {  	v49 =	vld [tilespmem:s31+$0x14C50];
	v50 =	vsub.f32 v31, v47;
	v31 =	vadd.f32 $1.500000000e+00, v35  }
0x7f: {  	v59 =	vsub.f32 v36, v47;
	v41 =	vld [tilespmem:s31+$0x14C10];
	v57 =	vperm.xlane v37, v2;
	v33 =	vadd.f32 v56, v33  }
0x80: {  	v36 =	vsub.f32 v26, v47;
	v46 =	vsub.f32 v32, v47;
	v51 =	vld [tilespmem:s31+$0x14C40];
	v31 =	vmul.f32 v40, v31  }
0x81: {  	v61 =	vsub.f32 v30, v47;
	v58 =	vadd.f32 v37, v57;
	v37 =	vld [tilespmem:s31+$0x14C00];
	v30 =	vperm.xlane v33, v2  }
0x82: {  	v54 =	vsub.f32 v27, v47;
	v52 =	vld [tilespmem:s31+$0x2070];
	v27 =	vmul.f32 v31, v29;
	v63 =	vmul.f32 v31, v59  }
0x83: {  	v53 =	vsub.f32 v28, v47;
	v56 =	vld [tilespmem:s31+$0x2050];
	v47 =	vmul.f32 v31, v50;
	v62 =	vperm.xlane v58, v3  }
0x84: {  	v59 =	vld [tilespmem:s31+$0x2030];
	v40 =	vmul.f32 v31, v61;
	v29 =	vadd.f32 v30, v33;
	v26 =	vmul.f32 v27, v18  }
0x85: {  	v55 =	vld [tilespmem:s31+$0x2020];
	v54 =	vmul.f32 v31, v54;
	v33 =	vmul.f32 v63, v16;
	v28 =	vadd.f32 v58, v62  }
0x86: {  	v27 =	vld [tilespmem:s31+$0x2040];
	v57 =	vperm.xlane v29, v3;
	v30 =	vadd.f32 v37, v42;
	v42 =	vadd.f32 v26, v19  }
0x87: {  	v58 =	vld [tilespmem:s31+$0x2010];
	v26 =	vadd.f32 v44, v52;
	v32 =	vmul.f32 $7.812500000e-03, v28;
	v28 =	vadd.f32 v39, v60  }
0x88: {  	v48 =	vadd.f32 v57, v29;
	v60 =	vmul.f32 v31, v46;
	v46 =	vadd.f32 v33, v17  }
0x89: {  	v29 =	vadd.f32 v49, v56;
	v37 =	vadd.f32 v45, v59;
	v39 =	vmul.f32 v47, v4  }
0x8a: {  	v63 =	vmul.f32 v30, v30;
	v35 =	vsub.f32 v34, v32;
	v61 =	vadd.f32 v26, v28  }
0x8b: {  	v50 =	vmul.f32 v32, v32;
	v34 =	vadd.f32 v43, v55;
	v33 =	vadd.f32 v51, v27  }
0x8c: {  	v52 =	vmul.f32 v28, v28;
	v43 =	vmul.f32 v60, v14;
	v27 =	vadd.f32 v41, v58  }
0x8d: {  	v60 =	vmul.f32 v37, v37;
	v62 =	vadd.f32 v29, v33;
	v59 =	vadd.f32 v37, v34  }
0x8e: {  	v55 =	vmul.f32 v34, v34;
	v57 =	vmul.f32 v27, v27;
	v58 =	vadd.f32 v27, v30  }
0x8f: {  	v49 =	vadd.f32 v61, v62;
	v61 =	vmul.f32 v29, v29;
	v62 =	vmul.f32 v33, v33  }
0x90: {  	v55 =	vadd.f32 v60, v55;
	v44 =	vadd.f32 v57, v63;
	v63 =	vmul.f32 v26, v26  }
0x91: {  	v48 =	vmul.f32 $7.812500000e-03, v48;
	v60 =	vadd.f32 v43, v15;
	v51 =	vadd.f32 v59, v58  }
0x92: {  	v41 =	vmul.f32 v31, v53;
	v45 =	vadd.f32 v61, v62;
	v52 =	vadd.f32 v63, v52  }
0x93: {  	[tilespmem:s16+$0x2060] =	vst v42;
	v42 =	vmul.f32 v54, v9;
	v61 =	vsub.f32 v48, v50;
	v43 =	vadd.f32 v49, v51  }
0x94: {  	v62 =	vmul.f32 v41, v12;
	v63 =	vadd.f32 v55, v44;
	v45 =	vadd.f32 v52, v45  }
0x95: {  	[tilespmem:s16+$0x2000] =	vst v46;
	v38 =	vsub.f32 v38, v32;
	v44 =	vadd.f32 $9.999999740e-06, v61;
	v46 =	vperm.xlane v43, v0  }
0x96: {  	s3 =	simm.s32 $0x600;
	v41 =	vmul.f32 v40, v8;
	[tilespmem:s16+$0x2030] =	vst v60;
	v40 =	vadd.f32 v62, v13;
	v45 =	vadd.f32 v45, v63  }
.LBB2_3:
0x97: {  	s7 =	sshra.s32 s3, $0x2;
	p1 =	sne.s32 s3, $0x18E00;
	s3 =	sadd.s32 $0x200, s3;
	v43 =	vadd.f32 v43, v46;
	v46 =	vshra.s32 v44, $0x1;
	v44 =	vmul.f32 $-5.000000000e-01, v44  }
0x98: {  	v49 =	vsub.f32 v25, v32;
	v25 =	vmovc v37;
	v47 =	vld [tilespmem:s7+$0x14C60];
	v48 =	vperm.xlane v45, v0;
	v46 =	vsub.s32 $0x5F3759DF, v46;
	[tilespmem:s16+$0x2040] =	vst v40  }
0x99: {  	v41 =	vadd.f32 v41, v10;
	v37 =	vld [tilespmem:s7+$0x14C10];
	v40 =	vperm.xlane v43, v1;
	v44 =	vmul.f32 v46, v44  }
0x9a: {  	v31 =	vmul.f32 v31, v36;
	v42 =	vadd.f32 v42, v11;
	v50 =	vld [tilespmem:s7+$0x14C70];
	v45 =	vadd.f32 v48, v45  }
0x9b: {  	v48 =	vld [tilespmem:s7+$0x14C30];
	v36 =	vadd.f32 v43, v40;
	v40 =	vmul.f32 v46, v44;
	v43 =	vsub.f32 v24, v32;
	[tilespmem:s16+$0x2020] =	vst v41  }
0x9c: {  	v39 =	vadd.f32 v39, v6;
	v31 =	vmul.f32 v31, v5;
	v41 =	vld [tilespmem:s7+$0x2000];
	v44 =	vperm.xlane v45, v1;
	[tilespmem:s16+$0x2050] =	vst v42  }
0x9d: {  	v52 =	vsub.f32 v22, v32;
	v22 =	vmovc v34;
	v24 =	vmovc v30;
	v42 =	vld [tilespmem:s7+$0x14C20];
	v51 =	vperm.xlane v36, v2;
	v40 =	vadd.f32 $1.500000000e+00, v40  }
0x9e: {  	v34 =	vld [tilespmem:s7+$0x14C50];
	v30 =	vadd.f32 v44, v45;
	[tilespmem:s16+$0x2010] =	vst v39;
	v39 =	vadd.f32 v31, v7  }
0x9f: {  	v44 =	vld [tilespmem:s7+$0x14C40];
	v45 =	vadd.f32 v36, v51;
	v31 =	vmul.f32 v46, v40;
	v40 =	vsub.f32 v21, v32;
	v21 =	vmovc v33  }
0xa0: {  	v51 =	vsub.f32 v23, v32;
	v36 =	vsub.f32 v20, v32;
	v33 =	vld [tilespmem:s7+$0x14C00];
	v46 =	vperm.xlane v30, v2;
	[tilespmem:s16+$0x2070] =	vst v39;
	s16 =	smov.u32 s19;
	s19 =	smov.u32 s31;
	s31 =	smov.u32 s7  }
0xa1: {  	v20 =	vmovc v26;
	v23 =	vmov v29;
	v39 =	vld [tilespmem:s31+$0x2060];
	v32 =	vperm.xlane v45, v3;
	v35 =	vmul.f32 v31, v35  }
0xa2: {  	v43 =	vmul.f32 v31, v43;
	v38 =	vmul.f32 v31, v38;
	v26 =	vld [tilespmem:s31+$0x2070];
	v29 =	vadd.f32 v46, v30  }
0xa3: {  	v46 =	vld [tilespmem:s31+$0x2020];
	v32 =	vadd.f32 v45, v32;
	v45 =	vmul.f32 v31, v52;
	v35 =	vmul.f32 v35, v18  }
0xa4: {  	v49 =	vmul.f32 v31, v49;
	v52 =	vld [tilespmem:s31+$0x2050];
	v53 =	vperm.xlane v29, v3  }
0xa5: {  	v30 =	vadd.f32 v33, v41;
	v33 =	vld [tilespmem:s31+$0x2040];
	v32 =	vmul.f32 $7.812500000e-03, v32;
	v41 =	vadd.f32 v35, v19  }
0xa6: {  	v54 =	vld [tilespmem:s31+$0x2010];
	v39 =	vadd.f32 v47, v39;
	v47 =	vadd.f32 v53, v29;
	v29 =	vmul.f32 v43, v16  }
0xa7: {  	v43 =	vld [tilespmem:s31+$0x2030];
	v26 =	vadd.f32 v50, v26;
	v50 =	vmul.f32 v32, v32;
	v35 =	vsub.f32 v28, v32;
	[tilespmem:s16+$0x2060] =	vst v41  }
0xa8: {  	v49 =	vmul.f32 v49, v14;
	v41 =	vmul.f32 v39, v39;
	v53 =	vadd.f32 v29, v17;
	v28 =	vmovc v39  }
0xa9: {  	v40 =	vmul.f32 v31, v40;
	v29 =	vadd.f32 v34, v52;
	v39 =	vadd.f32 v26, v28  }
0xaa: {  	v34 =	vadd.f32 v42, v46;
	v42 =	vmul.f32 v31, v51;
	v33 =	vadd.f32 v44, v33;
	[tilespmem:s16+$0x2000] =	vst v53  }
0xab: {  	v46 =	vadd.f32 v49, v15;
	v51 =	vadd.f32 v37, v54;
	v44 =	vmul.f32 v29, v29  }
0xac: {  	v37 =	vadd.f32 v48, v43;
	v43 =	vmul.f32 v34, v34;
	v48 =	vmul.f32 v33, v33  }
0xad: {  	v52 =	vmul.f32 v30, v30;
	v49 =	vadd.f32 v29, v33;
	v53 =	vmul.f32 v51, v51;
	[tilespmem:s16+$0x2030] =	vst v46  }
0xae: {  	v46 =	vadd.f32 v51, v30;
	v54 =	vadd.f32 v37, v34;
	v55 =	vmul.f32 v37, v37  }
0xaf: {  	v49 =	vadd.f32 v39, v49;
	v39 =	vmul.f32 v26, v26;
	v52 =	vadd.f32 v53, v52  }
0xb0: {  	v47 =	vmul.f32 $7.812500000e-03, v47;
	v46 =	vadd.f32 v54, v46;
	v53 =	vadd.f32 v55, v43  }
.Ltmp0:
0xb1: {  	v44 =	vadd.f32 v44, v48;
	v41 =	vadd.f32 v39, v41;
	v39 =	vmul.f32 v38, v4;
	(pc) =	sbr.rel @p1 .LBB2_3-.Ltmp0, $4  }
0xb2: {  	v40 =	vmul.f32 v40, v12;
	v38 =	vsub.f32 v47, v50;
	v43 =	vadd.f32 v49, v46  }
0xb3: {  	v47 =	vadd.f32 v53, v52;
	v48 =	vadd.f32 v41, v44;
	v41 =	vmul.f32 v45, v8  }
0xb4: {  	v44 =	vadd.f32 $9.999999740e-06, v38;
	v38 =	vsub.f32 v27, v32;
	v27 =	vmovc v51;
	v46 =	vperm.xlane v43, v0  }
0xb5: {  	v40 =	vadd.f32 v40, v13;
	v42 =	vmul.f32 v42, v9;
	v45 =	vadd.f32 v48, v47  }
0xb6: {  	_ = 	snop  }
0xb7: {  	v43 =	vadd.f32 v43, v46;
	v53 =	vperm.xlane v45, v0;
	_ =	sdelay $0x1  }
0xb8: {  	v47 =	vperm.xlane v43, v1;
	v45 =	vadd.f32 v53, v45;
	_ =	sdelay $0x1  }
0xb9: {  	v43 =	vadd.f32 v43, v47;
	v46 =	vperm.xlane v45, v1;
	_ =	sdelay $0x1  }
0xba: {  	v47 =	vperm.xlane v43, v2;
	v45 =	vadd.f32 v46, v45;
	_ =	sdelay $0x1  }
0xbb: {  	v43 =	vadd.f32 v43, v47;
	v46 =	vperm.xlane v45, v2  }
0xbc: {  	v54 =	vshra.s32 v44, $0x1;
	v55 =	vmul.f32 $-5.000000000e-01, v44  }
0xbd: {  	v56 =	vsub.s32 $0x5F3759DF, v54;
	v48 =	vperm.xlane v43, v3;
	v45 =	vadd.f32 v46, v45  }
0xbe: {  	v44 =	vmul.f32 v56, v55  }
0xbf: {  	v43 =	vadd.f32 v43, v48;
	v57 =	vperm.xlane v45, v3  }
0xc0: {  	v44 =	vmul.f32 v56, v44  }
0xc1: {  	v25 =	vsub.f32 v25, v32;
	v43 =	vmul.f32 $7.812500000e-03, v43;
	v45 =	vadd.f32 v57, v45  }
0xc2: {  	v41 =	vadd.f32 v41, v10;
	v31 =	vmul.f32 v31, v36;
	v58 =	vadd.f32 $1.500000000e+00, v44  }
0xc3: {  	v24 =	vsub.f32 v24, v32;
	v59 =	vmul.f32 v43, v43;
	v45 =	vmul.f32 $7.812500000e-03, v45  }
0xc4: {  	v39 =	vadd.f32 v39, v6;
	v22 =	vsub.f32 v22, v32;
	v36 =	vmul.f32 v56, v58  }
0xc5: {  	v21 =	vsub.f32 v21, v32;
	v31 =	vmul.f32 v31, v5;
	v44 =	vsub.f32 v45, v59  }
0xc6: {  	v23 =	vsub.f32 v23, v32;
	v35 =	vmul.f32 v36, v35;
	v24 =	vmul.f32 v36, v24  }
0xc7: {  	v60 =	vmul.f32 v36, v38;
	v22 =	vmul.f32 v36, v22;
	v44 =	vadd.f32 $9.999999740e-06, v44  }
0xc8: {  	v20 =	vsub.f32 v20, v32;
	v25 =	vmul.f32 v36, v25;
	v21 =	vmul.f32 v36, v21  }
0xc9: {  	v23 =	vmul.f32 v36, v23;
	v61 =	vshra.s32 v44, $0x1;
	v44 =	vmul.f32 $-5.000000000e-01, v44  }
0xca: {  	v20 =	vmul.f32 v36, v20;
	v35 =	vmul.f32 v35, v18;
	v38 =	vsub.s32 $0x5F3759DF, v61  }
0xcb: {  	v42 =	vadd.f32 v42, v11;
	v24 =	vmul.f32 v24, v16;
	v44 =	vmul.f32 v38, v44  }
0xcc: {  	[tilespmem:s16+$0x2040] =	vst v40;
	v31 =	vadd.f32 v31, v7;
	v25 =	vmul.f32 v25, v14;
	v21 =	vmul.f32 v21, v12  }
0xcd: {  	[tilespmem:s16+$0x2020] =	vst v41;
	v22 =	vmul.f32 v22, v8;
	v35 =	vadd.f32 v35, v19;
	v62 =	vmul.f32 v38, v44  }
0xce: {  	[tilespmem:s16+$0x2010] =	vst v39;
	v23 =	vmul.f32 v23, v9;
	v24 =	vadd.f32 v24, v17;
	v25 =	vadd.f32 v25, v15  }
0xcf: {  	[tilespmem:s16+$0x2050] =	vst v42;
	v20 =	vmul.f32 v20, v5;
	v21 =	vadd.f32 v21, v13;
	v63 =	vadd.f32 $1.500000000e+00, v62  }
0xd0: {  	[tilespmem:s16+$0x2070] =	vst v31;
	v32 =	vmul.f32 v60, v4;
	v22 =	vadd.f32 v22, v10;
	v23 =	vadd.f32 v23, v11  }
0xd1: {  	v20 =	vadd.f32 v20, v7;
	v28 =	vsub.f32 v28, v43;
	[tilespmem:s19+$0x2060] =	vst v35;
	v42 =	vmul.f32 v38, v63  }
0xd2: {  	v27 =	vsub.f32 v27, v43;
	[tilespmem:s19+$0x2000] =	vst v24;
	v24 =	vsub.f32 v30, v43  }
0xd3: {  	v31 =	vsub.f32 v37, v43;
	[tilespmem:s19+$0x2030] =	vst v25;
	v25 =	vadd.f32 v32, v6;
	v28 =	vmul.f32 v42, v28  }
0xd4: {  	v30 =	vsub.f32 v34, v43;
	[tilespmem:s19+$0x2040] =	vst v21;
	v21 =	vsub.f32 v33, v43;
	v24 =	vmul.f32 v42, v24  }
0xd5: {  	[tilespmem:s19+$0x2020] =	vst v22;
	v22 =	vsub.f32 v29, v43;
	v29 =	vmul.f32 v42, v31;
	v28 =	vmul.f32 v28, v18  }
0xd6: {  	[tilespmem:s19+$0x2050] =	vst v23;
	v23 =	vsub.f32 v26, v43;
	v21 =	vmul.f32 v42, v21;
	v24 =	vmul.f32 v24, v16  }
0xd7: {  	[tilespmem:s19+$0x2010] =	vst v25;
	v25 =	vmul.f32 v42, v30;
	v26 =	vadd.f32 v28, v19;
	v28 =	vmul.f32 v29, v14  }
0xd8: {  	[tilespmem:s19+$0x2070] =	vst v20;
	v22 =	vmul.f32 v42, v22;
	v21 =	vmul.f32 v21, v12;
	v20 =	vadd.f32 v24, v17  }
0xd9: {  	v25 =	vmul.f32 v25, v8;
	v24 =	vmul.f32 v42, v27;
	[tilespmem:s31+$0x2060] =	vst v26;
	v26 =	vadd.f32 v28, v15  }
0xda: {  	[tilespmem:s31+$0x2000] =	vst v20;
	v20 =	vadd.f32 v21, v13;
	v21 =	vmul.f32 v22, v9;
	v22 =	vmul.f32 v42, v23  }
0xdb: {  	v23 =	vmul.f32 v24, v4;
	v24 =	vadd.f32 v25, v10;
	[tilespmem:s31+$0x2030] =	vst v26  }
0xdc: {  	[tilespmem:s31+$0x2040] =	vst v20;
	v20 =	vadd.f32 v21, v11;
	v21 =	vmul.f32 v22, v5  }
0xdd: {  	s3 =	sadd.s32 s11, s15;
	[tilespmem:s31+$0x2020] =	vst v24;
	v22 =	vadd.f32 v23, v6  }
0xde: {  	s3 =	smul.u32 $0xC80, s3;
	[tilespmem:s31+$0x2050] =	vst v20;
	v20 =	vadd.f32 v21, v7  }
0xdf: {  	[tilespmem:s31+$0x2010] =	vst v22  }
0xe0: {  	s3 =	sadd.s32 s5, s3;
	[tilespmem:s31+$0x2070] =	vst v20  }
0xe1: {  	[hbm4b:s3+s6] =	stream.linear.scatter [tilespmem:s18], [sflag:$0x4], $0x6400, $0x38;
	[tilespmem:$0x1B100] =	vst v63  }
0xe2: {  	s3 =	simm.s32 @!p0 $0x6  }
0xe3: {  	s15 =	sadd.s32 $0x2, s15;
	_ =	swait.ge @!p0 [sflag:s3], $0x6400  }
0xe4: {  	s7 =	sshll.u32 s15, $0x8;
	[sflag:s3] =	ssyncset.done @!p0 $0x0  }
0xe5: {  	s19 =	sand.u32 $0x3FFFFF00, s7;
	[sflag:s3] =	ssyncadd.s32 @!p0 $0xFFFF9C00  }
0xe6: {  	[tilespmem:s24], [sflag:$0x3] =	stream.indirect.gather [hbm4b:s1+s17], $0x80, s19, s17, $0xb8;
	[tilespmem:$0x1B100] =	vst v63  }
0xe7: {  	s3 =	sor.u32 $0x80, s19  }
0xe8: {  	[tilespmem:s25], [sflag:$0x3] =	stream.indirect.gather [hbm4b:s1+s17], $0x80, s3, s17, $0xb8;
	[tilespmem:$0x1B100] =	vst v63  }
0xe9: {  	_ =	swait.ge [sflag:s26], $0x6400  }
0xea: {  	[sflag:s26] =	ssyncset.done $0x0  }
0xeb: {  	s16 =	simm.s32 $0x0;
	[sflag:s26] =	ssyncadd.s32 $0xFFFF9C00  }
0xec: {  	v20 =	vld [tilespmem:s16+$0x14C60]  }
0xed: {  	v21 =	vld [tilespmem:s16+$0x14C10]  }
0xee: {  	v22 =	vld [tilespmem:s16+$0x14C70]  }
0xef: {  	v23 =	vld [tilespmem:s16+$0x14C30]  }
0xf0: {  	v24 =	vld [tilespmem:s16+$0x8400]  }
0xf1: {  	v25 =	vld [tilespmem:s16+$0x14C20]  }
0xf2: {  	v27 =	vld [tilespmem:s16+$0x14C50]  }
0xf3: {  	v28 =	vld [tilespmem:s16+$0x14C40]  }
0xf4: {  	v26 =	vld [tilespmem:s16+$0x14C00]  }
0xf5: {  	v29 =	vld [tilespmem:s16+$0x8460]  }
0xf6: {  	v30 =	vld [tilespmem:s16+$0x8470]  }
0xf7: {  	v31 =	vld [tilespmem:s16+$0x8420]  }
0xf8: {  	v43 =	vld [tilespmem:s16+$0x8450]  }
0xf9: {  	v44 =	vld [tilespmem:s16+$0x8440]  }
0xfa: {  	v45 =	vld [tilespmem:s16+$0x8410]  }
0xfb: {  	v46 =	vld [tilespmem:s16+$0x8430]  }
0xfc: {  	v36 =	vadd.f32 v26, v24  }
0xfd: {  	v29 =	vadd.f32 v20, v29;
	v26 =	vadd.f32 v22, v30  }
0xfe: {  	v27 =	vadd.f32 v27, v43;
	v30 =	vadd.f32 v25, v31  }
0xff: {  	v28 =	vadd.f32 v28, v44;
	v31 =	vadd.f32 v21, v45  }
0x100: {  	v32 =	vadd.f32 v23, v46;
	v20 =	vmul.f32 v29, v29;
	v21 =	vmul.f32 v27, v27  }
0x101: {  	v22 =	vadd.f32 v26, v29;
	v23 =	vmul.f32 v30, v30;
	v24 =	vmul.f32 v28, v28  }
0x102: {  	v25 =	vadd.f32 v27, v28;
	v47 =	vmul.f32 v36, v36;
	v34 =	vmul.f32 v31, v31  }
0x103: {  	v48 =	vadd.f32 v31, v36;
	v49 =	vadd.f32 v32, v30;
	v50 =	vmul.f32 v32, v32  }
0x104: {  	v51 =	vmul.f32 v26, v26;
	v22 =	vadd.f32 v22, v25;
	v25 =	vadd.f32 v34, v47  }
0x105: {  	v52 =	vadd.f32 v49, v48;
	v23 =	vadd.f32 v50, v23  }
0x106: {  	s19 =	simm.s32 $0x80;
	v21 =	vadd.f32 v21, v24;
	v20 =	vadd.f32 v51, v20  }
0x107: {  	v33 =	vld [tilespmem:s19+$0x14C30];
	v22 =	vadd.f32 v22, v52  }
0x108: {  	v54 =	vld [tilespmem:s19+$0x8400];
	v23 =	vadd.f32 v23, v25;
	v20 =	vadd.f32 v20, v21  }
0x109: {  	v37 =	vld [tilespmem:s19+$0x14C20]  }
0x10a: {  	v56 =	vld [tilespmem:s19+$0x14C40];
	v21 =	vperm.xlane v22, v0;
	v20 =	vadd.f32 v20, v23  }
0x10b: {  	v58 =	vld [tilespmem:s19+$0x14C00]  }
0x10c: {  	v59 =	vld [tilespmem:s19+$0x8460];
	v21 =	vadd.f32 v22, v21;
	v23 =	vperm.xlane v20, v0  }
0x10d: {  	v60 =	vld [tilespmem:s19+$0x8470]  }
0x10e: {  	v62 =	vld [tilespmem:s19+$0x8420];
	v53 =	vperm.xlane v21, v1;
	v20 =	vadd.f32 v23, v20  }
0x10f: {  	v24 =	vld [tilespmem:s19+$0x14C60]  }
0x110: {  	v48 =	vld [tilespmem:s19+$0x8450];
	v21 =	vadd.f32 v21, v53;
	v55 =	vperm.xlane v20, v1  }
0x111: {  	v50 =	vld [tilespmem:s19+$0x8410]  }
0x112: {  	v25 =	vld [tilespmem:s19+$0x14C10];
	v57 =	vperm.xlane v21, v2;
	v20 =	vadd.f32 v55, v20  }
0x113: {  	v51 =	vld [tilespmem:s19+$0x8430]  }
0x114: {  	v23 =	vld [tilespmem:s19+$0x14C50];
	v21 =	vadd.f32 v21, v57;
	v61 =	vperm.xlane v20, v2  }
0x115: {  	v22 =	vld [tilespmem:s19+$0x14C70]  }
0x116: {  	v49 =	vld [tilespmem:s19+$0x8440];
	v34 =	vadd.f32 v24, v59;
	v63 =	vperm.xlane v21, v3;
	v41 =	vadd.f32 v61, v20  }
0x117: {  	v24 =	vadd.f32 v58, v54;
	v38 =	vadd.f32 v25, v50  }
0x118: {  	v25 =	vadd.f32 v33, v51;
	v20 =	vadd.f32 v21, v63;
	v21 =	vperm.xlane v41, v3  }
0x119: {  	v58 =	vmul.f32 v24, v24;
	v59 =	vmul.f32 v38, v38;
	v23 =	vadd.f32 v23, v48  }
0x11a: {  	v47 =	vmul.f32 $7.812500000e-03, v20;
	v20 =	vadd.f32 v22, v60;
	v35 =	vadd.f32 v21, v41  }
0x11b: {  	v54 =	vmul.f32 v34, v34;
	v22 =	vadd.f32 v37, v62;
	v21 =	vadd.f32 v56, v49  }
0x11c: {  	v55 =	vmul.f32 v23, v23;
	v60 =	vadd.f32 v38, v24;
	v62 =	vadd.f32 v59, v58  }
0x11d: {  	v49 =	vmul.f32 v25, v25;
	v53 =	vadd.f32 v20, v34;
	v57 =	vadd.f32 v23, v21  }
0x11e: {  	v52 =	vmul.f32 v47, v47;
	v56 =	vmul.f32 v22, v22;
	v46 =	vadd.f32 v25, v22  }
0x11f: {  	v61 =	vmul.f32 v21, v21;
	v63 =	vmul.f32 v20, v20;
	v40 =	vadd.f32 v53, v57  }
0x120: {  	v35 =	vmul.f32 $7.812500000e-03, v35;
	v50 =	vadd.f32 v46, v60;
	v33 =	vadd.f32 v49, v56  }
0x121: {  	v37 =	vadd.f32 v55, v61;
	v41 =	vadd.f32 v63, v54  }
0x122: {  	v35 =	vsub.f32 v35, v52;
	v40 =	vadd.f32 v40, v50  }
0x123: {  	v33 =	vadd.f32 v33, v62;
	v37 =	vadd.f32 v41, v37  }
0x124: {  	v35 =	vadd.f32 $9.999999740e-06, v35  }
0x125: {  	s31 =	simm.s32 $0x100;
	v51 =	vperm.xlane v40, v0;
	v33 =	vadd.f32 v37, v33  }
0x126: {  	v39 =	vld [tilespmem:s31+$0x14C60];
	v53 =	vshra.s32 v35, $0x1;
	v35 =	vmul.f32 $-5.000000000e-01, v35  }
0x127: {  	v42 =	vld [tilespmem:s31+$0x8400];
	v52 =	vadd.f32 v40, v51;
	v54 =	vperm.xlane v33, v0;
	v40 =	vsub.s32 $0x5F3759DF, v53  }
0x128: {  	v44 =	vld [tilespmem:s31+$0x14C70];
	v35 =	vmul.f32 v40, v35  }
0x129: {  	v45 =	vld [tilespmem:s31+$0x14C30];
	v55 =	vperm.xlane v52, v1;
	v33 =	vadd.f32 v54, v33  }
0x12a: {  	v43 =	vld [tilespmem:s31+$0x14C20];
	v35 =	vmul.f32 v40, v35  }
0x12b: {  	v29 =	vsub.f32 v29, v47;
	v49 =	vld [tilespmem:s31+$0x14C50];
	v37 =	vadd.f32 v52, v55;
	v56 =	vperm.xlane v33, v1  }
0x12c: {  	v60 =	vld [tilespmem:s31+$0x8460];
	v50 =	vsub.f32 v31, v47;
	v31 =	vadd.f32 $1.500000000e+00, v35  }
0x12d: {  	v59 =	vsub.f32 v36, v47;
	v41 =	vld [tilespmem:s31+$0x14C10];
	v57 =	vperm.xlane v37, v2;
	v33 =	vadd.f32 v56, v33  }
0x12e: {  	v36 =	vsub.f32 v26, v47;
	v46 =	vsub.f32 v32, v47;
	v51 =	vld [tilespmem:s31+$0x14C40];
	v31 =	vmul.f32 v40, v31  }
0x12f: {  	v61 =	vsub.f32 v30, v47;
	v58 =	vadd.f32 v37, v57;
	v37 =	vld [tilespmem:s31+$0x14C00];
	v30 =	vperm.xlane v33, v2  }
0x130: {  	v54 =	vsub.f32 v27, v47;
	v52 =	vld [tilespmem:s31+$0x8470];
	v27 =	vmul.f32 v31, v29;
	v63 =	vmul.f32 v31, v59  }
0x131: {  	v53 =	vsub.f32 v28, v47;
	v56 =	vld [tilespmem:s31+$0x8450];
	v47 =	vmul.f32 v31, v50;
	v62 =	vperm.xlane v58, v3  }
0x132: {  	v59 =	vld [tilespmem:s31+$0x8430];
	v40 =	vmul.f32 v31, v61;
	v29 =	vadd.f32 v30, v33;
	v26 =	vmul.f32 v27, v18  }
0x133: {  	v55 =	vld [tilespmem:s31+$0x8420];
	v54 =	vmul.f32 v31, v54;
	v33 =	vmul.f32 v63, v16;
	v28 =	vadd.f32 v58, v62  }
0x134: {  	v27 =	vld [tilespmem:s31+$0x8440];
	v57 =	vperm.xlane v29, v3;
	v30 =	vadd.f32 v37, v42;
	v42 =	vadd.f32 v26, v19  }
0x135: {  	v58 =	vld [tilespmem:s31+$0x8410];
	v26 =	vadd.f32 v44, v52;
	v32 =	vmul.f32 $7.812500000e-03, v28;
	v28 =	vadd.f32 v39, v60  }
0x136: {  	v48 =	vadd.f32 v57, v29;
	v60 =	vmul.f32 v31, v46;
	v46 =	vadd.f32 v33, v17  }
0x137: {  	v29 =	vadd.f32 v49, v56;
	v37 =	vadd.f32 v45, v59;
	v39 =	vmul.f32 v47, v4  }
0x138: {  	v63 =	vmul.f32 v30, v30;
	v35 =	vsub.f32 v34, v32;
	v61 =	vadd.f32 v26, v28  }
0x139: {  	v50 =	vmul.f32 v32, v32;
	v34 =	vadd.f32 v43, v55;
	v33 =	vadd.f32 v51, v27  }
0x13a: {  	v52 =	vmul.f32 v28, v28;
	v43 =	vmul.f32 v60, v14;
	v27 =	vadd.f32 v41, v58  }
0x13b: {  	v60 =	vmul.f32 v37, v37;
	v62 =	vadd.f32 v29, v33;
	v59 =	vadd.f32 v37, v34  }
0x13c: {  	v55 =	vmul.f32 v34, v34;
	v57 =	vmul.f32 v27, v27;
	v58 =	vadd.f32 v27, v30  }
0x13d: {  	v49 =	vadd.f32 v61, v62;
	v61 =	vmul.f32 v29, v29;
	v62 =	vmul.f32 v33, v33  }
0x13e: {  	v55 =	vadd.f32 v60, v55;
	v44 =	vadd.f32 v57, v63;
	v63 =	vmul.f32 v26, v26  }
0x13f: {  	v48 =	vmul.f32 $7.812500000e-03, v48;
	v60 =	vadd.f32 v43, v15;
	v51 =	vadd.f32 v59, v58  }
0x140: {  	v41 =	vmul.f32 v31, v53;
	v45 =	vadd.f32 v61, v62;
	v52 =	vadd.f32 v63, v52  }
0x141: {  	[tilespmem:s16+$0x8460] =	vst v42;
	v42 =	vmul.f32 v54, v9;
	v61 =	vsub.f32 v48, v50;
	v43 =	vadd.f32 v49, v51  }
0x142: {  	v62 =	vmul.f32 v41, v12;
	v63 =	vadd.f32 v55, v44;
	v45 =	vadd.f32 v52, v45  }
0x143: {  	[tilespmem:s16+$0x8400] =	vst v46;
	v38 =	vsub.f32 v38, v32;
	v44 =	vadd.f32 $9.999999740e-06, v61;
	v46 =	vperm.xlane v43, v0  }
0x144: {  	s3 =	simm.s32 $0x600;
	v41 =	vmul.f32 v40, v8;
	[tilespmem:s16+$0x8430] =	vst v60;
	v40 =	vadd.f32 v62, v13;
	v45 =	vadd.f32 v45, v63  }
.LBB2_5:
0x145: {  	s7 =	sshra.s32 s3, $0x2;
	p0 =	sne.s32 s3, $0x18E00;
	s3 =	sadd.s32 $0x200, s3;
	v43 =	vadd.f32 v43, v46;
	v46 =	vshra.s32 v44, $0x1;
	v44 =	vmul.f32 $-5.000000000e-01, v44  }
0x146: {  	v49 =	vsub.f32 v25, v32;
	v25 =	vmovc v37;
	v47 =	vld [tilespmem:s7+$0x14C60];
	v48 =	vperm.xlane v45, v0;
	v46 =	vsub.s32 $0x5F3759DF, v46;
	[tilespmem:s16+$0x8440] =	vst v40  }
0x147: {  	v41 =	vadd.f32 v41, v10;
	v37 =	vld [tilespmem:s7+$0x14C10];
	v40 =	vperm.xlane v43, v1;
	v44 =	vmul.f32 v46, v44  }
0x148: {  	v31 =	vmul.f32 v31, v36;
	v42 =	vadd.f32 v42, v11;
	v50 =	vld [tilespmem:s7+$0x14C70];
	v45 =	vadd.f32 v48, v45  }
0x149: {  	v48 =	vld [tilespmem:s7+$0x14C30];
	v36 =	vadd.f32 v43, v40;
	v40 =	vmul.f32 v46, v44;
	v43 =	vsub.f32 v24, v32;
	[tilespmem:s16+$0x8420] =	vst v41  }
0x14a: {  	v39 =	vadd.f32 v39, v6;
	v31 =	vmul.f32 v31, v5;
	v41 =	vld [tilespmem:s7+$0x8400];
	v44 =	vperm.xlane v45, v1;
	[tilespmem:s16+$0x8450] =	vst v42  }
0x14b: {  	v52 =	vsub.f32 v22, v32;
	v22 =	vmovc v34;
	v24 =	vmovc v30;
	v42 =	vld [tilespmem:s7+$0x14C20];
	v51 =	vperm.xlane v36, v2;
	v40 =	vadd.f32 $1.500000000e+00, v40  }
0x14c: {  	v34 =	vld [tilespmem:s7+$0x14C50];
	v30 =	vadd.f32 v44, v45;
	[tilespmem:s16+$0x8410] =	vst v39;
	v39 =	vadd.f32 v31, v7  }
0x14d: {  	v44 =	vld [tilespmem:s7+$0x14C40];
	v45 =	vadd.f32 v36, v51;
	v31 =	vmul.f32 v46, v40;
	v40 =	vsub.f32 v21, v32;
	v21 =	vmovc v33  }
0x14e: {  	v51 =	vsub.f32 v23, v32;
	v36 =	vsub.f32 v20, v32;
	v33 =	vld [tilespmem:s7+$0x14C00];
	v46 =	vperm.xlane v30, v2;
	[tilespmem:s16+$0x8470] =	vst v39;
	s16 =	smov.u32 s19;
	s19 =	smov.u32 s31;
	s31 =	smov.u32 s7  }
0x14f: {  	v20 =	vmovc v26;
	v23 =	vmov v29;
	v39 =	vld [tilespmem:s31+$0x8460];
	v32 =	vperm.xlane v45, v3;
	v35 =	vmul.f32 v31, v35  }
0x150: {  	v43 =	vmul.f32 v31, v43;
	v38 =	vmul.f32 v31, v38;
	v26 =	vld [tilespmem:s31+$0x8470];
	v29 =	vadd.f32 v46, v30  }
0x151: {  	v46 =	vld [tilespmem:s31+$0x8420];
	v32 =	vadd.f32 v45, v32;
	v45 =	vmul.f32 v31, v52;
	v35 =	vmul.f32 v35, v18  }
0x152: {  	v49 =	vmul.f32 v31, v49;
	v52 =	vld [tilespmem:s31+$0x8450];
	v53 =	vperm.xlane v29, v3  }
0x153: {  	v30 =	vadd.f32 v33, v41;
	v33 =	vld [tilespmem:s31+$0x8440];
	v32 =	vmul.f32 $7.812500000e-03, v32;
	v41 =	vadd.f32 v35, v19  }
0x154: {  	v54 =	vld [tilespmem:s31+$0x8410];
	v39 =	vadd.f32 v47, v39;
	v47 =	vadd.f32 v53, v29;
	v29 =	vmul.f32 v43, v16  }
0x155: {  	v43 =	vld [tilespmem:s31+$0x8430];
	v26 =	vadd.f32 v50, v26;
	v50 =	vmul.f32 v32, v32;
	v35 =	vsub.f32 v28, v32;
	[tilespmem:s16+$0x8460] =	vst v41  }
0x156: {  	v49 =	vmul.f32 v49, v14;
	v41 =	vmul.f32 v39, v39;
	v53 =	vadd.f32 v29, v17;
	v28 =	vmovc v39  }
0x157: {  	v40 =	vmul.f32 v31, v40;
	v29 =	vadd.f32 v34, v52;
	v39 =	vadd.f32 v26, v28  }
0x158: {  	v34 =	vadd.f32 v42, v46;
	v42 =	vmul.f32 v31, v51;
	v33 =	vadd.f32 v44, v33;
	[tilespmem:s16+$0x8400] =	vst v53  }
0x159: {  	v46 =	vadd.f32 v49, v15;
	v51 =	vadd.f32 v37, v54;
	v44 =	vmul.f32 v29, v29  }
0x15a: {  	v37 =	vadd.f32 v48, v43;
	v43 =	vmul.f32 v34, v34;
	v48 =	vmul.f32 v33, v33  }
0x15b: {  	v52 =	vmul.f32 v30, v30;
	v49 =	vadd.f32 v29, v33;
	v53 =	vmul.f32 v51, v51;
	[tilespmem:s16+$0x8430] =	vst v46  }
0x15c: {  	v46 =	vadd.f32 v51, v30;
	v54 =	vadd.f32 v37, v34;
	v55 =	vmul.f32 v37, v37  }
0x15d: {  	v49 =	vadd.f32 v39, v49;
	v39 =	vmul.f32 v26, v26;
	v52 =	vadd.f32 v53, v52  }
0x15e: {  	v47 =	vmul.f32 $7.812500000e-03, v47;
	v46 =	vadd.f32 v54, v46;
	v53 =	vadd.f32 v55, v43  }
.Ltmp1:
0x15f: {  	v44 =	vadd.f32 v44, v48;
	v41 =	vadd.f32 v39, v41;
	v39 =	vmul.f32 v38, v4;
	(pc) =	sbr.rel @p0 .LBB2_5-.Ltmp1, $4  }
0x160: {  	v40 =	vmul.f32 v40, v12;
	v38 =	vsub.f32 v47, v50;
	v43 =	vadd.f32 v49, v46  }
0x161: {  	v47 =	vadd.f32 v53, v52;
	v48 =	vadd.f32 v41, v44;
	v41 =	vmul.f32 v45, v8  }
0x162: {  	v44 =	vadd.f32 $9.999999740e-06, v38;
	v38 =	vsub.f32 v27, v32;
	v27 =	vmovc v51;
	v46 =	vperm.xlane v43, v0  }
0x163: {  	v40 =	vadd.f32 v40, v13;
	v42 =	vmul.f32 v42, v9;
	v45 =	vadd.f32 v48, v47  }
0x164: {  	_ = 	snop  }
0x165: {  	v43 =	vadd.f32 v43, v46;
	v53 =	vperm.xlane v45, v0;
	_ =	sdelay $0x1  }
0x166: {  	v47 =	vperm.xlane v43, v1;
	v45 =	vadd.f32 v53, v45;
	_ =	sdelay $0x1  }
0x167: {  	v43 =	vadd.f32 v43, v47;
	v46 =	vperm.xlane v45, v1;
	_ =	sdelay $0x1  }
0x168: {  	v47 =	vperm.xlane v43, v2;
	v45 =	vadd.f32 v46, v45;
	_ =	sdelay $0x1  }
0x169: {  	v43 =	vadd.f32 v43, v47;
	v46 =	vperm.xlane v45, v2  }
0x16a: {  	v54 =	vshra.s32 v44, $0x1;
	v55 =	vmul.f32 $-5.000000000e-01, v44  }
0x16b: {  	v56 =	vsub.s32 $0x5F3759DF, v54;
	v48 =	vperm.xlane v43, v3;
	v45 =	vadd.f32 v46, v45  }
0x16c: {  	v44 =	vmul.f32 v56, v55  }
0x16d: {  	v43 =	vadd.f32 v43, v48;
	v57 =	vperm.xlane v45, v3  }
0x16e: {  	v44 =	vmul.f32 v56, v44  }
0x16f: {  	v25 =	vsub.f32 v25, v32;
	v43 =	vmul.f32 $7.812500000e-03, v43;
	v45 =	vadd.f32 v57, v45  }
0x170: {  	v41 =	vadd.f32 v41, v10;
	v31 =	vmul.f32 v31, v36;
	v58 =	vadd.f32 $1.500000000e+00, v44  }
0x171: {  	v24 =	vsub.f32 v24, v32;
	v59 =	vmul.f32 v43, v43;
	v45 =	vmul.f32 $7.812500000e-03, v45  }
0x172: {  	v39 =	vadd.f32 v39, v6;
	v22 =	vsub.f32 v22, v32;
	v36 =	vmul.f32 v56, v58  }
0x173: {  	v21 =	vsub.f32 v21, v32;
	v31 =	vmul.f32 v31, v5;
	v44 =	vsub.f32 v45, v59  }
0x174: {  	v23 =	vsub.f32 v23, v32;
	v35 =	vmul.f32 v36, v35;
	v24 =	vmul.f32 v36, v24  }
0x175: {  	v60 =	vmul.f32 v36, v38;
	v22 =	vmul.f32 v36, v22;
	v44 =	vadd.f32 $9.999999740e-06, v44  }
0x176: {  	v20 =	vsub.f32 v20, v32;
	v25 =	vmul.f32 v36, v25;
	v21 =	vmul.f32 v36, v21  }
0x177: {  	v23 =	vmul.f32 v36, v23;
	v61 =	vshra.s32 v44, $0x1;
	v44 =	vmul.f32 $-5.000000000e-01, v44  }
0x178: {  	v20 =	vmul.f32 v36, v20;
	v35 =	vmul.f32 v35, v18;
	v38 =	vsub.s32 $0x5F3759DF, v61  }
0x179: {  	v42 =	vadd.f32 v42, v11;
	v24 =	vmul.f32 v24, v16;
	v44 =	vmul.f32 v38, v44  }
0x17a: {  	[tilespmem:s16+$0x8440] =	vst v40;
	v31 =	vadd.f32 v31, v7;
	v25 =	vmul.f32 v25, v14;
	v21 =	vmul.f32 v21, v12  }
0x17b: {  	[tilespmem:s16+$0x8420] =	vst v41;
	v22 =	vmul.f32 v22, v8;
	v35 =	vadd.f32 v35, v19;
	v62 =	vmul.f32 v38, v44  }
0x17c: {  	[tilespmem:s16+$0x8410] =	vst v39;
	v23 =	vmul.f32 v23, v9;
	v24 =	vadd.f32 v24, v17;
	v25 =	vadd.f32 v25, v15  }
0x17d: {  	[tilespmem:s16+$0x8450] =	vst v42;
	v20 =	vmul.f32 v20, v5;
	v21 =	vadd.f32 v21, v13;
	v63 =	vadd.f32 $1.500000000e+00, v62  }
0x17e: {  	[tilespmem:s16+$0x8470] =	vst v31;
	v32 =	vmul.f32 v60, v4;
	v22 =	vadd.f32 v22, v10;
	v23 =	vadd.f32 v23, v11  }
0x17f: {  	v20 =	vadd.f32 v20, v7;
	v28 =	vsub.f32 v28, v43;
	[tilespmem:s19+$0x8460] =	vst v35;
	v42 =	vmul.f32 v38, v63  }
0x180: {  	v27 =	vsub.f32 v27, v43;
	[tilespmem:s19+$0x8400] =	vst v24;
	v24 =	vsub.f32 v30, v43  }
0x181: {  	v31 =	vsub.f32 v37, v43;
	[tilespmem:s19+$0x8430] =	vst v25;
	v25 =	vadd.f32 v32, v6;
	v28 =	vmul.f32 v42, v28  }
0x182: {  	v30 =	vsub.f32 v34, v43;
	[tilespmem:s19+$0x8440] =	vst v21;
	v21 =	vsub.f32 v33, v43;
	v24 =	vmul.f32 v42, v24  }
0x183: {  	[tilespmem:s19+$0x8420] =	vst v22;
	v22 =	vsub.f32 v29, v43;
	v29 =	vmul.f32 v42, v31;
	v28 =	vmul.f32 v28, v18  }
0x184: {  	[tilespmem:s19+$0x8450] =	vst v23;
	v23 =	vsub.f32 v26, v43;
	v21 =	vmul.f32 v42, v21;
	v24 =	vmul.f32 v24, v16  }
0x185: {  	[tilespmem:s19+$0x8410] =	vst v25;
	v25 =	vmul.f32 v42, v30;
	v26 =	vadd.f32 v28, v19;
	v28 =	vmul.f32 v29, v14  }
0x186: {  	[tilespmem:s19+$0x8470] =	vst v20;
	v22 =	vmul.f32 v42, v22;
	v21 =	vmul.f32 v21, v12;
	v20 =	vadd.f32 v24, v17  }
0x187: {  	v25 =	vmul.f32 v25, v8;
	v24 =	vmul.f32 v42, v27;
	[tilespmem:s31+$0x8460] =	vst v26;
	v26 =	vadd.f32 v28, v15  }
0x188: {  	[tilespmem:s31+$0x8400] =	vst v20;
	v20 =	vadd.f32 v21, v13;
	v21 =	vmul.f32 v22, v9;
	v22 =	vmul.f32 v42, v23  }
0x189: {  	v23 =	vmul.f32 v24, v4;
	v24 =	vadd.f32 v25, v10;
	[tilespmem:s31+$0x8430] =	vst v26  }
0x18a: {  	[tilespmem:s31+$0x8440] =	vst v20;
	v20 =	vadd.f32 v21, v11;
	v21 =	vmul.f32 v22, v5  }
0x18b: {  	s3 =	sadd.s32 s11, s14;
	[tilespmem:s31+$0x8420] =	vst v24;
	v22 =	vadd.f32 v23, v6  }
0x18c: {  	s3 =	smul.u32 $0xC80, s3;
	[tilespmem:s31+$0x8450] =	vst v20;
	v20 =	vadd.f32 v21, v7  }
0x18d: {  	[tilespmem:s31+$0x8410] =	vst v22  }
0x18e: {  	s7 =	simm.s32 $0x0;
	s3 =	sadd.s32 s5, s3;
	s19 =	smul.u32 $0xC00, s4;
	[tilespmem:s31+$0x8470] =	vst v20  }
0x18f: {  	[hbm4b:s3+s7] =	stream.linear.scatter [tilespmem:s21], [sflag:$0x5], $0x6400, $0x38;
	[tilespmem:$0x1B100] =	vst v63  }
0x190: {  	_ =	swait.ge [sflag:s28], $0x6400  }
0x191: {  	s3 =	sshra.s32 s19, $0x2;
	[sflag:s28] =	ssyncset.done $0x0  }
0x192: {  	s31 =	sadd.s32 $0x300, s3;
	[sflag:s28] =	ssyncadd.s32 $0xFFFF9C00  }
0x193: {  	[tilespmem:s18], [sflag:$0x1] =	stream.indirect.gather [hbm4b:s1+s17], $0x80, s31, s17, $0xb8;
	[tilespmem:$0x1B100] =	vst v63  }
0x194: {  	s3 =	sadd.s32 $0x380, s3  }
0x195: {  	[tilespmem:s20], [sflag:$0x1] =	stream.indirect.gather [hbm4b:s1+s17], $0x80, s3, s17, $0xb8;
	[tilespmem:$0x1B100] =	vst v63  }
0x196: {  	_ =	swait.ge [sflag:s29], $0x6400  }
0x197: {  	[sflag:s29] =	ssyncset.done $0x0  }
0x198: {  	s14 =	simm.s32 $0x0;
	[sflag:s29] =	ssyncadd.s32 $0xFFFF9C00  }
0x199: {  	v20 =	vld [tilespmem:s14+$0x14C60]  }
0x19a: {  	v21 =	vld [tilespmem:s14+$0x14C10]  }
0x19b: {  	v22 =	vld [tilespmem:s14+$0x14C70]  }
0x19c: {  	v23 =	vld [tilespmem:s14+$0x14C30]  }
0x19d: {  	v24 =	vld [tilespmem:s14+$0xE800]  }
0x19e: {  	v25 =	vld [tilespmem:s14+$0x14C20]  }
0x19f: {  	v27 =	vld [tilespmem:s14+$0x14C50]  }
0x1a0: {  	v28 =	vld [tilespmem:s14+$0x14C40]  }
0x1a1: {  	v26 =	vld [tilespmem:s14+$0x14C00]  }
0x1a2: {  	v29 =	vld [tilespmem:s14+$0xE860]  }
0x1a3: {  	v30 =	vld [tilespmem:s14+$0xE870]  }
0x1a4: {  	v31 =	vld [tilespmem:s14+$0xE820]  }
0x1a5: {  	v43 =	vld [tilespmem:s14+$0xE850]  }
0x1a6: {  	v44 =	vld [tilespmem:s14+$0xE840]  }
0x1a7: {  	v45 =	vld [tilespmem:s14+$0xE810]  }
0x1a8: {  	v46 =	vld [tilespmem:s14+$0xE830]  }
0x1a9: {  	v36 =	vadd.f32 v26, v24  }
0x1aa: {  	v29 =	vadd.f32 v20, v29;
	v26 =	vadd.f32 v22, v30  }
0x1ab: {  	v27 =	vadd.f32 v27, v43;
	v30 =	vadd.f32 v25, v31  }
0x1ac: {  	v28 =	vadd.f32 v28, v44;
	v31 =	vadd.f32 v21, v45  }
0x1ad: {  	v32 =	vadd.f32 v23, v46;
	v20 =	vmul.f32 v29, v29;
	v21 =	vmul.f32 v27, v27  }
0x1ae: {  	v22 =	vadd.f32 v26, v29;
	v23 =	vmul.f32 v30, v30;
	v24 =	vmul.f32 v28, v28  }
0x1af: {  	v25 =	vadd.f32 v27, v28;
	v47 =	vmul.f32 v36, v36;
	v34 =	vmul.f32 v31, v31  }
0x1b0: {  	v48 =	vadd.f32 v31, v36;
	v49 =	vadd.f32 v32, v30;
	v50 =	vmul.f32 v32, v32  }
0x1b1: {  	v51 =	vmul.f32 v26, v26;
	v22 =	vadd.f32 v22, v25;
	v25 =	vadd.f32 v34, v47  }
0x1b2: {  	v52 =	vadd.f32 v49, v48;
	v23 =	vadd.f32 v50, v23  }
0x1b3: {  	s16 =	simm.s32 $0x80;
	v21 =	vadd.f32 v21, v24;
	v20 =	vadd.f32 v51, v20  }
0x1b4: {  	v33 =	vld [tilespmem:s16+$0x14C30];
	v22 =	vadd.f32 v22, v52  }
0x1b5: {  	v54 =	vld [tilespmem:s16+$0xE800];
	v23 =	vadd.f32 v23, v25;
	v20 =	vadd.f32 v20, v21  }
0x1b6: {  	v37 =	vld [tilespmem:s16+$0x14C20]  }
0x1b7: {  	v56 =	vld [tilespmem:s16+$0x14C40];
	v21 =	vperm.xlane v22, v0;
	v20 =	vadd.f32 v20, v23  }
0x1b8: {  	v58 =	vld [tilespmem:s16+$0x14C00]  }
0x1b9: {  	v59 =	vld [tilespmem:s16+$0xE860];
	v21 =	vadd.f32 v22, v21;
	v23 =	vperm.xlane v20, v0  }
0x1ba: {  	v60 =	vld [tilespmem:s16+$0xE870]  }
0x1bb: {  	v62 =	vld [tilespmem:s16+$0xE820];
	v53 =	vperm.xlane v21, v1;
	v20 =	vadd.f32 v23, v20  }
0x1bc: {  	v24 =	vld [tilespmem:s16+$0x14C60]  }
0x1bd: {  	v48 =	vld [tilespmem:s16+$0xE850];
	v21 =	vadd.f32 v21, v53;
	v55 =	vperm.xlane v20, v1  }
0x1be: {  	v50 =	vld [tilespmem:s16+$0xE810]  }
0x1bf: {  	v25 =	vld [tilespmem:s16+$0x14C10];
	v57 =	vperm.xlane v21, v2;
	v20 =	vadd.f32 v55, v20  }
0x1c0: {  	v51 =	vld [tilespmem:s16+$0xE830]  }
0x1c1: {  	v23 =	vld [tilespmem:s16+$0x14C50];
	v21 =	vadd.f32 v21, v57;
	v61 =	vperm.xlane v20, v2  }
0x1c2: {  	v22 =	vld [tilespmem:s16+$0x14C70]  }
0x1c3: {  	v49 =	vld [tilespmem:s16+$0xE840];
	v34 =	vadd.f32 v24, v59;
	v63 =	vperm.xlane v21, v3;
	v41 =	vadd.f32 v61, v20  }
0x1c4: {  	v24 =	vadd.f32 v58, v54;
	v38 =	vadd.f32 v25, v50  }
0x1c5: {  	v25 =	vadd.f32 v33, v51;
	v20 =	vadd.f32 v21, v63;
	v21 =	vperm.xlane v41, v3  }
0x1c6: {  	v58 =	vmul.f32 v24, v24;
	v59 =	vmul.f32 v38, v38;
	v23 =	vadd.f32 v23, v48  }
0x1c7: {  	v47 =	vmul.f32 $7.812500000e-03, v20;
	v20 =	vadd.f32 v22, v60;
	v35 =	vadd.f32 v21, v41  }
0x1c8: {  	v54 =	vmul.f32 v34, v34;
	v22 =	vadd.f32 v37, v62;
	v21 =	vadd.f32 v56, v49  }
0x1c9: {  	v55 =	vmul.f32 v23, v23;
	v60 =	vadd.f32 v38, v24;
	v62 =	vadd.f32 v59, v58  }
0x1ca: {  	v49 =	vmul.f32 v25, v25;
	v53 =	vadd.f32 v20, v34;
	v57 =	vadd.f32 v23, v21  }
0x1cb: {  	v52 =	vmul.f32 v47, v47;
	v56 =	vmul.f32 v22, v22;
	v46 =	vadd.f32 v25, v22  }
0x1cc: {  	v61 =	vmul.f32 v21, v21;
	v63 =	vmul.f32 v20, v20;
	v40 =	vadd.f32 v53, v57  }
0x1cd: {  	v35 =	vmul.f32 $7.812500000e-03, v35;
	v50 =	vadd.f32 v46, v60;
	v33 =	vadd.f32 v49, v56  }
0x1ce: {  	v37 =	vadd.f32 v55, v61;
	v41 =	vadd.f32 v63, v54  }
0x1cf: {  	v35 =	vsub.f32 v35, v52;
	v40 =	vadd.f32 v40, v50  }
0x1d0: {  	v33 =	vadd.f32 v33, v62;
	v37 =	vadd.f32 v41, v37  }
0x1d1: {  	v35 =	vadd.f32 $9.999999740e-06, v35  }
0x1d2: {  	s19 =	simm.s32 $0x100;
	v51 =	vperm.xlane v40, v0;
	v33 =	vadd.f32 v37, v33  }
0x1d3: {  	v39 =	vld [tilespmem:s19+$0x14C60];
	v53 =	vshra.s32 v35, $0x1;
	v35 =	vmul.f32 $-5.000000000e-01, v35  }
0x1d4: {  	v42 =	vld [tilespmem:s19+$0xE800];
	v52 =	vadd.f32 v40, v51;
	v54 =	vperm.xlane v33, v0;
	v40 =	vsub.s32 $0x5F3759DF, v53  }
0x1d5: {  	v44 =	vld [tilespmem:s19+$0x14C70];
	v35 =	vmul.f32 v40, v35  }
0x1d6: {  	v45 =	vld [tilespmem:s19+$0x14C30];
	v55 =	vperm.xlane v52, v1;
	v33 =	vadd.f32 v54, v33  }
0x1d7: {  	v43 =	vld [tilespmem:s19+$0x14C20];
	v35 =	vmul.f32 v40, v35  }
0x1d8: {  	v29 =	vsub.f32 v29, v47;
	v49 =	vld [tilespmem:s19+$0x14C50];
	v37 =	vadd.f32 v52, v55;
	v56 =	vperm.xlane v33, v1  }
0x1d9: {  	v60 =	vld [tilespmem:s19+$0xE860];
	v50 =	vsub.f32 v31, v47;
	v31 =	vadd.f32 $1.500000000e+00, v35  }
0x1da: {  	v59 =	vsub.f32 v36, v47;
	v41 =	vld [tilespmem:s19+$0x14C10];
	v57 =	vperm.xlane v37, v2;
	v33 =	vadd.f32 v56, v33  }
0x1db: {  	v36 =	vsub.f32 v26, v47;
	v46 =	vsub.f32 v32, v47;
	v51 =	vld [tilespmem:s19+$0x14C40];
	v31 =	vmul.f32 v40, v31  }
0x1dc: {  	v61 =	vsub.f32 v30, v47;
	v58 =	vadd.f32 v37, v57;
	v37 =	vld [tilespmem:s19+$0x14C00];
	v30 =	vperm.xlane v33, v2  }
0x1dd: {  	v54 =	vsub.f32 v27, v47;
	v52 =	vld [tilespmem:s19+$0xE870];
	v27 =	vmul.f32 v31, v29;
	v63 =	vmul.f32 v31, v59  }
0x1de: {  	v53 =	vsub.f32 v28, v47;
	v56 =	vld [tilespmem:s19+$0xE850];
	v47 =	vmul.f32 v31, v50;
	v62 =	vperm.xlane v58, v3  }
0x1df: {  	v59 =	vld [tilespmem:s19+$0xE830];
	v40 =	vmul.f32 v31, v61;
	v29 =	vadd.f32 v30, v33;
	v26 =	vmul.f32 v27, v18  }
0x1e0: {  	v55 =	vld [tilespmem:s19+$0xE820];
	v54 =	vmul.f32 v31, v54;
	v33 =	vmul.f32 v63, v16;
	v28 =	vadd.f32 v58, v62  }
0x1e1: {  	v27 =	vld [tilespmem:s19+$0xE840];
	v57 =	vperm.xlane v29, v3;
	v30 =	vadd.f32 v37, v42;
	v42 =	vadd.f32 v26, v19  }
0x1e2: {  	v58 =	vld [tilespmem:s19+$0xE810];
	v26 =	vadd.f32 v44, v52;
	v32 =	vmul.f32 $7.812500000e-03, v28;
	v28 =	vadd.f32 v39, v60  }
0x1e3: {  	v48 =	vadd.f32 v57, v29;
	v60 =	vmul.f32 v31, v46;
	v46 =	vadd.f32 v33, v17  }
0x1e4: {  	v29 =	vadd.f32 v49, v56;
	v37 =	vadd.f32 v45, v59;
	v39 =	vmul.f32 v47, v4  }
0x1e5: {  	v63 =	vmul.f32 v30, v30;
	v35 =	vsub.f32 v34, v32;
	v61 =	vadd.f32 v26, v28  }
0x1e6: {  	v50 =	vmul.f32 v32, v32;
	v34 =	vadd.f32 v43, v55;
	v33 =	vadd.f32 v51, v27  }
0x1e7: {  	v52 =	vmul.f32 v28, v28;
	v43 =	vmul.f32 v60, v14;
	v27 =	vadd.f32 v41, v58  }
0x1e8: {  	v60 =	vmul.f32 v37, v37;
	v62 =	vadd.f32 v29, v33;
	v59 =	vadd.f32 v37, v34  }
0x1e9: {  	v55 =	vmul.f32 v34, v34;
	v57 =	vmul.f32 v27, v27;
	v58 =	vadd.f32 v27, v30  }
0x1ea: {  	v49 =	vadd.f32 v61, v62;
	v61 =	vmul.f32 v29, v29;
	v62 =	vmul.f32 v33, v33  }
0x1eb: {  	v55 =	vadd.f32 v60, v55;
	v44 =	vadd.f32 v57, v63;
	v63 =	vmul.f32 v26, v26  }
0x1ec: {  	v48 =	vmul.f32 $7.812500000e-03, v48;
	v60 =	vadd.f32 v43, v15;
	v51 =	vadd.f32 v59, v58  }
0x1ed: {  	v41 =	vmul.f32 v31, v53;
	v45 =	vadd.f32 v61, v62;
	v52 =	vadd.f32 v63, v52  }
0x1ee: {  	[tilespmem:s14+$0xE860] =	vst v42;
	v42 =	vmul.f32 v54, v9;
	v61 =	vsub.f32 v48, v50;
	v43 =	vadd.f32 v49, v51  }
0x1ef: {  	v62 =	vmul.f32 v41, v12;
	v63 =	vadd.f32 v55, v44;
	v45 =	vadd.f32 v52, v45  }
0x1f0: {  	[tilespmem:s14+$0xE800] =	vst v46;
	v38 =	vsub.f32 v38, v32;
	v44 =	vadd.f32 $9.999999740e-06, v61;
	v46 =	vperm.xlane v43, v0  }
0x1f1: {  	s3 =	simm.s32 $0x600;
	v41 =	vmul.f32 v40, v8;
	[tilespmem:s14+$0xE830] =	vst v60;
	v40 =	vadd.f32 v62, v13;
	v45 =	vadd.f32 v45, v63  }
.LBB2_7:
0x1f2: {  	s7 =	sshra.s32 s3, $0x2;
	p0 =	sne.s32 s3, $0x18E00;
	s3 =	sadd.s32 $0x200, s3;
	v43 =	vadd.f32 v43, v46;
	v46 =	vshra.s32 v44, $0x1;
	v44 =	vmul.f32 $-5.000000000e-01, v44  }
0x1f3: {  	v49 =	vsub.f32 v25, v32;
	v25 =	vmovc v37;
	v47 =	vld [tilespmem:s7+$0x14C60];
	v48 =	vperm.xlane v45, v0;
	v46 =	vsub.s32 $0x5F3759DF, v46;
	[tilespmem:s14+$0xE840] =	vst v40  }
0x1f4: {  	v41 =	vadd.f32 v41, v10;
	v37 =	vld [tilespmem:s7+$0x14C10];
	v40 =	vperm.xlane v43, v1;
	v44 =	vmul.f32 v46, v44  }
0x1f5: {  	v31 =	vmul.f32 v31, v36;
	v42 =	vadd.f32 v42, v11;
	v50 =	vld [tilespmem:s7+$0x14C70];
	v45 =	vadd.f32 v48, v45  }
0x1f6: {  	v48 =	vld [tilespmem:s7+$0x14C30];
	v36 =	vadd.f32 v43, v40;
	v40 =	vmul.f32 v46, v44;
	v43 =	vsub.f32 v24, v32;
	[tilespmem:s14+$0xE820] =	vst v41  }
0x1f7: {  	v39 =	vadd.f32 v39, v6;
	v31 =	vmul.f32 v31, v5;
	v41 =	vld [tilespmem:s7+$0xE800];
	v44 =	vperm.xlane v45, v1;
	[tilespmem:s14+$0xE850] =	vst v42  }
0x1f8: {  	v52 =	vsub.f32 v22, v32;
	v22 =	vmovc v34;
	v24 =	vmovc v30;
	v42 =	vld [tilespmem:s7+$0x14C20];
	v51 =	vperm.xlane v36, v2;
	v40 =	vadd.f32 $1.500000000e+00, v40  }
0x1f9: {  	v34 =	vld [tilespmem:s7+$0x14C50];
	v30 =	vadd.f32 v44, v45;
	[tilespmem:s14+$0xE810] =	vst v39;
	v39 =	vadd.f32 v31, v7  }
0x1fa: {  	v44 =	vld [tilespmem:s7+$0x14C40];
	v45 =	vadd.f32 v36, v51;
	v31 =	vmul.f32 v46, v40;
	v40 =	vsub.f32 v21, v32;
	v21 =	vmovc v33  }
0x1fb: {  	v51 =	vsub.f32 v23, v32;
	v36 =	vsub.f32 v20, v32;
	v33 =	vld [tilespmem:s7+$0x14C00];
	v46 =	vperm.xlane v30, v2;
	[tilespmem:s14+$0xE870] =	vst v39;
	s14 =	smov.u32 s16;
	s16 =	smov.u32 s19;
	s19 =	smov.u32 s7  }
0x1fc: {  	v20 =	vmovc v26;
	v23 =	vmov v29;
	v39 =	vld [tilespmem:s19+$0xE860];
	v32 =	vperm.xlane v45, v3;
	v35 =	vmul.f32 v31, v35  }
0x1fd: {  	v43 =	vmul.f32 v31, v43;
	v38 =	vmul.f32 v31, v38;
	v26 =	vld [tilespmem:s19+$0xE870];
	v29 =	vadd.f32 v46, v30  }
0x1fe: {  	v46 =	vld [tilespmem:s19+$0xE820];
	v32 =	vadd.f32 v45, v32;
	v45 =	vmul.f32 v31, v52;
	v35 =	vmul.f32 v35, v18  }
0x1ff: {  	v49 =	vmul.f32 v31, v49;
	v52 =	vld [tilespmem:s19+$0xE850];
	v53 =	vperm.xlane v29, v3  }
0x200: {  	v30 =	vadd.f32 v33, v41;
	v33 =	vld [tilespmem:s19+$0xE840];
	v32 =	vmul.f32 $7.812500000e-03, v32;
	v41 =	vadd.f32 v35, v19  }
0x201: {  	v54 =	vld [tilespmem:s19+$0xE810];
	v39 =	vadd.f32 v47, v39;
	v47 =	vadd.f32 v53, v29;
	v29 =	vmul.f32 v43, v16  }
0x202: {  	v43 =	vld [tilespmem:s19+$0xE830];
	v26 =	vadd.f32 v50, v26;
	v50 =	vmul.f32 v32, v32;
	v35 =	vsub.f32 v28, v32;
	[tilespmem:s14+$0xE860] =	vst v41  }
0x203: {  	v49 =	vmul.f32 v49, v14;
	v41 =	vmul.f32 v39, v39;
	v53 =	vadd.f32 v29, v17;
	v28 =	vmovc v39  }
0x204: {  	v40 =	vmul.f32 v31, v40;
	v29 =	vadd.f32 v34, v52;
	v39 =	vadd.f32 v26, v28  }
0x205: {  	v34 =	vadd.f32 v42, v46;
	v42 =	vmul.f32 v31, v51;
	v33 =	vadd.f32 v44, v33;
	[tilespmem:s14+$0xE800] =	vst v53  }
0x206: {  	v46 =	vadd.f32 v49, v15;
	v51 =	vadd.f32 v37, v54;
	v44 =	vmul.f32 v29, v29  }
0x207: {  	v37 =	vadd.f32 v48, v43;
	v43 =	vmul.f32 v34, v34;
	v48 =	vmul.f32 v33, v33  }
0x208: {  	v52 =	vmul.f32 v30, v30;
	v49 =	vadd.f32 v29, v33;
	v53 =	vmul.f32 v51, v51;
	[tilespmem:s14+$0xE830] =	vst v46  }
0x209: {  	v46 =	vadd.f32 v51, v30;
	v54 =	vadd.f32 v37, v34;
	v55 =	vmul.f32 v37, v37  }
0x20a: {  	v49 =	vadd.f32 v39, v49;
	v39 =	vmul.f32 v26, v26;
	v52 =	vadd.f32 v53, v52  }
0x20b: {  	v47 =	vmul.f32 $7.812500000e-03, v47;
	v46 =	vadd.f32 v54, v46;
	v53 =	vadd.f32 v55, v43  }
.Ltmp2:
0x20c: {  	v44 =	vadd.f32 v44, v48;
	v41 =	vadd.f32 v39, v41;
	v39 =	vmul.f32 v38, v4;
	(pc) =	sbr.rel @p0 .LBB2_7-.Ltmp2, $4  }
0x20d: {  	v40 =	vmul.f32 v40, v12;
	v38 =	vsub.f32 v47, v50;
	v43 =	vadd.f32 v49, v46  }
0x20e: {  	v47 =	vadd.f32 v53, v52;
	v48 =	vadd.f32 v41, v44;
	v41 =	vmul.f32 v45, v8  }
0x20f: {  	v44 =	vadd.f32 $9.999999740e-06, v38;
	v38 =	vsub.f32 v27, v32;
	v27 =	vmovc v51;
	v46 =	vperm.xlane v43, v0  }
0x210: {  	v40 =	vadd.f32 v40, v13;
	v42 =	vmul.f32 v42, v9;
	v45 =	vadd.f32 v48, v47  }
0x211: {  	_ = 	snop  }
0x212: {  	v43 =	vadd.f32 v43, v46;
	v54 =	vperm.xlane v45, v0;
	_ =	sdelay $0x1  }
0x213: {  	v47 =	vperm.xlane v43, v1;
	v45 =	vadd.f32 v54, v45;
	_ =	sdelay $0x1  }
0x214: {  	v43 =	vadd.f32 v43, v47;
	v46 =	vperm.xlane v45, v1;
	_ =	sdelay $0x1  }
0x215: {  	v47 =	vperm.xlane v43, v2;
	v45 =	vadd.f32 v46, v45;
	_ =	sdelay $0x1  }
0x216: {  	v43 =	vadd.f32 v43, v47;
	v46 =	vperm.xlane v45, v2;
	_ =	sdelay $0x1  }
0x217: {  	v57 =	vperm.xlane v43, v3;
	v45 =	vadd.f32 v46, v45  }
0x218: {  	v55 =	vshra.s32 v44, $0x1;
	v56 =	vmul.f32 $-5.000000000e-01, v44;
	v25 =	vsub.f32 v25, v32  }
0x219: {  	v47 =	vsub.s32 $0x5F3759DF, v55;
	v43 =	vadd.f32 v43, v57;
	v58 =	vperm.xlane v45, v3  }
0x21a: {  	v41 =	vadd.f32 v41, v10;
	v31 =	vmul.f32 v31, v36;
	v44 =	vmul.f32 v47, v56  }
0x21b: {  	v24 =	vsub.f32 v24, v32;
	v43 =	vmul.f32 $7.812500000e-03, v43;
	v45 =	vadd.f32 v58, v45  }
0x21c: {  	v39 =	vadd.f32 v39, v6;
	v22 =	vsub.f32 v22, v32;
	v44 =	vmul.f32 v47, v44  }
0x21d: {  	v21 =	vsub.f32 v21, v32;
	v60 =	vmul.f32 v43, v43;
	v45 =	vmul.f32 $7.812500000e-03, v45  }
0x21e: {  	v23 =	vsub.f32 v23, v32;
	v20 =	vsub.f32 v20, v32;
	v31 =	vmul.f32 v31, v5  }
0x21f: {  	v59 =	vadd.f32 $1.500000000e+00, v44;
	v44 =	vsub.f32 v45, v60  }
0x220: {  	v42 =	vadd.f32 v42, v11;
	v31 =	vadd.f32 v31, v7  }
0x221: {  	v36 =	vmul.f32 v47, v59;
	v28 =	vsub.f32 v28, v43;
	v44 =	vadd.f32 $9.999999740e-06, v44  }
0x222: {  	v27 =	vsub.f32 v27, v43;
	v46 =	vsub.f32 v30, v43  }
0x223: {  	v35 =	vmul.f32 v36, v35;
	v62 =	vshra.s32 v44, $0x1;
	v44 =	vmul.f32 $-5.000000000e-01, v44  }
0x224: {  	v24 =	vmul.f32 v36, v24;
	v61 =	vmul.f32 v36, v38;
	v38 =	vsub.s32 $0x5F3759DF, v62  }
0x225: {  	v48 =	vsub.f32 v34, v43;
	v22 =	vmul.f32 v36, v22;
	v44 =	vmul.f32 v38, v44  }
0x226: {  	[tilespmem:s14+$0xE840] =	vst v40;
	v49 =	vsub.f32 v33, v43;
	v25 =	vmul.f32 v36, v25;
	v21 =	vmul.f32 v36, v21  }
0x227: {  	[tilespmem:s14+$0xE820] =	vst v41;
	v50 =	vsub.f32 v29, v43;
	v35 =	vmul.f32 v35, v18;
	v63 =	vmul.f32 v38, v44  }
0x228: {  	[tilespmem:s14+$0xE810] =	vst v39;
	v52 =	vsub.f32 v26, v43;
	v23 =	vmul.f32 v36, v23;
	v24 =	vmul.f32 v24, v16  }
0x229: {  	[tilespmem:s14+$0xE850] =	vst v42;
	v25 =	vmul.f32 v25, v14;
	v35 =	vadd.f32 v35, v19;
	v42 =	vadd.f32 $1.500000000e+00, v63  }
0x22a: {  	[tilespmem:s14+$0xE870] =	vst v31;
	v20 =	vmul.f32 v36, v20;
	v21 =	vmul.f32 v21, v12;
	v24 =	vadd.f32 v24, v17  }
0x22b: {  	v22 =	vmul.f32 v22, v8;
	v25 =	vadd.f32 v25, v15;
	[tilespmem:s16+$0xE860] =	vst v35;
	v45 =	vmul.f32 v38, v42  }
0x22c: {  	v32 =	vmul.f32 v61, v4;
	v23 =	vmul.f32 v23, v9;
	v21 =	vadd.f32 v21, v13;
	[tilespmem:s16+$0xE800] =	vst v24  }
0x22d: {  	v22 =	vadd.f32 v22, v10;
	[tilespmem:s16+$0xE830] =	vst v25;
	v44 =	vsub.f32 v37, v43;
	v28 =	vmul.f32 v45, v28  }
0x22e: {  	v20 =	vmul.f32 v20, v5;
	v23 =	vadd.f32 v23, v11;
	[tilespmem:s16+$0xE840] =	vst v21;
	v24 =	vmul.f32 v45, v46  }
0x22f: {  	v47 =	vadd.f32 v32, v6;
	[tilespmem:s16+$0xE820] =	vst v22;
	v51 =	vmul.f32 v45, v44;
	v28 =	vmul.f32 v28, v18  }
0x230: {  	v20 =	vadd.f32 v20, v7;
	[tilespmem:s16+$0xE850] =	vst v23;
	v21 =	vmul.f32 v45, v49;
	v24 =	vmul.f32 v24, v16  }
0x231: {  	[tilespmem:s16+$0xE810] =	vst v47;
	v53 =	vmul.f32 v45, v48;
	v55 =	vmul.f32 v51, v14;
	v54 =	vadd.f32 v28, v19  }
0x232: {  	[tilespmem:s16+$0xE870] =	vst v20;
	v22 =	vmul.f32 v45, v50;
	v21 =	vmul.f32 v21, v12;
	v20 =	vadd.f32 v24, v17  }
0x233: {  	v56 =	vmul.f32 v45, v27;
	v25 =	vmul.f32 v53, v8;
	v57 =	vadd.f32 v55, v15;
	[tilespmem:s19+$0xE860] =	vst v54  }
0x234: {  	v59 =	vmul.f32 v45, v52;
	v58 =	vmul.f32 v22, v9;
	[tilespmem:s19+$0xE800] =	vst v20;
	v20 =	vadd.f32 v21, v13  }
0x235: {  	s4 =	sadd.s32 $0x1, s4;
	v60 =	vmul.f32 v56, v4;
	v61 =	vadd.f32 v25, v10;
	[tilespmem:s19+$0xE830] =	vst v57  }
0x236: {  	p0 =	sne.s32 s4, $0xA;
	v62 =	vmul.f32 v59, v5;
	[tilespmem:s19+$0xE840] =	vst v20;
	v20 =	vadd.f32 v58, v11  }
.Ltmp3:
0x237: {  	s3 =	sadd.s32 s11, s15;
	v63 =	vadd.f32 v60, v6;
	[tilespmem:s19+$0xE820] =	vst v61;
	(pc) =	sbr.rel @p0 .LBB2_2-.Ltmp3, $4  }
0x238: {  	s3 =	smul.u32 $0xC80, s3;
	[tilespmem:s19+$0xE850] =	vst v20;
	v20 =	vadd.f32 v62, v7  }
0x239: {  	[tilespmem:s19+$0xE810] =	vst v63  }
0x23a: {  	s3 =	sadd.s32 s5, s3;
	[tilespmem:s19+$0xE870] =	vst v20  }
0x23b: {  	[hbm4b:s3+s6] =	stream.linear.scatter [tilespmem:s24], [sflag:$0x6], $0x6400, $0x38;
	[tilespmem:$0x1B100] =	vst v63  }
0x23c: {  	_ =	swait.ge [sflag:s30], $0x6400  }
0x23d: {  	[sflag:s30] =	ssyncset.done $0x0  }
0x23e: {  	s3 =	simm.s32 $0x1F00;
	[sflag:s30] =	ssyncadd.s32 $0xFFFF9C00  }
0x23f: {  	[tilespmem:s21], [sflag:$0x2] =	stream.indirect.gather [hbm4b:s1+s17], $0x80, s3, s17, $0xb8;
	[tilespmem:$0x1B100] =	vst v63  }
0x240: {  	s31 =	simm.s32 $0x1F80  }
0x241: {  	[tilespmem:s22], [sflag:$0x2] =	stream.indirect.gather [hbm4b:s1+s17], $0x80, s31, s17, $0xb8;
	[tilespmem:$0x1B100] =	vst v63  }
0x242: {  	_ =	swait.ge [sflag:s23], $0x6400  }
0x243: {  	[sflag:s23] =	ssyncset.done $0x0  }
0x244: {  	s4 =	simm.s32 $0x0;
	[sflag:s23] =	ssyncadd.s32 $0xFFFF9C00  }
0x245: {  	v20 =	vld [tilespmem:s4+$0x14C60]  }
0x246: {  	v21 =	vld [tilespmem:s4+$0x14C10]  }
0x247: {  	v22 =	vld [tilespmem:s4+$0x14C70]  }
0x248: {  	v23 =	vld [tilespmem:s4+$0x14C30]  }
0x249: {  	v24 =	vld [tilespmem:s4+$0x2000]  }
0x24a: {  	v25 =	vld [tilespmem:s4+$0x14C20]  }
0x24b: {  	v27 =	vld [tilespmem:s4+$0x14C50]  }
0x24c: {  	v28 =	vld [tilespmem:s4+$0x14C40]  }
0x24d: {  	v26 =	vld [tilespmem:s4+$0x14C00]  }
0x24e: {  	v29 =	vld [tilespmem:s4+$0x2060]  }
0x24f: {  	v30 =	vld [tilespmem:s4+$0x2070]  }
0x250: {  	v31 =	vld [tilespmem:s4+$0x2020]  }
0x251: {  	v32 =	vld [tilespmem:s4+$0x2050]  }
0x252: {  	v33 =	vld [tilespmem:s4+$0x2040]  }
0x253: {  	v34 =	vld [tilespmem:s4+$0x2010]  }
0x254: {  	v35 =	vld [tilespmem:s4+$0x2030]  }
0x255: {  	v36 =	vadd.f32 v26, v24  }
0x256: {  	v29 =	vadd.f32 v20, v29;
	v26 =	vadd.f32 v22, v30  }
0x257: {  	v27 =	vadd.f32 v27, v32;
	v30 =	vadd.f32 v25, v31  }
0x258: {  	v28 =	vadd.f32 v28, v33;
	v31 =	vadd.f32 v21, v34  }
0x259: {  	v32 =	vadd.f32 v23, v35;
	v20 =	vmul.f32 v29, v29;
	v21 =	vmul.f32 v27, v27  }
0x25a: {  	v22 =	vadd.f32 v26, v29;
	v23 =	vmul.f32 v30, v30;
	v24 =	vmul.f32 v28, v28  }
0x25b: {  	v25 =	vadd.f32 v27, v28;
	v56 =	vmul.f32 v36, v36;
	v34 =	vmul.f32 v31, v31  }
0x25c: {  	v57 =	vadd.f32 v31, v36;
	v37 =	vadd.f32 v32, v30;
	v38 =	vmul.f32 v32, v32  }
0x25d: {  	v58 =	vmul.f32 v26, v26;
	v22 =	vadd.f32 v22, v25;
	v25 =	vadd.f32 v34, v56  }
0x25e: {  	v59 =	vadd.f32 v37, v57;
	v23 =	vadd.f32 v38, v23  }
0x25f: {  	s14 =	simm.s32 $0x80;
	v21 =	vadd.f32 v21, v24;
	v20 =	vadd.f32 v58, v20  }
0x260: {  	v60 =	vld [tilespmem:s14+$0x14C30];
	v22 =	vadd.f32 v22, v59  }
0x261: {  	v62 =	vld [tilespmem:s14+$0x2000];
	v23 =	vadd.f32 v23, v25;
	v20 =	vadd.f32 v20, v21  }
0x262: {  	v63 =	vld [tilespmem:s14+$0x14C20];
	v21 =	vperm.xlane v22, v0  }
0x263: {  	v48 =	vld [tilespmem:s14+$0x14C40];
	v20 =	vadd.f32 v20, v23  }
0x264: {  	v40 =	vld [tilespmem:s14+$0x14C00];
	v21 =	vadd.f32 v22, v21  }
0x265: {  	v49 =	vld [tilespmem:s14+$0x2060];
	v23 =	vperm.xlane v20, v0  }
0x266: {  	v50 =	vld [tilespmem:s14+$0x2070];
	v61 =	vperm.xlane v21, v1  }
0x267: {  	v44 =	vld [tilespmem:s14+$0x2050];
	v20 =	vadd.f32 v23, v20  }
0x268: {  	v51 =	vld [tilespmem:s14+$0x2010];
	v21 =	vadd.f32 v21, v61  }
0x269: {  	v24 =	vld [tilespmem:s14+$0x14C60];
	v47 =	vperm.xlane v20, v1  }
0x26a: {  	v25 =	vld [tilespmem:s14+$0x14C10];
	v39 =	vperm.xlane v21, v2  }
0x26b: {  	v46 =	vld [tilespmem:s14+$0x2030];
	v20 =	vadd.f32 v47, v20  }
0x26c: {  	v22 =	vld [tilespmem:s14+$0x14C70];
	v21 =	vadd.f32 v21, v39  }
0x26d: {  	v23 =	vld [tilespmem:s14+$0x14C50];
	v41 =	vperm.xlane v20, v2  }
0x26e: {  	v45 =	vld [tilespmem:s14+$0x2040];
	v34 =	vadd.f32 v24, v49;
	v24 =	vadd.f32 v40, v62;
	v43 =	vperm.xlane v21, v3  }
0x26f: {  	v42 =	vld [tilespmem:s14+$0x2020];
	v38 =	vadd.f32 v25, v51;
	v41 =	vadd.f32 v41, v20  }
0x270: {  	v25 =	vadd.f32 v60, v46;
	v59 =	vmul.f32 v24, v24;
	v20 =	vadd.f32 v21, v43  }
0x271: {  	v60 =	vmul.f32 v38, v38;
	v61 =	vadd.f32 v38, v24;
	v21 =	vperm.xlane v41, v3  }
0x272: {  	v23 =	vadd.f32 v23, v44;
	v47 =	vmul.f32 $7.812500000e-03, v20;
	v20 =	vadd.f32 v22, v50  }
0x273: {  	v55 =	vmul.f32 v34, v34;
	v52 =	vadd.f32 v21, v41;
	v21 =	vadd.f32 v48, v45  }
0x274: {  	v49 =	vmul.f32 v25, v25;
	v62 =	vadd.f32 v60, v59;
	v22 =	vadd.f32 v63, v42  }
0x275: {  	v56 =	vmul.f32 v23, v23;
	v54 =	vadd.f32 v20, v34;
	v58 =	vadd.f32 v23, v21  }
0x276: {  	v53 =	vmul.f32 v47, v47;
	v57 =	vmul.f32 v22, v22;
	v46 =	vadd.f32 v25, v22  }
0x277: {  	v48 =	vmul.f32 v21, v21;
	v63 =	vmul.f32 v20, v20;
	v40 =	vadd.f32 v54, v58  }
0x278: {  	v35 =	vmul.f32 $7.812500000e-03, v52;
	v50 =	vadd.f32 v46, v61;
	v33 =	vadd.f32 v49, v57  }
0x279: {  	v37 =	vadd.f32 v56, v48;
	v41 =	vadd.f32 v63, v55  }
0x27a: {  	v35 =	vsub.f32 v35, v53;
	v40 =	vadd.f32 v40, v50  }
0x27b: {  	v33 =	vadd.f32 v33, v62;
	v37 =	vadd.f32 v41, v37  }
0x27c: {  	v35 =	vadd.f32 $9.999999740e-06, v35  }
0x27d: {  	s15 =	simm.s32 $0x100;
	v51 =	vperm.xlane v40, v0;
	v33 =	vadd.f32 v37, v33  }
0x27e: {  	v60 =	vld [tilespmem:s15+$0x2060];
	v53 =	vshra.s32 v35, $0x1;
	v35 =	vmul.f32 $-5.000000000e-01, v35  }
0x27f: {  	v44 =	vld [tilespmem:s15+$0x14C70];
	v52 =	vadd.f32 v40, v51;
	v54 =	vperm.xlane v33, v0;
	v40 =	vsub.s32 $0x5F3759DF, v53  }
0x280: {  	v39 =	vld [tilespmem:s15+$0x14C60];
	v35 =	vmul.f32 v40, v35  }
0x281: {  	v43 =	vld [tilespmem:s15+$0x14C20];
	v55 =	vperm.xlane v52, v1;
	v33 =	vadd.f32 v54, v33  }
0x282: {  	v45 =	vld [tilespmem:s15+$0x14C30];
	v35 =	vmul.f32 v40, v35  }
0x283: {  	v42 =	vld [tilespmem:s15+$0x2000];
	v29 =	vsub.f32 v29, v47;
	v37 =	vadd.f32 v52, v55;
	v56 =	vperm.xlane v33, v1  }
0x284: {  	v49 =	vld [tilespmem:s15+$0x14C50];
	v50 =	vsub.f32 v31, v47;
	v31 =	vadd.f32 $1.500000000e+00, v35  }
0x285: {  	v59 =	vsub.f32 v36, v47;
	v41 =	vld [tilespmem:s15+$0x14C10];
	v57 =	vperm.xlane v37, v2;
	v33 =	vadd.f32 v56, v33  }
0x286: {  	v36 =	vsub.f32 v26, v47;
	v46 =	vsub.f32 v32, v47;
	v51 =	vld [tilespmem:s15+$0x14C40];
	v31 =	vmul.f32 v40, v31  }
0x287: {  	v61 =	vsub.f32 v30, v47;
	v58 =	vadd.f32 v37, v57;
	v37 =	vld [tilespmem:s15+$0x14C00];
	v30 =	vperm.xlane v33, v2  }
0x288: {  	v54 =	vsub.f32 v27, v47;
	v52 =	vld [tilespmem:s15+$0x2070];
	v27 =	vmul.f32 v31, v29;
	v63 =	vmul.f32 v31, v59  }
0x289: {  	v53 =	vsub.f32 v28, v47;
	v56 =	vld [tilespmem:s15+$0x2050];
	v47 =	vmul.f32 v31, v50;
	v62 =	vperm.xlane v58, v3  }
0x28a: {  	v59 =	vld [tilespmem:s15+$0x2030];
	v40 =	vmul.f32 v31, v61;
	v29 =	vadd.f32 v30, v33;
	v26 =	vmul.f32 v27, v18  }
0x28b: {  	v55 =	vld [tilespmem:s15+$0x2020];
	v54 =	vmul.f32 v31, v54;
	v33 =	vmul.f32 v63, v16;
	v28 =	vadd.f32 v58, v62  }
0x28c: {  	v27 =	vld [tilespmem:s15+$0x2040];
	v57 =	vperm.xlane v29, v3;
	v30 =	vadd.f32 v37, v42;
	v42 =	vadd.f32 v26, v19  }
0x28d: {  	v58 =	vld [tilespmem:s15+$0x2010];
	v26 =	vadd.f32 v44, v52;
	v32 =	vmul.f32 $7.812500000e-03, v28;
	v28 =	vadd.f32 v39, v60  }
0x28e: {  	v48 =	vadd.f32 v57, v29;
	v60 =	vmul.f32 v31, v46;
	v46 =	vadd.f32 v33, v17  }
0x28f: {  	v29 =	vadd.f32 v49, v56;
	v37 =	vadd.f32 v45, v59;
	v39 =	vmul.f32 v47, v4  }
0x290: {  	v63 =	vmul.f32 v30, v30;
	v35 =	vsub.f32 v34, v32;
	v61 =	vadd.f32 v26, v28  }
0x291: {  	v50 =	vmul.f32 v32, v32;
	v34 =	vadd.f32 v43, v55;
	v33 =	vadd.f32 v51, v27  }
0x292: {  	v52 =	vmul.f32 v28, v28;
	v43 =	vmul.f32 v60, v14;
	v27 =	vadd.f32 v41, v58  }
0x293: {  	v60 =	vmul.f32 v37, v37;
	v62 =	vadd.f32 v29, v33;
	v59 =	vadd.f32 v37, v34  }
0x294: {  	v55 =	vmul.f32 v34, v34;
	v57 =	vmul.f32 v27, v27;
	v58 =	vadd.f32 v27, v30  }
0x295: {  	v49 =	vadd.f32 v61, v62;
	v61 =	vmul.f32 v29, v29;
	v62 =	vmul.f32 v33, v33  }
0x296: {  	v55 =	vadd.f32 v60, v55;
	v44 =	vadd.f32 v57, v63;
	v63 =	vmul.f32 v26, v26  }
0x297: {  	v48 =	vmul.f32 $7.812500000e-03, v48;
	v60 =	vadd.f32 v43, v15;
	v51 =	vadd.f32 v59, v58  }
0x298: {  	v41 =	vmul.f32 v31, v53;
	v45 =	vadd.f32 v61, v62;
	v52 =	vadd.f32 v63, v52  }
0x299: {  	[tilespmem:s4+$0x2060] =	vst v42;
	v42 =	vmul.f32 v54, v9;
	v61 =	vsub.f32 v48, v50;
	v43 =	vadd.f32 v49, v51  }
0x29a: {  	v62 =	vmul.f32 v41, v12;
	v63 =	vadd.f32 v55, v44;
	v45 =	vadd.f32 v52, v45  }
0x29b: {  	[tilespmem:s4+$0x2000] =	vst v46;
	v38 =	vsub.f32 v38, v32;
	v44 =	vadd.f32 $9.999999740e-06, v61;
	v46 =	vperm.xlane v43, v0  }
0x29c: {  	s3 =	simm.s32 $0x600;
	v41 =	vmul.f32 v40, v8;
	[tilespmem:s4+$0x2030] =	vst v60;
	v40 =	vadd.f32 v62, v13;
	v45 =	vadd.f32 v45, v63  }
.LBB2_10:
0x29d: {  	s7 =	sshra.s32 s3, $0x2;
	p0 =	sne.s32 s3, $0x18E00;
	s3 =	sadd.s32 $0x200, s3;
	v43 =	vadd.f32 v43, v46;
	v46 =	vshra.s32 v44, $0x1;
	v44 =	vmul.f32 $-5.000000000e-01, v44  }
0x29e: {  	v49 =	vsub.f32 v25, v32;
	v25 =	vmovc v37;
	v47 =	vld [tilespmem:s7+$0x14C60];
	v48 =	vperm.xlane v45, v0;
	v46 =	vsub.s32 $0x5F3759DF, v46;
	[tilespmem:s4+$0x2040] =	vst v40  }
0x29f: {  	v41 =	vadd.f32 v41, v10;
	v37 =	vld [tilespmem:s7+$0x14C10];
	v40 =	vperm.xlane v43, v1;
	v44 =	vmul.f32 v46, v44  }
0x2a0: {  	v31 =	vmul.f32 v31, v36;
	v42 =	vadd.f32 v42, v11;
	v50 =	vld [tilespmem:s7+$0x14C70];
	v45 =	vadd.f32 v48, v45  }
0x2a1: {  	v48 =	vld [tilespmem:s7+$0x14C30];
	v36 =	vadd.f32 v43, v40;
	v40 =	vmul.f32 v46, v44;
	v43 =	vsub.f32 v24, v32;
	[tilespmem:s4+$0x2020] =	vst v41  }
0x2a2: {  	v39 =	vadd.f32 v39, v6;
	v31 =	vmul.f32 v31, v5;
	v41 =	vld [tilespmem:s7+$0x2000];
	v44 =	vperm.xlane v45, v1;
	[tilespmem:s4+$0x2050] =	vst v42  }
0x2a3: {  	v52 =	vsub.f32 v22, v32;
	v22 =	vmovc v34;
	v24 =	vmovc v30;
	v42 =	vld [tilespmem:s7+$0x14C20];
	v51 =	vperm.xlane v36, v2;
	v40 =	vadd.f32 $1.500000000e+00, v40  }
0x2a4: {  	v34 =	vld [tilespmem:s7+$0x14C50];
	v30 =	vadd.f32 v44, v45;
	[tilespmem:s4+$0x2010] =	vst v39;
	v39 =	vadd.f32 v31, v7  }
0x2a5: {  	v44 =	vld [tilespmem:s7+$0x14C40];
	v45 =	vadd.f32 v36, v51;
	v31 =	vmul.f32 v46, v40;
	v40 =	vsub.f32 v21, v32;
	v21 =	vmovc v33  }
0x2a6: {  	v51 =	vsub.f32 v23, v32;
	v36 =	vsub.f32 v20, v32;
	v33 =	vld [tilespmem:s7+$0x14C00];
	v46 =	vperm.xlane v30, v2;
	[tilespmem:s4+$0x2070] =	vst v39;
	s4 =	smov.u32 s14;
	s14 =	smov.u32 s15;
	s15 =	smov.u32 s7  }
0x2a7: {  	v20 =	vmovc v26;
	v23 =	vmov v29;
	v39 =	vld [tilespmem:s15+$0x2060];
	v32 =	vperm.xlane v45, v3;
	v35 =	vmul.f32 v31, v35  }
0x2a8: {  	v43 =	vmul.f32 v31, v43;
	v38 =	vmul.f32 v31, v38;
	v26 =	vld [tilespmem:s15+$0x2070];
	v29 =	vadd.f32 v46, v30  }
0x2a9: {  	v46 =	vld [tilespmem:s15+$0x2020];
	v32 =	vadd.f32 v45, v32;
	v45 =	vmul.f32 v31, v52;
	v35 =	vmul.f32 v35, v18  }
0x2aa: {  	v49 =	vmul.f32 v31, v49;
	v52 =	vld [tilespmem:s15+$0x2050];
	v53 =	vperm.xlane v29, v3  }
0x2ab: {  	v30 =	vadd.f32 v33, v41;
	v33 =	vld [tilespmem:s15+$0x2040];
	v32 =	vmul.f32 $7.812500000e-03, v32;
	v41 =	vadd.f32 v35, v19  }
0x2ac: {  	v54 =	vld [tilespmem:s15+$0x2010];
	v39 =	vadd.f32 v47, v39;
	v47 =	vadd.f32 v53, v29;
	v29 =	vmul.f32 v43, v16  }
0x2ad: {  	v43 =	vld [tilespmem:s15+$0x2030];
	v26 =	vadd.f32 v50, v26;
	v50 =	vmul.f32 v32, v32;
	v35 =	vsub.f32 v28, v32;
	[tilespmem:s4+$0x2060] =	vst v41  }
0x2ae: {  	v49 =	vmul.f32 v49, v14;
	v41 =	vmul.f32 v39, v39;
	v53 =	vadd.f32 v29, v17;
	v28 =	vmovc v39  }
0x2af: {  	v40 =	vmul.f32 v31, v40;
	v29 =	vadd.f32 v34, v52;
	v39 =	vadd.f32 v26, v28  }
0x2b0: {  	v34 =	vadd.f32 v42, v46;
	v42 =	vmul.f32 v31, v51;
	v33 =	vadd.f32 v44, v33;
	[tilespmem:s4+$0x2000] =	vst v53  }
0x2b1: {  	v46 =	vadd.f32 v49, v15;
	v51 =	vadd.f32 v37, v54;
	v44 =	vmul.f32 v29, v29  }
0x2b2: {  	v37 =	vadd.f32 v48, v43;
	v43 =	vmul.f32 v34, v34;
	v48 =	vmul.f32 v33, v33  }
0x2b3: {  	v52 =	vmul.f32 v30, v30;
	v49 =	vadd.f32 v29, v33;
	v53 =	vmul.f32 v51, v51;
	[tilespmem:s4+$0x2030] =	vst v46  }
0x2b4: {  	v46 =	vadd.f32 v51, v30;
	v54 =	vadd.f32 v37, v34;
	v55 =	vmul.f32 v37, v37  }
0x2b5: {  	v49 =	vadd.f32 v39, v49;
	v39 =	vmul.f32 v26, v26;
	v52 =	vadd.f32 v53, v52  }
0x2b6: {  	v47 =	vmul.f32 $7.812500000e-03, v47;
	v46 =	vadd.f32 v54, v46;
	v53 =	vadd.f32 v55, v43  }
.Ltmp4:
0x2b7: {  	v44 =	vadd.f32 v44, v48;
	v41 =	vadd.f32 v39, v41;
	v39 =	vmul.f32 v38, v4;
	(pc) =	sbr.rel @p0 .LBB2_10-.Ltmp4, $4  }
0x2b8: {  	v40 =	vmul.f32 v40, v12;
	v38 =	vsub.f32 v47, v50;
	v43 =	vadd.f32 v49, v46  }
0x2b9: {  	v47 =	vadd.f32 v53, v52;
	v48 =	vadd.f32 v41, v44;
	v41 =	vmul.f32 v45, v8  }
0x2ba: {  	v44 =	vadd.f32 $9.999999740e-06, v38;
	v38 =	vsub.f32 v27, v32;
	v27 =	vmovc v51;
	v46 =	vperm.xlane v43, v0  }
0x2bb: {  	v40 =	vadd.f32 v40, v13;
	v42 =	vmul.f32 v42, v9;
	v45 =	vadd.f32 v48, v47  }
0x2bc: {  	_ = 	snop  }
0x2bd: {  	v43 =	vadd.f32 v43, v46;
	v53 =	vperm.xlane v45, v0;
	_ =	sdelay $0x1  }
0x2be: {  	v47 =	vperm.xlane v43, v1;
	v45 =	vadd.f32 v53, v45;
	_ =	sdelay $0x1  }
0x2bf: {  	v43 =	vadd.f32 v43, v47;
	v46 =	vperm.xlane v45, v1;
	_ =	sdelay $0x1  }
0x2c0: {  	v47 =	vperm.xlane v43, v2;
	v45 =	vadd.f32 v46, v45;
	_ =	sdelay $0x1  }
0x2c1: {  	v43 =	vadd.f32 v43, v47;
	v46 =	vperm.xlane v45, v2  }
0x2c2: {  	v54 =	vshra.s32 v44, $0x1;
	v55 =	vmul.f32 $-5.000000000e-01, v44  }
0x2c3: {  	v56 =	vsub.s32 $0x5F3759DF, v54;
	v48 =	vperm.xlane v43, v3;
	v45 =	vadd.f32 v46, v45  }
0x2c4: {  	v44 =	vmul.f32 v56, v55  }
0x2c5: {  	v43 =	vadd.f32 v43, v48;
	v57 =	vperm.xlane v45, v3  }
0x2c6: {  	v44 =	vmul.f32 v56, v44  }
0x2c7: {  	v25 =	vsub.f32 v25, v32;
	v43 =	vmul.f32 $7.812500000e-03, v43;
	v45 =	vadd.f32 v57, v45  }
0x2c8: {  	v41 =	vadd.f32 v41, v10;
	v31 =	vmul.f32 v31, v36;
	v58 =	vadd.f32 $1.500000000e+00, v44  }
0x2c9: {  	v24 =	vsub.f32 v24, v32;
	v59 =	vmul.f32 v43, v43;
	v45 =	vmul.f32 $7.812500000e-03, v45  }
0x2ca: {  	v39 =	vadd.f32 v39, v6;
	v22 =	vsub.f32 v22, v32;
	v36 =	vmul.f32 v56, v58  }
0x2cb: {  	v21 =	vsub.f32 v21, v32;
	v31 =	vmul.f32 v31, v5;
	v44 =	vsub.f32 v45, v59  }
0x2cc: {  	v23 =	vsub.f32 v23, v32;
	v35 =	vmul.f32 v36, v35;
	v24 =	vmul.f32 v36, v24  }
0x2cd: {  	v60 =	vmul.f32 v36, v38;
	v22 =	vmul.f32 v36, v22;
	v44 =	vadd.f32 $9.999999740e-06, v44  }
0x2ce: {  	v20 =	vsub.f32 v20, v32;
	v25 =	vmul.f32 v36, v25;
	v21 =	vmul.f32 v36, v21  }
0x2cf: {  	v23 =	vmul.f32 v36, v23;
	v61 =	vshra.s32 v44, $0x1;
	v44 =	vmul.f32 $-5.000000000e-01, v44  }
0x2d0: {  	v20 =	vmul.f32 v36, v20;
	v35 =	vmul.f32 v35, v18;
	v38 =	vsub.s32 $0x5F3759DF, v61  }
0x2d1: {  	v42 =	vadd.f32 v42, v11;
	v24 =	vmul.f32 v24, v16;
	v44 =	vmul.f32 v38, v44  }
0x2d2: {  	[tilespmem:s4+$0x2040] =	vst v40;
	v31 =	vadd.f32 v31, v7;
	v25 =	vmul.f32 v25, v14;
	v21 =	vmul.f32 v21, v12  }
0x2d3: {  	[tilespmem:s4+$0x2020] =	vst v41;
	v22 =	vmul.f32 v22, v8;
	v35 =	vadd.f32 v35, v19;
	v62 =	vmul.f32 v38, v44  }
0x2d4: {  	[tilespmem:s4+$0x2010] =	vst v39;
	v23 =	vmul.f32 v23, v9;
	v24 =	vadd.f32 v24, v17;
	v25 =	vadd.f32 v25, v15  }
0x2d5: {  	[tilespmem:s4+$0x2050] =	vst v42;
	v20 =	vmul.f32 v20, v5;
	v21 =	vadd.f32 v21, v13;
	v63 =	vadd.f32 $1.500000000e+00, v62  }
0x2d6: {  	[tilespmem:s4+$0x2070] =	vst v31;
	v32 =	vmul.f32 v60, v4;
	v22 =	vadd.f32 v22, v10;
	v23 =	vadd.f32 v23, v11  }
0x2d7: {  	v20 =	vadd.f32 v20, v7;
	v28 =	vsub.f32 v28, v43;
	[tilespmem:s14+$0x2060] =	vst v35;
	v42 =	vmul.f32 v38, v63  }
0x2d8: {  	v27 =	vsub.f32 v27, v43;
	[tilespmem:s14+$0x2000] =	vst v24;
	v24 =	vsub.f32 v30, v43  }
0x2d9: {  	v31 =	vsub.f32 v37, v43;
	[tilespmem:s14+$0x2030] =	vst v25;
	v25 =	vadd.f32 v32, v6;
	v28 =	vmul.f32 v42, v28  }
0x2da: {  	v30 =	vsub.f32 v34, v43;
	[tilespmem:s14+$0x2040] =	vst v21;
	v21 =	vsub.f32 v33, v43;
	v24 =	vmul.f32 v42, v24  }
0x2db: {  	[tilespmem:s14+$0x2020] =	vst v22;
	v22 =	vsub.f32 v29, v43;
	v29 =	vmul.f32 v42, v31;
	v28 =	vmul.f32 v28, v18  }
0x2dc: {  	[tilespmem:s14+$0x2050] =	vst v23;
	v23 =	vsub.f32 v26, v43;
	v21 =	vmul.f32 v42, v21;
	v24 =	vmul.f32 v24, v16  }
0x2dd: {  	[tilespmem:s14+$0x2010] =	vst v25;
	v25 =	vmul.f32 v42, v30;
	v26 =	vadd.f32 v28, v19;
	v28 =	vmul.f32 v29, v14  }
0x2de: {  	[tilespmem:s14+$0x2070] =	vst v20;
	v22 =	vmul.f32 v42, v22;
	v21 =	vmul.f32 v21, v12;
	v20 =	vadd.f32 v24, v17  }
0x2df: {  	v25 =	vmul.f32 v25, v8;
	v24 =	vmul.f32 v42, v27;
	[tilespmem:s15+$0x2060] =	vst v26;
	v26 =	vadd.f32 v28, v15  }
0x2e0: {  	[tilespmem:s15+$0x2000] =	vst v20;
	v20 =	vadd.f32 v21, v13;
	v21 =	vmul.f32 v22, v9;
	v22 =	vmul.f32 v42, v23  }
0x2e1: {  	v23 =	vmul.f32 v24, v4;
	v24 =	vadd.f32 v25, v10;
	[tilespmem:s15+$0x2030] =	vst v26  }
0x2e2: {  	[tilespmem:s15+$0x2040] =	vst v20;
	v20 =	vadd.f32 v21, v11;
	v21 =	vmul.f32 v22, v5  }
0x2e3: {  	[tilespmem:s15+$0x2020] =	vst v24;
	v22 =	vadd.f32 v23, v6  }
0x2e4: {  	[tilespmem:s15+$0x2050] =	vst v20;
	v20 =	vadd.f32 v21, v7  }
0x2e5: {  	[tilespmem:s15+$0x2010] =	vst v22  }
0x2e6: {  	s3 =	simm.s32 $0x0;
	[tilespmem:s15+$0x2070] =	vst v20  }
0x2e7: {  	[hbm4b:s9+s3] =	stream.linear.scatter [tilespmem:s18], [sflag:$0x4], $0x6400, $0x38;
	[tilespmem:$0x1B100] =	vst v63  }
0x2e8: {  	_ =	swait.ge [sflag:s26], $0x6400  }
0x2e9: {  	[sflag:s26] =	ssyncset.done $0x0  }
0x2ea: {  	s4 =	simm.s32 $0x0;
	[sflag:s26] =	ssyncadd.s32 $0xFFFF9C00  }
0x2eb: {  	v20 =	vld [tilespmem:s4+$0x14C60]  }
0x2ec: {  	v21 =	vld [tilespmem:s4+$0x14C10]  }
0x2ed: {  	v22 =	vld [tilespmem:s4+$0x14C70]  }
0x2ee: {  	v23 =	vld [tilespmem:s4+$0x14C30]  }
0x2ef: {  	v24 =	vld [tilespmem:s4+$0x8400]  }
0x2f0: {  	v25 =	vld [tilespmem:s4+$0x14C20]  }
0x2f1: {  	v27 =	vld [tilespmem:s4+$0x14C50]  }
0x2f2: {  	v28 =	vld [tilespmem:s4+$0x14C40]  }
0x2f3: {  	v26 =	vld [tilespmem:s4+$0x14C00]  }
0x2f4: {  	v29 =	vld [tilespmem:s4+$0x8460]  }
0x2f5: {  	v30 =	vld [tilespmem:s4+$0x8470]  }
0x2f6: {  	v31 =	vld [tilespmem:s4+$0x8420]  }
0x2f7: {  	v43 =	vld [tilespmem:s4+$0x8450]  }
0x2f8: {  	v44 =	vld [tilespmem:s4+$0x8440]  }
0x2f9: {  	v45 =	vld [tilespmem:s4+$0x8410]  }
0x2fa: {  	v46 =	vld [tilespmem:s4+$0x8430]  }
0x2fb: {  	v36 =	vadd.f32 v26, v24  }
0x2fc: {  	v29 =	vadd.f32 v20, v29;
	v26 =	vadd.f32 v22, v30  }
0x2fd: {  	v27 =	vadd.f32 v27, v43;
	v30 =	vadd.f32 v25, v31  }
0x2fe: {  	v28 =	vadd.f32 v28, v44;
	v31 =	vadd.f32 v21, v45  }
0x2ff: {  	v32 =	vadd.f32 v23, v46;
	v20 =	vmul.f32 v29, v29;
	v21 =	vmul.f32 v27, v27  }
0x300: {  	v22 =	vadd.f32 v26, v29;
	v23 =	vmul.f32 v30, v30;
	v24 =	vmul.f32 v28, v28  }
0x301: {  	v25 =	vadd.f32 v27, v28;
	v47 =	vmul.f32 v36, v36;
	v34 =	vmul.f32 v31, v31  }
0x302: {  	v48 =	vadd.f32 v31, v36;
	v49 =	vadd.f32 v32, v30;
	v50 =	vmul.f32 v32, v32  }
0x303: {  	v51 =	vmul.f32 v26, v26;
	v22 =	vadd.f32 v22, v25;
	v25 =	vadd.f32 v34, v47  }
0x304: {  	v52 =	vadd.f32 v49, v48;
	v23 =	vadd.f32 v50, v23  }
0x305: {  	s14 =	simm.s32 $0x80;
	v21 =	vadd.f32 v21, v24;
	v20 =	vadd.f32 v51, v20  }
0x306: {  	v33 =	vld [tilespmem:s14+$0x14C30];
	v22 =	vadd.f32 v22, v52  }
0x307: {  	v54 =	vld [tilespmem:s14+$0x8400];
	v23 =	vadd.f32 v23, v25;
	v20 =	vadd.f32 v20, v21  }
0x308: {  	v37 =	vld [tilespmem:s14+$0x14C20]  }
0x309: {  	v56 =	vld [tilespmem:s14+$0x14C40];
	v21 =	vperm.xlane v22, v0;
	v20 =	vadd.f32 v20, v23  }
0x30a: {  	v58 =	vld [tilespmem:s14+$0x14C00]  }
0x30b: {  	v59 =	vld [tilespmem:s14+$0x8460];
	v21 =	vadd.f32 v22, v21;
	v23 =	vperm.xlane v20, v0  }
0x30c: {  	v60 =	vld [tilespmem:s14+$0x8470]  }
0x30d: {  	v62 =	vld [tilespmem:s14+$0x8420];
	v53 =	vperm.xlane v21, v1;
	v20 =	vadd.f32 v23, v20  }
0x30e: {  	v24 =	vld [tilespmem:s14+$0x14C60]  }
0x30f: {  	v48 =	vld [tilespmem:s14+$0x8450];
	v21 =	vadd.f32 v21, v53;
	v55 =	vperm.xlane v20, v1  }
0x310: {  	v50 =	vld [tilespmem:s14+$0x8410]  }
0x311: {  	v25 =	vld [tilespmem:s14+$0x14C10];
	v57 =	vperm.xlane v21, v2;
	v20 =	vadd.f32 v55, v20  }
0x312: {  	v51 =	vld [tilespmem:s14+$0x8430]  }
0x313: {  	v23 =	vld [tilespmem:s14+$0x14C50];
	v21 =	vadd.f32 v21, v57;
	v61 =	vperm.xlane v20, v2  }
0x314: {  	v22 =	vld [tilespmem:s14+$0x14C70]  }
0x315: {  	v49 =	vld [tilespmem:s14+$0x8440];
	v34 =	vadd.f32 v24, v59;
	v63 =	vperm.xlane v21, v3;
	v41 =	vadd.f32 v61, v20  }
0x316: {  	v24 =	vadd.f32 v58, v54;
	v38 =	vadd.f32 v25, v50  }
0x317: {  	v25 =	vadd.f32 v33, v51;
	v20 =	vadd.f32 v21, v63;
	v21 =	vperm.xlane v41, v3  }
0x318: {  	v58 =	vmul.f32 v24, v24;
	v59 =	vmul.f32 v38, v38;
	v23 =	vadd.f32 v23, v48  }
0x319: {  	v47 =	vmul.f32 $7.812500000e-03, v20;
	v20 =	vadd.f32 v22, v60;
	v35 =	vadd.f32 v21, v41  }
0x31a: {  	v54 =	vmul.f32 v34, v34;
	v22 =	vadd.f32 v37, v62;
	v21 =	vadd.f32 v56, v49  }
0x31b: {  	v55 =	vmul.f32 v23, v23;
	v60 =	vadd.f32 v38, v24;
	v62 =	vadd.f32 v59, v58  }
0x31c: {  	v49 =	vmul.f32 v25, v25;
	v53 =	vadd.f32 v20, v34;
	v57 =	vadd.f32 v23, v21  }
0x31d: {  	v52 =	vmul.f32 v47, v47;
	v56 =	vmul.f32 v22, v22;
	v46 =	vadd.f32 v25, v22  }
0x31e: {  	v61 =	vmul.f32 v21, v21;
	v63 =	vmul.f32 v20, v20;
	v40 =	vadd.f32 v53, v57  }
0x31f: {  	v35 =	vmul.f32 $7.812500000e-03, v35;
	v50 =	vadd.f32 v46, v60;
	v33 =	vadd.f32 v49, v56  }
0x320: {  	v37 =	vadd.f32 v55, v61;
	v41 =	vadd.f32 v63, v54  }
0x321: {  	v35 =	vsub.f32 v35, v52;
	v40 =	vadd.f32 v40, v50  }
0x322: {  	v33 =	vadd.f32 v33, v62;
	v37 =	vadd.f32 v41, v37  }
0x323: {  	v35 =	vadd.f32 $9.999999740e-06, v35  }
0x324: {  	s15 =	simm.s32 $0x100;
	v51 =	vperm.xlane v40, v0;
	v33 =	vadd.f32 v37, v33  }
0x325: {  	v39 =	vld [tilespmem:s15+$0x14C60];
	v53 =	vshra.s32 v35, $0x1;
	v35 =	vmul.f32 $-5.000000000e-01, v35  }
0x326: {  	v42 =	vld [tilespmem:s15+$0x8400];
	v52 =	vadd.f32 v40, v51;
	v54 =	vperm.xlane v33, v0;
	v40 =	vsub.s32 $0x5F3759DF, v53  }
0x327: {  	v44 =	vld [tilespmem:s15+$0x14C70];
	v35 =	vmul.f32 v40, v35  }
0x328: {  	v45 =	vld [tilespmem:s15+$0x14C30];
	v55 =	vperm.xlane v52, v1;
	v33 =	vadd.f32 v54, v33  }
0x329: {  	v43 =	vld [tilespmem:s15+$0x14C20];
	v35 =	vmul.f32 v40, v35  }
0x32a: {  	v29 =	vsub.f32 v29, v47;
	v49 =	vld [tilespmem:s15+$0x14C50];
	v37 =	vadd.f32 v52, v55;
	v56 =	vperm.xlane v33, v1  }
0x32b: {  	v60 =	vld [tilespmem:s15+$0x8460];
	v50 =	vsub.f32 v31, v47;
	v31 =	vadd.f32 $1.500000000e+00, v35  }
0x32c: {  	v59 =	vsub.f32 v36, v47;
	v41 =	vld [tilespmem:s15+$0x14C10];
	v57 =	vperm.xlane v37, v2;
	v33 =	vadd.f32 v56, v33  }
0x32d: {  	v36 =	vsub.f32 v26, v47;
	v46 =	vsub.f32 v32, v47;
	v51 =	vld [tilespmem:s15+$0x14C40];
	v31 =	vmul.f32 v40, v31  }
0x32e: {  	v61 =	vsub.f32 v30, v47;
	v58 =	vadd.f32 v37, v57;
	v37 =	vld [tilespmem:s15+$0x14C00];
	v30 =	vperm.xlane v33, v2  }
0x32f: {  	v54 =	vsub.f32 v27, v47;
	v52 =	vld [tilespmem:s15+$0x8470];
	v27 =	vmul.f32 v31, v29;
	v63 =	vmul.f32 v31, v59  }
0x330: {  	v53 =	vsub.f32 v28, v47;
	v56 =	vld [tilespmem:s15+$0x8450];
	v47 =	vmul.f32 v31, v50;
	v62 =	vperm.xlane v58, v3  }
0x331: {  	v59 =	vld [tilespmem:s15+$0x8430];
	v40 =	vmul.f32 v31, v61;
	v29 =	vadd.f32 v30, v33;
	v26 =	vmul.f32 v27, v18  }
0x332: {  	v55 =	vld [tilespmem:s15+$0x8420];
	v54 =	vmul.f32 v31, v54;
	v33 =	vmul.f32 v63, v16;
	v28 =	vadd.f32 v58, v62  }
0x333: {  	v27 =	vld [tilespmem:s15+$0x8440];
	v57 =	vperm.xlane v29, v3;
	v30 =	vadd.f32 v37, v42;
	v42 =	vadd.f32 v26, v19  }
0x334: {  	v58 =	vld [tilespmem:s15+$0x8410];
	v26 =	vadd.f32 v44, v52;
	v32 =	vmul.f32 $7.812500000e-03, v28;
	v28 =	vadd.f32 v39, v60  }
0x335: {  	v48 =	vadd.f32 v57, v29;
	v60 =	vmul.f32 v31, v46;
	v46 =	vadd.f32 v33, v17  }
0x336: {  	v29 =	vadd.f32 v49, v56;
	v37 =	vadd.f32 v45, v59;
	v39 =	vmul.f32 v47, v4  }
0x337: {  	v63 =	vmul.f32 v30, v30;
	v35 =	vsub.f32 v34, v32;
	v61 =	vadd.f32 v26, v28  }
0x338: {  	v50 =	vmul.f32 v32, v32;
	v34 =	vadd.f32 v43, v55;
	v33 =	vadd.f32 v51, v27  }
0x339: {  	v52 =	vmul.f32 v28, v28;
	v43 =	vmul.f32 v60, v14;
	v27 =	vadd.f32 v41, v58  }
0x33a: {  	v60 =	vmul.f32 v37, v37;
	v62 =	vadd.f32 v29, v33;
	v59 =	vadd.f32 v37, v34  }
0x33b: {  	v55 =	vmul.f32 v34, v34;
	v57 =	vmul.f32 v27, v27;
	v58 =	vadd.f32 v27, v30  }
0x33c: {  	v49 =	vadd.f32 v61, v62;
	v61 =	vmul.f32 v29, v29;
	v62 =	vmul.f32 v33, v33  }
0x33d: {  	v55 =	vadd.f32 v60, v55;
	v44 =	vadd.f32 v57, v63;
	v63 =	vmul.f32 v26, v26  }
0x33e: {  	v48 =	vmul.f32 $7.812500000e-03, v48;
	v60 =	vadd.f32 v43, v15;
	v51 =	vadd.f32 v59, v58  }
0x33f: {  	v41 =	vmul.f32 v31, v53;
	v45 =	vadd.f32 v61, v62;
	v52 =	vadd.f32 v63, v52  }
0x340: {  	[tilespmem:s4+$0x8460] =	vst v42;
	v42 =	vmul.f32 v54, v9;
	v61 =	vsub.f32 v48, v50;
	v43 =	vadd.f32 v49, v51  }
0x341: {  	v62 =	vmul.f32 v41, v12;
	v63 =	vadd.f32 v55, v44;
	v45 =	vadd.f32 v52, v45  }
0x342: {  	[tilespmem:s4+$0x8400] =	vst v46;
	v38 =	vsub.f32 v38, v32;
	v44 =	vadd.f32 $9.999999740e-06, v61;
	v46 =	vperm.xlane v43, v0  }
0x343: {  	s3 =	simm.s32 $0x600;
	v41 =	vmul.f32 v40, v8;
	[tilespmem:s4+$0x8430] =	vst v60;
	v40 =	vadd.f32 v62, v13;
	v45 =	vadd.f32 v45, v63  }
.LBB2_12:
0x344: {  	s7 =	sshra.s32 s3, $0x2;
	p0 =	sne.s32 s3, $0x18E00;
	s3 =	sadd.s32 $0x200, s3;
	v43 =	vadd.f32 v43, v46;
	v46 =	vshra.s32 v44, $0x1;
	v44 =	vmul.f32 $-5.000000000e-01, v44  }
0x345: {  	v49 =	vsub.f32 v25, v32;
	v25 =	vmovc v37;
	v47 =	vld [tilespmem:s7+$0x14C60];
	v48 =	vperm.xlane v45, v0;
	v46 =	vsub.s32 $0x5F3759DF, v46;
	[tilespmem:s4+$0x8440] =	vst v40  }
0x346: {  	v41 =	vadd.f32 v41, v10;
	v37 =	vld [tilespmem:s7+$0x14C10];
	v40 =	vperm.xlane v43, v1;
	v44 =	vmul.f32 v46, v44  }
0x347: {  	v31 =	vmul.f32 v31, v36;
	v42 =	vadd.f32 v42, v11;
	v50 =	vld [tilespmem:s7+$0x14C70];
	v45 =	vadd.f32 v48, v45  }
0x348: {  	v48 =	vld [tilespmem:s7+$0x14C30];
	v36 =	vadd.f32 v43, v40;
	v40 =	vmul.f32 v46, v44;
	v43 =	vsub.f32 v24, v32;
	[tilespmem:s4+$0x8420] =	vst v41  }
0x349: {  	v39 =	vadd.f32 v39, v6;
	v31 =	vmul.f32 v31, v5;
	v41 =	vld [tilespmem:s7+$0x8400];
	v44 =	vperm.xlane v45, v1;
	[tilespmem:s4+$0x8450] =	vst v42  }
0x34a: {  	v52 =	vsub.f32 v22, v32;
	v22 =	vmovc v34;
	v24 =	vmovc v30;
	v42 =	vld [tilespmem:s7+$0x14C20];
	v51 =	vperm.xlane v36, v2;
	v40 =	vadd.f32 $1.500000000e+00, v40  }
0x34b: {  	v34 =	vld [tilespmem:s7+$0x14C50];
	v30 =	vadd.f32 v44, v45;
	[tilespmem:s4+$0x8410] =	vst v39;
	v39 =	vadd.f32 v31, v7  }
0x34c: {  	v44 =	vld [tilespmem:s7+$0x14C40];
	v45 =	vadd.f32 v36, v51;
	v31 =	vmul.f32 v46, v40;
	v40 =	vsub.f32 v21, v32;
	v21 =	vmovc v33  }
0x34d: {  	v51 =	vsub.f32 v23, v32;
	v36 =	vsub.f32 v20, v32;
	v33 =	vld [tilespmem:s7+$0x14C00];
	v46 =	vperm.xlane v30, v2;
	[tilespmem:s4+$0x8470] =	vst v39;
	s4 =	smov.u32 s14;
	s14 =	smov.u32 s15;
	s15 =	smov.u32 s7  }
0x34e: {  	v20 =	vmovc v26;
	v23 =	vmov v29;
	v39 =	vld [tilespmem:s15+$0x8460];
	v32 =	vperm.xlane v45, v3;
	v35 =	vmul.f32 v31, v35  }
0x34f: {  	v43 =	vmul.f32 v31, v43;
	v38 =	vmul.f32 v31, v38;
	v26 =	vld [tilespmem:s15+$0x8470];
	v29 =	vadd.f32 v46, v30  }
0x350: {  	v46 =	vld [tilespmem:s15+$0x8420];
	v32 =	vadd.f32 v45, v32;
	v45 =	vmul.f32 v31, v52;
	v35 =	vmul.f32 v35, v18  }
0x351: {  	v49 =	vmul.f32 v31, v49;
	v52 =	vld [tilespmem:s15+$0x8450];
	v53 =	vperm.xlane v29, v3  }
0x352: {  	v30 =	vadd.f32 v33, v41;
	v33 =	vld [tilespmem:s15+$0x8440];
	v32 =	vmul.f32 $7.812500000e-03, v32;
	v41 =	vadd.f32 v35, v19  }
0x353: {  	v54 =	vld [tilespmem:s15+$0x8410];
	v39 =	vadd.f32 v47, v39;
	v47 =	vadd.f32 v53, v29;
	v29 =	vmul.f32 v43, v16  }
0x354: {  	v43 =	vld [tilespmem:s15+$0x8430];
	v26 =	vadd.f32 v50, v26;
	v50 =	vmul.f32 v32, v32;
	v35 =	vsub.f32 v28, v32;
	[tilespmem:s4+$0x8460] =	vst v41  }
0x355: {  	v49 =	vmul.f32 v49, v14;
	v41 =	vmul.f32 v39, v39;
	v53 =	vadd.f32 v29, v17;
	v28 =	vmovc v39  }
0x356: {  	v40 =	vmul.f32 v31, v40;
	v29 =	vadd.f32 v34, v52;
	v39 =	vadd.f32 v26, v28  }
0x357: {  	v34 =	vadd.f32 v42, v46;
	v42 =	vmul.f32 v31, v51;
	v33 =	vadd.f32 v44, v33;
	[tilespmem:s4+$0x8400] =	vst v53  }
0x358: {  	v46 =	vadd.f32 v49, v15;
	v51 =	vadd.f32 v37, v54;
	v44 =	vmul.f32 v29, v29  }
0x359: {  	v37 =	vadd.f32 v48, v43;
	v43 =	vmul.f32 v34, v34;
	v48 =	vmul.f32 v33, v33  }
0x35a: {  	v52 =	vmul.f32 v30, v30;
	v49 =	vadd.f32 v29, v33;
	v53 =	vmul.f32 v51, v51;
	[tilespmem:s4+$0x8430] =	vst v46  }
0x35b: {  	v46 =	vadd.f32 v51, v30;
	v54 =	vadd.f32 v37, v34;
	v55 =	vmul.f32 v37, v37  }
0x35c: {  	v49 =	vadd.f32 v39, v49;
	v39 =	vmul.f32 v26, v26;
	v52 =	vadd.f32 v53, v52  }
0x35d: {  	v47 =	vmul.f32 $7.812500000e-03, v47;
	v46 =	vadd.f32 v54, v46;
	v53 =	vadd.f32 v55, v43  }
.Ltmp5:
0x35e: {  	v44 =	vadd.f32 v44, v48;
	v41 =	vadd.f32 v39, v41;
	v39 =	vmul.f32 v38, v4;
	(pc) =	sbr.rel @p0 .LBB2_12-.Ltmp5, $4  }
0x35f: {  	v40 =	vmul.f32 v40, v12;
	v38 =	vsub.f32 v47, v50;
	v43 =	vadd.f32 v49, v46  }
0x360: {  	v47 =	vadd.f32 v53, v52;
	v48 =	vadd.f32 v41, v44;
	v41 =	vmul.f32 v45, v8  }
0x361: {  	v44 =	vadd.f32 $9.999999740e-06, v38;
	v38 =	vsub.f32 v27, v32;
	v27 =	vmovc v51;
	v46 =	vperm.xlane v43, v0  }
0x362: {  	v40 =	vadd.f32 v40, v13;
	v42 =	vmul.f32 v42, v9;
	v45 =	vadd.f32 v48, v47  }
0x363: {  	_ = 	snop  }
0x364: {  	v43 =	vadd.f32 v43, v46;
	v54 =	vperm.xlane v45, v0;
	_ =	sdelay $0x1  }
0x365: {  	v47 =	vperm.xlane v43, v1;
	v45 =	vadd.f32 v54, v45;
	_ =	sdelay $0x1  }
0x366: {  	v43 =	vadd.f32 v43, v47;
	v46 =	vperm.xlane v45, v1;
	_ =	sdelay $0x1  }
0x367: {  	v47 =	vperm.xlane v43, v2;
	v45 =	vadd.f32 v46, v45;
	_ =	sdelay $0x1  }
0x368: {  	v43 =	vadd.f32 v43, v47;
	v46 =	vperm.xlane v45, v2;
	_ =	sdelay $0x1  }
0x369: {  	v57 =	vperm.xlane v43, v3;
	v45 =	vadd.f32 v46, v45  }
0x36a: {  	v55 =	vshra.s32 v44, $0x1;
	v56 =	vmul.f32 $-5.000000000e-01, v44;
	v25 =	vsub.f32 v25, v32  }
0x36b: {  	v47 =	vsub.s32 $0x5F3759DF, v55;
	v43 =	vadd.f32 v43, v57;
	v58 =	vperm.xlane v45, v3  }
0x36c: {  	v41 =	vadd.f32 v41, v10;
	v31 =	vmul.f32 v31, v36;
	v44 =	vmul.f32 v47, v56  }
0x36d: {  	v24 =	vsub.f32 v24, v32;
	v43 =	vmul.f32 $7.812500000e-03, v43;
	v45 =	vadd.f32 v58, v45  }
0x36e: {  	v39 =	vadd.f32 v39, v6;
	v22 =	vsub.f32 v22, v32;
	v44 =	vmul.f32 v47, v44  }
0x36f: {  	v21 =	vsub.f32 v21, v32;
	v60 =	vmul.f32 v43, v43;
	v45 =	vmul.f32 $7.812500000e-03, v45  }
0x370: {  	v23 =	vsub.f32 v23, v32;
	v20 =	vsub.f32 v20, v32;
	v31 =	vmul.f32 v31, v5  }
0x371: {  	v59 =	vadd.f32 $1.500000000e+00, v44;
	v44 =	vsub.f32 v45, v60  }
0x372: {  	v42 =	vadd.f32 v42, v11;
	v31 =	vadd.f32 v31, v7  }
0x373: {  	v36 =	vmul.f32 v47, v59;
	v28 =	vsub.f32 v28, v43;
	v44 =	vadd.f32 $9.999999740e-06, v44  }
0x374: {  	v27 =	vsub.f32 v27, v43;
	v47 =	vsub.f32 v30, v43  }
0x375: {  	v35 =	vmul.f32 v36, v35;
	v62 =	vshra.s32 v44, $0x1;
	v44 =	vmul.f32 $-5.000000000e-01, v44  }
0x376: {  	v24 =	vmul.f32 v36, v24;
	v61 =	vmul.f32 v36, v38;
	v38 =	vsub.s32 $0x5F3759DF, v62  }
0x377: {  	v49 =	vsub.f32 v34, v43;
	v22 =	vmul.f32 v36, v22;
	v44 =	vmul.f32 v38, v44  }
0x378: {  	[tilespmem:s4+$0x8440] =	vst v40;
	v50 =	vsub.f32 v33, v43;
	v25 =	vmul.f32 v36, v25;
	v21 =	vmul.f32 v36, v21  }
0x379: {  	[tilespmem:s4+$0x8420] =	vst v41;
	v51 =	vsub.f32 v29, v43;
	v35 =	vmul.f32 v35, v18;
	v63 =	vmul.f32 v38, v44  }
0x37a: {  	[tilespmem:s4+$0x8410] =	vst v39;
	v54 =	vsub.f32 v26, v43;
	v23 =	vmul.f32 v36, v23;
	v24 =	vmul.f32 v24, v16  }
0x37b: {  	[tilespmem:s4+$0x8450] =	vst v42;
	v25 =	vmul.f32 v25, v14;
	v35 =	vadd.f32 v35, v19;
	v44 =	vadd.f32 $1.500000000e+00, v63  }
0x37c: {  	[tilespmem:s4+$0x8470] =	vst v31;
	v20 =	vmul.f32 v36, v20;
	v21 =	vmul.f32 v21, v12;
	v24 =	vadd.f32 v24, v17  }
0x37d: {  	v22 =	vmul.f32 v22, v8;
	v25 =	vadd.f32 v25, v15;
	[tilespmem:s14+$0x8460] =	vst v35;
	v46 =	vmul.f32 v38, v44  }
0x37e: {  	v32 =	vmul.f32 v61, v4;
	v23 =	vmul.f32 v23, v9;
	v21 =	vadd.f32 v21, v13;
	[tilespmem:s14+$0x8400] =	vst v24  }
0x37f: {  	v45 =	vsub.f32 v37, v43;
	v22 =	vadd.f32 v22, v10;
	[tilespmem:s14+$0x8430] =	vst v25;
	v28 =	vmul.f32 v46, v28  }
0x380: {  	v20 =	vmul.f32 v20, v5;
	v23 =	vadd.f32 v23, v11;
	[tilespmem:s14+$0x8440] =	vst v21;
	v24 =	vmul.f32 v46, v47  }
0x381: {  	v48 =	vadd.f32 v32, v6;
	[tilespmem:s14+$0x8420] =	vst v22;
	v53 =	vmul.f32 v46, v45;
	v52 =	vmul.f32 v28, v18  }
0x382: {  	v20 =	vadd.f32 v20, v7;
	[tilespmem:s14+$0x8450] =	vst v23;
	v21 =	vmul.f32 v46, v50;
	v55 =	vmul.f32 v24, v16  }
0x383: {  	[tilespmem:s14+$0x8410] =	vst v48;
	v56 =	vmul.f32 v46, v49;
	v57 =	vmul.f32 v53, v14;
	v18 =	vadd.f32 v52, v19  }
0x384: {  	[tilespmem:s14+$0x8470] =	vst v20;
	v58 =	vmul.f32 v46, v51;
	v59 =	vmul.f32 v21, v12;
	v16 =	vadd.f32 v55, v17  }
0x385: {  	v60 =	vmul.f32 v46, v27;
	v61 =	vmul.f32 v56, v8;
	v14 =	vadd.f32 v57, v15;
	[tilespmem:s15+$0x8460] =	vst v18  }
0x386: {  	v63 =	vmul.f32 v46, v54;
	v62 =	vmul.f32 v58, v9;
	v12 =	vadd.f32 v59, v13;
	[tilespmem:s15+$0x8400] =	vst v16  }
0x387: {  	v4 =	vmul.f32 v60, v4;
	v8 =	vadd.f32 v61, v10;
	[tilespmem:s15+$0x8430] =	vst v14  }
0x388: {  	v5 =	vmul.f32 v63, v5;
	v9 =	vadd.f32 v62, v11;
	[tilespmem:s15+$0x8440] =	vst v12  }
0x389: {  	v4 =	vadd.f32 v4, v6;
	[tilespmem:s15+$0x8420] =	vst v8  }
0x38a: {  	v5 =	vadd.f32 v5, v7;
	[tilespmem:s15+$0x8450] =	vst v9  }
0x38b: {  	[tilespmem:s15+$0x8410] =	vst v4  }
0x38c: {  	[tilespmem:s15+$0x8470] =	vst v5  }
0x38d: {  	[hbm4b:s10+s6] =	stream.linear.scatter [tilespmem:s21], [sflag:$0x5], $0x6400, $0x38;
	[tilespmem:$0x1B100] =	vst v63  }
0x38e: {  	_ =	swait.ge [sflag:s28], $0x6400  }
0x38f: {  	[sflag:s28] =	ssyncset.done $0x0  }
0x390: {  	s2 =	sadd.s32 $0x1, s2;
	[sflag:s28] =	ssyncadd.s32 $0xFFFF9C00  }
0x391: {  	p0 =	sne.s32 s2, s12;
	_ =	swait.ge [sflag:s30], $0x6400  }
.Ltmp6:
0x392: {  	[sflag:s30] =	ssyncset.done $0x0;
	(pc) =	sbr.rel @p0 .LBB2_1-.Ltmp6, $4  }
0x393: {  	[sflag:s30] =	ssyncadd.s32 $0xFFFF9C00  }
0x394: {  	_ =	swait.ge [sflag:s0], $0x6400  }
0x395: {  	[sflag:s0] =	ssyncset.done $0x0  }
0x396: {  	[sflag:s0] =	ssyncadd.s32 $0xFFFF9C00  }
0x397: {  	_ =	sfence.sel $0x180000  }
0x398: {  	[bflag:$0x0] =	sbarrier.arrive $0xFFFF  }
0x399: {  	_ =	strace $0x90000047  }
0x39a: {  	s0 =	stileid.u32;
	[bflag:$0x2] =	sbarrier.arrive $0xFFFF  }
0x39b: {  	p0 =	sne.s32 s0, $0x0;
	s0 =	rddreg [dreg:$0x5]  }
0x39c: {  	s0 =	sadd.s32 @!p0 $0x100000, s0  }
0x39d: {  	[sflag:s0] =	ssyncadd.tile.s32 @!p0 $0x1;
	_ =	shalt  }
.Lfunc_end2:
_tile_overlayer_lowered:
.L_overlay_start_2:
0x39e: {  	(tag) =	ssettag $0x2  }
0x39f: {  	s0 =	rddreg [dreg:$0x0];
	s2 =	stileid.u32  }
0x3a0: {  	s1 =	rddreg [dreg:$0x1];
	p0 =	sne.s32 s2, $0x0  }
0x3a1: {  	s3 =	rddreg [dreg:$0x2];
	[bflag:$0x3] =	sbarrier.arrive $0xFFFF;
	s2 =	simm.s32 @!p0 $0x1C07  }
0x3a2: {  	[timem:s3], [sflag:s2] =	dma.local @!p0 [hbm:s0], s1  }
0x3a3: {  	s0 =	simm.s32 @!p0 $0x7  }
0x3a4: {  	_ =	swait.ge @!p0 [sflag:s0], s1  }
0x3a5: {  	s1 =	ssub.s32 @!p0 $0x0, s1;
	[sflag:s0] =	ssyncset.done @!p0 $0x0  }
0x3a6: {  	[sflag:s0] =	ssyncadd.s32 @!p0 s1  }
0x3a7: {  	[bflag:$0x3] =	sbarrier.arrive $0xFFFF  }
0x3a8: {  	_ =	shalt  }

</sc_bundles>
